<compile_context>
chip_gen: v7x
topology: tpu7x:2x2x1
jax: 0.10.2.dev20260603
libtpu: 0.0.44.dev20260713+nightly
codegen_flags: <defaults>
</compile_context>

<pallas_src>
import functools

import jax
import jax.numpy as jnp
from jax import lax
from jax.experimental import pallas as pl
from jax.experimental.pallas import tpu as pltpu
from jax.experimental.pallas import tpu_sc as plsc

_NUM_BUCKETS = 1000000
_HASH_DIM = 64
_MODEL_DIM = 1024
_MULT = 92821

_NC = 2
_NS = 16
_L = 16

_TOK = 32768
_TPT = _TOK // _NS
_FPC = _HASH_DIM // _NC
_GBLK = 128
_NG = _TPT // _GBLK


_IDC = 256


def _sc_gather(ids_hbm, prev_hbm, tabT_hbm, embT_hbm,
               ids_v, prev_v, h_v, stage_v, buf0, buf1, sem0, sem1, gsem,
               wsem):
    cid = lax.axis_index("c")
    sid = lax.axis_index("s")
    base = sid * _TPT
    f0 = cid * _FPC
    pd = pltpu.make_async_copy(tabT_hbm.at[f0], buf0, sem0)

    @pl.when(sid == 0)
    def _():
        pd.start()

    def _hash_body(c, carry):
        pltpu.sync_copy(ids_hbm.at[pl.ds(base + c * _IDC, _IDC)], ids_v)
        pltpu.sync_copy(prev_hbm.at[pl.ds(base + c * _IDC, _IDC)], prev_v)
        for k in range(_IDC // _L):
            a = prev_v[pl.ds(k * _L, _L)]
            b = ids_v[pl.ds(k * _L, _L)]
            t = a * _MULT + b
            r = lax.rem(t, _NUM_BUCKETS)
            h = jnp.where(r < 0, r + _NUM_BUCKETS, r)
            h_v[c * (_IDC // _GBLK) + k // (_GBLK // _L),
                pl.ds((k % (_GBLK // _L)) * _L, _L)] = h
        return carry

    lax.fori_loop(0, _TPT // _IDC, _hash_body, 0)

    _NST = _TPT // 512

    def _gather_row(buf, f):
        wds = []
        for q in range(_NST):
            st = stage_v.at[pl.ds((q % 2) * 512, 512)]
            if q >= 2:
                wds[q - 2].wait()
            gds = []
            for j in range(4):
                jj = q * 4 + j
                gds.append(pltpu.async_copy(
                    buf.at[h_v.at[jj]],
                    st.at[pl.ds(j * _GBLK, _GBLK)], gsem))
            for d in gds:
                d.wait()
            w = pltpu.make_async_copy(
                st, embT_hbm.at[f, pl.ds(base + q * 512, 512)], wsem)
            w.start()
            wds.append(w)
        wds[-2].wait()
        wds[-1].wait()

    @pl.when(sid == 0)
    def _():
        pd.wait()

    plsc.subcore_barrier()

    def _feature_body(i, carry):
        fa = f0 + 2 * i
        d1 = pltpu.make_async_copy(tabT_hbm.at[fa + 1], buf1, sem1)

        @pl.when(sid == 0)
        def _():
            d1.start()

        _gather_row(buf0, fa)

        @pl.when(sid == 0)
        def _():
            d1.wait()

        plsc.subcore_barrier()
        more = jnp.logical_and(sid == 0, i < _FPC // 2 - 1)
        d0 = pltpu.make_async_copy(
            tabT_hbm.at[jnp.minimum(fa + 2, _HASH_DIM - 1)], buf0, sem0)

        @pl.when(more)
        def _():
            d0.start()

        _gather_row(buf1, fa + 1)

        @pl.when(more)
        def _():
            d0.wait()

        plsc.subcore_barrier()
        return carry

    lax.fori_loop(0, _FPC // 2, _feature_body, 0)


_gather_call = functools.partial(
    pl.kernel,
    out_type=jax.ShapeDtypeStruct((_HASH_DIM, _TOK), jnp.float32),
    mesh=plsc.VectorSubcoreMesh(
        core_axis_name="c", subcore_axis_name="s",
        num_cores=_NC, num_subcores=_NS),
    scratch_types=[
        pltpu.VMEM((_IDC,), jnp.int32),
        pltpu.VMEM((_IDC,), jnp.int32),
        pltpu.VMEM((_NG, _GBLK), jnp.int32),
        pltpu.VMEM((1024,), jnp.float32),
        pltpu.VMEM_SHARED((_NUM_BUCKETS,), jnp.float32),
        pltpu.VMEM_SHARED((_NUM_BUCKETS,), jnp.float32),
        pltpu.SemaphoreType.DMA,
        pltpu.SemaphoreType.DMA,
        pltpu.SemaphoreType.DMA,
        pltpu.SemaphoreType.DMA,
    ],
)(_sc_gather)


def _mm_body(embT_ref, w_ref, o_ref):
    o_ref[...] = lax.dot_general(
        embT_ref[...], w_ref[...], (((0,), (1,)), ((), ())),
        preferred_element_type=jnp.float32)


def kernel(input_ids, table, W):
    ids = input_ids.astype(jnp.int32)
    bsz, seqlen = ids.shape
    prev = jnp.concatenate(
        [jnp.zeros((bsz, 1), dtype=ids.dtype), ids[:, :-1]], axis=1)
    ids_f = ids.reshape(-1)
    prev_f = prev.reshape(-1)

    embT = _gather_call(ids_f, prev_f, table.T)

    blk = 1024
    out = pl.pallas_call(
        _mm_body,
        grid=(_TOK // blk,),
        in_specs=[
            pl.BlockSpec((_HASH_DIM, blk), lambda i: (0, i)),
            pl.BlockSpec((_MODEL_DIM, _HASH_DIM), lambda i: (0, 0)),
        ],
        out_specs=pl.BlockSpec((blk, _MODEL_DIM), lambda i: (i, 0)),
        out_shape=jax.ShapeDtypeStruct((_TOK, _MODEL_DIM), jnp.float32),
    )(embT, W)
    return out.reshape(bsz, seqlen, _MODEL_DIM)

# --- scband reference (transcript-rebuilt; emitter-appended) ---
"""Pipeline reference for scband-bigram-hash-70574902608268 (READ-ONLY COPY).

The authoritative reference and input builder live on the scoring server;
editing this copy changes nothing except your own understanding.
"""

import jax, jax.numpy as jnp
import numpy as np

NUM_BUCKETS = 1000000
HASH_DIM = 64
MODEL_DIM = 1024
BSZ = 4
SEQLEN = 8192


def setup_inputs(seed: int = 0) -> dict:
    key = jax.random.key(seed)
    k1, k2, k3 = jax.random.split(key, 3)
    input_ids = jax.random.randint(k1, (BSZ, SEQLEN), 0, 50000, dtype=jnp.int64 if jax.config.jax_enable_x64 else jnp.int32).astype(jnp.int32)
    # embedding table, init normal std=0.01 (matches nn.init.normal_(std=0.01))
    table = jax.random.normal(k2, (NUM_BUCKETS, HASH_DIM), dtype=jnp.float32) * 0.01
    # proj weight: nn.Linear(hash_dim, model_dim, bias=False) -> weight [model_dim, hash_dim]
    bound = 1.0 / np.sqrt(HASH_DIM)
    W = jax.random.uniform(k3, (MODEL_DIM, HASH_DIM), dtype=jnp.float32, minval=-bound, maxval=bound)
    return {"input_ids": input_ids, "table": table, "W": W}


def reference(input_ids, table, W):
    ids = input_ids.astype(jnp.int64) if jax.config.jax_enable_x64 else input_ids.astype(jnp.int32)
    bsz, seqlen = ids.shape
    prev_ids = jnp.concatenate([jnp.zeros((bsz, 1), dtype=ids.dtype), ids[:, :-1]], axis=1)
    h = ((prev_ids * 92821 + ids) % NUM_BUCKETS)
    emb = jnp.take(table, h, axis=0)  # [bsz, seqlen, hash_dim]
    out = emb @ W.T  # F.linear(x, W) = x @ W.T -> [bsz, seqlen, model_dim]
    return out

if __name__ == "__main__":
    import jax
    _d = setup_inputs()
    print(jax.jit(kernel)(*tuple(_d.values())))

</pallas_src>

<mosaic_0001>
#map = affine_map<(d0, d1) -> (0)>
#map1 = affine_map<(d0, d1) -> (0, 0)>
module attributes {stable_mosaic.version = 14 : i64} {
  func.func @_sc_gather(%arg0: i32, %arg1: i32, %arg2: memref<32768xi32, #tpu.memory_space<hbm>>, %arg3: memref<32768xi32, #tpu.memory_space<hbm>>, %arg4: memref<64x1000000xf32, #tpu.memory_space<hbm>>, %arg5: memref<64x32768xf32, #tpu.memory_space<hbm>>, %arg6: memref<256xi32, #tpu.memory_space<vmem>>, %arg7: memref<256xi32, #tpu.memory_space<vmem>>, %arg8: memref<16x128xi32, #tpu.memory_space<vmem>>, %arg9: memref<1024xf32, #tpu.memory_space<vmem>>, %arg10: memref<1000000xf32, #tpu.memory_space<vmem_shared>>, %arg11: memref<1000000xf32, #tpu.memory_space<vmem_shared>>, %arg12: memref<!tpu.dma_semaphore, #tpu.memory_space<semaphore_mem>>, %arg13: memref<!tpu.dma_semaphore, #tpu.memory_space<semaphore_mem>>, %arg14: memref<!tpu.dma_semaphore, #tpu.memory_space<semaphore_mem>>, %arg15: memref<!tpu.dma_semaphore, #tpu.memory_space<semaphore_mem>>) attributes {dimension_semantics = [#tpu.dimension_semantics<core_parallel>, #tpu.dimension_semantics<subcore_parallel>], iteration_bounds = array<i64: 2, 16>, scalar_prefetch = 0 : i64, scratch_operands = 10 : i64, tpu.core_type = #tpu.core_type<sc_vector_subcore>, window_params = [{transform_indices = #map}, {transform_indices = #map}, {transform_indices = #map1}, {transform_indices = #map1}]} {
    %mul3A = arith.constant 2048 : i32
    %mul3A_0 = arith.muli %arg1, %mul3A : i32
    %mul3A_1 = arith.constant 32 : i32
    %mul3A_2 = arith.muli %arg0, %mul3A_1 : i32
    %eq3A = arith.constant 0 : i32
    %eq3A_3 = arith.cmpi eq, %arg1, %eq3A : i32
    %convert_element_type3A = arith.extui %eq3A_3 : i1 to i32
    %cond3A = arith.constant 0 : i32
    %cond3A_4 = arith.cmpi ne, %convert_element_type3A, %cond3A : i32
    scf.if %cond3A_4 {
      %dma_start3A = arith.constant 0 : i32
      %dma_start3A_21 = tpu.memref_slice %arg4[%mul3A_2, %dma_start3A] : memref<64x1000000xf32, #tpu.memory_space<hbm>> -> memref<1x1000000xf32, #tpu.memory_space<hbm>>
      %dma_start3A_22 = tpu.memref_squeeze %dma_start3A_21 : memref<1x1000000xf32, #tpu.memory_space<hbm>> -> memref<1000000xf32, #tpu.memory_space<hbm>>
      tpu.enqueue_dma source(%dma_start3A_22 : memref<1000000xf32, #tpu.memory_space<hbm>>) target(%arg10 : memref<1000000xf32, #tpu.memory_space<vmem_shared>>) target_semaphore(%arg12 : memref<!tpu.dma_semaphore, #tpu.memory_space<semaphore_mem>>)
    } else {
    }
    %scan3A = arith.constant 0 : i32
    %scan3A_5 = arith.constant 0 : i32
    %scan3A_6 = arith.constant 8 : i32
    %scan3A_7 = arith.addi %scan3A_5, %scan3A_6 : i32
    %scan3A_8 = arith.constant 1 : i32
    scf.for %scan3A_21 = %scan3A_5 to %scan3A_7 step %scan3A_8  : i32 {
      %mul3A_22 = arith.constant 256 : i32
      %mul3A_23 = arith.muli %scan3A_21, %mul3A_22 : i32
      %add3A = arith.addi %mul3A_0, %mul3A_23 : i32
      "tpu.region"() ({
        %run_scoped3A = tpu.sem_alloc : memref<!tpu.dma_semaphore, #tpu.memory_space<semaphore_mem>>
        %dma_start3A = tpu.memref_slice %arg2[%add3A] : memref<32768xi32, #tpu.memory_space<hbm>> -> memref<256xi32, #tpu.memory_space<hbm>>
        %dma_start3A_486 = tpu.memref_slice %arg2[%add3A] : memref<32768xi32, #tpu.memory_space<hbm>> -> memref<256xi32, #tpu.memory_space<hbm>>
        tpu.enqueue_dma source(%dma_start3A_486 : memref<256xi32, #tpu.memory_space<hbm>>) target(%arg6 : memref<256xi32, #tpu.memory_space<vmem>>) target_semaphore(%run_scoped3A : memref<!tpu.dma_semaphore, #tpu.memory_space<semaphore_mem>>)
        %dma_wait3A = tpu.memref_slice %arg2[%add3A] : memref<32768xi32, #tpu.memory_space<hbm>> -> memref<256xi32, #tpu.memory_space<hbm>>
        %dma_wait3A_487 = tpu.memref_slice %arg2[%add3A] : memref<32768xi32, #tpu.memory_space<hbm>> -> memref<256xi32, #tpu.memory_space<hbm>>
        tpu.wait_dma2 semaphore(%run_scoped3A : memref<!tpu.dma_semaphore, #tpu.memory_space<semaphore_mem>>) src(%dma_wait3A_487 : memref<256xi32, #tpu.memory_space<hbm>>) dst(%arg6 : memref<256xi32, #tpu.memory_space<vmem>>)
        tpu.yield
      }) : () -> ()
      %mul3A_24 = arith.constant 256 : i32
      %mul3A_25 = arith.muli %scan3A_21, %mul3A_24 : i32
      %add3A_26 = arith.addi %mul3A_0, %mul3A_25 : i32
      "tpu.region"() ({
        %run_scoped3A = tpu.sem_alloc : memref<!tpu.dma_semaphore, #tpu.memory_space<semaphore_mem>>
        %dma_start3A = tpu.memref_slice %arg3[%add3A_26] : memref<32768xi32, #tpu.memory_space<hbm>> -> memref<256xi32, #tpu.memory_space<hbm>>
        %dma_start3A_486 = tpu.memref_slice %arg3[%add3A_26] : memref<32768xi32, #tpu.memory_space<hbm>> -> memref<256xi32, #tpu.memory_space<hbm>>
        tpu.enqueue_dma source(%dma_start3A_486 : memref<256xi32, #tpu.memory_space<hbm>>) target(%arg7 : memref<256xi32, #tpu.memory_space<vmem>>) target_semaphore(%run_scoped3A : memref<!tpu.dma_semaphore, #tpu.memory_space<semaphore_mem>>)
        %dma_wait3A = tpu.memref_slice %arg3[%add3A_26] : memref<32768xi32, #tpu.memory_space<hbm>> -> memref<256xi32, #tpu.memory_space<hbm>>
        %dma_wait3A_487 = tpu.memref_slice %arg3[%add3A_26] : memref<32768xi32, #tpu.memory_space<hbm>> -> memref<256xi32, #tpu.memory_space<hbm>>
        tpu.wait_dma2 semaphore(%run_scoped3A : memref<!tpu.dma_semaphore, #tpu.memory_space<semaphore_mem>>) src(%dma_wait3A_487 : memref<256xi32, #tpu.memory_space<hbm>>) dst(%arg7 : memref<256xi32, #tpu.memory_space<vmem>>)
        tpu.yield
      }) : () -> ()
      %get3A = arith.constant 0 : index
      %get3A_27 = tpu.vector_load %arg7[%get3A] {strides = array<i32>} : memref<256xi32, #tpu.memory_space<vmem>>, vector<16xi32>,
      %get3A_28 = vector.shape_cast %get3A_27 : vector<16xi32> to vector<16xi32>
      %get3A_29 = arith.constant 0 : index
      %get3A_30 = tpu.vector_load %arg6[%get3A_29] {strides = array<i32>} : memref<256xi32, #tpu.memory_space<vmem>>, vector<16xi32>,
      %get3A_31 = vector.shape_cast %get3A_30 : vector<16xi32> to vector<16xi32>
      %mul3A_32 = arith.constant 92821 : i32
      %mul3A_33 = vector.broadcast %mul3A_32 : i32 to vector<16xi32>
      %mul3A_34 = arith.muli %get3A_28, %mul3A_33 : vector<16xi32>
      %add3A_35 = arith.addi %mul3A_34, %get3A_31 : vector<16xi32>
      %rem3A = arith.constant 1000000 : i32
      %rem3A_36 = vector.broadcast %rem3A : i32 to vector<16xi32>
      %rem3A_37 = arith.remsi %add3A_35, %rem3A_36 : vector<16xi32>
      %lt3A = arith.constant 0 : i32
      %lt3A_38 = vector.broadcast %lt3A : i32 to vector<16xi32>
      %lt3A_39 = arith.cmpi slt, %rem3A_37, %lt3A_38 : vector<16xi32>
      %add3A_40 = arith.constant 1000000 : i32
      %add3A_41 = vector.broadcast %add3A_40 : i32 to vector<16xi32>
      %add3A_42 = arith.addi %rem3A_37, %add3A_41 : vector<16xi32>
      %select_n3A = arith.select %lt3A_39, %add3A_42, %rem3A_37 : vector<16xi1>, vector<16xi32>
      %mul3A_43 = arith.constant 2 : i32
      %mul3A_44 = arith.muli %scan3A_21, %mul3A_43 : i32
      %add3A_45 = arith.constant 0 : i32
      %add3A_46 = arith.addi %mul3A_44, %add3A_45 : i32
      %swap3A = arith.index_cast %add3A_46 : i32 to index
      %swap3A_47 = arith.constant 0 : index
      %swap3A_48 = tpu.vector_load %arg8[%swap3A, %swap3A_47] {strides = array<i32>} : memref<16x128xi32, #tpu.memory_space<vmem>>, vector<1x16xi32>,
      %swap3A_49 = vector.shape_cast %swap3A_48 : vector<1x16xi32> to vector<16xi32>
      %swap3A_50 = vector.shape_cast %select_n3A : vector<16xi32> to vector<1x16xi32>
      tpu.vector_store %arg8[%swap3A, %swap3A_47], %swap3A_50 {strides = array<i32>} : memref<16x128xi32, #tpu.memory_space<vmem>>, vector<1x16xi32>,
      %get3A_51 = arith.constant 16 : index
      %get3A_52 = tpu.vector_load %arg7[%get3A_51] {strides = array<i32>} : memref<256xi32, #tpu.memory_space<vmem>>, vector<16xi32>,
      %get3A_53 = vector.shape_cast %get3A_52 : vector<16xi32> to vector<16xi32>
      %get3A_54 = arith.constant 16 : index
      %get3A_55 = tpu.vector_load %arg6[%get3A_54] {strides = array<i32>} : memref<256xi32, #tpu.memory_space<vmem>>, vector<16xi32>,
      %get3A_56 = vector.shape_cast %get3A_55 : vector<16xi32> to vector<16xi32>
      %mul3A_57 = arith.constant 92821 : i32
      %mul3A_58 = vector.broadcast %mul3A_57 : i32 to vector<16xi32>
      %mul3A_59 = arith.muli %get3A_53, %mul3A_58 : vector<16xi32>
      %add3A_60 = arith.addi %mul3A_59, %get3A_56 : vector<16xi32>
      %rem3A_61 = arith.constant 1000000 : i32
      %rem3A_62 = vector.broadcast %rem3A_61 : i32 to vector<16xi32>
      %rem3A_63 = arith.remsi %add3A_60, %rem3A_62 : vector<16xi32>
      %lt3A_64 = arith.constant 0 : i32
      %lt3A_65 = vector.broadcast %lt3A_64 : i32 to vector<16xi32>
      %lt3A_66 = arith.cmpi slt, %rem3A_63, %lt3A_65 : vector<16xi32>
      %add3A_67 = arith.constant 1000000 : i32
      %add3A_68 = vector.broadcast %add3A_67 : i32 to vector<16xi32>
      %add3A_69 = arith.addi %rem3A_63, %add3A_68 : vector<16xi32>
      %select_n3A_70 = arith.select %lt3A_66, %add3A_69, %rem3A_63 : vector<16xi1>, vector<16xi32>
      %mul3A_71 = arith.constant 2 : i32
      %mul3A_72 = arith.muli %scan3A_21, %mul3A_71 : i32
      %add3A_73 = arith.constant 0 : i32
      %add3A_74 = arith.addi %mul3A_72, %add3A_73 : i32
      %swap3A_75 = arith.index_cast %add3A_74 : i32 to index
      %swap3A_76 = arith.constant 16 : index
      %swap3A_77 = tpu.vector_load %arg8[%swap3A_75, %swap3A_76] {strides = array<i32>} : memref<16x128xi32, #tpu.memory_space<vmem>>, vector<1x16xi32>,
      %swap3A_78 = vector.shape_cast %swap3A_77 : vector<1x16xi32> to vector<16xi32>
      %swap3A_79 = vector.shape_cast %select_n3A_70 : vector<16xi32> to vector<1x16xi32>
      tpu.vector_store %arg8[%swap3A_75, %swap3A_76], %swap3A_79 {strides = array<i32>} : memref<16x128xi32, #tpu.memory_space<vmem>>, vector<1x16xi32>,
      %get3A_80 = arith.constant 32 : index
      %get3A_81 = tpu.vector_load %arg7[%get3A_80] {strides = array<i32>} : memref<256xi32, #tpu.memory_space<vmem>>, vector<16xi32>,
      %get3A_82 = vector.shape_cast %get3A_81 : vector<16xi32> to vector<16xi32>
      %get3A_83 = arith.constant 32 : index
      %get3A_84 = tpu.vector_load %arg6[%get3A_83] {strides = array<i32>} : memref<256xi32, #tpu.memory_space<vmem>>, vector<16xi32>,
      %get3A_85 = vector.shape_cast %get3A_84 : vector<16xi32> to vector<16xi32>
      %mul3A_86 = arith.constant 92821 : i32
      %mul3A_87 = vector.broadcast %mul3A_86 : i32 to vector<16xi32>
      %mul3A_88 = arith.muli %get3A_82, %mul3A_87 : vector<16xi32>
      %add3A_89 = arith.addi %mul3A_88, %get3A_85 : vector<16xi32>
      %rem3A_90 = arith.constant 1000000 : i32
      %rem3A_91 = vector.broadcast %rem3A_90 : i32 to vector<16xi32>
      %rem3A_92 = arith.remsi %add3A_89, %rem3A_91 : vector<16xi32>
      %lt3A_93 = arith.constant 0 : i32
      %lt3A_94 = vector.broadcast %lt3A_93 : i32 to vector<16xi32>
      %lt3A_95 = arith.cmpi slt, %rem3A_92, %lt3A_94 : vector<16xi32>
      %add3A_96 = arith.constant 1000000 : i32
      %add3A_97 = vector.broadcast %add3A_96 : i32 to vector<16xi32>
      %add3A_98 = arith.addi %rem3A_92, %add3A_97 : vector<16xi32>
      %select_n3A_99 = arith.select %lt3A_95, %add3A_98, %rem3A_92 : vector<16xi1>, vector<16xi32>
      %mul3A_100 = arith.constant 2 : i32
      %mul3A_101 = arith.muli %scan3A_21, %mul3A_100 : i32
      %add3A_102 = arith.constant 0 : i32
      %add3A_103 = arith.addi %mul3A_101, %add3A_102 : i32
      %swap3A_104 = arith.index_cast %add3A_103 : i32 to index
      %swap3A_105 = arith.constant 32 : index
      %swap3A_106 = tpu.vector_load %arg8[%swap3A_104, %swap3A_105] {strides = array<i32>} : memref<16x128xi32, #tpu.memory_space<vmem>>, vector<1x16xi32>,
      %swap3A_107 = vector.shape_cast %swap3A_106 : vector<1x16xi32> to vector<16xi32>
      %swap3A_108 = vector.shape_cast %select_n3A_99 : vector<16xi32> to vector<1x16xi32>
      tpu.vector_store %arg8[%swap3A_104, %swap3A_105], %swap3A_108 {strides = array<i32>} : memref<16x128xi32, #tpu.memory_space<vmem>>, vector<1x16xi32>,
      %get3A_109 = arith.constant 48 : index
      %get3A_110 = tpu.vector_load %arg7[%get3A_109] {strides = array<i32>} : memref<256xi32, #tpu.memory_space<vmem>>, vector<16xi32>,
      %get3A_111 = vector.shape_cast %get3A_110 : vector<16xi32> to vector<16xi32>
      %get3A_112 = arith.constant 48 : index
      %get3A_113 = tpu.vector_load %arg6[%get3A_112] {strides = array<i32>} : memref<256xi32, #tpu.memory_space<vmem>>, vector<16xi32>,
      %get3A_114 = vector.shape_cast %get3A_113 : vector<16xi32> to vector<16xi32>
      %mul3A_115 = arith.constant 92821 : i32
      %mul3A_116 = vector.broadcast %mul3A_115 : i32 to vector<16xi32>
      %mul3A_117 = arith.muli %get3A_111, %mul3A_116 : vector<16xi32>
      %add3A_118 = arith.addi %mul3A_117, %get3A_114 : vector<16xi32>
      %rem3A_119 = arith.constant 1000000 : i32
      %rem3A_120 = vector.broadcast %rem3A_119 : i32 to vector<16xi32>
      %rem3A_121 = arith.remsi %add3A_118, %rem3A_120 : vector<16xi32>
      %lt3A_122 = arith.constant 0 : i32
      %lt3A_123 = vector.broadcast %lt3A_122 : i32 to vector<16xi32>
      %lt3A_124 = arith.cmpi slt, %rem3A_121, %lt3A_123 : vector<16xi32>
      %add3A_125 = arith.constant 1000000 : i32
      %add3A_126 = vector.broadcast %add3A_125 : i32 to vector<16xi32>
      %add3A_127 = arith.addi %rem3A_121, %add3A_126 : vector<16xi32>
      %select_n3A_128 = arith.select %lt3A_124, %add3A_127, %rem3A_121 : vector<16xi1>, vector<16xi32>
      %mul3A_129 = arith.constant 2 : i32
      %mul3A_130 = arith.muli %scan3A_21, %mul3A_129 : i32
      %add3A_131 = arith.constant 0 : i32
      %add3A_132 = arith.addi %mul3A_130, %add3A_131 : i32
      %swap3A_133 = arith.index_cast %add3A_132 : i32 to index
      %swap3A_134 = arith.constant 48 : index
      %swap3A_135 = tpu.vector_load %arg8[%swap3A_133, %swap3A_134] {strides = array<i32>} : memref<16x128xi32, #tpu.memory_space<vmem>>, vector<1x16xi32>,
      %swap3A_136 = vector.shape_cast %swap3A_135 : vector<1x16xi32> to vector<16xi32>
      %swap3A_137 = vector.shape_cast %select_n3A_128 : vector<16xi32> to vector<1x16xi32>
      tpu.vector_store %arg8[%swap3A_133, %swap3A_134], %swap3A_137 {strides = array<i32>} : memref<16x128xi32, #tpu.memory_space<vmem>>, vector<1x16xi32>,
      %get3A_138 = arith.constant 64 : index
      %get3A_139 = tpu.vector_load %arg7[%get3A_138] {strides = array<i32>} : memref<256xi32, #tpu.memory_space<vmem>>, vector<16xi32>,
      %get3A_140 = vector.shape_cast %get3A_139 : vector<16xi32> to vector<16xi32>
      %get3A_141 = arith.constant 64 : index
      %get3A_142 = tpu.vector_load %arg6[%get3A_141] {strides = array<i32>} : memref<256xi32, #tpu.memory_space<vmem>>, vector<16xi32>,
      %get3A_143 = vector.shape_cast %get3A_142 : vector<16xi32> to vector<16xi32>
      %mul3A_144 = arith.constant 92821 : i32
      %mul3A_145 = vector.broadcast %mul3A_144 : i32 to vector<16xi32>
      %mul3A_146 = arith.muli %get3A_140, %mul3A_145 : vector<16xi32>
      %add3A_147 = arith.addi %mul3A_146, %get3A_143 : vector<16xi32>
      %rem3A_148 = arith.constant 1000000 : i32
      %rem3A_149 = vector.broadcast %rem3A_148 : i32 to vector<16xi32>
      %rem3A_150 = arith.remsi %add3A_147, %rem3A_149 : vector<16xi32>
      %lt3A_151 = arith.constant 0 : i32
      %lt3A_152 = vector.broadcast %lt3A_151 : i32 to vector<16xi32>
      %lt3A_153 = arith.cmpi slt, %rem3A_150, %lt3A_152 : vector<16xi32>
      %add3A_154 = arith.constant 1000000 : i32
      %add3A_155 = vector.broadcast %add3A_154 : i32 to vector<16xi32>
      %add3A_156 = arith.addi %rem3A_150, %add3A_155 : vector<16xi32>
      %select_n3A_157 = arith.select %lt3A_153, %add3A_156, %rem3A_150 : vector<16xi1>, vector<16xi32>
      %mul3A_158 = arith.constant 2 : i32
      %mul3A_159 = arith.muli %scan3A_21, %mul3A_158 : i32
      %add3A_160 = arith.constant 0 : i32
      %add3A_161 = arith.addi %mul3A_159, %add3A_160 : i32
      %swap3A_162 = arith.index_cast %add3A_161 : i32 to index
      %swap3A_163 = arith.constant 64 : index
      %swap3A_164 = tpu.vector_load %arg8[%swap3A_162, %swap3A_163] {strides = array<i32>} : memref<16x128xi32, #tpu.memory_space<vmem>>, vector<1x16xi32>,
      %swap3A_165 = vector.shape_cast %swap3A_164 : vector<1x16xi32> to vector<16xi32>
      %swap3A_166 = vector.shape_cast %select_n3A_157 : vector<16xi32> to vector<1x16xi32>
      tpu.vector_store %arg8[%swap3A_162, %swap3A_163], %swap3A_166 {strides = array<i32>} : memref<16x128xi32, #tpu.memory_space<vmem>>, vector<1x16xi32>,
      %get3A_167 = arith.constant 80 : index
      %get3A_168 = tpu.vector_load %arg7[%get3A_167] {strides = array<i32>} : memref<256xi32, #tpu.memory_space<vmem>>, vector<16xi32>,
      %get3A_169 = vector.shape_cast %get3A_168 : vector<16xi32> to vector<16xi32>
      %get3A_170 = arith.constant 80 : index
      %get3A_171 = tpu.vector_load %arg6[%get3A_170] {strides = array<i32>} : memref<256xi32, #tpu.memory_space<vmem>>, vector<16xi32>,
      %get3A_172 = vector.shape_cast %get3A_171 : vector<16xi32> to vector<16xi32>
      %mul3A_173 = arith.constant 92821 : i32
      %mul3A_174 = vector.broadcast %mul3A_173 : i32 to vector<16xi32>
      %mul3A_175 = arith.muli %get3A_169, %mul3A_174 : vector<16xi32>
      %add3A_176 = arith.addi %mul3A_175, %get3A_172 : vector<16xi32>
      %rem3A_177 = arith.constant 1000000 : i32
      %rem3A_178 = vector.broadcast %rem3A_177 : i32 to vector<16xi32>
      %rem3A_179 = arith.remsi %add3A_176, %rem3A_178 : vector<16xi32>
      %lt3A_180 = arith.constant 0 : i32
      %lt3A_181 = vector.broadcast %lt3A_180 : i32 to vector<16xi32>
      %lt3A_182 = arith.cmpi slt, %rem3A_179, %lt3A_181 : vector<16xi32>
      %add3A_183 = arith.constant 1000000 : i32
      %add3A_184 = vector.broadcast %add3A_183 : i32 to vector<16xi32>
      %add3A_185 = arith.addi %rem3A_179, %add3A_184 : vector<16xi32>
      %select_n3A_186 = arith.select %lt3A_182, %add3A_185, %rem3A_179 : vector<16xi1>, vector<16xi32>
      %mul3A_187 = arith.constant 2 : i32
      %mul3A_188 = arith.muli %scan3A_21, %mul3A_187 : i32
      %add3A_189 = arith.constant 0 : i32
      %add3A_190 = arith.addi %mul3A_188, %add3A_189 : i32
      %swap3A_191 = arith.index_cast %add3A_190 : i32 to index
      %swap3A_192 = arith.constant 80 : index
      %swap3A_193 = tpu.vector_load %arg8[%swap3A_191, %swap3A_192] {strides = array<i32>} : memref<16x128xi32, #tpu.memory_space<vmem>>, vector<1x16xi32>,
      %swap3A_194 = vector.shape_cast %swap3A_193 : vector<1x16xi32> to vector<16xi32>
      %swap3A_195 = vector.shape_cast %select_n3A_186 : vector<16xi32> to vector<1x16xi32>
      tpu.vector_store %arg8[%swap3A_191, %swap3A_192], %swap3A_195 {strides = array<i32>} : memref<16x128xi32, #tpu.memory_space<vmem>>, vector<1x16xi32>,
      %get3A_196 = arith.constant 96 : index
      %get3A_197 = tpu.vector_load %arg7[%get3A_196] {strides = array<i32>} : memref<256xi32, #tpu.memory_space<vmem>>, vector<16xi32>,
      %get3A_198 = vector.shape_cast %get3A_197 : vector<16xi32> to vector<16xi32>
      %get3A_199 = arith.constant 96 : index
      %get3A_200 = tpu.vector_load %arg6[%get3A_199] {strides = array<i32>} : memref<256xi32, #tpu.memory_space<vmem>>, vector<16xi32>,
      %get3A_201 = vector.shape_cast %get3A_200 : vector<16xi32> to vector<16xi32>
      %mul3A_202 = arith.constant 92821 : i32
      %mul3A_203 = vector.broadcast %mul3A_202 : i32 to vector<16xi32>
      %mul3A_204 = arith.muli %get3A_198, %mul3A_203 : vector<16xi32>
      %add3A_205 = arith.addi %mul3A_204, %get3A_201 : vector<16xi32>
      %rem3A_206 = arith.constant 1000000 : i32
      %rem3A_207 = vector.broadcast %rem3A_206 : i32 to vector<16xi32>
      %rem3A_208 = arith.remsi %add3A_205, %rem3A_207 : vector<16xi32>
      %lt3A_209 = arith.constant 0 : i32
      %lt3A_210 = vector.broadcast %lt3A_209 : i32 to vector<16xi32>
      %lt3A_211 = arith.cmpi slt, %rem3A_208, %lt3A_210 : vector<16xi32>
      %add3A_212 = arith.constant 1000000 : i32
      %add3A_213 = vector.broadcast %add3A_212 : i32 to vector<16xi32>
      %add3A_214 = arith.addi %rem3A_208, %add3A_213 : vector<16xi32>
      %select_n3A_215 = arith.select %lt3A_211, %add3A_214, %rem3A_208 : vector<16xi1>, vector<16xi32>
      %mul3A_216 = arith.constant 2 : i32
      %mul3A_217 = arith.muli %scan3A_21, %mul3A_216 : i32
      %add3A_218 = arith.constant 0 : i32
      %add3A_219 = arith.addi %mul3A_217, %add3A_218 : i32
      %swap3A_220 = arith.index_cast %add3A_219 : i32 to index
      %swap3A_221 = arith.constant 96 : index
      %swap3A_222 = tpu.vector_load %arg8[%swap3A_220, %swap3A_221] {strides = array<i32>} : memref<16x128xi32, #tpu.memory_space<vmem>>, vector<1x16xi32>,
      %swap3A_223 = vector.shape_cast %swap3A_222 : vector<1x16xi32> to vector<16xi32>
      %swap3A_224 = vector.shape_cast %select_n3A_215 : vector<16xi32> to vector<1x16xi32>
      tpu.vector_store %arg8[%swap3A_220, %swap3A_221], %swap3A_224 {strides = array<i32>} : memref<16x128xi32, #tpu.memory_space<vmem>>, vector<1x16xi32>,
      %get3A_225 = arith.constant 112 : index
      %get3A_226 = tpu.vector_load %arg7[%get3A_225] {strides = array<i32>} : memref<256xi32, #tpu.memory_space<vmem>>, vector<16xi32>,
      %get3A_227 = vector.shape_cast %get3A_226 : vector<16xi32> to vector<16xi32>
      %get3A_228 = arith.constant 112 : index
      %get3A_229 = tpu.vector_load %arg6[%get3A_228] {strides = array<i32>} : memref<256xi32, #tpu.memory_space<vmem>>, vector<16xi32>,
      %get3A_230 = vector.shape_cast %get3A_229 : vector<16xi32> to vector<16xi32>
      %mul3A_231 = arith.constant 92821 : i32
      %mul3A_232 = vector.broadcast %mul3A_231 : i32 to vector<16xi32>
      %mul3A_233 = arith.muli %get3A_227, %mul3A_232 : vector<16xi32>
      %add3A_234 = arith.addi %mul3A_233, %get3A_230 : vector<16xi32>
      %rem3A_235 = arith.constant 1000000 : i32
      %rem3A_236 = vector.broadcast %rem3A_235 : i32 to vector<16xi32>
      %rem3A_237 = arith.remsi %add3A_234, %rem3A_236 : vector<16xi32>
      %lt3A_238 = arith.constant 0 : i32
      %lt3A_239 = vector.broadcast %lt3A_238 : i32 to vector<16xi32>
      %lt3A_240 = arith.cmpi slt, %rem3A_237, %lt3A_239 : vector<16xi32>
      %add3A_241 = arith.constant 1000000 : i32
      %add3A_242 = vector.broadcast %add3A_241 : i32 to vector<16xi32>
      %add3A_243 = arith.addi %rem3A_237, %add3A_242 : vector<16xi32>
      %select_n3A_244 = arith.select %lt3A_240, %add3A_243, %rem3A_237 : vector<16xi1>, vector<16xi32>
      %mul3A_245 = arith.constant 2 : i32
      %mul3A_246 = arith.muli %scan3A_21, %mul3A_245 : i32
      %add3A_247 = arith.constant 0 : i32
      %add3A_248 = arith.addi %mul3A_246, %add3A_247 : i32
      %swap3A_249 = arith.index_cast %add3A_248 : i32 to index
      %swap3A_250 = arith.constant 112 : index
      %swap3A_251 = tpu.vector_load %arg8[%swap3A_249, %swap3A_250] {strides = array<i32>} : memref<16x128xi32, #tpu.memory_space<vmem>>, vector<1x16xi32>,
      %swap3A_252 = vector.shape_cast %swap3A_251 : vector<1x16xi32> to vector<16xi32>
      %swap3A_253 = vector.shape_cast %select_n3A_244 : vector<16xi32> to vector<1x16xi32>
      tpu.vector_store %arg8[%swap3A_249, %swap3A_250], %swap3A_253 {strides = array<i32>} : memref<16x128xi32, #tpu.memory_space<vmem>>, vector<1x16xi32>,
      %get3A_254 = arith.constant 128 : index
      %get3A_255 = tpu.vector_load %arg7[%get3A_254] {strides = array<i32>} : memref<256xi32, #tpu.memory_space<vmem>>, vector<16xi32>,
      %get3A_256 = vector.shape_cast %get3A_255 : vector<16xi32> to vector<16xi32>
      %get3A_257 = arith.constant 128 : index
      %get3A_258 = tpu.vector_load %arg6[%get3A_257] {strides = array<i32>} : memref<256xi32, #tpu.memory_space<vmem>>, vector<16xi32>,
      %get3A_259 = vector.shape_cast %get3A_258 : vector<16xi32> to vector<16xi32>
      %mul3A_260 = arith.constant 92821 : i32
      %mul3A_261 = vector.broadcast %mul3A_260 : i32 to vector<16xi32>
      %mul3A_262 = arith.muli %get3A_256, %mul3A_261 : vector<16xi32>
      %add3A_263 = arith.addi %mul3A_262, %get3A_259 : vector<16xi32>
      %rem3A_264 = arith.constant 1000000 : i32
      %rem3A_265 = vector.broadcast %rem3A_264 : i32 to vector<16xi32>
      %rem3A_266 = arith.remsi %add3A_263, %rem3A_265 : vector<16xi32>
      %lt3A_267 = arith.constant 0 : i32
      %lt3A_268 = vector.broadcast %lt3A_267 : i32 to vector<16xi32>
      %lt3A_269 = arith.cmpi slt, %rem3A_266, %lt3A_268 : vector<16xi32>
      %add3A_270 = arith.constant 1000000 : i32
      %add3A_271 = vector.broadcast %add3A_270 : i32 to vector<16xi32>
      %add3A_272 = arith.addi %rem3A_266, %add3A_271 : vector<16xi32>
      %select_n3A_273 = arith.select %lt3A_269, %add3A_272, %rem3A_266 : vector<16xi1>, vector<16xi32>
      %mul3A_274 = arith.constant 2 : i32
      %mul3A_275 = arith.muli %scan3A_21, %mul3A_274 : i32
      %add3A_276 = arith.constant 1 : i32
      %add3A_277 = arith.addi %mul3A_275, %add3A_276 : i32
      %swap3A_278 = arith.index_cast %add3A_277 : i32 to index
      %swap3A_279 = arith.constant 0 : index
      %swap3A_280 = tpu.vector_load %arg8[%swap3A_278, %swap3A_279] {strides = array<i32>} : memref<16x128xi32, #tpu.memory_space<vmem>>, vector<1x16xi32>,
      %swap3A_281 = vector.shape_cast %swap3A_280 : vector<1x16xi32> to vector<16xi32>
      %swap3A_282 = vector.shape_cast %select_n3A_273 : vector<16xi32> to vector<1x16xi32>
      tpu.vector_store %arg8[%swap3A_278, %swap3A_279], %swap3A_282 {strides = array<i32>} : memref<16x128xi32, #tpu.memory_space<vmem>>, vector<1x16xi32>,
      %get3A_283 = arith.constant 144 : index
      %get3A_284 = tpu.vector_load %arg7[%get3A_283] {strides = array<i32>} : memref<256xi32, #tpu.memory_space<vmem>>, vector<16xi32>,
      %get3A_285 = vector.shape_cast %get3A_284 : vector<16xi32> to vector<16xi32>
      %get3A_286 = arith.constant 144 : index
      %get3A_287 = tpu.vector_load %arg6[%get3A_286] {strides = array<i32>} : memref<256xi32, #tpu.memory_space<vmem>>, vector<16xi32>,
      %get3A_288 = vector.shape_cast %get3A_287 : vector<16xi32> to vector<16xi32>
      %mul3A_289 = arith.constant 92821 : i32
      %mul3A_290 = vector.broadcast %mul3A_289 : i32 to vector<16xi32>
      %mul3A_291 = arith.muli %get3A_285, %mul3A_290 : vector<16xi32>
      %add3A_292 = arith.addi %mul3A_291, %get3A_288 : vector<16xi32>
      %rem3A_293 = arith.constant 1000000 : i32
      %rem3A_294 = vector.broadcast %rem3A_293 : i32 to vector<16xi32>
      %rem3A_295 = arith.remsi %add3A_292, %rem3A_294 : vector<16xi32>
      %lt3A_296 = arith.constant 0 : i32
      %lt3A_297 = vector.broadcast %lt3A_296 : i32 to vector<16xi32>
      %lt3A_298 = arith.cmpi slt, %rem3A_295, %lt3A_297 : vector<16xi32>
      %add3A_299 = arith.constant 1000000 : i32
      %add3A_300 = vector.broadcast %add3A_299 : i32 to vector<16xi32>
      %add3A_301 = arith.addi %rem3A_295, %add3A_300 : vector<16xi32>
      %select_n3A_302 = arith.select %lt3A_298, %add3A_301, %rem3A_295 : vector<16xi1>, vector<16xi32>
      %mul3A_303 = arith.constant 2 : i32
      %mul3A_304 = arith.muli %scan3A_21, %mul3A_303 : i32
      %add3A_305 = arith.constant 1 : i32
      %add3A_306 = arith.addi %mul3A_304, %add3A_305 : i32
      %swap3A_307 = arith.index_cast %add3A_306 : i32 to index
      %swap3A_308 = arith.constant 16 : index
      %swap3A_309 = tpu.vector_load %arg8[%swap3A_307, %swap3A_308] {strides = array<i32>} : memref<16x128xi32, #tpu.memory_space<vmem>>, vector<1x16xi32>,
      %swap3A_310 = vector.shape_cast %swap3A_309 : vector<1x16xi32> to vector<16xi32>
      %swap3A_311 = vector.shape_cast %select_n3A_302 : vector<16xi32> to vector<1x16xi32>
      tpu.vector_store %arg8[%swap3A_307, %swap3A_308], %swap3A_311 {strides = array<i32>} : memref<16x128xi32, #tpu.memory_space<vmem>>, vector<1x16xi32>,
      %get3A_312 = arith.constant 160 : index
      %get3A_313 = tpu.vector_load %arg7[%get3A_312] {strides = array<i32>} : memref<256xi32, #tpu.memory_space<vmem>>, vector<16xi32>,
      %get3A_314 = vector.shape_cast %get3A_313 : vector<16xi32> to vector<16xi32>
      %get3A_315 = arith.constant 160 : index
      %get3A_316 = tpu.vector_load %arg6[%get3A_315] {strides = array<i32>} : memref<256xi32, #tpu.memory_space<vmem>>, vector<16xi32>,
      %get3A_317 = vector.shape_cast %get3A_316 : vector<16xi32> to vector<16xi32>
      %mul3A_318 = arith.constant 92821 : i32
      %mul3A_319 = vector.broadcast %mul3A_318 : i32 to vector<16xi32>
      %mul3A_320 = arith.muli %get3A_314, %mul3A_319 : vector<16xi32>
      %add3A_321 = arith.addi %mul3A_320, %get3A_317 : vector<16xi32>
      %rem3A_322 = arith.constant 1000000 : i32
      %rem3A_323 = vector.broadcast %rem3A_322 : i32 to vector<16xi32>
      %rem3A_324 = arith.remsi %add3A_321, %rem3A_323 : vector<16xi32>
      %lt3A_325 = arith.constant 0 : i32
      %lt3A_326 = vector.broadcast %lt3A_325 : i32 to vector<16xi32>
      %lt3A_327 = arith.cmpi slt, %rem3A_324, %lt3A_326 : vector<16xi32>
      %add3A_328 = arith.constant 1000000 : i32
      %add3A_329 = vector.broadcast %add3A_328 : i32 to vector<16xi32>
      %add3A_330 = arith.addi %rem3A_324, %add3A_329 : vector<16xi32>
      %select_n3A_331 = arith.select %lt3A_327, %add3A_330, %rem3A_324 : vector<16xi1>, vector<16xi32>
      %mul3A_332 = arith.constant 2 : i32
      %mul3A_333 = arith.muli %scan3A_21, %mul3A_332 : i32
      %add3A_334 = arith.constant 1 : i32
      %add3A_335 = arith.addi %mul3A_333, %add3A_334 : i32
      %swap3A_336 = arith.index_cast %add3A_335 : i32 to index
      %swap3A_337 = arith.constant 32 : index
      %swap3A_338 = tpu.vector_load %arg8[%swap3A_336, %swap3A_337] {strides = array<i32>} : memref<16x128xi32, #tpu.memory_space<vmem>>, vector<1x16xi32>,
      %swap3A_339 = vector.shape_cast %swap3A_338 : vector<1x16xi32> to vector<16xi32>
      %swap3A_340 = vector.shape_cast %select_n3A_331 : vector<16xi32> to vector<1x16xi32>
      tpu.vector_store %arg8[%swap3A_336, %swap3A_337], %swap3A_340 {strides = array<i32>} : memref<16x128xi32, #tpu.memory_space<vmem>>, vector<1x16xi32>,
      %get3A_341 = arith.constant 176 : index
      %get3A_342 = tpu.vector_load %arg7[%get3A_341] {strides = array<i32>} : memref<256xi32, #tpu.memory_space<vmem>>, vector<16xi32>,
      %get3A_343 = vector.shape_cast %get3A_342 : vector<16xi32> to vector<16xi32>
      %get3A_344 = arith.constant 176 : index
      %get3A_345 = tpu.vector_load %arg6[%get3A_344] {strides = array<i32>} : memref<256xi32, #tpu.memory_space<vmem>>, vector<16xi32>,
      %get3A_346 = vector.shape_cast %get3A_345 : vector<16xi32> to vector<16xi32>
      %mul3A_347 = arith.constant 92821 : i32
      %mul3A_348 = vector.broadcast %mul3A_347 : i32 to vector<16xi32>
      %mul3A_349 = arith.muli %get3A_343, %mul3A_348 : vector<16xi32>
      %add3A_350 = arith.addi %mul3A_349, %get3A_346 : vector<16xi32>
      %rem3A_351 = arith.constant 1000000 : i32
      %rem3A_352 = vector.broadcast %rem3A_351 : i32 to vector<16xi32>
      %rem3A_353 = arith.remsi %add3A_350, %rem3A_352 : vector<16xi32>
      %lt3A_354 = arith.constant 0 : i32
      %lt3A_355 = vector.broadcast %lt3A_354 : i32 to vector<16xi32>
      %lt3A_356 = arith.cmpi slt, %rem3A_353, %lt3A_355 : vector<16xi32>
      %add3A_357 = arith.constant 1000000 : i32
      %add3A_358 = vector.broadcast %add3A_357 : i32 to vector<16xi32>
      %add3A_359 = arith.addi %rem3A_353, %add3A_358 : vector<16xi32>
      %select_n3A_360 = arith.select %lt3A_356, %add3A_359, %rem3A_353 : vector<16xi1>, vector<16xi32>
      %mul3A_361 = arith.constant 2 : i32
      %mul3A_362 = arith.muli %scan3A_21, %mul3A_361 : i32
      %add3A_363 = arith.constant 1 : i32
      %add3A_364 = arith.addi %mul3A_362, %add3A_363 : i32
      %swap3A_365 = arith.index_cast %add3A_364 : i32 to index
      %swap3A_366 = arith.constant 48 : index
      %swap3A_367 = tpu.vector_load %arg8[%swap3A_365, %swap3A_366] {strides = array<i32>} : memref<16x128xi32, #tpu.memory_space<vmem>>, vector<1x16xi32>,
      %swap3A_368 = vector.shape_cast %swap3A_367 : vector<1x16xi32> to vector<16xi32>
      %swap3A_369 = vector.shape_cast %select_n3A_360 : vector<16xi32> to vector<1x16xi32>
      tpu.vector_store %arg8[%swap3A_365, %swap3A_366], %swap3A_369 {strides = array<i32>} : memref<16x128xi32, #tpu.memory_space<vmem>>, vector<1x16xi32>,
      %get3A_370 = arith.constant 192 : index
      %get3A_371 = tpu.vector_load %arg7[%get3A_370] {strides = array<i32>} : memref<256xi32, #tpu.memory_space<vmem>>, vector<16xi32>,
      %get3A_372 = vector.shape_cast %get3A_371 : vector<16xi32> to vector<16xi32>
      %get3A_373 = arith.constant 192 : index
      %get3A_374 = tpu.vector_load %arg6[%get3A_373] {strides = array<i32>} : memref<256xi32, #tpu.memory_space<vmem>>, vector<16xi32>,
      %get3A_375 = vector.shape_cast %get3A_374 : vector<16xi32> to vector<16xi32>
      %mul3A_376 = arith.constant 92821 : i32
      %mul3A_377 = vector.broadcast %mul3A_376 : i32 to vector<16xi32>
      %mul3A_378 = arith.muli %get3A_372, %mul3A_377 : vector<16xi32>
      %add3A_379 = arith.addi %mul3A_378, %get3A_375 : vector<16xi32>
      %rem3A_380 = arith.constant 1000000 : i32
      %rem3A_381 = vector.broadcast %rem3A_380 : i32 to vector<16xi32>
      %rem3A_382 = arith.remsi %add3A_379, %rem3A_381 : vector<16xi32>
      %lt3A_383 = arith.constant 0 : i32
      %lt3A_384 = vector.broadcast %lt3A_383 : i32 to vector<16xi32>
      %lt3A_385 = arith.cmpi slt, %rem3A_382, %lt3A_384 : vector<16xi32>
      %add3A_386 = arith.constant 1000000 : i32
      %add3A_387 = vector.broadcast %add3A_386 : i32 to vector<16xi32>
      %add3A_388 = arith.addi %rem3A_382, %add3A_387 : vector<16xi32>
      %select_n3A_389 = arith.select %lt3A_385, %add3A_388, %rem3A_382 : vector<16xi1>, vector<16xi32>
      %mul3A_390 = arith.constant 2 : i32
      %mul3A_391 = arith.muli %scan3A_21, %mul3A_390 : i32
      %add3A_392 = arith.constant 1 : i32
      %add3A_393 = arith.addi %mul3A_391, %add3A_392 : i32
      %swap3A_394 = arith.index_cast %add3A_393 : i32 to index
      %swap3A_395 = arith.constant 64 : index
      %swap3A_396 = tpu.vector_load %arg8[%swap3A_394, %swap3A_395] {strides = array<i32>} : memref<16x128xi32, #tpu.memory_space<vmem>>, vector<1x16xi32>,
      %swap3A_397 = vector.shape_cast %swap3A_396 : vector<1x16xi32> to vector<16xi32>
      %swap3A_398 = vector.shape_cast %select_n3A_389 : vector<16xi32> to vector<1x16xi32>
      tpu.vector_store %arg8[%swap3A_394, %swap3A_395], %swap3A_398 {strides = array<i32>} : memref<16x128xi32, #tpu.memory_space<vmem>>, vector<1x16xi32>,
      %get3A_399 = arith.constant 208 : index
      %get3A_400 = tpu.vector_load %arg7[%get3A_399] {strides = array<i32>} : memref<256xi32, #tpu.memory_space<vmem>>, vector<16xi32>,
      %get3A_401 = vector.shape_cast %get3A_400 : vector<16xi32> to vector<16xi32>
      %get3A_402 = arith.constant 208 : index
      %get3A_403 = tpu.vector_load %arg6[%get3A_402] {strides = array<i32>} : memref<256xi32, #tpu.memory_space<vmem>>, vector<16xi32>,
      %get3A_404 = vector.shape_cast %get3A_403 : vector<16xi32> to vector<16xi32>
      %mul3A_405 = arith.constant 92821 : i32
      %mul3A_406 = vector.broadcast %mul3A_405 : i32 to vector<16xi32>
      %mul3A_407 = arith.muli %get3A_401, %mul3A_406 : vector<16xi32>
      %add3A_408 = arith.addi %mul3A_407, %get3A_404 : vector<16xi32>
      %rem3A_409 = arith.constant 1000000 : i32
      %rem3A_410 = vector.broadcast %rem3A_409 : i32 to vector<16xi32>
      %rem3A_411 = arith.remsi %add3A_408, %rem3A_410 : vector<16xi32>
      %lt3A_412 = arith.constant 0 : i32
      %lt3A_413 = vector.broadcast %lt3A_412 : i32 to vector<16xi32>
      %lt3A_414 = arith.cmpi slt, %rem3A_411, %lt3A_413 : vector<16xi32>
      %add3A_415 = arith.constant 1000000 : i32
      %add3A_416 = vector.broadcast %add3A_415 : i32 to vector<16xi32>
      %add3A_417 = arith.addi %rem3A_411, %add3A_416 : vector<16xi32>
      %select_n3A_418 = arith.select %lt3A_414, %add3A_417, %rem3A_411 : vector<16xi1>, vector<16xi32>
      %mul3A_419 = arith.constant 2 : i32
      %mul3A_420 = arith.muli %scan3A_21, %mul3A_419 : i32
      %add3A_421 = arith.constant 1 : i32
      %add3A_422 = arith.addi %mul3A_420, %add3A_421 : i32
      %swap3A_423 = arith.index_cast %add3A_422 : i32 to index
      %swap3A_424 = arith.constant 80 : index
      %swap3A_425 = tpu.vector_load %arg8[%swap3A_423, %swap3A_424] {strides = array<i32>} : memref<16x128xi32, #tpu.memory_space<vmem>>, vector<1x16xi32>,
      %swap3A_426 = vector.shape_cast %swap3A_425 : vector<1x16xi32> to vector<16xi32>
      %swap3A_427 = vector.shape_cast %select_n3A_418 : vector<16xi32> to vector<1x16xi32>
      tpu.vector_store %arg8[%swap3A_423, %swap3A_424], %swap3A_427 {strides = array<i32>} : memref<16x128xi32, #tpu.memory_space<vmem>>, vector<1x16xi32>,
      %get3A_428 = arith.constant 224 : index
      %get3A_429 = tpu.vector_load %arg7[%get3A_428] {strides = array<i32>} : memref<256xi32, #tpu.memory_space<vmem>>, vector<16xi32>,
      %get3A_430 = vector.shape_cast %get3A_429 : vector<16xi32> to vector<16xi32>
      %get3A_431 = arith.constant 224 : index
      %get3A_432 = tpu.vector_load %arg6[%get3A_431] {strides = array<i32>} : memref<256xi32, #tpu.memory_space<vmem>>, vector<16xi32>,
      %get3A_433 = vector.shape_cast %get3A_432 : vector<16xi32> to vector<16xi32>
      %mul3A_434 = arith.constant 92821 : i32
      %mul3A_435 = vector.broadcast %mul3A_434 : i32 to vector<16xi32>
      %mul3A_436 = arith.muli %get3A_430, %mul3A_435 : vector<16xi32>
      %add3A_437 = arith.addi %mul3A_436, %get3A_433 : vector<16xi32>
      %rem3A_438 = arith.constant 1000000 : i32
      %rem3A_439 = vector.broadcast %rem3A_438 : i32 to vector<16xi32>
      %rem3A_440 = arith.remsi %add3A_437, %rem3A_439 : vector<16xi32>
      %lt3A_441 = arith.constant 0 : i32
      %lt3A_442 = vector.broadcast %lt3A_441 : i32 to vector<16xi32>
      %lt3A_443 = arith.cmpi slt, %rem3A_440, %lt3A_442 : vector<16xi32>
      %add3A_444 = arith.constant 1000000 : i32
      %add3A_445 = vector.broadcast %add3A_444 : i32 to vector<16xi32>
      %add3A_446 = arith.addi %rem3A_440, %add3A_445 : vector<16xi32>
      %select_n3A_447 = arith.select %lt3A_443, %add3A_446, %rem3A_440 : vector<16xi1>, vector<16xi32>
      %mul3A_448 = arith.constant 2 : i32
      %mul3A_449 = arith.muli %scan3A_21, %mul3A_448 : i32
      %add3A_450 = arith.constant 1 : i32
      %add3A_451 = arith.addi %mul3A_449, %add3A_450 : i32
      %swap3A_452 = arith.index_cast %add3A_451 : i32 to index
      %swap3A_453 = arith.constant 96 : index
      %swap3A_454 = tpu.vector_load %arg8[%swap3A_452, %swap3A_453] {strides = array<i32>} : memref<16x128xi32, #tpu.memory_space<vmem>>, vector<1x16xi32>,
      %swap3A_455 = vector.shape_cast %swap3A_454 : vector<1x16xi32> to vector<16xi32>
      %swap3A_456 = vector.shape_cast %select_n3A_447 : vector<16xi32> to vector<1x16xi32>
      tpu.vector_store %arg8[%swap3A_452, %swap3A_453], %swap3A_456 {strides = array<i32>} : memref<16x128xi32, #tpu.memory_space<vmem>>, vector<1x16xi32>,
      %get3A_457 = arith.constant 240 : index
      %get3A_458 = tpu.vector_load %arg7[%get3A_457] {strides = array<i32>} : memref<256xi32, #tpu.memory_space<vmem>>, vector<16xi32>,
      %get3A_459 = vector.shape_cast %get3A_458 : vector<16xi32> to vector<16xi32>
      %get3A_460 = arith.constant 240 : index
      %get3A_461 = tpu.vector_load %arg6[%get3A_460] {strides = array<i32>} : memref<256xi32, #tpu.memory_space<vmem>>, vector<16xi32>,
      %get3A_462 = vector.shape_cast %get3A_461 : vector<16xi32> to vector<16xi32>
      %mul3A_463 = arith.constant 92821 : i32
      %mul3A_464 = vector.broadcast %mul3A_463 : i32 to vector<16xi32>
      %mul3A_465 = arith.muli %get3A_459, %mul3A_464 : vector<16xi32>
      %add3A_466 = arith.addi %mul3A_465, %get3A_462 : vector<16xi32>
      %rem3A_467 = arith.constant 1000000 : i32
      %rem3A_468 = vector.broadcast %rem3A_467 : i32 to vector<16xi32>
      %rem3A_469 = arith.remsi %add3A_466, %rem3A_468 : vector<16xi32>
      %lt3A_470 = arith.constant 0 : i32
      %lt3A_471 = vector.broadcast %lt3A_470 : i32 to vector<16xi32>
      %lt3A_472 = arith.cmpi slt, %rem3A_469, %lt3A_471 : vector<16xi32>
      %add3A_473 = arith.constant 1000000 : i32
      %add3A_474 = vector.broadcast %add3A_473 : i32 to vector<16xi32>
      %add3A_475 = arith.addi %rem3A_469, %add3A_474 : vector<16xi32>
      %select_n3A_476 = arith.select %lt3A_472, %add3A_475, %rem3A_469 : vector<16xi1>, vector<16xi32>
      %mul3A_477 = arith.constant 2 : i32
      %mul3A_478 = arith.muli %scan3A_21, %mul3A_477 : i32
      %add3A_479 = arith.constant 1 : i32
      %add3A_480 = arith.addi %mul3A_478, %add3A_479 : i32
      %swap3A_481 = arith.index_cast %add3A_480 : i32 to index
      %swap3A_482 = arith.constant 112 : index
      %swap3A_483 = tpu.vector_load %arg8[%swap3A_481, %swap3A_482] {strides = array<i32>} : memref<16x128xi32, #tpu.memory_space<vmem>>, vector<1x16xi32>,
      %swap3A_484 = vector.shape_cast %swap3A_483 : vector<1x16xi32> to vector<16xi32>
      %swap3A_485 = vector.shape_cast %select_n3A_476 : vector<16xi32> to vector<1x16xi32>
      tpu.vector_store %arg8[%swap3A_481, %swap3A_482], %swap3A_485 {strides = array<i32>} : memref<16x128xi32, #tpu.memory_space<vmem>>, vector<1x16xi32>,
    }
    %scan3A_9 = arith.constant 8 : i32
    %eq3A_10 = arith.constant 0 : i32
    %eq3A_11 = arith.cmpi eq, %arg1, %eq3A_10 : i32
    %convert_element_type3A_12 = arith.extui %eq3A_11 : i1 to i32
    %cond3A_13 = arith.constant 0 : i32
    %cond3A_14 = arith.cmpi ne, %convert_element_type3A_12, %cond3A_13 : i32
    scf.if %cond3A_14 {
      %dma_wait3A = arith.constant 0 : i32
      %dma_wait3A_21 = tpu.memref_slice %arg4[%mul3A_2, %dma_wait3A] : memref<64x1000000xf32, #tpu.memory_space<hbm>> -> memref<1x1000000xf32, #tpu.memory_space<hbm>>
      %dma_wait3A_22 = tpu.memref_squeeze %dma_wait3A_21 : memref<1x1000000xf32, #tpu.memory_space<hbm>> -> memref<1000000xf32, #tpu.memory_space<hbm>>
      tpu.wait_dma2 semaphore(%arg12 : memref<!tpu.dma_semaphore, #tpu.memory_space<semaphore_mem>>) src(%dma_wait3A_22 : memref<1000000xf32, #tpu.memory_space<hbm>>) dst(%arg10 : memref<1000000xf32, #tpu.memory_space<vmem_shared>>)
    } else {
    }
    %barrier3A = arith.constant 0 : index
    tpu.barrier barrier_id(%barrier3A)
    %scan3A_15 = arith.constant 0 : i32
    %scan3A_16 = arith.constant 0 : i32
    %scan3A_17 = arith.constant 16 : i32
    %scan3A_18 = arith.addi %scan3A_16, %scan3A_17 : i32
    %scan3A_19 = arith.constant 1 : i32
    scf.for %scan3A_21 = %scan3A_16 to %scan3A_18 step %scan3A_19  : i32 {
      %mul3A_22 = arith.constant 2 : i32
      %mul3A_23 = arith.muli %mul3A_22, %scan3A_21 : i32
      %add3A = arith.addi %mul3A_2, %mul3A_23 : i32
      %add3A_24 = arith.constant 1 : i32
      %add3A_25 = arith.addi %add3A, %add3A_24 : i32
      %eq3A_26 = arith.constant 0 : i32
      %eq3A_27 = arith.cmpi eq, %arg1, %eq3A_26 : i32
      %convert_element_type3A_28 = arith.extui %eq3A_27 : i1 to i32
      %cond3A_29 = arith.constant 0 : i32
      %cond3A_30 = arith.cmpi ne, %convert_element_type3A_28, %cond3A_29 : i32
      scf.if %cond3A_30 {
        %dma_start3A_834 = arith.constant 0 : i32
        %dma_start3A_835 = tpu.memref_slice %arg4[%add3A_25, %dma_start3A_834] : memref<64x1000000xf32, #tpu.memory_space<hbm>> -> memref<1x1000000xf32, #tpu.memory_space<hbm>>
        %dma_start3A_836 = tpu.memref_squeeze %dma_start3A_835 : memref<1x1000000xf32, #tpu.memory_space<hbm>> -> memref<1000000xf32, #tpu.memory_space<hbm>>
        tpu.enqueue_dma source(%dma_start3A_836 : memref<1000000xf32, #tpu.memory_space<hbm>>) target(%arg11 : memref<1000000xf32, #tpu.memory_space<vmem_shared>>) target_semaphore(%arg13 : memref<!tpu.dma_semaphore, #tpu.memory_space<semaphore_mem>>)
      } else {
      }
      %dma_start3A = arith.constant 0 : i32
      %dma_start3A_31 = arith.constant 0 : i32
      %dma_start3A_32 = tpu.memref_slice %arg9[%dma_start3A_31] : memref<1024xf32, #tpu.memory_space<vmem>> -> memref<512xf32, #tpu.memory_space<vmem>>
      %dma_start3A_33 = arith.constant 0 : i32
      %dma_start3A_34 = tpu.memref_slice %dma_start3A_32[%dma_start3A_33] : memref<512xf32, #tpu.memory_space<vmem>> -> memref<128xf32, #tpu.memory_space<vmem>>
      %dma_start3A_35 = arith.constant 0 : i32
      %dma_start3A_36 = tpu.memref_slice %arg8[%dma_start3A, %dma_start3A_35] : memref<16x128xi32, #tpu.memory_space<vmem>> -> memref<1x128xi32, #tpu.memory_space<vmem>>
      %dma_start3A_37 = tpu.memref_squeeze %dma_start3A_36 : memref<1x128xi32, #tpu.memory_space<vmem>> -> memref<128xi32, #tpu.memory_space<vmem>>
      %dma_start3A_38 = arith.constant 0 : i32
      %dma_start3A_39 = tpu.memref_slice %arg10[%dma_start3A_38] : memref<1000000xf32, #tpu.memory_space<vmem_shared>> -> memref<1000000xf32, #tpu.memory_space<vmem_shared>>
      tpu.enqueue_indirect_dma source(%dma_start3A_39 : memref<1000000xf32, #tpu.memory_space<vmem_shared>>) target(%dma_start3A_34 : memref<128xf32, #tpu.memory_space<vmem>>) offsets(%dma_start3A_37 : memref<128xi32, #tpu.memory_space<vmem>>) semaphore(%arg14 : memref<!tpu.dma_semaphore, #tpu.memory_space<semaphore_mem>>)
      %dma_start3A_40 = arith.constant 1 : i32
      %dma_start3A_41 = arith.constant 0 : i32
      %dma_start3A_42 = tpu.memref_slice %arg9[%dma_start3A_41] : memref<1024xf32, #tpu.memory_space<vmem>> -> memref<512xf32, #tpu.memory_space<vmem>>
      %dma_start3A_43 = arith.constant 128 : i32
      %dma_start3A_44 = tpu.memref_slice %dma_start3A_42[%dma_start3A_43] : memref<512xf32, #tpu.memory_space<vmem>> -> memref<128xf32, #tpu.memory_space<vmem>>
      %dma_start3A_45 = arith.constant 0 : i32
      %dma_start3A_46 = tpu.memref_slice %arg8[%dma_start3A_40, %dma_start3A_45] : memref<16x128xi32, #tpu.memory_space<vmem>> -> memref<1x128xi32, #tpu.memory_space<vmem>>
      %dma_start3A_47 = tpu.memref_squeeze %dma_start3A_46 : memref<1x128xi32, #tpu.memory_space<vmem>> -> memref<128xi32, #tpu.memory_space<vmem>>
      %dma_start3A_48 = arith.constant 0 : i32
      %dma_start3A_49 = tpu.memref_slice %arg10[%dma_start3A_48] : memref<1000000xf32, #tpu.memory_space<vmem_shared>> -> memref<1000000xf32, #tpu.memory_space<vmem_shared>>
      tpu.enqueue_indirect_dma source(%dma_start3A_49 : memref<1000000xf32, #tpu.memory_space<vmem_shared>>) target(%dma_start3A_44 : memref<128xf32, #tpu.memory_space<vmem>>) offsets(%dma_start3A_47 : memref<128xi32, #tpu.memory_space<vmem>>) semaphore(%arg14 : memref<!tpu.dma_semaphore, #tpu.memory_space<semaphore_mem>>)
      %dma_start3A_50 = arith.constant 2 : i32
      %dma_start3A_51 = arith.constant 0 : i32
      %dma_start3A_52 = tpu.memref_slice %arg9[%dma_start3A_51] : memref<1024xf32, #tpu.memory_space<vmem>> -> memref<512xf32, #tpu.memory_space<vmem>>
      %dma_start3A_53 = arith.constant 256 : i32
      %dma_start3A_54 = tpu.memref_slice %dma_start3A_52[%dma_start3A_53] : memref<512xf32, #tpu.memory_space<vmem>> -> memref<128xf32, #tpu.memory_space<vmem>>
      %dma_start3A_55 = arith.constant 0 : i32
      %dma_start3A_56 = tpu.memref_slice %arg8[%dma_start3A_50, %dma_start3A_55] : memref<16x128xi32, #tpu.memory_space<vmem>> -> memref<1x128xi32, #tpu.memory_space<vmem>>
      %dma_start3A_57 = tpu.memref_squeeze %dma_start3A_56 : memref<1x128xi32, #tpu.memory_space<vmem>> -> memref<128xi32, #tpu.memory_space<vmem>>
      %dma_start3A_58 = arith.constant 0 : i32
      %dma_start3A_59 = tpu.memref_slice %arg10[%dma_start3A_58] : memref<1000000xf32, #tpu.memory_space<vmem_shared>> -> memref<1000000xf32, #tpu.memory_space<vmem_shared>>
      tpu.enqueue_indirect_dma source(%dma_start3A_59 : memref<1000000xf32, #tpu.memory_space<vmem_shared>>) target(%dma_start3A_54 : memref<128xf32, #tpu.memory_space<vmem>>) offsets(%dma_start3A_57 : memref<128xi32, #tpu.memory_space<vmem>>) semaphore(%arg14 : memref<!tpu.dma_semaphore, #tpu.memory_space<semaphore_mem>>)
      %dma_start3A_60 = arith.constant 3 : i32
      %dma_start3A_61 = arith.constant 0 : i32
      %dma_start3A_62 = tpu.memref_slice %arg9[%dma_start3A_61] : memref<1024xf32, #tpu.memory_space<vmem>> -> memref<512xf32, #tpu.memory_space<vmem>>
      %dma_start3A_63 = arith.constant 384 : i32
      %dma_start3A_64 = tpu.memref_slice %dma_start3A_62[%dma_start3A_63] : memref<512xf32, #tpu.memory_space<vmem>> -> memref<128xf32, #tpu.memory_space<vmem>>
      %dma_start3A_65 = arith.constant 0 : i32
      %dma_start3A_66 = tpu.memref_slice %arg8[%dma_start3A_60, %dma_start3A_65] : memref<16x128xi32, #tpu.memory_space<vmem>> -> memref<1x128xi32, #tpu.memory_space<vmem>>
      %dma_start3A_67 = tpu.memref_squeeze %dma_start3A_66 : memref<1x128xi32, #tpu.memory_space<vmem>> -> memref<128xi32, #tpu.memory_space<vmem>>
      %dma_start3A_68 = arith.constant 0 : i32
      %dma_start3A_69 = tpu.memref_slice %arg10[%dma_start3A_68] : memref<1000000xf32, #tpu.memory_space<vmem_shared>> -> memref<1000000xf32, #tpu.memory_space<vmem_shared>>
      tpu.enqueue_indirect_dma source(%dma_start3A_69 : memref<1000000xf32, #tpu.memory_space<vmem_shared>>) target(%dma_start3A_64 : memref<128xf32, #tpu.memory_space<vmem>>) offsets(%dma_start3A_67 : memref<128xi32, #tpu.memory_space<vmem>>) semaphore(%arg14 : memref<!tpu.dma_semaphore, #tpu.memory_space<semaphore_mem>>)
      %dma_wait3A = arith.constant 0 : i32
      %dma_wait3A_70 = arith.constant 0 : i32
      %dma_wait3A_71 = tpu.memref_slice %arg9[%dma_wait3A_70] : memref<1024xf32, #tpu.memory_space<vmem>> -> memref<512xf32, #tpu.memory_space<vmem>>
      %dma_wait3A_72 = arith.constant 0 : i32
      %dma_wait3A_73 = tpu.memref_slice %dma_wait3A_71[%dma_wait3A_72] : memref<512xf32, #tpu.memory_space<vmem>> -> memref<128xf32, #tpu.memory_space<vmem>>
      %dma_wait3A_74 = arith.constant 0 : i32
      %dma_wait3A_75 = tpu.memref_slice %arg8[%dma_wait3A, %dma_wait3A_74] : memref<16x128xi32, #tpu.memory_space<vmem>> -> memref<1x128xi32, #tpu.memory_space<vmem>>
      %dma_wait3A_76 = tpu.memref_squeeze %dma_wait3A_75 : memref<1x128xi32, #tpu.memory_space<vmem>> -> memref<128xi32, #tpu.memory_space<vmem>>
      %dma_wait3A_77 = arith.constant 0 : i32
      %dma_wait3A_78 = tpu.memref_slice %arg10[%dma_wait3A_77] : memref<1000000xf32, #tpu.memory_space<vmem_shared>> -> memref<1000000xf32, #tpu.memory_space<vmem_shared>>
      tpu.wait_indirect_dma semaphore(%arg14 : memref<!tpu.dma_semaphore, #tpu.memory_space<semaphore_mem>>) src(%dma_wait3A_78 : memref<1000000xf32, #tpu.memory_space<vmem_shared>>) dst(%dma_wait3A_73 : memref<128xf32, #tpu.memory_space<vmem>>)
      %dma_wait3A_79 = arith.constant 1 : i32
      %dma_wait3A_80 = arith.constant 0 : i32
      %dma_wait3A_81 = tpu.memref_slice %arg9[%dma_wait3A_80] : memref<1024xf32, #tpu.memory_space<vmem>> -> memref<512xf32, #tpu.memory_space<vmem>>
      %dma_wait3A_82 = arith.constant 128 : i32
      %dma_wait3A_83 = tpu.memref_slice %dma_wait3A_81[%dma_wait3A_82] : memref<512xf32, #tpu.memory_space<vmem>> -> memref<128xf32, #tpu.memory_space<vmem>>
      %dma_wait3A_84 = arith.constant 0 : i32
      %dma_wait3A_85 = tpu.memref_slice %arg8[%dma_wait3A_79, %dma_wait3A_84] : memref<16x128xi32, #tpu.memory_space<vmem>> -> memref<1x128xi32, #tpu.memory_space<vmem>>
      %dma_wait3A_86 = tpu.memref_squeeze %dma_wait3A_85 : memref<1x128xi32, #tpu.memory_space<vmem>> -> memref<128xi32, #tpu.memory_space<vmem>>
      %dma_wait3A_87 = arith.constant 0 : i32
      %dma_wait3A_88 = tpu.memref_slice %arg10[%dma_wait3A_87] : memref<1000000xf32, #tpu.memory_space<vmem_shared>> -> memref<1000000xf32, #tpu.memory_space<vmem_shared>>
      tpu.wait_indirect_dma semaphore(%arg14 : memref<!tpu.dma_semaphore, #tpu.memory_space<semaphore_mem>>) src(%dma_wait3A_88 : memref<1000000xf32, #tpu.memory_space<vmem_shared>>) dst(%dma_wait3A_83 : memref<128xf32, #tpu.memory_space<vmem>>)
      %dma_wait3A_89 = arith.constant 2 : i32
      %dma_wait3A_90 = arith.constant 0 : i32
      %dma_wait3A_91 = tpu.memref_slice %arg9[%dma_wait3A_90] : memref<1024xf32, #tpu.memory_space<vmem>> -> memref<512xf32, #tpu.memory_space<vmem>>
      %dma_wait3A_92 = arith.constant 256 : i32
      %dma_wait3A_93 = tpu.memref_slice %dma_wait3A_91[%dma_wait3A_92] : memref<512xf32, #tpu.memory_space<vmem>> -> memref<128xf32, #tpu.memory_space<vmem>>
      %dma_wait3A_94 = arith.constant 0 : i32
      %dma_wait3A_95 = tpu.memref_slice %arg8[%dma_wait3A_89, %dma_wait3A_94] : memref<16x128xi32, #tpu.memory_space<vmem>> -> memref<1x128xi32, #tpu.memory_space<vmem>>
      %dma_wait3A_96 = tpu.memref_squeeze %dma_wait3A_95 : memref<1x128xi32, #tpu.memory_space<vmem>> -> memref<128xi32, #tpu.memory_space<vmem>>
      %dma_wait3A_97 = arith.constant 0 : i32
      %dma_wait3A_98 = tpu.memref_slice %arg10[%dma_wait3A_97] : memref<1000000xf32, #tpu.memory_space<vmem_shared>> -> memref<1000000xf32, #tpu.memory_space<vmem_shared>>
      tpu.wait_indirect_dma semaphore(%arg14 : memref<!tpu.dma_semaphore, #tpu.memory_space<semaphore_mem>>) src(%dma_wait3A_98 : memref<1000000xf32, #tpu.memory_space<vmem_shared>>) dst(%dma_wait3A_93 : memref<128xf32, #tpu.memory_space<vmem>>)
      %dma_wait3A_99 = arith.constant 3 : i32
      %dma_wait3A_100 = arith.constant 0 : i32
      %dma_wait3A_101 = tpu.memref_slice %arg9[%dma_wait3A_100] : memref<1024xf32, #tpu.memory_space<vmem>> -> memref<512xf32, #tpu.memory_space<vmem>>
      %dma_wait3A_102 = arith.constant 384 : i32
      %dma_wait3A_103 = tpu.memref_slice %dma_wait3A_101[%dma_wait3A_102] : memref<512xf32, #tpu.memory_space<vmem>> -> memref<128xf32, #tpu.memory_space<vmem>>
      %dma_wait3A_104 = arith.constant 0 : i32
      %dma_wait3A_105 = tpu.memref_slice %arg8[%dma_wait3A_99, %dma_wait3A_104] : memref<16x128xi32, #tpu.memory_space<vmem>> -> memref<1x128xi32, #tpu.memory_space<vmem>>
      %dma_wait3A_106 = tpu.memref_squeeze %dma_wait3A_105 : memref<1x128xi32, #tpu.memory_space<vmem>> -> memref<128xi32, #tpu.memory_space<vmem>>
      %dma_wait3A_107 = arith.constant 0 : i32
      %dma_wait3A_108 = tpu.memref_slice %arg10[%dma_wait3A_107] : memref<1000000xf32, #tpu.memory_space<vmem_shared>> -> memref<1000000xf32, #tpu.memory_space<vmem_shared>>
      tpu.wait_indirect_dma semaphore(%arg14 : memref<!tpu.dma_semaphore, #tpu.memory_space<semaphore_mem>>) src(%dma_wait3A_108 : memref<1000000xf32, #tpu.memory_space<vmem_shared>>) dst(%dma_wait3A_103 : memref<128xf32, #tpu.memory_space<vmem>>)
      %add3A_109 = arith.constant 0 : i32
      %add3A_110 = arith.addi %mul3A_0, %add3A_109 : i32
      %dma_start3A_111 = arith.constant 0 : i32
      %dma_start3A_112 = tpu.memref_slice %arg9[%dma_start3A_111] : memref<1024xf32, #tpu.memory_space<vmem>> -> memref<512xf32, #tpu.memory_space<vmem>>
      %dma_start3A_113 = tpu.memref_slice %arg5[%add3A, %add3A_110] : memref<64x32768xf32, #tpu.memory_space<hbm>> -> memref<1x512xf32, #tpu.memory_space<hbm>>
      %dma_start3A_114 = tpu.memref_squeeze %dma_start3A_113 : memref<1x512xf32, #tpu.memory_space<hbm>> -> memref<512xf32, #tpu.memory_space<hbm>>
      %dma_start3A_115 = tpu.memref_slice %arg5[%add3A, %add3A_110] : memref<64x32768xf32, #tpu.memory_space<hbm>> -> memref<1x512xf32, #tpu.memory_space<hbm>>
      %dma_start3A_116 = tpu.memref_squeeze %dma_start3A_115 : memref<1x512xf32, #tpu.memory_space<hbm>> -> memref<512xf32, #tpu.memory_space<hbm>>
      %dma_start3A_117 = arith.constant 0 : i32
      %dma_start3A_118 = tpu.memref_slice %arg9[%dma_start3A_117] : memref<1024xf32, #tpu.memory_space<vmem>> -> memref<512xf32, #tpu.memory_space<vmem>>
      tpu.enqueue_dma source(%dma_start3A_118 : memref<512xf32, #tpu.memory_space<vmem>>) target(%dma_start3A_116 : memref<512xf32, #tpu.memory_space<hbm>>) target_semaphore(%arg15 : memref<!tpu.dma_semaphore, #tpu.memory_space<semaphore_mem>>)
      %dma_start3A_119 = arith.constant 4 : i32
      %dma_start3A_120 = arith.constant 512 : i32
      %dma_start3A_121 = tpu.memref_slice %arg9[%dma_start3A_120] : memref<1024xf32, #tpu.memory_space<vmem>> -> memref<512xf32, #tpu.memory_space<vmem>>
      %dma_start3A_122 = arith.constant 0 : i32
      %dma_start3A_123 = tpu.memref_slice %dma_start3A_121[%dma_start3A_122] : memref<512xf32, #tpu.memory_space<vmem>> -> memref<128xf32, #tpu.memory_space<vmem>>
      %dma_start3A_124 = arith.constant 0 : i32
      %dma_start3A_125 = tpu.memref_slice %arg8[%dma_start3A_119, %dma_start3A_124] : memref<16x128xi32, #tpu.memory_space<vmem>> -> memref<1x128xi32, #tpu.memory_space<vmem>>
      %dma_start3A_126 = tpu.memref_squeeze %dma_start3A_125 : memref<1x128xi32, #tpu.memory_space<vmem>> -> memref<128xi32, #tpu.memory_space<vmem>>
      %dma_start3A_127 = arith.constant 0 : i32
      %dma_start3A_128 = tpu.memref_slice %arg10[%dma_start3A_127] : memref<1000000xf32, #tpu.memory_space<vmem_shared>> -> memref<1000000xf32, #tpu.memory_space<vmem_shared>>
      tpu.enqueue_indirect_dma source(%dma_start3A_128 : memref<1000000xf32, #tpu.memory_space<vmem_shared>>) target(%dma_start3A_123 : memref<128xf32, #tpu.memory_space<vmem>>) offsets(%dma_start3A_126 : memref<128xi32, #tpu.memory_space<vmem>>) semaphore(%arg14 : memref<!tpu.dma_semaphore, #tpu.memory_space<semaphore_mem>>)
      %dma_start3A_129 = arith.constant 5 : i32
      %dma_start3A_130 = arith.constant 512 : i32
      %dma_start3A_131 = tpu.memref_slice %arg9[%dma_start3A_130] : memref<1024xf32, #tpu.memory_space<vmem>> -> memref<512xf32, #tpu.memory_space<vmem>>
      %dma_start3A_132 = arith.constant 128 : i32
      %dma_start3A_133 = tpu.memref_slice %dma_start3A_131[%dma_start3A_132] : memref<512xf32, #tpu.memory_space<vmem>> -> memref<128xf32, #tpu.memory_space<vmem>>
      %dma_start3A_134 = arith.constant 0 : i32
      %dma_start3A_135 = tpu.memref_slice %arg8[%dma_start3A_129, %dma_start3A_134] : memref<16x128xi32, #tpu.memory_space<vmem>> -> memref<1x128xi32, #tpu.memory_space<vmem>>
      %dma_start3A_136 = tpu.memref_squeeze %dma_start3A_135 : memref<1x128xi32, #tpu.memory_space<vmem>> -> memref<128xi32, #tpu.memory_space<vmem>>
      %dma_start3A_137 = arith.constant 0 : i32
      %dma_start3A_138 = tpu.memref_slice %arg10[%dma_start3A_137] : memref<1000000xf32, #tpu.memory_space<vmem_shared>> -> memref<1000000xf32, #tpu.memory_space<vmem_shared>>
      tpu.enqueue_indirect_dma source(%dma_start3A_138 : memref<1000000xf32, #tpu.memory_space<vmem_shared>>) target(%dma_start3A_133 : memref<128xf32, #tpu.memory_space<vmem>>) offsets(%dma_start3A_136 : memref<128xi32, #tpu.memory_space<vmem>>) semaphore(%arg14 : memref<!tpu.dma_semaphore, #tpu.memory_space<semaphore_mem>>)
      %dma_start3A_139 = arith.constant 6 : i32
      %dma_start3A_140 = arith.constant 512 : i32
      %dma_start3A_141 = tpu.memref_slice %arg9[%dma_start3A_140] : memref<1024xf32, #tpu.memory_space<vmem>> -> memref<512xf32, #tpu.memory_space<vmem>>
      %dma_start3A_142 = arith.constant 256 : i32
      %dma_start3A_143 = tpu.memref_slice %dma_start3A_141[%dma_start3A_142] : memref<512xf32, #tpu.memory_space<vmem>> -> memref<128xf32, #tpu.memory_space<vmem>>
      %dma_start3A_144 = arith.constant 0 : i32
      %dma_start3A_145 = tpu.memref_slice %arg8[%dma_start3A_139, %dma_start3A_144] : memref<16x128xi32, #tpu.memory_space<vmem>> -> memref<1x128xi32, #tpu.memory_space<vmem>>
      %dma_start3A_146 = tpu.memref_squeeze %dma_start3A_145 : memref<1x128xi32, #tpu.memory_space<vmem>> -> memref<128xi32, #tpu.memory_space<vmem>>
      %dma_start3A_147 = arith.constant 0 : i32
      %dma_start3A_148 = tpu.memref_slice %arg10[%dma_start3A_147] : memref<1000000xf32, #tpu.memory_space<vmem_shared>> -> memref<1000000xf32, #tpu.memory_space<vmem_shared>>
      tpu.enqueue_indirect_dma source(%dma_start3A_148 : memref<1000000xf32, #tpu.memory_space<vmem_shared>>) target(%dma_start3A_143 : memref<128xf32, #tpu.memory_space<vmem>>) offsets(%dma_start3A_146 : memref<128xi32, #tpu.memory_space<vmem>>) semaphore(%arg14 : memref<!tpu.dma_semaphore, #tpu.memory_space<semaphore_mem>>)
      %dma_start3A_149 = arith.constant 7 : i32
      %dma_start3A_150 = arith.constant 512 : i32
      %dma_start3A_151 = tpu.memref_slice %arg9[%dma_start3A_150] : memref<1024xf32, #tpu.memory_space<vmem>> -> memref<512xf32, #tpu.memory_space<vmem>>
      %dma_start3A_152 = arith.constant 384 : i32
      %dma_start3A_153 = tpu.memref_slice %dma_start3A_151[%dma_start3A_152] : memref<512xf32, #tpu.memory_space<vmem>> -> memref<128xf32, #tpu.memory_space<vmem>>
      %dma_start3A_154 = arith.constant 0 : i32
      %dma_start3A_155 = tpu.memref_slice %arg8[%dma_start3A_149, %dma_start3A_154] : memref<16x128xi32, #tpu.memory_space<vmem>> -> memref<1x128xi32, #tpu.memory_space<vmem>>
      %dma_start3A_156 = tpu.memref_squeeze %dma_start3A_155 : memref<1x128xi32, #tpu.memory_space<vmem>> -> memref<128xi32, #tpu.memory_space<vmem>>
      %dma_start3A_157 = arith.constant 0 : i32
      %dma_start3A_158 = tpu.memref_slice %arg10[%dma_start3A_157] : memref<1000000xf32, #tpu.memory_space<vmem_shared>> -> memref<1000000xf32, #tpu.memory_space<vmem_shared>>
      tpu.enqueue_indirect_dma source(%dma_start3A_158 : memref<1000000xf32, #tpu.memory_space<vmem_shared>>) target(%dma_start3A_153 : memref<128xf32, #tpu.memory_space<vmem>>) offsets(%dma_start3A_156 : memref<128xi32, #tpu.memory_space<vmem>>) semaphore(%arg14 : memref<!tpu.dma_semaphore, #tpu.memory_space<semaphore_mem>>)
      %dma_wait3A_159 = arith.constant 4 : i32
      %dma_wait3A_160 = arith.constant 512 : i32
      %dma_wait3A_161 = tpu.memref_slice %arg9[%dma_wait3A_160] : memref<1024xf32, #tpu.memory_space<vmem>> -> memref<512xf32, #tpu.memory_space<vmem>>
      %dma_wait3A_162 = arith.constant 0 : i32
      %dma_wait3A_163 = tpu.memref_slice %dma_wait3A_161[%dma_wait3A_162] : memref<512xf32, #tpu.memory_space<vmem>> -> memref<128xf32, #tpu.memory_space<vmem>>
      %dma_wait3A_164 = arith.constant 0 : i32
      %dma_wait3A_165 = tpu.memref_slice %arg8[%dma_wait3A_159, %dma_wait3A_164] : memref<16x128xi32, #tpu.memory_space<vmem>> -> memref<1x128xi32, #tpu.memory_space<vmem>>
      %dma_wait3A_166 = tpu.memref_squeeze %dma_wait3A_165 : memref<1x128xi32, #tpu.memory_space<vmem>> -> memref<128xi32, #tpu.memory_space<vmem>>
      %dma_wait3A_167 = arith.constant 0 : i32
      %dma_wait3A_168 = tpu.memref_slice %arg10[%dma_wait3A_167] : memref<1000000xf32, #tpu.memory_space<vmem_shared>> -> memref<1000000xf32, #tpu.memory_space<vmem_shared>>
      tpu.wait_indirect_dma semaphore(%arg14 : memref<!tpu.dma_semaphore, #tpu.memory_space<semaphore_mem>>) src(%dma_wait3A_168 : memref<1000000xf32, #tpu.memory_space<vmem_shared>>) dst(%dma_wait3A_163 : memref<128xf32, #tpu.memory_space<vmem>>)
      %dma_wait3A_169 = arith.constant 5 : i32
      %dma_wait3A_170 = arith.constant 512 : i32
      %dma_wait3A_171 = tpu.memref_slice %arg9[%dma_wait3A_170] : memref<1024xf32, #tpu.memory_space<vmem>> -> memref<512xf32, #tpu.memory_space<vmem>>
      %dma_wait3A_172 = arith.constant 128 : i32
      %dma_wait3A_173 = tpu.memref_slice %dma_wait3A_171[%dma_wait3A_172] : memref<512xf32, #tpu.memory_space<vmem>> -> memref<128xf32, #tpu.memory_space<vmem>>
      %dma_wait3A_174 = arith.constant 0 : i32
      %dma_wait3A_175 = tpu.memref_slice %arg8[%dma_wait3A_169, %dma_wait3A_174] : memref<16x128xi32, #tpu.memory_space<vmem>> -> memref<1x128xi32, #tpu.memory_space<vmem>>
      %dma_wait3A_176 = tpu.memref_squeeze %dma_wait3A_175 : memref<1x128xi32, #tpu.memory_space<vmem>> -> memref<128xi32, #tpu.memory_space<vmem>>
      %dma_wait3A_177 = arith.constant 0 : i32
      %dma_wait3A_178 = tpu.memref_slice %arg10[%dma_wait3A_177] : memref<1000000xf32, #tpu.memory_space<vmem_shared>> -> memref<1000000xf32, #tpu.memory_space<vmem_shared>>
      tpu.wait_indirect_dma semaphore(%arg14 : memref<!tpu.dma_semaphore, #tpu.memory_space<semaphore_mem>>) src(%dma_wait3A_178 : memref<1000000xf32, #tpu.memory_space<vmem_shared>>) dst(%dma_wait3A_173 : memref<128xf32, #tpu.memory_space<vmem>>)
      %dma_wait3A_179 = arith.constant 6 : i32
      %dma_wait3A_180 = arith.constant 512 : i32
      %dma_wait3A_181 = tpu.memref_slice %arg9[%dma_wait3A_180] : memref<1024xf32, #tpu.memory_space<vmem>> -> memref<512xf32, #tpu.memory_space<vmem>>
      %dma_wait3A_182 = arith.constant 256 : i32
      %dma_wait3A_183 = tpu.memref_slice %dma_wait3A_181[%dma_wait3A_182] : memref<512xf32, #tpu.memory_space<vmem>> -> memref<128xf32, #tpu.memory_space<vmem>>
      %dma_wait3A_184 = arith.constant 0 : i32
      %dma_wait3A_185 = tpu.memref_slice %arg8[%dma_wait3A_179, %dma_wait3A_184] : memref<16x128xi32, #tpu.memory_space<vmem>> -> memref<1x128xi32, #tpu.memory_space<vmem>>
      %dma_wait3A_186 = tpu.memref_squeeze %dma_wait3A_185 : memref<1x128xi32, #tpu.memory_space<vmem>> -> memref<128xi32, #tpu.memory_space<vmem>>
      %dma_wait3A_187 = arith.constant 0 : i32
      %dma_wait3A_188 = tpu.memref_slice %arg10[%dma_wait3A_187] : memref<1000000xf32, #tpu.memory_space<vmem_shared>> -> memref<1000000xf32, #tpu.memory_space<vmem_shared>>
      tpu.wait_indirect_dma semaphore(%arg14 : memref<!tpu.dma_semaphore, #tpu.memory_space<semaphore_mem>>) src(%dma_wait3A_188 : memref<1000000xf32, #tpu.memory_space<vmem_shared>>) dst(%dma_wait3A_183 : memref<128xf32, #tpu.memory_space<vmem>>)
      %dma_wait3A_189 = arith.constant 7 : i32
      %dma_wait3A_190 = arith.constant 512 : i32
      %dma_wait3A_191 = tpu.memref_slice %arg9[%dma_wait3A_190] : memref<1024xf32, #tpu.memory_space<vmem>> -> memref<512xf32, #tpu.memory_space<vmem>>
      %dma_wait3A_192 = arith.constant 384 : i32
      %dma_wait3A_193 = tpu.memref_slice %dma_wait3A_191[%dma_wait3A_192] : memref<512xf32, #tpu.memory_space<vmem>> -> memref<128xf32, #tpu.memory_space<vmem>>
      %dma_wait3A_194 = arith.constant 0 : i32
      %dma_wait3A_195 = tpu.memref_slice %arg8[%dma_wait3A_189, %dma_wait3A_194] : memref<16x128xi32, #tpu.memory_space<vmem>> -> memref<1x128xi32, #tpu.memory_space<vmem>>
      %dma_wait3A_196 = tpu.memref_squeeze %dma_wait3A_195 : memref<1x128xi32, #tpu.memory_space<vmem>> -> memref<128xi32, #tpu.memory_space<vmem>>
      %dma_wait3A_197 = arith.constant 0 : i32
      %dma_wait3A_198 = tpu.memref_slice %arg10[%dma_wait3A_197] : memref<1000000xf32, #tpu.memory_space<vmem_shared>> -> memref<1000000xf32, #tpu.memory_space<vmem_shared>>
      tpu.wait_indirect_dma semaphore(%arg14 : memref<!tpu.dma_semaphore, #tpu.memory_space<semaphore_mem>>) src(%dma_wait3A_198 : memref<1000000xf32, #tpu.memory_space<vmem_shared>>) dst(%dma_wait3A_193 : memref<128xf32, #tpu.memory_space<vmem>>)
      %add3A_199 = arith.constant 512 : i32
      %add3A_200 = arith.addi %mul3A_0, %add3A_199 : i32
      %dma_start3A_201 = arith.constant 512 : i32
      %dma_start3A_202 = tpu.memref_slice %arg9[%dma_start3A_201] : memref<1024xf32, #tpu.memory_space<vmem>> -> memref<512xf32, #tpu.memory_space<vmem>>
      %dma_start3A_203 = tpu.memref_slice %arg5[%add3A, %add3A_200] : memref<64x32768xf32, #tpu.memory_space<hbm>> -> memref<1x512xf32, #tpu.memory_space<hbm>>
      %dma_start3A_204 = tpu.memref_squeeze %dma_start3A_203 : memref<1x512xf32, #tpu.memory_space<hbm>> -> memref<512xf32, #tpu.memory_space<hbm>>
      %dma_start3A_205 = tpu.memref_slice %arg5[%add3A, %add3A_200] : memref<64x32768xf32, #tpu.memory_space<hbm>> -> memref<1x512xf32, #tpu.memory_space<hbm>>
      %dma_start3A_206 = tpu.memref_squeeze %dma_start3A_205 : memref<1x512xf32, #tpu.memory_space<hbm>> -> memref<512xf32, #tpu.memory_space<hbm>>
      %dma_start3A_207 = arith.constant 512 : i32
      %dma_start3A_208 = tpu.memref_slice %arg9[%dma_start3A_207] : memref<1024xf32, #tpu.memory_space<vmem>> -> memref<512xf32, #tpu.memory_space<vmem>>
      tpu.enqueue_dma source(%dma_start3A_208 : memref<512xf32, #tpu.memory_space<vmem>>) target(%dma_start3A_206 : memref<512xf32, #tpu.memory_space<hbm>>) target_semaphore(%arg15 : memref<!tpu.dma_semaphore, #tpu.memory_space<semaphore_mem>>)
      %dma_wait3A_209 = arith.constant 0 : i32
      %dma_wait3A_210 = tpu.memref_slice %arg9[%dma_wait3A_209] : memref<1024xf32, #tpu.memory_space<vmem>> -> memref<512xf32, #tpu.memory_space<vmem>>
      %dma_wait3A_211 = tpu.memref_slice %arg5[%add3A, %add3A_110] : memref<64x32768xf32, #tpu.memory_space<hbm>> -> memref<1x512xf32, #tpu.memory_space<hbm>>
      %dma_wait3A_212 = tpu.memref_squeeze %dma_wait3A_211 : memref<1x512xf32, #tpu.memory_space<hbm>> -> memref<512xf32, #tpu.memory_space<hbm>>
      %dma_wait3A_213 = tpu.memref_slice %arg5[%add3A, %add3A_110] : memref<64x32768xf32, #tpu.memory_space<hbm>> -> memref<1x512xf32, #tpu.memory_space<hbm>>
      %dma_wait3A_214 = tpu.memref_squeeze %dma_wait3A_213 : memref<1x512xf32, #tpu.memory_space<hbm>> -> memref<512xf32, #tpu.memory_space<hbm>>
      %dma_wait3A_215 = arith.constant 0 : i32
      %dma_wait3A_216 = tpu.memref_slice %arg9[%dma_wait3A_215] : memref<1024xf32, #tpu.memory_space<vmem>> -> memref<512xf32, #tpu.memory_space<vmem>>
      tpu.wait_dma2 semaphore(%arg15 : memref<!tpu.dma_semaphore, #tpu.memory_space<semaphore_mem>>) src(%dma_wait3A_216 : memref<512xf32, #tpu.memory_space<vmem>>) dst(%dma_wait3A_214 : memref<512xf32, #tpu.memory_space<hbm>>)
      %dma_start3A_217 = arith.constant 8 : i32
      %dma_start3A_218 = arith.constant 0 : i32
      %dma_start3A_219 = tpu.memref_slice %arg9[%dma_start3A_218] : memref<1024xf32, #tpu.memory_space<vmem>> -> memref<512xf32, #tpu.memory_space<vmem>>
      %dma_start3A_220 = arith.constant 0 : i32
      %dma_start3A_221 = tpu.memref_slice %dma_start3A_219[%dma_start3A_220] : memref<512xf32, #tpu.memory_space<vmem>> -> memref<128xf32, #tpu.memory_space<vmem>>
      %dma_start3A_222 = arith.constant 0 : i32
      %dma_start3A_223 = tpu.memref_slice %arg8[%dma_start3A_217, %dma_start3A_222] : memref<16x128xi32, #tpu.memory_space<vmem>> -> memref<1x128xi32, #tpu.memory_space<vmem>>
      %dma_start3A_224 = tpu.memref_squeeze %dma_start3A_223 : memref<1x128xi32, #tpu.memory_space<vmem>> -> memref<128xi32, #tpu.memory_space<vmem>>
      %dma_start3A_225 = arith.constant 0 : i32
      %dma_start3A_226 = tpu.memref_slice %arg10[%dma_start3A_225] : memref<1000000xf32, #tpu.memory_space<vmem_shared>> -> memref<1000000xf32, #tpu.memory_space<vmem_shared>>
      tpu.enqueue_indirect_dma source(%dma_start3A_226 : memref<1000000xf32, #tpu.memory_space<vmem_shared>>) target(%dma_start3A_221 : memref<128xf32, #tpu.memory_space<vmem>>) offsets(%dma_start3A_224 : memref<128xi32, #tpu.memory_space<vmem>>) semaphore(%arg14 : memref<!tpu.dma_semaphore, #tpu.memory_space<semaphore_mem>>)
      %dma_start3A_227 = arith.constant 9 : i32
      %dma_start3A_228 = arith.constant 0 : i32
      %dma_start3A_229 = tpu.memref_slice %arg9[%dma_start3A_228] : memref<1024xf32, #tpu.memory_space<vmem>> -> memref<512xf32, #tpu.memory_space<vmem>>
      %dma_start3A_230 = arith.constant 128 : i32
      %dma_start3A_231 = tpu.memref_slice %dma_start3A_229[%dma_start3A_230] : memref<512xf32, #tpu.memory_space<vmem>> -> memref<128xf32, #tpu.memory_space<vmem>>
      %dma_start3A_232 = arith.constant 0 : i32
      %dma_start3A_233 = tpu.memref_slice %arg8[%dma_start3A_227, %dma_start3A_232] : memref<16x128xi32, #tpu.memory_space<vmem>> -> memref<1x128xi32, #tpu.memory_space<vmem>>
      %dma_start3A_234 = tpu.memref_squeeze %dma_start3A_233 : memref<1x128xi32, #tpu.memory_space<vmem>> -> memref<128xi32, #tpu.memory_space<vmem>>
      %dma_start3A_235 = arith.constant 0 : i32
      %dma_start3A_236 = tpu.memref_slice %arg10[%dma_start3A_235] : memref<1000000xf32, #tpu.memory_space<vmem_shared>> -> memref<1000000xf32, #tpu.memory_space<vmem_shared>>
      tpu.enqueue_indirect_dma source(%dma_start3A_236 : memref<1000000xf32, #tpu.memory_space<vmem_shared>>) target(%dma_start3A_231 : memref<128xf32, #tpu.memory_space<vmem>>) offsets(%dma_start3A_234 : memref<128xi32, #tpu.memory_space<vmem>>) semaphore(%arg14 : memref<!tpu.dma_semaphore, #tpu.memory_space<semaphore_mem>>)
      %dma_start3A_237 = arith.constant 10 : i32
      %dma_start3A_238 = arith.constant 0 : i32
      %dma_start3A_239 = tpu.memref_slice %arg9[%dma_start3A_238] : memref<1024xf32, #tpu.memory_space<vmem>> -> memref<512xf32, #tpu.memory_space<vmem>>
      %dma_start3A_240 = arith.constant 256 : i32
      %dma_start3A_241 = tpu.memref_slice %dma_start3A_239[%dma_start3A_240] : memref<512xf32, #tpu.memory_space<vmem>> -> memref<128xf32, #tpu.memory_space<vmem>>
      %dma_start3A_242 = arith.constant 0 : i32
      %dma_start3A_243 = tpu.memref_slice %arg8[%dma_start3A_237, %dma_start3A_242] : memref<16x128xi32, #tpu.memory_space<vmem>> -> memref<1x128xi32, #tpu.memory_space<vmem>>
      %dma_start3A_244 = tpu.memref_squeeze %dma_start3A_243 : memref<1x128xi32, #tpu.memory_space<vmem>> -> memref<128xi32, #tpu.memory_space<vmem>>
      %dma_start3A_245 = arith.constant 0 : i32
      %dma_start3A_246 = tpu.memref_slice %arg10[%dma_start3A_245] : memref<1000000xf32, #tpu.memory_space<vmem_shared>> -> memref<1000000xf32, #tpu.memory_space<vmem_shared>>
      tpu.enqueue_indirect_dma source(%dma_start3A_246 : memref<1000000xf32, #tpu.memory_space<vmem_shared>>) target(%dma_start3A_241 : memref<128xf32, #tpu.memory_space<vmem>>) offsets(%dma_start3A_244 : memref<128xi32, #tpu.memory_space<vmem>>) semaphore(%arg14 : memref<!tpu.dma_semaphore, #tpu.memory_space<semaphore_mem>>)
      %dma_start3A_247 = arith.constant 11 : i32
      %dma_start3A_248 = arith.constant 0 : i32
      %dma_start3A_249 = tpu.memref_slice %arg9[%dma_start3A_248] : memref<1024xf32, #tpu.memory_space<vmem>> -> memref<512xf32, #tpu.memory_space<vmem>>
      %dma_start3A_250 = arith.constant 384 : i32
      %dma_start3A_251 = tpu.memref_slice %dma_start3A_249[%dma_start3A_250] : memref<512xf32, #tpu.memory_space<vmem>> -> memref<128xf32, #tpu.memory_space<vmem>>
      %dma_start3A_252 = arith.constant 0 : i32
      %dma_start3A_253 = tpu.memref_slice %arg8[%dma_start3A_247, %dma_start3A_252] : memref<16x128xi32, #tpu.memory_space<vmem>> -> memref<1x128xi32, #tpu.memory_space<vmem>>
      %dma_start3A_254 = tpu.memref_squeeze %dma_start3A_253 : memref<1x128xi32, #tpu.memory_space<vmem>> -> memref<128xi32, #tpu.memory_space<vmem>>
      %dma_start3A_255 = arith.constant 0 : i32
      %dma_start3A_256 = tpu.memref_slice %arg10[%dma_start3A_255] : memref<1000000xf32, #tpu.memory_space<vmem_shared>> -> memref<1000000xf32, #tpu.memory_space<vmem_shared>>
      tpu.enqueue_indirect_dma source(%dma_start3A_256 : memref<1000000xf32, #tpu.memory_space<vmem_shared>>) target(%dma_start3A_251 : memref<128xf32, #tpu.memory_space<vmem>>) offsets(%dma_start3A_254 : memref<128xi32, #tpu.memory_space<vmem>>) semaphore(%arg14 : memref<!tpu.dma_semaphore, #tpu.memory_space<semaphore_mem>>)
      %dma_wait3A_257 = arith.constant 8 : i32
      %dma_wait3A_258 = arith.constant 0 : i32
      %dma_wait3A_259 = tpu.memref_slice %arg9[%dma_wait3A_258] : memref<1024xf32, #tpu.memory_space<vmem>> -> memref<512xf32, #tpu.memory_space<vmem>>
      %dma_wait3A_260 = arith.constant 0 : i32
      %dma_wait3A_261 = tpu.memref_slice %dma_wait3A_259[%dma_wait3A_260] : memref<512xf32, #tpu.memory_space<vmem>> -> memref<128xf32, #tpu.memory_space<vmem>>
      %dma_wait3A_262 = arith.constant 0 : i32
      %dma_wait3A_263 = tpu.memref_slice %arg8[%dma_wait3A_257, %dma_wait3A_262] : memref<16x128xi32, #tpu.memory_space<vmem>> -> memref<1x128xi32, #tpu.memory_space<vmem>>
      %dma_wait3A_264 = tpu.memref_squeeze %dma_wait3A_263 : memref<1x128xi32, #tpu.memory_space<vmem>> -> memref<128xi32, #tpu.memory_space<vmem>>
      %dma_wait3A_265 = arith.constant 0 : i32
      %dma_wait3A_266 = tpu.memref_slice %arg10[%dma_wait3A_265] : memref<1000000xf32, #tpu.memory_space<vmem_shared>> -> memref<1000000xf32, #tpu.memory_space<vmem_shared>>
      tpu.wait_indirect_dma semaphore(%arg14 : memref<!tpu.dma_semaphore, #tpu.memory_space<semaphore_mem>>) src(%dma_wait3A_266 : memref<1000000xf32, #tpu.memory_space<vmem_shared>>) dst(%dma_wait3A_261 : memref<128xf32, #tpu.memory_space<vmem>>)
      %dma_wait3A_267 = arith.constant 9 : i32
      %dma_wait3A_268 = arith.constant 0 : i32
      %dma_wait3A_269 = tpu.memref_slice %arg9[%dma_wait3A_268] : memref<1024xf32, #tpu.memory_space<vmem>> -> memref<512xf32, #tpu.memory_space<vmem>>
      %dma_wait3A_270 = arith.constant 128 : i32
      %dma_wait3A_271 = tpu.memref_slice %dma_wait3A_269[%dma_wait3A_270] : memref<512xf32, #tpu.memory_space<vmem>> -> memref<128xf32, #tpu.memory_space<vmem>>
      %dma_wait3A_272 = arith.constant 0 : i32
      %dma_wait3A_273 = tpu.memref_slice %arg8[%dma_wait3A_267, %dma_wait3A_272] : memref<16x128xi32, #tpu.memory_space<vmem>> -> memref<1x128xi32, #tpu.memory_space<vmem>>
      %dma_wait3A_274 = tpu.memref_squeeze %dma_wait3A_273 : memref<1x128xi32, #tpu.memory_space<vmem>> -> memref<128xi32, #tpu.memory_space<vmem>>
      %dma_wait3A_275 = arith.constant 0 : i32
      %dma_wait3A_276 = tpu.memref_slice %arg10[%dma_wait3A_275] : memref<1000000xf32, #tpu.memory_space<vmem_shared>> -> memref<1000000xf32, #tpu.memory_space<vmem_shared>>
      tpu.wait_indirect_dma semaphore(%arg14 : memref<!tpu.dma_semaphore, #tpu.memory_space<semaphore_mem>>) src(%dma_wait3A_276 : memref<1000000xf32, #tpu.memory_space<vmem_shared>>) dst(%dma_wait3A_271 : memref<128xf32, #tpu.memory_space<vmem>>)
      %dma_wait3A_277 = arith.constant 10 : i32
      %dma_wait3A_278 = arith.constant 0 : i32
      %dma_wait3A_279 = tpu.memref_slice %arg9[%dma_wait3A_278] : memref<1024xf32, #tpu.memory_space<vmem>> -> memref<512xf32, #tpu.memory_space<vmem>>
      %dma_wait3A_280 = arith.constant 256 : i32
      %dma_wait3A_281 = tpu.memref_slice %dma_wait3A_279[%dma_wait3A_280] : memref<512xf32, #tpu.memory_space<vmem>> -> memref<128xf32, #tpu.memory_space<vmem>>
      %dma_wait3A_282 = arith.constant 0 : i32
      %dma_wait3A_283 = tpu.memref_slice %arg8[%dma_wait3A_277, %dma_wait3A_282] : memref<16x128xi32, #tpu.memory_space<vmem>> -> memref<1x128xi32, #tpu.memory_space<vmem>>
      %dma_wait3A_284 = tpu.memref_squeeze %dma_wait3A_283 : memref<1x128xi32, #tpu.memory_space<vmem>> -> memref<128xi32, #tpu.memory_space<vmem>>
      %dma_wait3A_285 = arith.constant 0 : i32
      %dma_wait3A_286 = tpu.memref_slice %arg10[%dma_wait3A_285] : memref<1000000xf32, #tpu.memory_space<vmem_shared>> -> memref<1000000xf32, #tpu.memory_space<vmem_shared>>
      tpu.wait_indirect_dma semaphore(%arg14 : memref<!tpu.dma_semaphore, #tpu.memory_space<semaphore_mem>>) src(%dma_wait3A_286 : memref<1000000xf32, #tpu.memory_space<vmem_shared>>) dst(%dma_wait3A_281 : memref<128xf32, #tpu.memory_space<vmem>>)
      %dma_wait3A_287 = arith.constant 11 : i32
      %dma_wait3A_288 = arith.constant 0 : i32
      %dma_wait3A_289 = tpu.memref_slice %arg9[%dma_wait3A_288] : memref<1024xf32, #tpu.memory_space<vmem>> -> memref<512xf32, #tpu.memory_space<vmem>>
      %dma_wait3A_290 = arith.constant 384 : i32
      %dma_wait3A_291 = tpu.memref_slice %dma_wait3A_289[%dma_wait3A_290] : memref<512xf32, #tpu.memory_space<vmem>> -> memref<128xf32, #tpu.memory_space<vmem>>
      %dma_wait3A_292 = arith.constant 0 : i32
      %dma_wait3A_293 = tpu.memref_slice %arg8[%dma_wait3A_287, %dma_wait3A_292] : memref<16x128xi32, #tpu.memory_space<vmem>> -> memref<1x128xi32, #tpu.memory_space<vmem>>
      %dma_wait3A_294 = tpu.memref_squeeze %dma_wait3A_293 : memref<1x128xi32, #tpu.memory_space<vmem>> -> memref<128xi32, #tpu.memory_space<vmem>>
      %dma_wait3A_295 = arith.constant 0 : i32
      %dma_wait3A_296 = tpu.memref_slice %arg10[%dma_wait3A_295] : memref<1000000xf32, #tpu.memory_space<vmem_shared>> -> memref<1000000xf32, #tpu.memory_space<vmem_shared>>
      tpu.wait_indirect_dma semaphore(%arg14 : memref<!tpu.dma_semaphore, #tpu.memory_space<semaphore_mem>>) src(%dma_wait3A_296 : memref<1000000xf32, #tpu.memory_space<vmem_shared>>) dst(%dma_wait3A_291 : memref<128xf32, #tpu.memory_space<vmem>>)
      %add3A_297 = arith.constant 1024 : i32
      %add3A_298 = arith.addi %mul3A_0, %add3A_297 : i32
      %dma_start3A_299 = arith.constant 0 : i32
      %dma_start3A_300 = tpu.memref_slice %arg9[%dma_start3A_299] : memref<1024xf32, #tpu.memory_space<vmem>> -> memref<512xf32, #tpu.memory_space<vmem>>
      %dma_start3A_301 = tpu.memref_slice %arg5[%add3A, %add3A_298] : memref<64x32768xf32, #tpu.memory_space<hbm>> -> memref<1x512xf32, #tpu.memory_space<hbm>>
      %dma_start3A_302 = tpu.memref_squeeze %dma_start3A_301 : memref<1x512xf32, #tpu.memory_space<hbm>> -> memref<512xf32, #tpu.memory_space<hbm>>
      %dma_start3A_303 = tpu.memref_slice %arg5[%add3A, %add3A_298] : memref<64x32768xf32, #tpu.memory_space<hbm>> -> memref<1x512xf32, #tpu.memory_space<hbm>>
      %dma_start3A_304 = tpu.memref_squeeze %dma_start3A_303 : memref<1x512xf32, #tpu.memory_space<hbm>> -> memref<512xf32, #tpu.memory_space<hbm>>
      %dma_start3A_305 = arith.constant 0 : i32
      %dma_start3A_306 = tpu.memref_slice %arg9[%dma_start3A_305] : memref<1024xf32, #tpu.memory_space<vmem>> -> memref<512xf32, #tpu.memory_space<vmem>>
      tpu.enqueue_dma source(%dma_start3A_306 : memref<512xf32, #tpu.memory_space<vmem>>) target(%dma_start3A_304 : memref<512xf32, #tpu.memory_space<hbm>>) target_semaphore(%arg15 : memref<!tpu.dma_semaphore, #tpu.memory_space<semaphore_mem>>)
      %dma_wait3A_307 = arith.constant 512 : i32
      %dma_wait3A_308 = tpu.memref_slice %arg9[%dma_wait3A_307] : memref<1024xf32, #tpu.memory_space<vmem>> -> memref<512xf32, #tpu.memory_space<vmem>>
      %dma_wait3A_309 = tpu.memref_slice %arg5[%add3A, %add3A_200] : memref<64x32768xf32, #tpu.memory_space<hbm>> -> memref<1x512xf32, #tpu.memory_space<hbm>>
      %dma_wait3A_310 = tpu.memref_squeeze %dma_wait3A_309 : memref<1x512xf32, #tpu.memory_space<hbm>> -> memref<512xf32, #tpu.memory_space<hbm>>
      %dma_wait3A_311 = tpu.memref_slice %arg5[%add3A, %add3A_200] : memref<64x32768xf32, #tpu.memory_space<hbm>> -> memref<1x512xf32, #tpu.memory_space<hbm>>
      %dma_wait3A_312 = tpu.memref_squeeze %dma_wait3A_311 : memref<1x512xf32, #tpu.memory_space<hbm>> -> memref<512xf32, #tpu.memory_space<hbm>>
      %dma_wait3A_313 = arith.constant 512 : i32
      %dma_wait3A_314 = tpu.memref_slice %arg9[%dma_wait3A_313] : memref<1024xf32, #tpu.memory_space<vmem>> -> memref<512xf32, #tpu.memory_space<vmem>>
      tpu.wait_dma2 semaphore(%arg15 : memref<!tpu.dma_semaphore, #tpu.memory_space<semaphore_mem>>) src(%dma_wait3A_314 : memref<512xf32, #tpu.memory_space<vmem>>) dst(%dma_wait3A_312 : memref<512xf32, #tpu.memory_space<hbm>>)
      %dma_start3A_315 = arith.constant 12 : i32
      %dma_start3A_316 = arith.constant 512 : i32
      %dma_start3A_317 = tpu.memref_slice %arg9[%dma_start3A_316] : memref<1024xf32, #tpu.memory_space<vmem>> -> memref<512xf32, #tpu.memory_space<vmem>>
      %dma_start3A_318 = arith.constant 0 : i32
      %dma_start3A_319 = tpu.memref_slice %dma_start3A_317[%dma_start3A_318] : memref<512xf32, #tpu.memory_space<vmem>> -> memref<128xf32, #tpu.memory_space<vmem>>
      %dma_start3A_320 = arith.constant 0 : i32
      %dma_start3A_321 = tpu.memref_slice %arg8[%dma_start3A_315, %dma_start3A_320] : memref<16x128xi32, #tpu.memory_space<vmem>> -> memref<1x128xi32, #tpu.memory_space<vmem>>
      %dma_start3A_322 = tpu.memref_squeeze %dma_start3A_321 : memref<1x128xi32, #tpu.memory_space<vmem>> -> memref<128xi32, #tpu.memory_space<vmem>>
      %dma_start3A_323 = arith.constant 0 : i32
      %dma_start3A_324 = tpu.memref_slice %arg10[%dma_start3A_323] : memref<1000000xf32, #tpu.memory_space<vmem_shared>> -> memref<1000000xf32, #tpu.memory_space<vmem_shared>>
      tpu.enqueue_indirect_dma source(%dma_start3A_324 : memref<1000000xf32, #tpu.memory_space<vmem_shared>>) target(%dma_start3A_319 : memref<128xf32, #tpu.memory_space<vmem>>) offsets(%dma_start3A_322 : memref<128xi32, #tpu.memory_space<vmem>>) semaphore(%arg14 : memref<!tpu.dma_semaphore, #tpu.memory_space<semaphore_mem>>)
      %dma_start3A_325 = arith.constant 13 : i32
      %dma_start3A_326 = arith.constant 512 : i32
      %dma_start3A_327 = tpu.memref_slice %arg9[%dma_start3A_326] : memref<1024xf32, #tpu.memory_space<vmem>> -> memref<512xf32, #tpu.memory_space<vmem>>
      %dma_start3A_328 = arith.constant 128 : i32
      %dma_start3A_329 = tpu.memref_slice %dma_start3A_327[%dma_start3A_328] : memref<512xf32, #tpu.memory_space<vmem>> -> memref<128xf32, #tpu.memory_space<vmem>>
      %dma_start3A_330 = arith.constant 0 : i32
      %dma_start3A_331 = tpu.memref_slice %arg8[%dma_start3A_325, %dma_start3A_330] : memref<16x128xi32, #tpu.memory_space<vmem>> -> memref<1x128xi32, #tpu.memory_space<vmem>>
      %dma_start3A_332 = tpu.memref_squeeze %dma_start3A_331 : memref<1x128xi32, #tpu.memory_space<vmem>> -> memref<128xi32, #tpu.memory_space<vmem>>
      %dma_start3A_333 = arith.constant 0 : i32
      %dma_start3A_334 = tpu.memref_slice %arg10[%dma_start3A_333] : memref<1000000xf32, #tpu.memory_space<vmem_shared>> -> memref<1000000xf32, #tpu.memory_space<vmem_shared>>
      tpu.enqueue_indirect_dma source(%dma_start3A_334 : memref<1000000xf32, #tpu.memory_space<vmem_shared>>) target(%dma_start3A_329 : memref<128xf32, #tpu.memory_space<vmem>>) offsets(%dma_start3A_332 : memref<128xi32, #tpu.memory_space<vmem>>) semaphore(%arg14 : memref<!tpu.dma_semaphore, #tpu.memory_space<semaphore_mem>>)
      %dma_start3A_335 = arith.constant 14 : i32
      %dma_start3A_336 = arith.constant 512 : i32
      %dma_start3A_337 = tpu.memref_slice %arg9[%dma_start3A_336] : memref<1024xf32, #tpu.memory_space<vmem>> -> memref<512xf32, #tpu.memory_space<vmem>>
      %dma_start3A_338 = arith.constant 256 : i32
      %dma_start3A_339 = tpu.memref_slice %dma_start3A_337[%dma_start3A_338] : memref<512xf32, #tpu.memory_space<vmem>> -> memref<128xf32, #tpu.memory_space<vmem>>
      %dma_start3A_340 = arith.constant 0 : i32
      %dma_start3A_341 = tpu.memref_slice %arg8[%dma_start3A_335, %dma_start3A_340] : memref<16x128xi32, #tpu.memory_space<vmem>> -> memref<1x128xi32, #tpu.memory_space<vmem>>
      %dma_start3A_342 = tpu.memref_squeeze %dma_start3A_341 : memref<1x128xi32, #tpu.memory_space<vmem>> -> memref<128xi32, #tpu.memory_space<vmem>>
      %dma_start3A_343 = arith.constant 0 : i32
      %dma_start3A_344 = tpu.memref_slice %arg10[%dma_start3A_343] : memref<1000000xf32, #tpu.memory_space<vmem_shared>> -> memref<1000000xf32, #tpu.memory_space<vmem_shared>>
      tpu.enqueue_indirect_dma source(%dma_start3A_344 : memref<1000000xf32, #tpu.memory_space<vmem_shared>>) target(%dma_start3A_339 : memref<128xf32, #tpu.memory_space<vmem>>) offsets(%dma_start3A_342 : memref<128xi32, #tpu.memory_space<vmem>>) semaphore(%arg14 : memref<!tpu.dma_semaphore, #tpu.memory_space<semaphore_mem>>)
      %dma_start3A_345 = arith.constant 15 : i32
      %dma_start3A_346 = arith.constant 512 : i32
      %dma_start3A_347 = tpu.memref_slice %arg9[%dma_start3A_346] : memref<1024xf32, #tpu.memory_space<vmem>> -> memref<512xf32, #tpu.memory_space<vmem>>
      %dma_start3A_348 = arith.constant 384 : i32
      %dma_start3A_349 = tpu.memref_slice %dma_start3A_347[%dma_start3A_348] : memref<512xf32, #tpu.memory_space<vmem>> -> memref<128xf32, #tpu.memory_space<vmem>>
      %dma_start3A_350 = arith.constant 0 : i32
      %dma_start3A_351 = tpu.memref_slice %arg8[%dma_start3A_345, %dma_start3A_350] : memref<16x128xi32, #tpu.memory_space<vmem>> -> memref<1x128xi32, #tpu.memory_space<vmem>>
      %dma_start3A_352 = tpu.memref_squeeze %dma_start3A_351 : memref<1x128xi32, #tpu.memory_space<vmem>> -> memref<128xi32, #tpu.memory_space<vmem>>
      %dma_start3A_353 = arith.constant 0 : i32
      %dma_start3A_354 = tpu.memref_slice %arg10[%dma_start3A_353] : memref<1000000xf32, #tpu.memory_space<vmem_shared>> -> memref<1000000xf32, #tpu.memory_space<vmem_shared>>
      tpu.enqueue_indirect_dma source(%dma_start3A_354 : memref<1000000xf32, #tpu.memory_space<vmem_shared>>) target(%dma_start3A_349 : memref<128xf32, #tpu.memory_space<vmem>>) offsets(%dma_start3A_352 : memref<128xi32, #tpu.memory_space<vmem>>) semaphore(%arg14 : memref<!tpu.dma_semaphore, #tpu.memory_space<semaphore_mem>>)
      %dma_wait3A_355 = arith.constant 12 : i32
      %dma_wait3A_356 = arith.constant 512 : i32
      %dma_wait3A_357 = tpu.memref_slice %arg9[%dma_wait3A_356] : memref<1024xf32, #tpu.memory_space<vmem>> -> memref<512xf32, #tpu.memory_space<vmem>>
      %dma_wait3A_358 = arith.constant 0 : i32
      %dma_wait3A_359 = tpu.memref_slice %dma_wait3A_357[%dma_wait3A_358] : memref<512xf32, #tpu.memory_space<vmem>> -> memref<128xf32, #tpu.memory_space<vmem>>
      %dma_wait3A_360 = arith.constant 0 : i32
      %dma_wait3A_361 = tpu.memref_slice %arg8[%dma_wait3A_355, %dma_wait3A_360] : memref<16x128xi32, #tpu.memory_space<vmem>> -> memref<1x128xi32, #tpu.memory_space<vmem>>
      %dma_wait3A_362 = tpu.memref_squeeze %dma_wait3A_361 : memref<1x128xi32, #tpu.memory_space<vmem>> -> memref<128xi32, #tpu.memory_space<vmem>>
      %dma_wait3A_363 = arith.constant 0 : i32
      %dma_wait3A_364 = tpu.memref_slice %arg10[%dma_wait3A_363] : memref<1000000xf32, #tpu.memory_space<vmem_shared>> -> memref<1000000xf32, #tpu.memory_space<vmem_shared>>
      tpu.wait_indirect_dma semaphore(%arg14 : memref<!tpu.dma_semaphore, #tpu.memory_space<semaphore_mem>>) src(%dma_wait3A_364 : memref<1000000xf32, #tpu.memory_space<vmem_shared>>) dst(%dma_wait3A_359 : memref<128xf32, #tpu.memory_space<vmem>>)
      %dma_wait3A_365 = arith.constant 13 : i32
      %dma_wait3A_366 = arith.constant 512 : i32
      %dma_wait3A_367 = tpu.memref_slice %arg9[%dma_wait3A_366] : memref<1024xf32, #tpu.memory_space<vmem>> -> memref<512xf32, #tpu.memory_space<vmem>>
      %dma_wait3A_368 = arith.constant 128 : i32
      %dma_wait3A_369 = tpu.memref_slice %dma_wait3A_367[%dma_wait3A_368] : memref<512xf32, #tpu.memory_space<vmem>> -> memref<128xf32, #tpu.memory_space<vmem>>
      %dma_wait3A_370 = arith.constant 0 : i32
      %dma_wait3A_371 = tpu.memref_slice %arg8[%dma_wait3A_365, %dma_wait3A_370] : memref<16x128xi32, #tpu.memory_space<vmem>> -> memref<1x128xi32, #tpu.memory_space<vmem>>
      %dma_wait3A_372 = tpu.memref_squeeze %dma_wait3A_371 : memref<1x128xi32, #tpu.memory_space<vmem>> -> memref<128xi32, #tpu.memory_space<vmem>>
      %dma_wait3A_373 = arith.constant 0 : i32
      %dma_wait3A_374 = tpu.memref_slice %arg10[%dma_wait3A_373] : memref<1000000xf32, #tpu.memory_space<vmem_shared>> -> memref<1000000xf32, #tpu.memory_space<vmem_shared>>
      tpu.wait_indirect_dma semaphore(%arg14 : memref<!tpu.dma_semaphore, #tpu.memory_space<semaphore_mem>>) src(%dma_wait3A_374 : memref<1000000xf32, #tpu.memory_space<vmem_shared>>) dst(%dma_wait3A_369 : memref<128xf32, #tpu.memory_space<vmem>>)
      %dma_wait3A_375 = arith.constant 14 : i32
      %dma_wait3A_376 = arith.constant 512 : i32
      %dma_wait3A_377 = tpu.memref_slice %arg9[%dma_wait3A_376] : memref<1024xf32, #tpu.memory_space<vmem>> -> memref<512xf32, #tpu.memory_space<vmem>>
      %dma_wait3A_378 = arith.constant 256 : i32
      %dma_wait3A_379 = tpu.memref_slice %dma_wait3A_377[%dma_wait3A_378] : memref<512xf32, #tpu.memory_space<vmem>> -> memref<128xf32, #tpu.memory_space<vmem>>
      %dma_wait3A_380 = arith.constant 0 : i32
      %dma_wait3A_381 = tpu.memref_slice %arg8[%dma_wait3A_375, %dma_wait3A_380] : memref<16x128xi32, #tpu.memory_space<vmem>> -> memref<1x128xi32, #tpu.memory_space<vmem>>
      %dma_wait3A_382 = tpu.memref_squeeze %dma_wait3A_381 : memref<1x128xi32, #tpu.memory_space<vmem>> -> memref<128xi32, #tpu.memory_space<vmem>>
      %dma_wait3A_383 = arith.constant 0 : i32
      %dma_wait3A_384 = tpu.memref_slice %arg10[%dma_wait3A_383] : memref<1000000xf32, #tpu.memory_space<vmem_shared>> -> memref<1000000xf32, #tpu.memory_space<vmem_shared>>
      tpu.wait_indirect_dma semaphore(%arg14 : memref<!tpu.dma_semaphore, #tpu.memory_space<semaphore_mem>>) src(%dma_wait3A_384 : memref<1000000xf32, #tpu.memory_space<vmem_shared>>) dst(%dma_wait3A_379 : memref<128xf32, #tpu.memory_space<vmem>>)
      %dma_wait3A_385 = arith.constant 15 : i32
      %dma_wait3A_386 = arith.constant 512 : i32
      %dma_wait3A_387 = tpu.memref_slice %arg9[%dma_wait3A_386] : memref<1024xf32, #tpu.memory_space<vmem>> -> memref<512xf32, #tpu.memory_space<vmem>>
      %dma_wait3A_388 = arith.constant 384 : i32
      %dma_wait3A_389 = tpu.memref_slice %dma_wait3A_387[%dma_wait3A_388] : memref<512xf32, #tpu.memory_space<vmem>> -> memref<128xf32, #tpu.memory_space<vmem>>
      %dma_wait3A_390 = arith.constant 0 : i32
      %dma_wait3A_391 = tpu.memref_slice %arg8[%dma_wait3A_385, %dma_wait3A_390] : memref<16x128xi32, #tpu.memory_space<vmem>> -> memref<1x128xi32, #tpu.memory_space<vmem>>
      %dma_wait3A_392 = tpu.memref_squeeze %dma_wait3A_391 : memref<1x128xi32, #tpu.memory_space<vmem>> -> memref<128xi32, #tpu.memory_space<vmem>>
      %dma_wait3A_393 = arith.constant 0 : i32
      %dma_wait3A_394 = tpu.memref_slice %arg10[%dma_wait3A_393] : memref<1000000xf32, #tpu.memory_space<vmem_shared>> -> memref<1000000xf32, #tpu.memory_space<vmem_shared>>
      tpu.wait_indirect_dma semaphore(%arg14 : memref<!tpu.dma_semaphore, #tpu.memory_space<semaphore_mem>>) src(%dma_wait3A_394 : memref<1000000xf32, #tpu.memory_space<vmem_shared>>) dst(%dma_wait3A_389 : memref<128xf32, #tpu.memory_space<vmem>>)
      %add3A_395 = arith.constant 1536 : i32
      %add3A_396 = arith.addi %mul3A_0, %add3A_395 : i32
      %dma_start3A_397 = arith.constant 512 : i32
      %dma_start3A_398 = tpu.memref_slice %arg9[%dma_start3A_397] : memref<1024xf32, #tpu.memory_space<vmem>> -> memref<512xf32, #tpu.memory_space<vmem>>
      %dma_start3A_399 = tpu.memref_slice %arg5[%add3A, %add3A_396] : memref<64x32768xf32, #tpu.memory_space<hbm>> -> memref<1x512xf32, #tpu.memory_space<hbm>>
      %dma_start3A_400 = tpu.memref_squeeze %dma_start3A_399 : memref<1x512xf32, #tpu.memory_space<hbm>> -> memref<512xf32, #tpu.memory_space<hbm>>
      %dma_start3A_401 = tpu.memref_slice %arg5[%add3A, %add3A_396] : memref<64x32768xf32, #tpu.memory_space<hbm>> -> memref<1x512xf32, #tpu.memory_space<hbm>>
      %dma_start3A_402 = tpu.memref_squeeze %dma_start3A_401 : memref<1x512xf32, #tpu.memory_space<hbm>> -> memref<512xf32, #tpu.memory_space<hbm>>
      %dma_start3A_403 = arith.constant 512 : i32
      %dma_start3A_404 = tpu.memref_slice %arg9[%dma_start3A_403] : memref<1024xf32, #tpu.memory_space<vmem>> -> memref<512xf32, #tpu.memory_space<vmem>>
      tpu.enqueue_dma source(%dma_start3A_404 : memref<512xf32, #tpu.memory_space<vmem>>) target(%dma_start3A_402 : memref<512xf32, #tpu.memory_space<hbm>>) target_semaphore(%arg15 : memref<!tpu.dma_semaphore, #tpu.memory_space<semaphore_mem>>)
      %dma_wait3A_405 = arith.constant 0 : i32
      %dma_wait3A_406 = tpu.memref_slice %arg9[%dma_wait3A_405] : memref<1024xf32, #tpu.memory_space<vmem>> -> memref<512xf32, #tpu.memory_space<vmem>>
      %dma_wait3A_407 = tpu.memref_slice %arg5[%add3A, %add3A_298] : memref<64x32768xf32, #tpu.memory_space<hbm>> -> memref<1x512xf32, #tpu.memory_space<hbm>>
      %dma_wait3A_408 = tpu.memref_squeeze %dma_wait3A_407 : memref<1x512xf32, #tpu.memory_space<hbm>> -> memref<512xf32, #tpu.memory_space<hbm>>
      %dma_wait3A_409 = tpu.memref_slice %arg5[%add3A, %add3A_298] : memref<64x32768xf32, #tpu.memory_space<hbm>> -> memref<1x512xf32, #tpu.memory_space<hbm>>
      %dma_wait3A_410 = tpu.memref_squeeze %dma_wait3A_409 : memref<1x512xf32, #tpu.memory_space<hbm>> -> memref<512xf32, #tpu.memory_space<hbm>>
      %dma_wait3A_411 = arith.constant 0 : i32
      %dma_wait3A_412 = tpu.memref_slice %arg9[%dma_wait3A_411] : memref<1024xf32, #tpu.memory_space<vmem>> -> memref<512xf32, #tpu.memory_space<vmem>>
      tpu.wait_dma2 semaphore(%arg15 : memref<!tpu.dma_semaphore, #tpu.memory_space<semaphore_mem>>) src(%dma_wait3A_412 : memref<512xf32, #tpu.memory_space<vmem>>) dst(%dma_wait3A_410 : memref<512xf32, #tpu.memory_space<hbm>>)
      %dma_wait3A_413 = arith.constant 512 : i32
      %dma_wait3A_414 = tpu.memref_slice %arg9[%dma_wait3A_413] : memref<1024xf32, #tpu.memory_space<vmem>> -> memref<512xf32, #tpu.memory_space<vmem>>
      %dma_wait3A_415 = tpu.memref_slice %arg5[%add3A, %add3A_396] : memref<64x32768xf32, #tpu.memory_space<hbm>> -> memref<1x512xf32, #tpu.memory_space<hbm>>
      %dma_wait3A_416 = tpu.memref_squeeze %dma_wait3A_415 : memref<1x512xf32, #tpu.memory_space<hbm>> -> memref<512xf32, #tpu.memory_space<hbm>>
      %dma_wait3A_417 = tpu.memref_slice %arg5[%add3A, %add3A_396] : memref<64x32768xf32, #tpu.memory_space<hbm>> -> memref<1x512xf32, #tpu.memory_space<hbm>>
      %dma_wait3A_418 = tpu.memref_squeeze %dma_wait3A_417 : memref<1x512xf32, #tpu.memory_space<hbm>> -> memref<512xf32, #tpu.memory_space<hbm>>
      %dma_wait3A_419 = arith.constant 512 : i32
      %dma_wait3A_420 = tpu.memref_slice %arg9[%dma_wait3A_419] : memref<1024xf32, #tpu.memory_space<vmem>> -> memref<512xf32, #tpu.memory_space<vmem>>
      tpu.wait_dma2 semaphore(%arg15 : memref<!tpu.dma_semaphore, #tpu.memory_space<semaphore_mem>>) src(%dma_wait3A_420 : memref<512xf32, #tpu.memory_space<vmem>>) dst(%dma_wait3A_418 : memref<512xf32, #tpu.memory_space<hbm>>)
      %eq3A_421 = arith.constant 0 : i32
      %eq3A_422 = arith.cmpi eq, %arg1, %eq3A_421 : i32
      %convert_element_type3A_423 = arith.extui %eq3A_422 : i1 to i32
      %cond3A_424 = arith.constant 0 : i32
      %cond3A_425 = arith.cmpi ne, %convert_element_type3A_423, %cond3A_424 : i32
      scf.if %cond3A_425 {
        %dma_wait3A_834 = arith.constant 0 : i32
        %dma_wait3A_835 = tpu.memref_slice %arg4[%add3A_25, %dma_wait3A_834] : memref<64x1000000xf32, #tpu.memory_space<hbm>> -> memref<1x1000000xf32, #tpu.memory_space<hbm>>
        %dma_wait3A_836 = tpu.memref_squeeze %dma_wait3A_835 : memref<1x1000000xf32, #tpu.memory_space<hbm>> -> memref<1000000xf32, #tpu.memory_space<hbm>>
        tpu.wait_dma2 semaphore(%arg13 : memref<!tpu.dma_semaphore, #tpu.memory_space<semaphore_mem>>) src(%dma_wait3A_836 : memref<1000000xf32, #tpu.memory_space<hbm>>) dst(%arg11 : memref<1000000xf32, #tpu.memory_space<vmem_shared>>)
      } else {
      }
      %barrier3A_426 = arith.constant 0 : index
      tpu.barrier barrier_id(%barrier3A_426)
      %eq3A_427 = arith.constant 0 : i32
      %eq3A_428 = arith.cmpi eq, %arg1, %eq3A_427 : i32
      %lt3A = arith.constant 15 : i32
      %lt3A_429 = arith.cmpi slt, %scan3A_21, %lt3A : i32
      %and3A = arith.andi %eq3A_428, %lt3A_429 : i1
      %add3A_430 = arith.constant 2 : i32
      %add3A_431 = arith.addi %add3A, %add3A_430 : i32
      %min3A = arith.constant 63 : i32
      %min3A_432 = arith.minsi %add3A_431, %min3A : i32
      %convert_element_type3A_433 = arith.extui %and3A : i1 to i32
      %cond3A_434 = arith.constant 0 : i32
      %cond3A_435 = arith.cmpi ne, %convert_element_type3A_433, %cond3A_434 : i32
      scf.if %cond3A_435 {
        %dma_start3A_834 = arith.constant 0 : i32
        %dma_start3A_835 = tpu.memref_slice %arg4[%min3A_432, %dma_start3A_834] : memref<64x1000000xf32, #tpu.memory_space<hbm>> -> memref<1x1000000xf32, #tpu.memory_space<hbm>>
        %dma_start3A_836 = tpu.memref_squeeze %dma_start3A_835 : memref<1x1000000xf32, #tpu.memory_space<hbm>> -> memref<1000000xf32, #tpu.memory_space<hbm>>
        tpu.enqueue_dma source(%dma_start3A_836 : memref<1000000xf32, #tpu.memory_space<hbm>>) target(%arg10 : memref<1000000xf32, #tpu.memory_space<vmem_shared>>) target_semaphore(%arg12 : memref<!tpu.dma_semaphore, #tpu.memory_space<semaphore_mem>>)
      } else {
      }
      %add3A_436 = arith.constant 1 : i32
      %add3A_437 = arith.addi %add3A, %add3A_436 : i32
      %dma_start3A_438 = arith.constant 0 : i32
      %dma_start3A_439 = arith.constant 0 : i32
      %dma_start3A_440 = tpu.memref_slice %arg9[%dma_start3A_439] : memref<1024xf32, #tpu.memory_space<vmem>> -> memref<512xf32, #tpu.memory_space<vmem>>
      %dma_start3A_441 = arith.constant 0 : i32
      %dma_start3A_442 = tpu.memref_slice %dma_start3A_440[%dma_start3A_441] : memref<512xf32, #tpu.memory_space<vmem>> -> memref<128xf32, #tpu.memory_space<vmem>>
      %dma_start3A_443 = arith.constant 0 : i32
      %dma_start3A_444 = tpu.memref_slice %arg8[%dma_start3A_438, %dma_start3A_443] : memref<16x128xi32, #tpu.memory_space<vmem>> -> memref<1x128xi32, #tpu.memory_space<vmem>>
      %dma_start3A_445 = tpu.memref_squeeze %dma_start3A_444 : memref<1x128xi32, #tpu.memory_space<vmem>> -> memref<128xi32, #tpu.memory_space<vmem>>
      %dma_start3A_446 = arith.constant 0 : i32
      %dma_start3A_447 = tpu.memref_slice %arg11[%dma_start3A_446] : memref<1000000xf32, #tpu.memory_space<vmem_shared>> -> memref<1000000xf32, #tpu.memory_space<vmem_shared>>
      tpu.enqueue_indirect_dma source(%dma_start3A_447 : memref<1000000xf32, #tpu.memory_space<vmem_shared>>) target(%dma_start3A_442 : memref<128xf32, #tpu.memory_space<vmem>>) offsets(%dma_start3A_445 : memref<128xi32, #tpu.memory_space<vmem>>) semaphore(%arg14 : memref<!tpu.dma_semaphore, #tpu.memory_space<semaphore_mem>>)
      %dma_start3A_448 = arith.constant 1 : i32
      %dma_start3A_449 = arith.constant 0 : i32
      %dma_start3A_450 = tpu.memref_slice %arg9[%dma_start3A_449] : memref<1024xf32, #tpu.memory_space<vmem>> -> memref<512xf32, #tpu.memory_space<vmem>>
      %dma_start3A_451 = arith.constant 128 : i32
      %dma_start3A_452 = tpu.memref_slice %dma_start3A_450[%dma_start3A_451] : memref<512xf32, #tpu.memory_space<vmem>> -> memref<128xf32, #tpu.memory_space<vmem>>
      %dma_start3A_453 = arith.constant 0 : i32
      %dma_start3A_454 = tpu.memref_slice %arg8[%dma_start3A_448, %dma_start3A_453] : memref<16x128xi32, #tpu.memory_space<vmem>> -> memref<1x128xi32, #tpu.memory_space<vmem>>
      %dma_start3A_455 = tpu.memref_squeeze %dma_start3A_454 : memref<1x128xi32, #tpu.memory_space<vmem>> -> memref<128xi32, #tpu.memory_space<vmem>>
      %dma_start3A_456 = arith.constant 0 : i32
      %dma_start3A_457 = tpu.memref_slice %arg11[%dma_start3A_456] : memref<1000000xf32, #tpu.memory_space<vmem_shared>> -> memref<1000000xf32, #tpu.memory_space<vmem_shared>>
      tpu.enqueue_indirect_dma source(%dma_start3A_457 : memref<1000000xf32, #tpu.memory_space<vmem_shared>>) target(%dma_start3A_452 : memref<128xf32, #tpu.memory_space<vmem>>) offsets(%dma_start3A_455 : memref<128xi32, #tpu.memory_space<vmem>>) semaphore(%arg14 : memref<!tpu.dma_semaphore, #tpu.memory_space<semaphore_mem>>)
      %dma_start3A_458 = arith.constant 2 : i32
      %dma_start3A_459 = arith.constant 0 : i32
      %dma_start3A_460 = tpu.memref_slice %arg9[%dma_start3A_459] : memref<1024xf32, #tpu.memory_space<vmem>> -> memref<512xf32, #tpu.memory_space<vmem>>
      %dma_start3A_461 = arith.constant 256 : i32
      %dma_start3A_462 = tpu.memref_slice %dma_start3A_460[%dma_start3A_461] : memref<512xf32, #tpu.memory_space<vmem>> -> memref<128xf32, #tpu.memory_space<vmem>>
      %dma_start3A_463 = arith.constant 0 : i32
      %dma_start3A_464 = tpu.memref_slice %arg8[%dma_start3A_458, %dma_start3A_463] : memref<16x128xi32, #tpu.memory_space<vmem>> -> memref<1x128xi32, #tpu.memory_space<vmem>>
      %dma_start3A_465 = tpu.memref_squeeze %dma_start3A_464 : memref<1x128xi32, #tpu.memory_space<vmem>> -> memref<128xi32, #tpu.memory_space<vmem>>
      %dma_start3A_466 = arith.constant 0 : i32
      %dma_start3A_467 = tpu.memref_slice %arg11[%dma_start3A_466] : memref<1000000xf32, #tpu.memory_space<vmem_shared>> -> memref<1000000xf32, #tpu.memory_space<vmem_shared>>
      tpu.enqueue_indirect_dma source(%dma_start3A_467 : memref<1000000xf32, #tpu.memory_space<vmem_shared>>) target(%dma_start3A_462 : memref<128xf32, #tpu.memory_space<vmem>>) offsets(%dma_start3A_465 : memref<128xi32, #tpu.memory_space<vmem>>) semaphore(%arg14 : memref<!tpu.dma_semaphore, #tpu.memory_space<semaphore_mem>>)
      %dma_start3A_468 = arith.constant 3 : i32
      %dma_start3A_469 = arith.constant 0 : i32
      %dma_start3A_470 = tpu.memref_slice %arg9[%dma_start3A_469] : memref<1024xf32, #tpu.memory_space<vmem>> -> memref<512xf32, #tpu.memory_space<vmem>>
      %dma_start3A_471 = arith.constant 384 : i32
      %dma_start3A_472 = tpu.memref_slice %dma_start3A_470[%dma_start3A_471] : memref<512xf32, #tpu.memory_space<vmem>> -> memref<128xf32, #tpu.memory_space<vmem>>
      %dma_start3A_473 = arith.constant 0 : i32
      %dma_start3A_474 = tpu.memref_slice %arg8[%dma_start3A_468, %dma_start3A_473] : memref<16x128xi32, #tpu.memory_space<vmem>> -> memref<1x128xi32, #tpu.memory_space<vmem>>
      %dma_start3A_475 = tpu.memref_squeeze %dma_start3A_474 : memref<1x128xi32, #tpu.memory_space<vmem>> -> memref<128xi32, #tpu.memory_space<vmem>>
      %dma_start3A_476 = arith.constant 0 : i32
      %dma_start3A_477 = tpu.memref_slice %arg11[%dma_start3A_476] : memref<1000000xf32, #tpu.memory_space<vmem_shared>> -> memref<1000000xf32, #tpu.memory_space<vmem_shared>>
      tpu.enqueue_indirect_dma source(%dma_start3A_477 : memref<1000000xf32, #tpu.memory_space<vmem_shared>>) target(%dma_start3A_472 : memref<128xf32, #tpu.memory_space<vmem>>) offsets(%dma_start3A_475 : memref<128xi32, #tpu.memory_space<vmem>>) semaphore(%arg14 : memref<!tpu.dma_semaphore, #tpu.memory_space<semaphore_mem>>)
      %dma_wait3A_478 = arith.constant 0 : i32
      %dma_wait3A_479 = arith.constant 0 : i32
      %dma_wait3A_480 = tpu.memref_slice %arg9[%dma_wait3A_479] : memref<1024xf32, #tpu.memory_space<vmem>> -> memref<512xf32, #tpu.memory_space<vmem>>
      %dma_wait3A_481 = arith.constant 0 : i32
      %dma_wait3A_482 = tpu.memref_slice %dma_wait3A_480[%dma_wait3A_481] : memref<512xf32, #tpu.memory_space<vmem>> -> memref<128xf32, #tpu.memory_space<vmem>>
      %dma_wait3A_483 = arith.constant 0 : i32
      %dma_wait3A_484 = tpu.memref_slice %arg8[%dma_wait3A_478, %dma_wait3A_483] : memref<16x128xi32, #tpu.memory_space<vmem>> -> memref<1x128xi32, #tpu.memory_space<vmem>>
      %dma_wait3A_485 = tpu.memref_squeeze %dma_wait3A_484 : memref<1x128xi32, #tpu.memory_space<vmem>> -> memref<128xi32, #tpu.memory_space<vmem>>
      %dma_wait3A_486 = arith.constant 0 : i32
      %dma_wait3A_487 = tpu.memref_slice %arg11[%dma_wait3A_486] : memref<1000000xf32, #tpu.memory_space<vmem_shared>> -> memref<1000000xf32, #tpu.memory_space<vmem_shared>>
      tpu.wait_indirect_dma semaphore(%arg14 : memref<!tpu.dma_semaphore, #tpu.memory_space<semaphore_mem>>) src(%dma_wait3A_487 : memref<1000000xf32, #tpu.memory_space<vmem_shared>>) dst(%dma_wait3A_482 : memref<128xf32, #tpu.memory_space<vmem>>)
      %dma_wait3A_488 = arith.constant 1 : i32
      %dma_wait3A_489 = arith.constant 0 : i32
      %dma_wait3A_490 = tpu.memref_slice %arg9[%dma_wait3A_489] : memref<1024xf32, #tpu.memory_space<vmem>> -> memref<512xf32, #tpu.memory_space<vmem>>
      %dma_wait3A_491 = arith.constant 128 : i32
      %dma_wait3A_492 = tpu.memref_slice %dma_wait3A_490[%dma_wait3A_491] : memref<512xf32, #tpu.memory_space<vmem>> -> memref<128xf32, #tpu.memory_space<vmem>>
      %dma_wait3A_493 = arith.constant 0 : i32
      %dma_wait3A_494 = tpu.memref_slice %arg8[%dma_wait3A_488, %dma_wait3A_493] : memref<16x128xi32, #tpu.memory_space<vmem>> -> memref<1x128xi32, #tpu.memory_space<vmem>>
      %dma_wait3A_495 = tpu.memref_squeeze %dma_wait3A_494 : memref<1x128xi32, #tpu.memory_space<vmem>> -> memref<128xi32, #tpu.memory_space<vmem>>
      %dma_wait3A_496 = arith.constant 0 : i32
      %dma_wait3A_497 = tpu.memref_slice %arg11[%dma_wait3A_496] : memref<1000000xf32, #tpu.memory_space<vmem_shared>> -> memref<1000000xf32, #tpu.memory_space<vmem_shared>>
      tpu.wait_indirect_dma semaphore(%arg14 : memref<!tpu.dma_semaphore, #tpu.memory_space<semaphore_mem>>) src(%dma_wait3A_497 : memref<1000000xf32, #tpu.memory_space<vmem_shared>>) dst(%dma_wait3A_492 : memref<128xf32, #tpu.memory_space<vmem>>)
      %dma_wait3A_498 = arith.constant 2 : i32
      %dma_wait3A_499 = arith.constant 0 : i32
      %dma_wait3A_500 = tpu.memref_slice %arg9[%dma_wait3A_499] : memref<1024xf32, #tpu.memory_space<vmem>> -> memref<512xf32, #tpu.memory_space<vmem>>
      %dma_wait3A_501 = arith.constant 256 : i32
      %dma_wait3A_502 = tpu.memref_slice %dma_wait3A_500[%dma_wait3A_501] : memref<512xf32, #tpu.memory_space<vmem>> -> memref<128xf32, #tpu.memory_space<vmem>>
      %dma_wait3A_503 = arith.constant 0 : i32
      %dma_wait3A_504 = tpu.memref_slice %arg8[%dma_wait3A_498, %dma_wait3A_503] : memref<16x128xi32, #tpu.memory_space<vmem>> -> memref<1x128xi32, #tpu.memory_space<vmem>>
      %dma_wait3A_505 = tpu.memref_squeeze %dma_wait3A_504 : memref<1x128xi32, #tpu.memory_space<vmem>> -> memref<128xi32, #tpu.memory_space<vmem>>
      %dma_wait3A_506 = arith.constant 0 : i32
      %dma_wait3A_507 = tpu.memref_slice %arg11[%dma_wait3A_506] : memref<1000000xf32, #tpu.memory_space<vmem_shared>> -> memref<1000000xf32, #tpu.memory_space<vmem_shared>>
      tpu.wait_indirect_dma semaphore(%arg14 : memref<!tpu.dma_semaphore, #tpu.memory_space<semaphore_mem>>) src(%dma_wait3A_507 : memref<1000000xf32, #tpu.memory_space<vmem_shared>>) dst(%dma_wait3A_502 : memref<128xf32, #tpu.memory_space<vmem>>)
      %dma_wait3A_508 = arith.constant 3 : i32
      %dma_wait3A_509 = arith.constant 0 : i32
      %dma_wait3A_510 = tpu.memref_slice %arg9[%dma_wait3A_509] : memref<1024xf32, #tpu.memory_space<vmem>> -> memref<512xf32, #tpu.memory_space<vmem>>
      %dma_wait3A_511 = arith.constant 384 : i32
      %dma_wait3A_512 = tpu.memref_slice %dma_wait3A_510[%dma_wait3A_511] : memref<512xf32, #tpu.memory_space<vmem>> -> memref<128xf32, #tpu.memory_space<vmem>>
      %dma_wait3A_513 = arith.constant 0 : i32
      %dma_wait3A_514 = tpu.memref_slice %arg8[%dma_wait3A_508, %dma_wait3A_513] : memref<16x128xi32, #tpu.memory_space<vmem>> -> memref<1x128xi32, #tpu.memory_space<vmem>>
      %dma_wait3A_515 = tpu.memref_squeeze %dma_wait3A_514 : memref<1x128xi32, #tpu.memory_space<vmem>> -> memref<128xi32, #tpu.memory_space<vmem>>
      %dma_wait3A_516 = arith.constant 0 : i32
      %dma_wait3A_517 = tpu.memref_slice %arg11[%dma_wait3A_516] : memref<1000000xf32, #tpu.memory_space<vmem_shared>> -> memref<1000000xf32, #tpu.memory_space<vmem_shared>>
      tpu.wait_indirect_dma semaphore(%arg14 : memref<!tpu.dma_semaphore, #tpu.memory_space<semaphore_mem>>) src(%dma_wait3A_517 : memref<1000000xf32, #tpu.memory_space<vmem_shared>>) dst(%dma_wait3A_512 : memref<128xf32, #tpu.memory_space<vmem>>)
      %add3A_518 = arith.constant 0 : i32
      %add3A_519 = arith.addi %mul3A_0, %add3A_518 : i32
      %dma_start3A_520 = arith.constant 0 : i32
      %dma_start3A_521 = tpu.memref_slice %arg9[%dma_start3A_520] : memref<1024xf32, #tpu.memory_space<vmem>> -> memref<512xf32, #tpu.memory_space<vmem>>
      %dma_start3A_522 = tpu.memref_slice %arg5[%add3A_437, %add3A_519] : memref<64x32768xf32, #tpu.memory_space<hbm>> -> memref<1x512xf32, #tpu.memory_space<hbm>>
      %dma_start3A_523 = tpu.memref_squeeze %dma_start3A_522 : memref<1x512xf32, #tpu.memory_space<hbm>> -> memref<512xf32, #tpu.memory_space<hbm>>
      %dma_start3A_524 = tpu.memref_slice %arg5[%add3A_437, %add3A_519] : memref<64x32768xf32, #tpu.memory_space<hbm>> -> memref<1x512xf32, #tpu.memory_space<hbm>>
      %dma_start3A_525 = tpu.memref_squeeze %dma_start3A_524 : memref<1x512xf32, #tpu.memory_space<hbm>> -> memref<512xf32, #tpu.memory_space<hbm>>
      %dma_start3A_526 = arith.constant 0 : i32
      %dma_start3A_527 = tpu.memref_slice %arg9[%dma_start3A_526] : memref<1024xf32, #tpu.memory_space<vmem>> -> memref<512xf32, #tpu.memory_space<vmem>>
      tpu.enqueue_dma source(%dma_start3A_527 : memref<512xf32, #tpu.memory_space<vmem>>) target(%dma_start3A_525 : memref<512xf32, #tpu.memory_space<hbm>>) target_semaphore(%arg15 : memref<!tpu.dma_semaphore, #tpu.memory_space<semaphore_mem>>)
      %dma_start3A_528 = arith.constant 4 : i32
      %dma_start3A_529 = arith.constant 512 : i32
      %dma_start3A_530 = tpu.memref_slice %arg9[%dma_start3A_529] : memref<1024xf32, #tpu.memory_space<vmem>> -> memref<512xf32, #tpu.memory_space<vmem>>
      %dma_start3A_531 = arith.constant 0 : i32
      %dma_start3A_532 = tpu.memref_slice %dma_start3A_530[%dma_start3A_531] : memref<512xf32, #tpu.memory_space<vmem>> -> memref<128xf32, #tpu.memory_space<vmem>>
      %dma_start3A_533 = arith.constant 0 : i32
      %dma_start3A_534 = tpu.memref_slice %arg8[%dma_start3A_528, %dma_start3A_533] : memref<16x128xi32, #tpu.memory_space<vmem>> -> memref<1x128xi32, #tpu.memory_space<vmem>>
      %dma_start3A_535 = tpu.memref_squeeze %dma_start3A_534 : memref<1x128xi32, #tpu.memory_space<vmem>> -> memref<128xi32, #tpu.memory_space<vmem>>
      %dma_start3A_536 = arith.constant 0 : i32
      %dma_start3A_537 = tpu.memref_slice %arg11[%dma_start3A_536] : memref<1000000xf32, #tpu.memory_space<vmem_shared>> -> memref<1000000xf32, #tpu.memory_space<vmem_shared>>
      tpu.enqueue_indirect_dma source(%dma_start3A_537 : memref<1000000xf32, #tpu.memory_space<vmem_shared>>) target(%dma_start3A_532 : memref<128xf32, #tpu.memory_space<vmem>>) offsets(%dma_start3A_535 : memref<128xi32, #tpu.memory_space<vmem>>) semaphore(%arg14 : memref<!tpu.dma_semaphore, #tpu.memory_space<semaphore_mem>>)
      %dma_start3A_538 = arith.constant 5 : i32
      %dma_start3A_539 = arith.constant 512 : i32
      %dma_start3A_540 = tpu.memref_slice %arg9[%dma_start3A_539] : memref<1024xf32, #tpu.memory_space<vmem>> -> memref<512xf32, #tpu.memory_space<vmem>>
      %dma_start3A_541 = arith.constant 128 : i32
      %dma_start3A_542 = tpu.memref_slice %dma_start3A_540[%dma_start3A_541] : memref<512xf32, #tpu.memory_space<vmem>> -> memref<128xf32, #tpu.memory_space<vmem>>
      %dma_start3A_543 = arith.constant 0 : i32
      %dma_start3A_544 = tpu.memref_slice %arg8[%dma_start3A_538, %dma_start3A_543] : memref<16x128xi32, #tpu.memory_space<vmem>> -> memref<1x128xi32, #tpu.memory_space<vmem>>
      %dma_start3A_545 = tpu.memref_squeeze %dma_start3A_544 : memref<1x128xi32, #tpu.memory_space<vmem>> -> memref<128xi32, #tpu.memory_space<vmem>>
      %dma_start3A_546 = arith.constant 0 : i32
      %dma_start3A_547 = tpu.memref_slice %arg11[%dma_start3A_546] : memref<1000000xf32, #tpu.memory_space<vmem_shared>> -> memref<1000000xf32, #tpu.memory_space<vmem_shared>>
      tpu.enqueue_indirect_dma source(%dma_start3A_547 : memref<1000000xf32, #tpu.memory_space<vmem_shared>>) target(%dma_start3A_542 : memref<128xf32, #tpu.memory_space<vmem>>) offsets(%dma_start3A_545 : memref<128xi32, #tpu.memory_space<vmem>>) semaphore(%arg14 : memref<!tpu.dma_semaphore, #tpu.memory_space<semaphore_mem>>)
      %dma_start3A_548 = arith.constant 6 : i32
      %dma_start3A_549 = arith.constant 512 : i32
      %dma_start3A_550 = tpu.memref_slice %arg9[%dma_start3A_549] : memref<1024xf32, #tpu.memory_space<vmem>> -> memref<512xf32, #tpu.memory_space<vmem>>
      %dma_start3A_551 = arith.constant 256 : i32
      %dma_start3A_552 = tpu.memref_slice %dma_start3A_550[%dma_start3A_551] : memref<512xf32, #tpu.memory_space<vmem>> -> memref<128xf32, #tpu.memory_space<vmem>>
      %dma_start3A_553 = arith.constant 0 : i32
      %dma_start3A_554 = tpu.memref_slice %arg8[%dma_start3A_548, %dma_start3A_553] : memref<16x128xi32, #tpu.memory_space<vmem>> -> memref<1x128xi32, #tpu.memory_space<vmem>>
      %dma_start3A_555 = tpu.memref_squeeze %dma_start3A_554 : memref<1x128xi32, #tpu.memory_space<vmem>> -> memref<128xi32, #tpu.memory_space<vmem>>
      %dma_start3A_556 = arith.constant 0 : i32
      %dma_start3A_557 = tpu.memref_slice %arg11[%dma_start3A_556] : memref<1000000xf32, #tpu.memory_space<vmem_shared>> -> memref<1000000xf32, #tpu.memory_space<vmem_shared>>
      tpu.enqueue_indirect_dma source(%dma_start3A_557 : memref<1000000xf32, #tpu.memory_space<vmem_shared>>) target(%dma_start3A_552 : memref<128xf32, #tpu.memory_space<vmem>>) offsets(%dma_start3A_555 : memref<128xi32, #tpu.memory_space<vmem>>) semaphore(%arg14 : memref<!tpu.dma_semaphore, #tpu.memory_space<semaphore_mem>>)
      %dma_start3A_558 = arith.constant 7 : i32
      %dma_start3A_559 = arith.constant 512 : i32
      %dma_start3A_560 = tpu.memref_slice %arg9[%dma_start3A_559] : memref<1024xf32, #tpu.memory_space<vmem>> -> memref<512xf32, #tpu.memory_space<vmem>>
      %dma_start3A_561 = arith.constant 384 : i32
      %dma_start3A_562 = tpu.memref_slice %dma_start3A_560[%dma_start3A_561] : memref<512xf32, #tpu.memory_space<vmem>> -> memref<128xf32, #tpu.memory_space<vmem>>
      %dma_start3A_563 = arith.constant 0 : i32
      %dma_start3A_564 = tpu.memref_slice %arg8[%dma_start3A_558, %dma_start3A_563] : memref<16x128xi32, #tpu.memory_space<vmem>> -> memref<1x128xi32, #tpu.memory_space<vmem>>
      %dma_start3A_565 = tpu.memref_squeeze %dma_start3A_564 : memref<1x128xi32, #tpu.memory_space<vmem>> -> memref<128xi32, #tpu.memory_space<vmem>>
      %dma_start3A_566 = arith.constant 0 : i32
      %dma_start3A_567 = tpu.memref_slice %arg11[%dma_start3A_566] : memref<1000000xf32, #tpu.memory_space<vmem_shared>> -> memref<1000000xf32, #tpu.memory_space<vmem_shared>>
      tpu.enqueue_indirect_dma source(%dma_start3A_567 : memref<1000000xf32, #tpu.memory_space<vmem_shared>>) target(%dma_start3A_562 : memref<128xf32, #tpu.memory_space<vmem>>) offsets(%dma_start3A_565 : memref<128xi32, #tpu.memory_space<vmem>>) semaphore(%arg14 : memref<!tpu.dma_semaphore, #tpu.memory_space<semaphore_mem>>)
      %dma_wait3A_568 = arith.constant 4 : i32
      %dma_wait3A_569 = arith.constant 512 : i32
      %dma_wait3A_570 = tpu.memref_slice %arg9[%dma_wait3A_569] : memref<1024xf32, #tpu.memory_space<vmem>> -> memref<512xf32, #tpu.memory_space<vmem>>
      %dma_wait3A_571 = arith.constant 0 : i32
      %dma_wait3A_572 = tpu.memref_slice %dma_wait3A_570[%dma_wait3A_571] : memref<512xf32, #tpu.memory_space<vmem>> -> memref<128xf32, #tpu.memory_space<vmem>>
      %dma_wait3A_573 = arith.constant 0 : i32
      %dma_wait3A_574 = tpu.memref_slice %arg8[%dma_wait3A_568, %dma_wait3A_573] : memref<16x128xi32, #tpu.memory_space<vmem>> -> memref<1x128xi32, #tpu.memory_space<vmem>>
      %dma_wait3A_575 = tpu.memref_squeeze %dma_wait3A_574 : memref<1x128xi32, #tpu.memory_space<vmem>> -> memref<128xi32, #tpu.memory_space<vmem>>
      %dma_wait3A_576 = arith.constant 0 : i32
      %dma_wait3A_577 = tpu.memref_slice %arg11[%dma_wait3A_576] : memref<1000000xf32, #tpu.memory_space<vmem_shared>> -> memref<1000000xf32, #tpu.memory_space<vmem_shared>>
      tpu.wait_indirect_dma semaphore(%arg14 : memref<!tpu.dma_semaphore, #tpu.memory_space<semaphore_mem>>) src(%dma_wait3A_577 : memref<1000000xf32, #tpu.memory_space<vmem_shared>>) dst(%dma_wait3A_572 : memref<128xf32, #tpu.memory_space<vmem>>)
      %dma_wait3A_578 = arith.constant 5 : i32
      %dma_wait3A_579 = arith.constant 512 : i32
      %dma_wait3A_580 = tpu.memref_slice %arg9[%dma_wait3A_579] : memref<1024xf32, #tpu.memory_space<vmem>> -> memref<512xf32, #tpu.memory_space<vmem>>
      %dma_wait3A_581 = arith.constant 128 : i32
      %dma_wait3A_582 = tpu.memref_slice %dma_wait3A_580[%dma_wait3A_581] : memref<512xf32, #tpu.memory_space<vmem>> -> memref<128xf32, #tpu.memory_space<vmem>>
      %dma_wait3A_583 = arith.constant 0 : i32
      %dma_wait3A_584 = tpu.memref_slice %arg8[%dma_wait3A_578, %dma_wait3A_583] : memref<16x128xi32, #tpu.memory_space<vmem>> -> memref<1x128xi32, #tpu.memory_space<vmem>>
      %dma_wait3A_585 = tpu.memref_squeeze %dma_wait3A_584 : memref<1x128xi32, #tpu.memory_space<vmem>> -> memref<128xi32, #tpu.memory_space<vmem>>
      %dma_wait3A_586 = arith.constant 0 : i32
      %dma_wait3A_587 = tpu.memref_slice %arg11[%dma_wait3A_586] : memref<1000000xf32, #tpu.memory_space<vmem_shared>> -> memref<1000000xf32, #tpu.memory_space<vmem_shared>>
      tpu.wait_indirect_dma semaphore(%arg14 : memref<!tpu.dma_semaphore, #tpu.memory_space<semaphore_mem>>) src(%dma_wait3A_587 : memref<1000000xf32, #tpu.memory_space<vmem_shared>>) dst(%dma_wait3A_582 : memref<128xf32, #tpu.memory_space<vmem>>)
      %dma_wait3A_588 = arith.constant 6 : i32
      %dma_wait3A_589 = arith.constant 512 : i32
      %dma_wait3A_590 = tpu.memref_slice %arg9[%dma_wait3A_589] : memref<1024xf32, #tpu.memory_space<vmem>> -> memref<512xf32, #tpu.memory_space<vmem>>
      %dma_wait3A_591 = arith.constant 256 : i32
      %dma_wait3A_592 = tpu.memref_slice %dma_wait3A_590[%dma_wait3A_591] : memref<512xf32, #tpu.memory_space<vmem>> -> memref<128xf32, #tpu.memory_space<vmem>>
      %dma_wait3A_593 = arith.constant 0 : i32
      %dma_wait3A_594 = tpu.memref_slice %arg8[%dma_wait3A_588, %dma_wait3A_593] : memref<16x128xi32, #tpu.memory_space<vmem>> -> memref<1x128xi32, #tpu.memory_space<vmem>>
      %dma_wait3A_595 = tpu.memref_squeeze %dma_wait3A_594 : memref<1x128xi32, #tpu.memory_space<vmem>> -> memref<128xi32, #tpu.memory_space<vmem>>
      %dma_wait3A_596 = arith.constant 0 : i32
      %dma_wait3A_597 = tpu.memref_slice %arg11[%dma_wait3A_596] : memref<1000000xf32, #tpu.memory_space<vmem_shared>> -> memref<1000000xf32, #tpu.memory_space<vmem_shared>>
      tpu.wait_indirect_dma semaphore(%arg14 : memref<!tpu.dma_semaphore, #tpu.memory_space<semaphore_mem>>) src(%dma_wait3A_597 : memref<1000000xf32, #tpu.memory_space<vmem_shared>>) dst(%dma_wait3A_592 : memref<128xf32, #tpu.memory_space<vmem>>)
      %dma_wait3A_598 = arith.constant 7 : i32
      %dma_wait3A_599 = arith.constant 512 : i32
      %dma_wait3A_600 = tpu.memref_slice %arg9[%dma_wait3A_599] : memref<1024xf32, #tpu.memory_space<vmem>> -> memref<512xf32, #tpu.memory_space<vmem>>
      %dma_wait3A_601 = arith.constant 384 : i32
      %dma_wait3A_602 = tpu.memref_slice %dma_wait3A_600[%dma_wait3A_601] : memref<512xf32, #tpu.memory_space<vmem>> -> memref<128xf32, #tpu.memory_space<vmem>>
      %dma_wait3A_603 = arith.constant 0 : i32
      %dma_wait3A_604 = tpu.memref_slice %arg8[%dma_wait3A_598, %dma_wait3A_603] : memref<16x128xi32, #tpu.memory_space<vmem>> -> memref<1x128xi32, #tpu.memory_space<vmem>>
      %dma_wait3A_605 = tpu.memref_squeeze %dma_wait3A_604 : memref<1x128xi32, #tpu.memory_space<vmem>> -> memref<128xi32, #tpu.memory_space<vmem>>
      %dma_wait3A_606 = arith.constant 0 : i32
      %dma_wait3A_607 = tpu.memref_slice %arg11[%dma_wait3A_606] : memref<1000000xf32, #tpu.memory_space<vmem_shared>> -> memref<1000000xf32, #tpu.memory_space<vmem_shared>>
      tpu.wait_indirect_dma semaphore(%arg14 : memref<!tpu.dma_semaphore, #tpu.memory_space<semaphore_mem>>) src(%dma_wait3A_607 : memref<1000000xf32, #tpu.memory_space<vmem_shared>>) dst(%dma_wait3A_602 : memref<128xf32, #tpu.memory_space<vmem>>)
      %add3A_608 = arith.constant 512 : i32
      %add3A_609 = arith.addi %mul3A_0, %add3A_608 : i32
      %dma_start3A_610 = arith.constant 512 : i32
      %dma_start3A_611 = tpu.memref_slice %arg9[%dma_start3A_610] : memref<1024xf32, #tpu.memory_space<vmem>> -> memref<512xf32, #tpu.memory_space<vmem>>
      %dma_start3A_612 = tpu.memref_slice %arg5[%add3A_437, %add3A_609] : memref<64x32768xf32, #tpu.memory_space<hbm>> -> memref<1x512xf32, #tpu.memory_space<hbm>>
      %dma_start3A_613 = tpu.memref_squeeze %dma_start3A_612 : memref<1x512xf32, #tpu.memory_space<hbm>> -> memref<512xf32, #tpu.memory_space<hbm>>
      %dma_start3A_614 = tpu.memref_slice %arg5[%add3A_437, %add3A_609] : memref<64x32768xf32, #tpu.memory_space<hbm>> -> memref<1x512xf32, #tpu.memory_space<hbm>>
      %dma_start3A_615 = tpu.memref_squeeze %dma_start3A_614 : memref<1x512xf32, #tpu.memory_space<hbm>> -> memref<512xf32, #tpu.memory_space<hbm>>
      %dma_start3A_616 = arith.constant 512 : i32
      %dma_start3A_617 = tpu.memref_slice %arg9[%dma_start3A_616] : memref<1024xf32, #tpu.memory_space<vmem>> -> memref<512xf32, #tpu.memory_space<vmem>>
      tpu.enqueue_dma source(%dma_start3A_617 : memref<512xf32, #tpu.memory_space<vmem>>) target(%dma_start3A_615 : memref<512xf32, #tpu.memory_space<hbm>>) target_semaphore(%arg15 : memref<!tpu.dma_semaphore, #tpu.memory_space<semaphore_mem>>)
      %dma_wait3A_618 = arith.constant 0 : i32
      %dma_wait3A_619 = tpu.memref_slice %arg9[%dma_wait3A_618] : memref<1024xf32, #tpu.memory_space<vmem>> -> memref<512xf32, #tpu.memory_space<vmem>>
      %dma_wait3A_620 = tpu.memref_slice %arg5[%add3A_437, %add3A_519] : memref<64x32768xf32, #tpu.memory_space<hbm>> -> memref<1x512xf32, #tpu.memory_space<hbm>>
      %dma_wait3A_621 = tpu.memref_squeeze %dma_wait3A_620 : memref<1x512xf32, #tpu.memory_space<hbm>> -> memref<512xf32, #tpu.memory_space<hbm>>
      %dma_wait3A_622 = tpu.memref_slice %arg5[%add3A_437, %add3A_519] : memref<64x32768xf32, #tpu.memory_space<hbm>> -> memref<1x512xf32, #tpu.memory_space<hbm>>
      %dma_wait3A_623 = tpu.memref_squeeze %dma_wait3A_622 : memref<1x512xf32, #tpu.memory_space<hbm>> -> memref<512xf32, #tpu.memory_space<hbm>>
      %dma_wait3A_624 = arith.constant 0 : i32
      %dma_wait3A_625 = tpu.memref_slice %arg9[%dma_wait3A_624] : memref<1024xf32, #tpu.memory_space<vmem>> -> memref<512xf32, #tpu.memory_space<vmem>>
      tpu.wait_dma2 semaphore(%arg15 : memref<!tpu.dma_semaphore, #tpu.memory_space<semaphore_mem>>) src(%dma_wait3A_625 : memref<512xf32, #tpu.memory_space<vmem>>) dst(%dma_wait3A_623 : memref<512xf32, #tpu.memory_space<hbm>>)
      %dma_start3A_626 = arith.constant 8 : i32
      %dma_start3A_627 = arith.constant 0 : i32
      %dma_start3A_628 = tpu.memref_slice %arg9[%dma_start3A_627] : memref<1024xf32, #tpu.memory_space<vmem>> -> memref<512xf32, #tpu.memory_space<vmem>>
      %dma_start3A_629 = arith.constant 0 : i32
      %dma_start3A_630 = tpu.memref_slice %dma_start3A_628[%dma_start3A_629] : memref<512xf32, #tpu.memory_space<vmem>> -> memref<128xf32, #tpu.memory_space<vmem>>
      %dma_start3A_631 = arith.constant 0 : i32
      %dma_start3A_632 = tpu.memref_slice %arg8[%dma_start3A_626, %dma_start3A_631] : memref<16x128xi32, #tpu.memory_space<vmem>> -> memref<1x128xi32, #tpu.memory_space<vmem>>
      %dma_start3A_633 = tpu.memref_squeeze %dma_start3A_632 : memref<1x128xi32, #tpu.memory_space<vmem>> -> memref<128xi32, #tpu.memory_space<vmem>>
      %dma_start3A_634 = arith.constant 0 : i32
      %dma_start3A_635 = tpu.memref_slice %arg11[%dma_start3A_634] : memref<1000000xf32, #tpu.memory_space<vmem_shared>> -> memref<1000000xf32, #tpu.memory_space<vmem_shared>>
      tpu.enqueue_indirect_dma source(%dma_start3A_635 : memref<1000000xf32, #tpu.memory_space<vmem_shared>>) target(%dma_start3A_630 : memref<128xf32, #tpu.memory_space<vmem>>) offsets(%dma_start3A_633 : memref<128xi32, #tpu.memory_space<vmem>>) semaphore(%arg14 : memref<!tpu.dma_semaphore, #tpu.memory_space<semaphore_mem>>)
      %dma_start3A_636 = arith.constant 9 : i32
      %dma_start3A_637 = arith.constant 0 : i32
      %dma_start3A_638 = tpu.memref_slice %arg9[%dma_start3A_637] : memref<1024xf32, #tpu.memory_space<vmem>> -> memref<512xf32, #tpu.memory_space<vmem>>
      %dma_start3A_639 = arith.constant 128 : i32
      %dma_start3A_640 = tpu.memref_slice %dma_start3A_638[%dma_start3A_639] : memref<512xf32, #tpu.memory_space<vmem>> -> memref<128xf32, #tpu.memory_space<vmem>>
      %dma_start3A_641 = arith.constant 0 : i32
      %dma_start3A_642 = tpu.memref_slice %arg8[%dma_start3A_636, %dma_start3A_641] : memref<16x128xi32, #tpu.memory_space<vmem>> -> memref<1x128xi32, #tpu.memory_space<vmem>>
      %dma_start3A_643 = tpu.memref_squeeze %dma_start3A_642 : memref<1x128xi32, #tpu.memory_space<vmem>> -> memref<128xi32, #tpu.memory_space<vmem>>
      %dma_start3A_644 = arith.constant 0 : i32
      %dma_start3A_645 = tpu.memref_slice %arg11[%dma_start3A_644] : memref<1000000xf32, #tpu.memory_space<vmem_shared>> -> memref<1000000xf32, #tpu.memory_space<vmem_shared>>
      tpu.enqueue_indirect_dma source(%dma_start3A_645 : memref<1000000xf32, #tpu.memory_space<vmem_shared>>) target(%dma_start3A_640 : memref<128xf32, #tpu.memory_space<vmem>>) offsets(%dma_start3A_643 : memref<128xi32, #tpu.memory_space<vmem>>) semaphore(%arg14 : memref<!tpu.dma_semaphore, #tpu.memory_space<semaphore_mem>>)
      %dma_start3A_646 = arith.constant 10 : i32
      %dma_start3A_647 = arith.constant 0 : i32
      %dma_start3A_648 = tpu.memref_slice %arg9[%dma_start3A_647] : memref<1024xf32, #tpu.memory_space<vmem>> -> memref<512xf32, #tpu.memory_space<vmem>>
      %dma_start3A_649 = arith.constant 256 : i32
      %dma_start3A_650 = tpu.memref_slice %dma_start3A_648[%dma_start3A_649] : memref<512xf32, #tpu.memory_space<vmem>> -> memref<128xf32, #tpu.memory_space<vmem>>
      %dma_start3A_651 = arith.constant 0 : i32
      %dma_start3A_652 = tpu.memref_slice %arg8[%dma_start3A_646, %dma_start3A_651] : memref<16x128xi32, #tpu.memory_space<vmem>> -> memref<1x128xi32, #tpu.memory_space<vmem>>
      %dma_start3A_653 = tpu.memref_squeeze %dma_start3A_652 : memref<1x128xi32, #tpu.memory_space<vmem>> -> memref<128xi32, #tpu.memory_space<vmem>>
      %dma_start3A_654 = arith.constant 0 : i32
      %dma_start3A_655 = tpu.memref_slice %arg11[%dma_start3A_654] : memref<1000000xf32, #tpu.memory_space<vmem_shared>> -> memref<1000000xf32, #tpu.memory_space<vmem_shared>>
      tpu.enqueue_indirect_dma source(%dma_start3A_655 : memref<1000000xf32, #tpu.memory_space<vmem_shared>>) target(%dma_start3A_650 : memref<128xf32, #tpu.memory_space<vmem>>) offsets(%dma_start3A_653 : memref<128xi32, #tpu.memory_space<vmem>>) semaphore(%arg14 : memref<!tpu.dma_semaphore, #tpu.memory_space<semaphore_mem>>)
      %dma_start3A_656 = arith.constant 11 : i32
      %dma_start3A_657 = arith.constant 0 : i32
      %dma_start3A_658 = tpu.memref_slice %arg9[%dma_start3A_657] : memref<1024xf32, #tpu.memory_space<vmem>> -> memref<512xf32, #tpu.memory_space<vmem>>
      %dma_start3A_659 = arith.constant 384 : i32
      %dma_start3A_660 = tpu.memref_slice %dma_start3A_658[%dma_start3A_659] : memref<512xf32, #tpu.memory_space<vmem>> -> memref<128xf32, #tpu.memory_space<vmem>>
      %dma_start3A_661 = arith.constant 0 : i32
      %dma_start3A_662 = tpu.memref_slice %arg8[%dma_start3A_656, %dma_start3A_661] : memref<16x128xi32, #tpu.memory_space<vmem>> -> memref<1x128xi32, #tpu.memory_space<vmem>>
      %dma_start3A_663 = tpu.memref_squeeze %dma_start3A_662 : memref<1x128xi32, #tpu.memory_space<vmem>> -> memref<128xi32, #tpu.memory_space<vmem>>
      %dma_start3A_664 = arith.constant 0 : i32
      %dma_start3A_665 = tpu.memref_slice %arg11[%dma_start3A_664] : memref<1000000xf32, #tpu.memory_space<vmem_shared>> -> memref<1000000xf32, #tpu.memory_space<vmem_shared>>
      tpu.enqueue_indirect_dma source(%dma_start3A_665 : memref<1000000xf32, #tpu.memory_space<vmem_shared>>) target(%dma_start3A_660 : memref<128xf32, #tpu.memory_space<vmem>>) offsets(%dma_start3A_663 : memref<128xi32, #tpu.memory_space<vmem>>) semaphore(%arg14 : memref<!tpu.dma_semaphore, #tpu.memory_space<semaphore_mem>>)
      %dma_wait3A_666 = arith.constant 8 : i32
      %dma_wait3A_667 = arith.constant 0 : i32
      %dma_wait3A_668 = tpu.memref_slice %arg9[%dma_wait3A_667] : memref<1024xf32, #tpu.memory_space<vmem>> -> memref<512xf32, #tpu.memory_space<vmem>>
      %dma_wait3A_669 = arith.constant 0 : i32
      %dma_wait3A_670 = tpu.memref_slice %dma_wait3A_668[%dma_wait3A_669] : memref<512xf32, #tpu.memory_space<vmem>> -> memref<128xf32, #tpu.memory_space<vmem>>
      %dma_wait3A_671 = arith.constant 0 : i32
      %dma_wait3A_672 = tpu.memref_slice %arg8[%dma_wait3A_666, %dma_wait3A_671] : memref<16x128xi32, #tpu.memory_space<vmem>> -> memref<1x128xi32, #tpu.memory_space<vmem>>
      %dma_wait3A_673 = tpu.memref_squeeze %dma_wait3A_672 : memref<1x128xi32, #tpu.memory_space<vmem>> -> memref<128xi32, #tpu.memory_space<vmem>>
      %dma_wait3A_674 = arith.constant 0 : i32
      %dma_wait3A_675 = tpu.memref_slice %arg11[%dma_wait3A_674] : memref<1000000xf32, #tpu.memory_space<vmem_shared>> -> memref<1000000xf32, #tpu.memory_space<vmem_shared>>
      tpu.wait_indirect_dma semaphore(%arg14 : memref<!tpu.dma_semaphore, #tpu.memory_space<semaphore_mem>>) src(%dma_wait3A_675 : memref<1000000xf32, #tpu.memory_space<vmem_shared>>) dst(%dma_wait3A_670 : memref<128xf32, #tpu.memory_space<vmem>>)
      %dma_wait3A_676 = arith.constant 9 : i32
      %dma_wait3A_677 = arith.constant 0 : i32
      %dma_wait3A_678 = tpu.memref_slice %arg9[%dma_wait3A_677] : memref<1024xf32, #tpu.memory_space<vmem>> -> memref<512xf32, #tpu.memory_space<vmem>>
      %dma_wait3A_679 = arith.constant 128 : i32
      %dma_wait3A_680 = tpu.memref_slice %dma_wait3A_678[%dma_wait3A_679] : memref<512xf32, #tpu.memory_space<vmem>> -> memref<128xf32, #tpu.memory_space<vmem>>
      %dma_wait3A_681 = arith.constant 0 : i32
      %dma_wait3A_682 = tpu.memref_slice %arg8[%dma_wait3A_676, %dma_wait3A_681] : memref<16x128xi32, #tpu.memory_space<vmem>> -> memref<1x128xi32, #tpu.memory_space<vmem>>
      %dma_wait3A_683 = tpu.memref_squeeze %dma_wait3A_682 : memref<1x128xi32, #tpu.memory_space<vmem>> -> memref<128xi32, #tpu.memory_space<vmem>>
      %dma_wait3A_684 = arith.constant 0 : i32
      %dma_wait3A_685 = tpu.memref_slice %arg11[%dma_wait3A_684] : memref<1000000xf32, #tpu.memory_space<vmem_shared>> -> memref<1000000xf32, #tpu.memory_space<vmem_shared>>
      tpu.wait_indirect_dma semaphore(%arg14 : memref<!tpu.dma_semaphore, #tpu.memory_space<semaphore_mem>>) src(%dma_wait3A_685 : memref<1000000xf32, #tpu.memory_space<vmem_shared>>) dst(%dma_wait3A_680 : memref<128xf32, #tpu.memory_space<vmem>>)
      %dma_wait3A_686 = arith.constant 10 : i32
      %dma_wait3A_687 = arith.constant 0 : i32
      %dma_wait3A_688 = tpu.memref_slice %arg9[%dma_wait3A_687] : memref<1024xf32, #tpu.memory_space<vmem>> -> memref<512xf32, #tpu.memory_space<vmem>>
      %dma_wait3A_689 = arith.constant 256 : i32
      %dma_wait3A_690 = tpu.memref_slice %dma_wait3A_688[%dma_wait3A_689] : memref<512xf32, #tpu.memory_space<vmem>> -> memref<128xf32, #tpu.memory_space<vmem>>
      %dma_wait3A_691 = arith.constant 0 : i32
      %dma_wait3A_692 = tpu.memref_slice %arg8[%dma_wait3A_686, %dma_wait3A_691] : memref<16x128xi32, #tpu.memory_space<vmem>> -> memref<1x128xi32, #tpu.memory_space<vmem>>
      %dma_wait3A_693 = tpu.memref_squeeze %dma_wait3A_692 : memref<1x128xi32, #tpu.memory_space<vmem>> -> memref<128xi32, #tpu.memory_space<vmem>>
      %dma_wait3A_694 = arith.constant 0 : i32
      %dma_wait3A_695 = tpu.memref_slice %arg11[%dma_wait3A_694] : memref<1000000xf32, #tpu.memory_space<vmem_shared>> -> memref<1000000xf32, #tpu.memory_space<vmem_shared>>
      tpu.wait_indirect_dma semaphore(%arg14 : memref<!tpu.dma_semaphore, #tpu.memory_space<semaphore_mem>>) src(%dma_wait3A_695 : memref<1000000xf32, #tpu.memory_space<vmem_shared>>) dst(%dma_wait3A_690 : memref<128xf32, #tpu.memory_space<vmem>>)
      %dma_wait3A_696 = arith.constant 11 : i32
      %dma_wait3A_697 = arith.constant 0 : i32
      %dma_wait3A_698 = tpu.memref_slice %arg9[%dma_wait3A_697] : memref<1024xf32, #tpu.memory_space<vmem>> -> memref<512xf32, #tpu.memory_space<vmem>>
      %dma_wait3A_699 = arith.constant 384 : i32
      %dma_wait3A_700 = tpu.memref_slice %dma_wait3A_698[%dma_wait3A_699] : memref<512xf32, #tpu.memory_space<vmem>> -> memref<128xf32, #tpu.memory_space<vmem>>
      %dma_wait3A_701 = arith.constant 0 : i32
      %dma_wait3A_702 = tpu.memref_slice %arg8[%dma_wait3A_696, %dma_wait3A_701] : memref<16x128xi32, #tpu.memory_space<vmem>> -> memref<1x128xi32, #tpu.memory_space<vmem>>
      %dma_wait3A_703 = tpu.memref_squeeze %dma_wait3A_702 : memref<1x128xi32, #tpu.memory_space<vmem>> -> memref<128xi32, #tpu.memory_space<vmem>>
      %dma_wait3A_704 = arith.constant 0 : i32
      %dma_wait3A_705 = tpu.memref_slice %arg11[%dma_wait3A_704] : memref<1000000xf32, #tpu.memory_space<vmem_shared>> -> memref<1000000xf32, #tpu.memory_space<vmem_shared>>
      tpu.wait_indirect_dma semaphore(%arg14 : memref<!tpu.dma_semaphore, #tpu.memory_space<semaphore_mem>>) src(%dma_wait3A_705 : memref<1000000xf32, #tpu.memory_space<vmem_shared>>) dst(%dma_wait3A_700 : memref<128xf32, #tpu.memory_space<vmem>>)
      %add3A_706 = arith.constant 1024 : i32
      %add3A_707 = arith.addi %mul3A_0, %add3A_706 : i32
      %dma_start3A_708 = arith.constant 0 : i32
      %dma_start3A_709 = tpu.memref_slice %arg9[%dma_start3A_708] : memref<1024xf32, #tpu.memory_space<vmem>> -> memref<512xf32, #tpu.memory_space<vmem>>
      %dma_start3A_710 = tpu.memref_slice %arg5[%add3A_437, %add3A_707] : memref<64x32768xf32, #tpu.memory_space<hbm>> -> memref<1x512xf32, #tpu.memory_space<hbm>>
      %dma_start3A_711 = tpu.memref_squeeze %dma_start3A_710 : memref<1x512xf32, #tpu.memory_space<hbm>> -> memref<512xf32, #tpu.memory_space<hbm>>
      %dma_start3A_712 = tpu.memref_slice %arg5[%add3A_437, %add3A_707] : memref<64x32768xf32, #tpu.memory_space<hbm>> -> memref<1x512xf32, #tpu.memory_space<hbm>>
      %dma_start3A_713 = tpu.memref_squeeze %dma_start3A_712 : memref<1x512xf32, #tpu.memory_space<hbm>> -> memref<512xf32, #tpu.memory_space<hbm>>
      %dma_start3A_714 = arith.constant 0 : i32
      %dma_start3A_715 = tpu.memref_slice %arg9[%dma_start3A_714] : memref<1024xf32, #tpu.memory_space<vmem>> -> memref<512xf32, #tpu.memory_space<vmem>>
      tpu.enqueue_dma source(%dma_start3A_715 : memref<512xf32, #tpu.memory_space<vmem>>) target(%dma_start3A_713 : memref<512xf32, #tpu.memory_space<hbm>>) target_semaphore(%arg15 : memref<!tpu.dma_semaphore, #tpu.memory_space<semaphore_mem>>)
      %dma_wait3A_716 = arith.constant 512 : i32
      %dma_wait3A_717 = tpu.memref_slice %arg9[%dma_wait3A_716] : memref<1024xf32, #tpu.memory_space<vmem>> -> memref<512xf32, #tpu.memory_space<vmem>>
      %dma_wait3A_718 = tpu.memref_slice %arg5[%add3A_437, %add3A_609] : memref<64x32768xf32, #tpu.memory_space<hbm>> -> memref<1x512xf32, #tpu.memory_space<hbm>>
      %dma_wait3A_719 = tpu.memref_squeeze %dma_wait3A_718 : memref<1x512xf32, #tpu.memory_space<hbm>> -> memref<512xf32, #tpu.memory_space<hbm>>
      %dma_wait3A_720 = tpu.memref_slice %arg5[%add3A_437, %add3A_609] : memref<64x32768xf32, #tpu.memory_space<hbm>> -> memref<1x512xf32, #tpu.memory_space<hbm>>
      %dma_wait3A_721 = tpu.memref_squeeze %dma_wait3A_720 : memref<1x512xf32, #tpu.memory_space<hbm>> -> memref<512xf32, #tpu.memory_space<hbm>>
      %dma_wait3A_722 = arith.constant 512 : i32
      %dma_wait3A_723 = tpu.memref_slice %arg9[%dma_wait3A_722] : memref<1024xf32, #tpu.memory_space<vmem>> -> memref<512xf32, #tpu.memory_space<vmem>>
      tpu.wait_dma2 semaphore(%arg15 : memref<!tpu.dma_semaphore, #tpu.memory_space<semaphore_mem>>) src(%dma_wait3A_723 : memref<512xf32, #tpu.memory_space<vmem>>) dst(%dma_wait3A_721 : memref<512xf32, #tpu.memory_space<hbm>>)
      %dma_start3A_724 = arith.constant 12 : i32
      %dma_start3A_725 = arith.constant 512 : i32
      %dma_start3A_726 = tpu.memref_slice %arg9[%dma_start3A_725] : memref<1024xf32, #tpu.memory_space<vmem>> -> memref<512xf32, #tpu.memory_space<vmem>>
      %dma_start3A_727 = arith.constant 0 : i32
      %dma_start3A_728 = tpu.memref_slice %dma_start3A_726[%dma_start3A_727] : memref<512xf32, #tpu.memory_space<vmem>> -> memref<128xf32, #tpu.memory_space<vmem>>
      %dma_start3A_729 = arith.constant 0 : i32
      %dma_start3A_730 = tpu.memref_slice %arg8[%dma_start3A_724, %dma_start3A_729] : memref<16x128xi32, #tpu.memory_space<vmem>> -> memref<1x128xi32, #tpu.memory_space<vmem>>
      %dma_start3A_731 = tpu.memref_squeeze %dma_start3A_730 : memref<1x128xi32, #tpu.memory_space<vmem>> -> memref<128xi32, #tpu.memory_space<vmem>>
      %dma_start3A_732 = arith.constant 0 : i32
      %dma_start3A_733 = tpu.memref_slice %arg11[%dma_start3A_732] : memref<1000000xf32, #tpu.memory_space<vmem_shared>> -> memref<1000000xf32, #tpu.memory_space<vmem_shared>>
      tpu.enqueue_indirect_dma source(%dma_start3A_733 : memref<1000000xf32, #tpu.memory_space<vmem_shared>>) target(%dma_start3A_728 : memref<128xf32, #tpu.memory_space<vmem>>) offsets(%dma_start3A_731 : memref<128xi32, #tpu.memory_space<vmem>>) semaphore(%arg14 : memref<!tpu.dma_semaphore, #tpu.memory_space<semaphore_mem>>)
      %dma_start3A_734 = arith.constant 13 : i32
      %dma_start3A_735 = arith.constant 512 : i32
      %dma_start3A_736 = tpu.memref_slice %arg9[%dma_start3A_735] : memref<1024xf32, #tpu.memory_space<vmem>> -> memref<512xf32, #tpu.memory_space<vmem>>
      %dma_start3A_737 = arith.constant 128 : i32
      %dma_start3A_738 = tpu.memref_slice %dma_start3A_736[%dma_start3A_737] : memref<512xf32, #tpu.memory_space<vmem>> -> memref<128xf32, #tpu.memory_space<vmem>>
      %dma_start3A_739 = arith.constant 0 : i32
      %dma_start3A_740 = tpu.memref_slice %arg8[%dma_start3A_734, %dma_start3A_739] : memref<16x128xi32, #tpu.memory_space<vmem>> -> memref<1x128xi32, #tpu.memory_space<vmem>>
      %dma_start3A_741 = tpu.memref_squeeze %dma_start3A_740 : memref<1x128xi32, #tpu.memory_space<vmem>> -> memref<128xi32, #tpu.memory_space<vmem>>
      %dma_start3A_742 = arith.constant 0 : i32
      %dma_start3A_743 = tpu.memref_slice %arg11[%dma_start3A_742] : memref<1000000xf32, #tpu.memory_space<vmem_shared>> -> memref<1000000xf32, #tpu.memory_space<vmem_shared>>
      tpu.enqueue_indirect_dma source(%dma_start3A_743 : memref<1000000xf32, #tpu.memory_space<vmem_shared>>) target(%dma_start3A_738 : memref<128xf32, #tpu.memory_space<vmem>>) offsets(%dma_start3A_741 : memref<128xi32, #tpu.memory_space<vmem>>) semaphore(%arg14 : memref<!tpu.dma_semaphore, #tpu.memory_space<semaphore_mem>>)
      %dma_start3A_744 = arith.constant 14 : i32
      %dma_start3A_745 = arith.constant 512 : i32
      %dma_start3A_746 = tpu.memref_slice %arg9[%dma_start3A_745] : memref<1024xf32, #tpu.memory_space<vmem>> -> memref<512xf32, #tpu.memory_space<vmem>>
      %dma_start3A_747 = arith.constant 256 : i32
      %dma_start3A_748 = tpu.memref_slice %dma_start3A_746[%dma_start3A_747] : memref<512xf32, #tpu.memory_space<vmem>> -> memref<128xf32, #tpu.memory_space<vmem>>
      %dma_start3A_749 = arith.constant 0 : i32
      %dma_start3A_750 = tpu.memref_slice %arg8[%dma_start3A_744, %dma_start3A_749] : memref<16x128xi32, #tpu.memory_space<vmem>> -> memref<1x128xi32, #tpu.memory_space<vmem>>
      %dma_start3A_751 = tpu.memref_squeeze %dma_start3A_750 : memref<1x128xi32, #tpu.memory_space<vmem>> -> memref<128xi32, #tpu.memory_space<vmem>>
      %dma_start3A_752 = arith.constant 0 : i32
      %dma_start3A_753 = tpu.memref_slice %arg11[%dma_start3A_752] : memref<1000000xf32, #tpu.memory_space<vmem_shared>> -> memref<1000000xf32, #tpu.memory_space<vmem_shared>>
      tpu.enqueue_indirect_dma source(%dma_start3A_753 : memref<1000000xf32, #tpu.memory_space<vmem_shared>>) target(%dma_start3A_748 : memref<128xf32, #tpu.memory_space<vmem>>) offsets(%dma_start3A_751 : memref<128xi32, #tpu.memory_space<vmem>>) semaphore(%arg14 : memref<!tpu.dma_semaphore, #tpu.memory_space<semaphore_mem>>)
      %dma_start3A_754 = arith.constant 15 : i32
      %dma_start3A_755 = arith.constant 512 : i32
      %dma_start3A_756 = tpu.memref_slice %arg9[%dma_start3A_755] : memref<1024xf32, #tpu.memory_space<vmem>> -> memref<512xf32, #tpu.memory_space<vmem>>
      %dma_start3A_757 = arith.constant 384 : i32
      %dma_start3A_758 = tpu.memref_slice %dma_start3A_756[%dma_start3A_757] : memref<512xf32, #tpu.memory_space<vmem>> -> memref<128xf32, #tpu.memory_space<vmem>>
      %dma_start3A_759 = arith.constant 0 : i32
      %dma_start3A_760 = tpu.memref_slice %arg8[%dma_start3A_754, %dma_start3A_759] : memref<16x128xi32, #tpu.memory_space<vmem>> -> memref<1x128xi32, #tpu.memory_space<vmem>>
      %dma_start3A_761 = tpu.memref_squeeze %dma_start3A_760 : memref<1x128xi32, #tpu.memory_space<vmem>> -> memref<128xi32, #tpu.memory_space<vmem>>
      %dma_start3A_762 = arith.constant 0 : i32
      %dma_start3A_763 = tpu.memref_slice %arg11[%dma_start3A_762] : memref<1000000xf32, #tpu.memory_space<vmem_shared>> -> memref<1000000xf32, #tpu.memory_space<vmem_shared>>
      tpu.enqueue_indirect_dma source(%dma_start3A_763 : memref<1000000xf32, #tpu.memory_space<vmem_shared>>) target(%dma_start3A_758 : memref<128xf32, #tpu.memory_space<vmem>>) offsets(%dma_start3A_761 : memref<128xi32, #tpu.memory_space<vmem>>) semaphore(%arg14 : memref<!tpu.dma_semaphore, #tpu.memory_space<semaphore_mem>>)
      %dma_wait3A_764 = arith.constant 12 : i32
      %dma_wait3A_765 = arith.constant 512 : i32
      %dma_wait3A_766 = tpu.memref_slice %arg9[%dma_wait3A_765] : memref<1024xf32, #tpu.memory_space<vmem>> -> memref<512xf32, #tpu.memory_space<vmem>>
      %dma_wait3A_767 = arith.constant 0 : i32
      %dma_wait3A_768 = tpu.memref_slice %dma_wait3A_766[%dma_wait3A_767] : memref<512xf32, #tpu.memory_space<vmem>> -> memref<128xf32, #tpu.memory_space<vmem>>
      %dma_wait3A_769 = arith.constant 0 : i32
      %dma_wait3A_770 = tpu.memref_slice %arg8[%dma_wait3A_764, %dma_wait3A_769] : memref<16x128xi32, #tpu.memory_space<vmem>> -> memref<1x128xi32, #tpu.memory_space<vmem>>
      %dma_wait3A_771 = tpu.memref_squeeze %dma_wait3A_770 : memref<1x128xi32, #tpu.memory_space<vmem>> -> memref<128xi32, #tpu.memory_space<vmem>>
      %dma_wait3A_772 = arith.constant 0 : i32
      %dma_wait3A_773 = tpu.memref_slice %arg11[%dma_wait3A_772] : memref<1000000xf32, #tpu.memory_space<vmem_shared>> -> memref<1000000xf32, #tpu.memory_space<vmem_shared>>
      tpu.wait_indirect_dma semaphore(%arg14 : memref<!tpu.dma_semaphore, #tpu.memory_space<semaphore_mem>>) src(%dma_wait3A_773 : memref<1000000xf32, #tpu.memory_space<vmem_shared>>) dst(%dma_wait3A_768 : memref<128xf32, #tpu.memory_space<vmem>>)
      %dma_wait3A_774 = arith.constant 13 : i32
      %dma_wait3A_775 = arith.constant 512 : i32
      %dma_wait3A_776 = tpu.memref_slice %arg9[%dma_wait3A_775] : memref<1024xf32, #tpu.memory_space<vmem>> -> memref<512xf32, #tpu.memory_space<vmem>>
      %dma_wait3A_777 = arith.constant 128 : i32
      %dma_wait3A_778 = tpu.memref_slice %dma_wait3A_776[%dma_wait3A_777] : memref<512xf32, #tpu.memory_space<vmem>> -> memref<128xf32, #tpu.memory_space<vmem>>
      %dma_wait3A_779 = arith.constant 0 : i32
      %dma_wait3A_780 = tpu.memref_slice %arg8[%dma_wait3A_774, %dma_wait3A_779] : memref<16x128xi32, #tpu.memory_space<vmem>> -> memref<1x128xi32, #tpu.memory_space<vmem>>
      %dma_wait3A_781 = tpu.memref_squeeze %dma_wait3A_780 : memref<1x128xi32, #tpu.memory_space<vmem>> -> memref<128xi32, #tpu.memory_space<vmem>>
      %dma_wait3A_782 = arith.constant 0 : i32
      %dma_wait3A_783 = tpu.memref_slice %arg11[%dma_wait3A_782] : memref<1000000xf32, #tpu.memory_space<vmem_shared>> -> memref<1000000xf32, #tpu.memory_space<vmem_shared>>
      tpu.wait_indirect_dma semaphore(%arg14 : memref<!tpu.dma_semaphore, #tpu.memory_space<semaphore_mem>>) src(%dma_wait3A_783 : memref<1000000xf32, #tpu.memory_space<vmem_shared>>) dst(%dma_wait3A_778 : memref<128xf32, #tpu.memory_space<vmem>>)
      %dma_wait3A_784 = arith.constant 14 : i32
      %dma_wait3A_785 = arith.constant 512 : i32
      %dma_wait3A_786 = tpu.memref_slice %arg9[%dma_wait3A_785] : memref<1024xf32, #tpu.memory_space<vmem>> -> memref<512xf32, #tpu.memory_space<vmem>>
      %dma_wait3A_787 = arith.constant 256 : i32
      %dma_wait3A_788 = tpu.memref_slice %dma_wait3A_786[%dma_wait3A_787] : memref<512xf32, #tpu.memory_space<vmem>> -> memref<128xf32, #tpu.memory_space<vmem>>
      %dma_wait3A_789 = arith.constant 0 : i32
      %dma_wait3A_790 = tpu.memref_slice %arg8[%dma_wait3A_784, %dma_wait3A_789] : memref<16x128xi32, #tpu.memory_space<vmem>> -> memref<1x128xi32, #tpu.memory_space<vmem>>
      %dma_wait3A_791 = tpu.memref_squeeze %dma_wait3A_790 : memref<1x128xi32, #tpu.memory_space<vmem>> -> memref<128xi32, #tpu.memory_space<vmem>>
      %dma_wait3A_792 = arith.constant 0 : i32
      %dma_wait3A_793 = tpu.memref_slice %arg11[%dma_wait3A_792] : memref<1000000xf32, #tpu.memory_space<vmem_shared>> -> memref<1000000xf32, #tpu.memory_space<vmem_shared>>
      tpu.wait_indirect_dma semaphore(%arg14 : memref<!tpu.dma_semaphore, #tpu.memory_space<semaphore_mem>>) src(%dma_wait3A_793 : memref<1000000xf32, #tpu.memory_space<vmem_shared>>) dst(%dma_wait3A_788 : memref<128xf32, #tpu.memory_space<vmem>>)
      %dma_wait3A_794 = arith.constant 15 : i32
      %dma_wait3A_795 = arith.constant 512 : i32
      %dma_wait3A_796 = tpu.memref_slice %arg9[%dma_wait3A_795] : memref<1024xf32, #tpu.memory_space<vmem>> -> memref<512xf32, #tpu.memory_space<vmem>>
      %dma_wait3A_797 = arith.constant 384 : i32
      %dma_wait3A_798 = tpu.memref_slice %dma_wait3A_796[%dma_wait3A_797] : memref<512xf32, #tpu.memory_space<vmem>> -> memref<128xf32, #tpu.memory_space<vmem>>
      %dma_wait3A_799 = arith.constant 0 : i32
      %dma_wait3A_800 = tpu.memref_slice %arg8[%dma_wait3A_794, %dma_wait3A_799] : memref<16x128xi32, #tpu.memory_space<vmem>> -> memref<1x128xi32, #tpu.memory_space<vmem>>
      %dma_wait3A_801 = tpu.memref_squeeze %dma_wait3A_800 : memref<1x128xi32, #tpu.memory_space<vmem>> -> memref<128xi32, #tpu.memory_space<vmem>>
      %dma_wait3A_802 = arith.constant 0 : i32
      %dma_wait3A_803 = tpu.memref_slice %arg11[%dma_wait3A_802] : memref<1000000xf32, #tpu.memory_space<vmem_shared>> -> memref<1000000xf32, #tpu.memory_space<vmem_shared>>
      tpu.wait_indirect_dma semaphore(%arg14 : memref<!tpu.dma_semaphore, #tpu.memory_space<semaphore_mem>>) src(%dma_wait3A_803 : memref<1000000xf32, #tpu.memory_space<vmem_shared>>) dst(%dma_wait3A_798 : memref<128xf32, #tpu.memory_space<vmem>>)
      %add3A_804 = arith.constant 1536 : i32
      %add3A_805 = arith.addi %mul3A_0, %add3A_804 : i32
      %dma_start3A_806 = arith.constant 512 : i32
      %dma_start3A_807 = tpu.memref_slice %arg9[%dma_start3A_806] : memref<1024xf32, #tpu.memory_space<vmem>> -> memref<512xf32, #tpu.memory_space<vmem>>
      %dma_start3A_808 = tpu.memref_slice %arg5[%add3A_437, %add3A_805] : memref<64x32768xf32, #tpu.memory_space<hbm>> -> memref<1x512xf32, #tpu.memory_space<hbm>>
      %dma_start3A_809 = tpu.memref_squeeze %dma_start3A_808 : memref<1x512xf32, #tpu.memory_space<hbm>> -> memref<512xf32, #tpu.memory_space<hbm>>
      %dma_start3A_810 = tpu.memref_slice %arg5[%add3A_437, %add3A_805] : memref<64x32768xf32, #tpu.memory_space<hbm>> -> memref<1x512xf32, #tpu.memory_space<hbm>>
      %dma_start3A_811 = tpu.memref_squeeze %dma_start3A_810 : memref<1x512xf32, #tpu.memory_space<hbm>> -> memref<512xf32, #tpu.memory_space<hbm>>
      %dma_start3A_812 = arith.constant 512 : i32
      %dma_start3A_813 = tpu.memref_slice %arg9[%dma_start3A_812] : memref<1024xf32, #tpu.memory_space<vmem>> -> memref<512xf32, #tpu.memory_space<vmem>>
      tpu.enqueue_dma source(%dma_start3A_813 : memref<512xf32, #tpu.memory_space<vmem>>) target(%dma_start3A_811 : memref<512xf32, #tpu.memory_space<hbm>>) target_semaphore(%arg15 : memref<!tpu.dma_semaphore, #tpu.memory_space<semaphore_mem>>)
      %dma_wait3A_814 = arith.constant 0 : i32
      %dma_wait3A_815 = tpu.memref_slice %arg9[%dma_wait3A_814] : memref<1024xf32, #tpu.memory_space<vmem>> -> memref<512xf32, #tpu.memory_space<vmem>>
      %dma_wait3A_816 = tpu.memref_slice %arg5[%add3A_437, %add3A_707] : memref<64x32768xf32, #tpu.memory_space<hbm>> -> memref<1x512xf32, #tpu.memory_space<hbm>>
      %dma_wait3A_817 = tpu.memref_squeeze %dma_wait3A_816 : memref<1x512xf32, #tpu.memory_space<hbm>> -> memref<512xf32, #tpu.memory_space<hbm>>
      %dma_wait3A_818 = tpu.memref_slice %arg5[%add3A_437, %add3A_707] : memref<64x32768xf32, #tpu.memory_space<hbm>> -> memref<1x512xf32, #tpu.memory_space<hbm>>
      %dma_wait3A_819 = tpu.memref_squeeze %dma_wait3A_818 : memref<1x512xf32, #tpu.memory_space<hbm>> -> memref<512xf32, #tpu.memory_space<hbm>>
      %dma_wait3A_820 = arith.constant 0 : i32
      %dma_wait3A_821 = tpu.memref_slice %arg9[%dma_wait3A_820] : memref<1024xf32, #tpu.memory_space<vmem>> -> memref<512xf32, #tpu.memory_space<vmem>>
      tpu.wait_dma2 semaphore(%arg15 : memref<!tpu.dma_semaphore, #tpu.memory_space<semaphore_mem>>) src(%dma_wait3A_821 : memref<512xf32, #tpu.memory_space<vmem>>) dst(%dma_wait3A_819 : memref<512xf32, #tpu.memory_space<hbm>>)
      %dma_wait3A_822 = arith.constant 512 : i32
      %dma_wait3A_823 = tpu.memref_slice %arg9[%dma_wait3A_822] : memref<1024xf32, #tpu.memory_space<vmem>> -> memref<512xf32, #tpu.memory_space<vmem>>
      %dma_wait3A_824 = tpu.memref_slice %arg5[%add3A_437, %add3A_805] : memref<64x32768xf32, #tpu.memory_space<hbm>> -> memref<1x512xf32, #tpu.memory_space<hbm>>
      %dma_wait3A_825 = tpu.memref_squeeze %dma_wait3A_824 : memref<1x512xf32, #tpu.memory_space<hbm>> -> memref<512xf32, #tpu.memory_space<hbm>>
      %dma_wait3A_826 = tpu.memref_slice %arg5[%add3A_437, %add3A_805] : memref<64x32768xf32, #tpu.memory_space<hbm>> -> memref<1x512xf32, #tpu.memory_space<hbm>>
      %dma_wait3A_827 = tpu.memref_squeeze %dma_wait3A_826 : memref<1x512xf32, #tpu.memory_space<hbm>> -> memref<512xf32, #tpu.memory_space<hbm>>
      %dma_wait3A_828 = arith.constant 512 : i32
      %dma_wait3A_829 = tpu.memref_slice %arg9[%dma_wait3A_828] : memref<1024xf32, #tpu.memory_space<vmem>> -> memref<512xf32, #tpu.memory_space<vmem>>
      tpu.wait_dma2 semaphore(%arg15 : memref<!tpu.dma_semaphore, #tpu.memory_space<semaphore_mem>>) src(%dma_wait3A_829 : memref<512xf32, #tpu.memory_space<vmem>>) dst(%dma_wait3A_827 : memref<512xf32, #tpu.memory_space<hbm>>)
      %convert_element_type3A_830 = arith.extui %and3A : i1 to i32
      %cond3A_831 = arith.constant 0 : i32
      %cond3A_832 = arith.cmpi ne, %convert_element_type3A_830, %cond3A_831 : i32
      scf.if %cond3A_832 {
        %dma_wait3A_834 = arith.constant 0 : i32
        %dma_wait3A_835 = tpu.memref_slice %arg4[%min3A_432, %dma_wait3A_834] : memref<64x1000000xf32, #tpu.memory_space<hbm>> -> memref<1x1000000xf32, #tpu.memory_space<hbm>>
        %dma_wait3A_836 = tpu.memref_squeeze %dma_wait3A_835 : memref<1x1000000xf32, #tpu.memory_space<hbm>> -> memref<1000000xf32, #tpu.memory_space<hbm>>
        tpu.wait_dma2 semaphore(%arg12 : memref<!tpu.dma_semaphore, #tpu.memory_space<semaphore_mem>>) src(%dma_wait3A_836 : memref<1000000xf32, #tpu.memory_space<hbm>>) dst(%arg10 : memref<1000000xf32, #tpu.memory_space<vmem_shared>>)
      } else {
      }
      %barrier3A_833 = arith.constant 0 : index
      tpu.barrier barrier_id(%barrier3A_833)
    }
    %scan3A_20 = arith.constant 16 : i32
    return
  }
}

module attributes {stable_mosaic.version = 14 : i64} {
  func.func @_mm_body(%arg0: i32, %arg1: memref<64x1024xf32, #tpu.memory_space<vmem>>, %arg2: memref<1024x64xf32, #tpu.memory_space<vmem>>, %arg3: memref<1024x1024xf32, #tpu.memory_space<vmem>>) attributes {dimension_semantics = [#tpu.dimension_semantics<arbitrary>], iteration_bounds = array<i64: 32>, scalar_prefetch = 0 : i64, scratch_operands = 0 : i64, tpu.core_type = #tpu.core_type<tc>, window_params = [{transform_indices = @transform_0, window_bounds = array<i64: 64, 1024>}, {pipeline_mode = #tpu.pipeline_mode<synchronous>, transform_indices = @transform_1, window_bounds = array<i64: 1024, 64>}, {transform_indices = @transform_2, window_bounds = array<i64: 1024, 1024>}]} {
    %get3A = arith.constant 0 : index
    %get3A_0 = arith.constant 0 : index
    %get3A_1 = vector.load %arg1[%get3A, %get3A_0] : memref<64x1024xf32, #tpu.memory_space<vmem>>, vector<64x1024xf32>
    %get3A_2 = arith.constant 0 : index
    %get3A_3 = arith.constant 0 : index
    %get3A_4 = vector.load %arg2[%get3A_2, %get3A_3] : memref<1024x64xf32, #tpu.memory_space<vmem>>, vector<1024x64xf32>
    %dot_general3A = arith.constant dense<0.000000e+00> : vector<1024x1024xf32>
    %dot_general3A_5 = tpu.matmul %get3A_1, %get3A_4, %dot_general3A {dimension_numbers = #tpu.dot_dimension_numbers<[0], [1], [1], [0], [0, 1, 1, 0], [], []>, transpose_lhs_hint = false} : vector<64x1024xf32>, vector<1024x64xf32>, vector<1024x1024xf32> -> vector<1024x1024xf32>
    %swap3A = arith.constant 0 : index
    %swap3A_6 = arith.constant 0 : index
    %swap3A_7 = vector.load %arg3[%swap3A, %swap3A_6] : memref<1024x1024xf32, #tpu.memory_space<vmem>>, vector<1024x1024xf32>
    tpu.vector_store %arg3[%swap3A, %swap3A_6], %dot_general3A_5 {strides = array<i32>} : memref<1024x1024xf32, #tpu.memory_space<vmem>>, vector<1024x1024xf32>,
    return
  }
  func.func @transform_0(%arg0: i32) -> (i32, i32) {
    %c0_i32 = arith.constant 0 : i32
    %c0_i32_0 = arith.constant 0 : i32
    return %c0_i32, %arg0 : i32, i32
  }
  func.func @transform_1(%arg0: i32) -> (i32, i32) {
    %c0_i32 = arith.constant 0 : i32
    %c0_i32_0 = arith.constant 0 : i32
    %c0_i32_1 = arith.constant 0 : i32
    return %c0_i32, %c0_i32_0 : i32, i32
  }
  func.func @transform_2(%arg0: i32) -> (i32, i32) {
    %c0_i32 = arith.constant 0 : i32
    %c0_i32_0 = arith.constant 0 : i32
    return %arg0, %c0_i32 : i32, i32
  }
}

</mosaic_0001>

<sc_bundles>
// kernel: kernel.4.cloned.1.call-start
scs
__scs_entry_jumppad:
0x0: {  	(pc) =	sbr.rel $0x88, $3  }
0x1: {  	(tag) =	ssettag $0x0;
	lr =	simm.s32 $0x1  }
0x2: {  	[smem:$0x3F9E] =	sst lr;
	_ =	strace $0xD0000000  }
0x3: {  	_ = 	snop  }
0x4: {  	_ = 	snop  }
0x5: {  	_ = 	snop  }
0x6: {  	_ = 	snop  }
0x7: {  	_ = 	snop  }
__scs_overlays_trampoline_lowered:
0x8: {  	[smem:$0x3FAD] =	sst s0  }
0x9: {  	[smem:$0x3FAE] =	sst s1  }
0xa: {  	[smem:$0x3FAF] =	sst s2  }
0xb: {  	[smem:$0x3FB0] =	sst s3  }
0xc: {  	[smem:$0x3FB1] =	sst s4  }
0xd: {  	[smem:$0x3FB2] =	sst s5  }
0xe: {  	[smem:$0x3FB3] =	sst s6  }
0xf: {  	[smem:$0x3FB4] =	sst s7  }
0x10: {  	[smem:$0x3FB5] =	sst s8  }
0x11: {  	[smem:$0x3FB6] =	sst s9;
	s0 =	simm.s32 @!p0 $0x0  }
0x12: {  	s1 =	sld [smem:$0x3F9C];
	s0 =	simm.s32 @p0 $0x1  }
0x13: {  	[smem:$0x3FB7] =	sst s0;
	s0 =	simm.s32 @!p1 $0x0  }
0x14: {  	s2 =	sld [smem:$0x3F9B];
	s0 =	simm.s32 @p1 $0x1  }
0x15: {  	[smem:$0x3FB8] =	sst s0;
	s0 =	simm.s32 @!p2 $0x0  }
0x16: {  	s3 =	sld [smem:$0x3FDB];
	s0 =	simm.s32 @p2 $0x1  }
0x17: {  	s4 =	simm.s32 $0x1BF5;
	[smem:$0x3FBA] =	sst s0  }
0x18: {  	s0 =	sld [smem:$0x3F9D];
	_ =	swait.ge [sflag:s4], $0x0  }
0x19: {  	s7 =	sld [smem:$0x3F9E]  }
0x1a: {  	s8 =	sadd.s32 $0xFFFFE003, lr  }
0x1b: {  	s9 =	sadd.s32 $0xFFFFFEF7, lr;
	s5 =	simm.s32 $0xFFFFFFFF;
	p2 =	slt.u32 s8, $0xFFFFF086  }
0x1c: {  	p1 =	slt.u32 s9, $0xF7A;
	s5 =	simm.s32 @!p2 $0x0  }
0x1d: {  	s5 =	simm.s32 @p1 $0x1;
	p0 =	seq.s32 s7, s2  }
0x1e: {  	s7 =	smul.u32 @!p0 $0xF7A, s2;
	p2 =	seq.s32 @!p0 s5, $0x0  }
0x1f: {  	s9 =	smul.u32 $0xF7A, s1;
	s8 =	simm.s32 @!p0 $0x1BF5;
	p2 =	por !p2, p0  }
0x20: {  	[sflag:s8] =	ssyncset.s32 @!p0 $0xFFFFF086;
	s6 =	sadd.s32 @!p0 s3, s7;
	s7 =	simm.s32 @!p0 $0x108  }
0x21: {  	s3 =	sadd.s32 s3, s9;
	s6 =	sadd.s32 @!p0 $0x88, s6;
	s7 =	simm.s32 @p2 $0x1082  }
0x22: {  	[simem:s7], [sflag:s8] =	dma.local @!p0 [hbm:s6], $0xF7A  }
0x23: {  	s9 =	sor.u32 $0xD0000000, s2;
	s6 =	simm.s32 $0x108;
	_ =	swait.ge @!p0 [sflag:s8], $0x0  }
0x24: {  	s3 =	sadd.s32 $0x88, s3;
	s6 =	simm.s32 @!p1 $0x1082;
	[sflag:s4] =	ssyncset.s32 $0xFFFFF086  }
0x25: {  	[simem:s6], [sflag:s4] =	dma.local [hbm:s3], $0xF7A  }
0x26: {  	[smem:$0x3F9E] =	sst s1;
	(tag) =	ssettag s2;
	_ =	strace s9  }
0x27: {  	s1 =	sld [smem:$0x3FAE]  }
0x28: {  	s2 =	sld [smem:$0x3FAF]  }
0x29: {  	s4 =	sld [smem:$0x3FB1]  }
0x2a: {  	p0 =	seq.s32 s5, $0x0;
	s5 =	sld [smem:$0x3FB2]  }
0x2b: {  	s6 =	sld [smem:$0x3FB3]  }
0x2c: {  	s7 =	sld [smem:$0x3FB4]  }
0x2d: {  	s3 =	simm.s32 $0x108;
	s8 =	sld [smem:$0x3FB5]  }
0x2e: {  	s3 =	simm.s32 @!p0 $0x1082;
	s9 =	sld [smem:$0x3FB6]  }
0x2f: {  	lr =	sadd.s32 s0, s3;
	s0 =	sld [smem:$0x3FAD]  }
0x30: {  	s3 =	sld [smem:$0x3FB0]  }
0x31: {  	[smem:$0x3FB9] =	sst s10  }
0x32: {  	s10 =	sld [smem:$0x3FB7];
	_ =	sdelay $0x3  }
0x33: {  	p0 =	seq.s32 s10, $0x1;
	s10 =	sld [smem:$0x3FB9];
	_ =	sdelay $0x3  }
0x34: {  	[smem:$0x3FB9] =	sst s10  }
0x35: {  	s10 =	sld [smem:$0x3FB8];
	_ =	sdelay $0x3  }
0x36: {  	p1 =	seq.s32 s10, $0x1;
	s10 =	sld [smem:$0x3FB9];
	_ =	sdelay $0x3  }
0x37: {  	[smem:$0x3FB9] =	sst s10  }
0x38: {  	s10 =	sld [smem:$0x3FBA]  }
0x39: {  	_ = 	snop;
	(pc) =	sbr.ind lr, $3  }
0x3a: {  	_ = 	snop  }
0x3b: {  	_ = 	snop  }
0x3c: {  	p2 =	seq.s32 s10, $0x1;
	s10 =	sld [smem:$0x3FB9]  }
0x3d: {  	_ =	shalt  }
0x3e: {  	_ =	shalt  }
0x3f: {  	_ =	shalt  }
0x40: {  	_ =	shalt  }
0x41: {  	_ =	shalt  }
0x42: {  	_ =	shalt  }
0x43: {  	_ =	shalt  }
0x44: {  	_ =	shalt  }
0x45: {  	_ =	shalt  }
0x46: {  	_ =	shalt  }
0x47: {  	_ =	shalt  }
0x48: {  	_ =	shalt  }
0x49: {  	_ =	shalt  }
0x4a: {  	_ =	shalt  }
0x4b: {  	_ =	shalt  }
0x4c: {  	_ =	shalt  }
0x4d: {  	_ =	shalt  }
0x4e: {  	_ =	shalt  }
0x4f: {  	_ =	shalt  }
0x50: {  	_ =	shalt  }
0x51: {  	_ =	shalt  }
0x52: {  	_ =	shalt  }
0x53: {  	_ =	shalt  }
0x54: {  	_ =	shalt  }
0x55: {  	_ =	shalt  }
0x56: {  	_ =	shalt  }
0x57: {  	_ =	shalt  }
0x58: {  	_ =	shalt  }
0x59: {  	_ =	shalt  }
0x5a: {  	_ =	shalt  }
0x5b: {  	_ =	shalt  }
0x5c: {  	_ =	shalt  }
0x5d: {  	_ =	shalt  }
0x5e: {  	_ =	shalt  }
0x5f: {  	_ =	shalt  }
0x60: {  	_ =	shalt  }
0x61: {  	_ =	shalt  }
0x62: {  	_ =	shalt  }
0x63: {  	_ =	shalt  }
0x64: {  	_ =	shalt  }
0x65: {  	_ =	shalt  }
0x66: {  	_ =	shalt  }
0x67: {  	_ =	shalt  }
0x68: {  	_ =	shalt  }
0x69: {  	_ =	shalt  }
0x6a: {  	_ =	shalt  }
0x6b: {  	_ =	shalt  }
0x6c: {  	_ =	shalt  }
0x6d: {  	_ =	shalt  }
0x6e: {  	_ =	shalt  }
0x6f: {  	_ =	shalt  }
0x70: {  	_ =	shalt  }
0x71: {  	_ =	shalt  }
0x72: {  	_ =	shalt  }
0x73: {  	_ =	shalt  }
0x74: {  	_ =	shalt  }
0x75: {  	_ =	shalt  }
0x76: {  	_ =	shalt  }
0x77: {  	_ =	shalt  }
0x78: {  	_ =	shalt  }
0x79: {  	_ =	shalt  }
0x7a: {  	_ =	shalt  }
0x7b: {  	_ =	shalt  }
0x7c: {  	_ =	shalt  }
0x7d: {  	_ =	shalt  }
0x7e: {  	_ =	shalt  }
0x7f: {  	_ =	shalt  }
0x80: {  	_ =	shalt  }
0x81: {  	_ =	shalt  }
0x82: {  	_ =	shalt  }
0x83: {  	_ =	shalt  }
0x84: {  	_ =	shalt  }
0x85: {  	_ =	shalt  }
0x86: {  	_ =	shalt  }
0x87: {  	_ =	shalt  }
.Lfunc_end0:
.L_simem_size_0:
called_computation_lowered:
.L_overlay_start_0:
0x88: {  	s2 =	sld [smem:$0x3FD9]  }
0x89: {  	s3 =	sld [smem:$0x3FFE];
	_ =	sdelay $0x1  }
0x8a: {  	s1 =	srdreg.scid  }
0x8b: {  	s0 =	sand.u32 $0x1, s1  }
0x8c: {  	s17 =	sshll.u32 s0, $0xA;
	s2 =	sadd.s32 s3, s2  }
0x8d: {  	s2 =	sadd.s32 s2, s17  }
0x8e: {  	[smem:$0x3FC5] =	sst s2  }
0x8f: {  	_ = 	snop  }
0x90: {  	s2 =	sld [smem:$0x3FC8]  }
0x91: {  	s18 =	sld [smem:$0x3FD0];
	(tm) =	ssettm $0x1  }
0x92: {  	s4 =	sld [smem:$0x3FFB];
	_ =	sdelay $0x3  }
0x93: {  	_ =	strace s4  }
0x94: {  	s4 =	sld [smem:$0x3FFC];
	_ =	sdelay $0x3  }
0x95: {  	_ =	strace s4  }
0x96: {  	s4 =	sld [smem:$0x3FFD];
	_ =	sdelay $0x3  }
0x97: {  	_ =	strace s4  }
0x98: {  	_ =	strace $0x8FFFFFFF  }
0x99: {  	s19 =	sld [smem:$0x3FDB];
	_ =	sdelay $0x1  }
0x9a: {  	s5 =	simm.s32 $_scs_section_size  }
0x9b: {  	s6 =	simm.s32 $_size__tile_overlayer_lowered;
	s7 =	simm.s32 $_tile_overlayer_lowered  }
0x9c: {  	s22 =	simm.s32 $0x1BFF;
	s21 =	sshll.u32 s7, $0x1;
	s4 =	sadd.s32 s5, s19  }
0x9d: {  	s8 =	simm.s32 $0x0;
	s20 =	sshll.u32 s6, $0x1;
	s6 =	sadd.s32 s21, s4  }
0x9e: {  	[timem:s8], [sflag:s22] =	dma.local [hbm:s6], s20  }
0x9f: {  	_ =	swait.ge [sflag:s22], s20  }
0xa0: {  	s5 =	ssub.s32 $0x0, s20;
	[sflag:s22] =	ssyncset.done $0x0  }
0xa1: {  	[sflag:s22] =	ssyncadd.s32 s5;
	_ =	sdelay $0x1  }
0xa2: {  	s23 =	simm.s32 $0x1B8B  }
0xa3: {  	_ =	swait.ge [sflag:s23], $0x1  }
0xa4: {  	[sflag:s23] =	ssyncset.done $0x0  }
0xa5: {  	s25 =	simm.s32 $0x1B8E;
	s24 =	sld [smem:$0x3FFE];
	[sflag:s23] =	ssyncadd.s32 $0xFFFFFFFF  }
0xa6: {  	s26 =	simm.s32 $execute0_lowered;
	[smem:$0x3FD2] =	sst s25  }
0xa7: {  	s6 =	sshll.u32 s26, $0x1;
	_ =	strace $0x80000046;
	[dreg:$0x1] =	wrdreg $0xFFFFFFFF  }
0xa8: {  	s28 =	simm.s32 $_size_execute0_lowered;
	s4 =	sadd.s32 s4, s6;
	[dreg:$0x0] =	wrdreg $0x0  }
0xa9: {  	s6 =	sshll.u32 s28, $0x1;
	[dreg:$0x2] =	wrdreg s4  }
0xaa: {  	[dreg:$0x3] =	wrdreg s6  }
0xab: {  	[dreg:$0x4] =	wrdreg $0xC0  }
0xac: {  	_ =	task [dreg:s8], $0x5FFFF  }
0xad: {  	[dreg:$0x1] =	wrdreg $0xFFFFFFFF  }
0xae: {  	[dreg:$0x0] =	wrdreg $0x60  }
0xaf: {  	[dreg:$0x2] =	wrdreg s24  }
0xb0: {  	[dreg:$0x3] =	wrdreg s2  }
0xb1: {  	[dreg:$0x4] =	wrdreg s18  }
0xb2: {  	[dreg:$0x5] =	wrdreg $0xE000  }
0xb3: {  	[dreg:$0x6] =	wrdreg $0x102280  }
0xb4: {  	[dreg:$0x7] =	wrdreg $0x9  }
0xb5: {  	_ =	task.clear_ibuf [dreg:s8], $0x8FFFF;
	_ =	strace $0x90000046  }
0xb6: {  	s29 =	simm.s32 $0x9;
	_ =	strace $0x80000048  }
0xb7: {  	_ =	swait.ge [sflag:s29], $0x1  }
0xb8: {  	[sflag:s29] =	ssyncadd.s32 $0xFFFFFFFF  }
0xb9: {  	_ =	strace $0x90000048  }
0xba: {  	_ =	sfence  }
0xbb: {  	s30 =	sld [smem:$0x0];
	_ =	sdelay $0x2  }
0xbc: {  	s31 =	sshll.u32 s1, $0xD;
	s1 =	sshrl.u32 s1, $0x2  }
0xbd: {  	s3 =	sand.u32 $0x4000, s31;
	s1 =	sadd.s32 s1, s30  }
0xbe: {  	s0 =	sor.u32 s3, s0;
	s1 =	sshll.u32 s1, $0x11  }
0xbf: {  	s0 =	sor.u32 s1, s0  }
0xc0: {  	s0 =	sadd.s32 $0x8F2B, s0  }
0xc1: {  	[sflag:s0] =	ssyncadd.remote.s32 $0x1  }
0xc2: {  	_ =	sfence.sel $0xFFFF  }
0xc3: {  	[dreg:$0x0] =	wrdreg $0xFFFFFFFF;
	(pc) =	sbr.abs _section_cstart, $3  }
0xc4: {  	[dreg:$0x1] =	wrdreg $0xFFFFFFFF  }
0xc5: {  	_ =	task.clear_ibuf [dreg:s8], $0x2FFFF;
	_ =	strace $0x9FFFFFFF  }
0xc6: {  	(tm) =	ssettm $0x7FFFFFFF  }
0xc7: {  	_ =	shalt  }
tec
execute0_lowered:
.L_overlay_start_1:
0x0: {  	(tag) =	ssettag $0x1  }
0x1: {  	s0 =	rddreg [dreg:$0x0]  }
0x2: {  	s2 =	rddreg [dreg:$0x1]  }
0x3: {  	s15 =	rddreg [dreg:$0x3]  }
0x4: {  	s1 =	simm.s32 $0x0;
	s21 =	srdreg.scid;
	s5 =	stileid.u32  }
0x5: {  	s31 =	simm.s32 $0x100;
	[smem:$0x7FF] =	sst s1;
	s4 =	sshll.u32 s5, $0xE  }
0x6: {  	s1 =	sand.u32 $0x1, s21;
	_ =	strace $0x80000047;
	[dreg:$0x9] =	wrdreg s4  }
0x7: {  	s6 =	sshll.u32 s5, $0x8;
	s8 =	sor.u32 $0x1000, s4;
	[dreg:$0xe] =	wrdreg s31  }
0x8: {  	s7 =	ssub.s32 $0x2, s1;
	s23 =	sor.u32 $0x2000, s4;
	[dreg:$0x6] =	wrdreg s8  }
0x9: {  	s0 =	sadd.s32 s6, s0;
	s26 =	sshll.u32 s1, $0x5;
	[dreg:$0x7] =	wrdreg s23  }
0xa: {  	s24 =	smul.u32 $0x3D0A00, s1;
	s25 =	sor.u32 $0x3000, s4;
	[dreg:$0xf] =	wrdreg s26  }
0xb: {  	s30 =	sshll.u32 s1, $0xC;
	s1 =	sshll.u32 s1, $0x14;
	[dreg:$0x8] =	wrdreg s25  }
0xc: {  	v0 =	vimm.s32 $0xECA86420;
	vm0 =	vcmask $0xB08;
	vm1 =	vcmask $0x1310;
	s28 =	sadd.s32 $0x1800, s0;
	[dreg:$0x12] =	wrdreg s1  }
0xd: {  	vm2 =	vcmask $0x1B18;
	vm4 =	vcmask $0x300;
	vm5 =	vcmask $0x2320;
	p6 =	sne.s32 s5, $0x0;
	s0 =	sadd.s32 $0x800, s0;
	[dreg:$0xd] =	wrdreg s28  }
0xe: {  	vm6 =	vcmask $0x2B28;
	vm7 =	vcmask $0x3330;
	vm8 =	vcmask $0x3B38;
	s22 =	sshrl.u32 s7, $0x1;
	s2 =	sadd.s32 s2, s24;
	[dreg:$0xc] =	wrdreg s0  }
0xf: {  	v1 =	vlaneseq.u32;
	vm10 =	vmmov $0xff;
	vm9 =	vcmask $0x704;
	s6 =	ssub.s32 s7, s22;
	s0 =	sor.u32 $0x80, s30;
	[dreg:$0x10] =	wrdreg s2  }
0x10: {  	vm11 =	vcmask $0xF0C;
	vm12 =	vcmask $0x1714;
	p1 =	seq.s32 s5, $0x0;
	v0 =	vunpack.c.l.s4.s8 v0;
	s29 =	smax.u32 s6, $0x1;
	[dreg:$0xa] =	wrdreg s0  }
0x11: {  	vm13 =	vcmask $0x1F1C;
	vm14 =	vcmask $0x2724;
	vm15 =	vcmask $0x2F2C;
	s8 =	simm.s32 $0x80;
	s0 =	sshrl.u32 @!p6 s15, $0x3;
	[dreg:$0x11] =	wrdreg s29  }
0x12: {  	vm3 =	vcmask $0x3734;
	v1 =	vmul.u32 $0x2, v1;
	s23 =	simm.s32 $0x3;
	v0 =	vunpack.c.0.s8.s32 v0;
	s1 =	simm.s32 $0x0;
	[dreg:$0x13] =	wrdreg s0  }
.LBB2_1:
0x13: {  	[dreg:$0x14] =	wrdreg s1  }
0x14: {  	s1 =	simm.s32 @!p6 $0x1;
	s5 =	simm.s32 @!p6 $0x10;
	s0 =	rddreg [dreg:$0x10]  }
0x15: {  	s6 =	simm.s32 @!p6 $0x80;
	s7 =	simm.s32 @!p6 $0x1C01;
	s2 =	rddreg [dreg:$0x13]  }
0x16: {  	[spmem:s2@s5], [sflag:s7] =	dma.strided @!p6 [hbm:s0@s6], $0x1E850, s1, $0x10   }
0x17: {  	s14 =	smov.u32 s15;
	s24 =	simm.s32 $0x280;
	s0 =	simm.s32 $0x0  }
.LBB2_2:
0x18: {  	[dreg:$0x16] =	wrdreg s0  }
0x19: {  	[dreg:$0x15] =	wrdreg s24  }
0x1a: {  	s1 =	rddreg [dreg:$0xc]  }
0x1b: {  	s29 =	simm.s32 $0x0;
	s4 =	simm.s32 $0x5;
	s1 =	sadd.s32 s0, s1  }
0x1c: {  	[tilespmem:s29], [sflag:$0x5] =	stream.linear.gather [hbm4b:s1+s29], $0x100, $0x38;
	[tilespmem:$0x1F650] =	vst v63  }
0x1d: {  	_ =	swait.ge [sflag:s4], $0x100  }
0x1e: {  	s30 =	rddreg [dreg:$0xd]  }
0x1f: {  	[sflag:s4] =	ssyncset.done $0x0;
	s2 =	rddreg [dreg:$0x16]  }
0x20: {  	s5 =	rddreg [dreg:$0xe];
	[sflag:s4] =	ssyncadd.s32 $0xFFFFFF00;
	s1 =	sadd.s32 s2, s30  }
0x21: {  	[tilespmem:s5], [sflag:$0x5] =	stream.linear.gather [hbm4b:s1+s29], $0x100, $0x38;
	[tilespmem:$0x1F650] =	vst v63  }
0x22: {  	_ =	swait.ge [sflag:s4], $0x100  }
0x23: {  	[sflag:s4] =	ssyncset.done $0x0  }
0x24: {  	[sflag:s4] =	ssyncadd.s32 $0xFFFFFF00  }
0x25: {  	v2 =	vld [tilespmem:$0x100];
	_ =	sdelay $0x1  }
0x26: {  	v3 =	vld [tilespmem:$0x0];
	_ =	sdelay $0x2  }
0x27: {  	v2 =	vmul.u32 $0x16A95, v2;
	_ =	sdelay $0x1  }
0x28: {  	v2 =	vadd.s32 v3, v2  }
0x29: {  	(v2sf) =	vpush v2, $0xD;
	_ =	sdelay $0x1  }
0x2a: {  	(v2sf) =	vpush v2, $0xC;
	_ =	sdelay $0x1  }
0x2b: {  	(v2sf) =	vpush v2, $0xE;
	_ =	sdelay $0x1  }
0x2c: {  	(v2sf) =	vpush v2, $0xF;
	_ =	sdelay $0x1  }
0x2d: {  	(v2sf) =	vpush v2, $0x9;
	_ =	sdelay $0x1  }
0x2e: {  	(v2sf) =	vpush v2, $0x8;
	_ =	sdelay $0x1  }
0x2f: {  	(v2sf) =	vpush v2, $0xA;
	_ =	sdelay $0x1  }
0x30: {  	(v2sf) =	vpush v2, $0xB  }
0x31: {  	s31 =	spop (v2sf)  }
0x32: {  	(v2sf) =	vpush v2, $0x0;
	s0 =	smulhi.u32 $0x431BDE83, s31;
	s1 =	sshra.s32 s31, $0x1F  }
0x33: {  	s6 =	spop (v2sf);
	s1 =	smul.u32 $0x431BDE83, s1  }
0x34: {  	(v2sf) =	vpush v2, $0x1;
	s7 =	smulhi.u32 $0x431BDE83, s6;
	s6 =	sshra.s32 s6, $0x1F  }
0x35: {  	(v2sf) =	vpush v2, $0x2;
	s9 =	spop (v2sf);
	s6 =	smul.u32 $0x431BDE83, s6  }
0x36: {  	(v2sf) =	vpush v2, $0x3;
	s10 =	smulhi.u32 $0x431BDE83, s9;
	s9 =	sshra.s32 s9, $0x1F  }
0x37: {  	s11 =	spop (v2sf);
	(v2sf) =	vpush v2, $0x4;
	s9 =	smul.u32 $0x431BDE83, s9  }
0x38: {  	s3 =	sadd.s32 s1, s0;
	s12 =	smulhi.u32 $0x431BDE83, s11;
	s1 =	sshra.s32 s11, $0x1F;
	(v2sf) =	vpush v2, $0x5  }
0x39: {  	s4 =	spop (v2sf);
	s11 =	smul.u32 $0x431BDE83, s1;
	(v2sf) =	vpush v2, $0x6  }
0x3a: {  	s13 =	smulhi.u32 $0x431BDE83, s4;
	s5 =	sshra.s32 s4, $0x1F;
	(v2sf) =	vpush v2, $0x7  }
0x3b: {  	s15 =	sadd.s32 s6, s7;
	s7 =	spop (v2sf);
	s17 =	smul.u32 $0x431BDE83, s5  }
0x3c: {  	s2 =	sshrl.u32 s3, $0x1F;
	s16 =	smulhi.u32 $0x431BDE83, s7;
	s6 =	sshra.s32 s7, $0x1F  }
0x3d: {  	s25 =	sadd.s32 s9, s10;
	s19 =	spop (v2sf);
	s21 =	smul.u32 $0x431BDE83, s6  }
0x3e: {  	s26 =	sadd.s32 s11, s12;
	s11 =	smulhi.u32 $0x431BDE83, s19;
	s9 =	sshra.s32 s19, $0x1F  }
0x3f: {  	s3 =	sshra.s32 s3, $0x12;
	s22 =	spop (v2sf);
	s4 =	smul.u32 $0x431BDE83, s9  }
0x40: {  	[dreg:$0x17] =	wrdreg s2;
	s29 =	smulhi.u32 $0x431BDE83, s22;
	s12 =	sshra.s32 s22, $0x1F  }
0x41: {  	s20 =	sshrl.u32 s15, $0x1F;
	s31 =	smul.u32 $0x431BDE83, s12;
	s28 =	spop (v2sf)  }
0x42: {  	s9 =	sadd.s32 s17, s13;
	s22 =	smulhi.u32 $0x431BDE83, s28;
	s30 =	sshra.s32 s28, $0x1F  }
0x43: {  	s12 =	sadd.s32 s21, s16;
	s28 =	spop (v2sf);
	s0 =	smul.u32 $0x431BDE83, s30  }
0x44: {  	s5 =	spop (v2sf);
	s30 =	smulhi.u32 $0x431BDE83, s28;
	s6 =	sshra.s32 s28, $0x1F  }
0x45: {  	s4 =	sadd.s32 s4, s11;
	s28 =	spop (v2sf);
	s16 =	smul.u32 $0x431BDE83, s6  }
0x46: {  	s1 =	smulhi.u32 $0x431BDE83, s5;
	s10 =	sshra.s32 s5, $0x1F;
	s13 =	spop (v2sf)  }
0x47: {  	s11 =	smul.u32 $0x431BDE83, s10;
	s10 =	sadd.s32 s31, s29;
	s2 =	spop (v2sf)  }
0x48: {  	s29 =	smulhi.u32 $0x431BDE83, s28;
	s28 =	sshra.s32 s28, $0x1F;
	s5 =	spop (v2sf)  }
0x49: {  	s18 =	sshrl.u32 s25, $0x1F;
	s28 =	smul.u32 $0x431BDE83, s28;
	s6 =	spop (v2sf)  }
0x4a: {  	s21 =	sadd.s32 s0, s22;
	s22 =	smulhi.u32 $0x431BDE83, s6;
	s31 =	sshra.s32 s6, $0x1F  }
0x4b: {  	s19 =	sshrl.u32 s26, $0x1F;
	s0 =	sadd.s32 s16, s30;
	s16 =	smul.u32 $0x431BDE83, s31  }
0x4c: {  	s17 =	sshrl.u32 s9, $0x1F;
	s7 =	sshrl.u32 s12, $0x1F;
	s1 =	sadd.s32 s11, s1  }
0x4d: {  	s28 =	sadd.s32 s28, s29;
	s29 =	smulhi.u32 $0x431BDE83, s13;
	s11 =	sadd.s32 s16, s22  }
0x4e: {  	v4 =	vmov s20;
	s13 =	sshra.s32 s13, $0x1F;
	s20 =	sshrl.u32 s1, $0x1F;
	s30 =	sshra.s32 s11, $0x1F  }
0x4f: {  	s6 =	sshrl.u32 s10, $0x1F;
	s13 =	smul.u32 $0x431BDE83, s13;
	s16 =	sshra.s32 s21, $0x12;
	v3 =	vmov s30  }
0x50: {  	s31 =	sshrl.u32 s4, $0x1F;
	s22 =	sshrl.u32 s21, $0x1F;
	v3 =	vsel vm4, s16, v3;
	s16 =	sshra.s32 s21, $0x1F  }
0x51: {  	v6 =	vmov s7;
	s7 =	sadd.s32 s13, s29;
	s13 =	sshra.s32 s1, $0x1F;
	v5 =	vmov s22;
	s22 =	sshra.s32 s0, $0x12;
	v3 =	vsel vm9, s16, v3  }
0x52: {  	v6 =	vsel vm0, s17, v6;
	s30 =	sshrl.u32 s0, $0x1F;
	v5 =	vnsel vm4, $0x0, v5;
	s0 =	sshra.s32 s0, $0x1F;
	s21 =	rddreg [dreg:$0x17];
	v3 =	vsel vm0, s22, v3  }
0x53: {  	v5 =	vsel vm0, s30, v5;
	s30 =	sshra.s32 s1, $0x12;
	v4 =	vsel vm0, s21, v4;
	s21 =	smulhi.u32 $0x431BDE83, s2;
	s2 =	sshra.s32 s2, $0x1F;
	v3 =	vsel vm11, s0, v3  }
0x54: {  	v6 =	vsel vm1, s31, v6;
	s29 =	sshra.s32 s15, $0x12;
	v4 =	vsel vm1, s18, v4;
	s18 =	sshrl.u32 s28, $0x1F;
	s2 =	smul.u32 $0x431BDE83, s2;
	v3 =	vsel vm1, s30, v3  }
0x55: {  	v5 =	vsel vm1, s20, v5;
	s22 =	smulhi.u32 $0x431BDE83, s5;
	s5 =	sshra.s32 s5, $0x1F;
	v4 =	vsel vm2, s19, v4;
	s19 =	sshra.s32 s28, $0x12;
	v3 =	vsel vm12, s13, v3  }
0x56: {  	v6 =	vsel vm2, s6, v6;
	v5 =	vsel vm2, s18, v5;
	s18 =	sshrl.u32 s7, $0x1F;
	s2 =	sadd.s32 s2, s21;
	s21 =	sshra.s32 s28, $0x1F;
	v3 =	vsel vm2, s19, v3  }
0x57: {  	s9 =	sshra.s32 s9, $0x12;
	v43 =	vmov s29;
	s5 =	smul.u32 $0x431BDE83, s5;
	v5 =	vsel vm5, s18, v5;
	s28 =	sshra.s32 s7, $0x12;
	v3 =	vsel vm13, s21, v3  }
0x58: {  	s31 =	sshra.s32 s7, $0x1F;
	v4 =	vcombine.low v6, v4;
	s30 =	sshra.s32 s12, $0x12;
	v6 =	vsel vm0, s3, v43;
	s20 =	sshrl.u32 s2, $0x1F;
	v3 =	vsel vm5, s28, v3  }
0x59: {  	s5 =	sadd.s32 s5, s22;
	v7 =	vmov s30;
	s12 =	sshra.s32 s2, $0x12;
	s13 =	sshra.s32 s25, $0x12;
	v5 =	vsel vm6, s20, v5;
	v3 =	vsel vm14, s31, v3  }
0x5a: {  	s15 =	sshra.s32 s4, $0x12;
	s16 =	sshra.s32 s2, $0x1F;
	s22 =	sshrl.u32 s5, $0x1F;
	v7 =	vsel vm0, s9, v7;
	v6 =	vsel vm1, s13, v6;
	v3 =	vsel vm6, s12, v3  }
0x5b: {  	s17 =	sshra.s32 s26, $0x12;
	s18 =	sshra.s32 s10, $0x12;
	s19 =	sshra.s32 s5, $0x12;
	v5 =	vsel vm7, s22, v5;
	v7 =	vsel vm1, s15, v7;
	v3 =	vsel vm15, s16, v3  }
0x5c: {  	s20 =	sshrl.u32 s11, $0x1F;
	v6 =	vsel vm2, s17, v6;
	s21 =	sshra.s32 s5, $0x1F;
	v7 =	vsel vm2, s18, v7;
	v3 =	vsel vm7, s19, v3  }
0x5d: {  	s22 =	sshra.s32 s11, $0x12;
	v5 =	vsel vm8, s20, v5;
	v6 =	vcombine.low v7, v6;
	v3 =	vsel vm3, s21, v3  }
0x5e: {  	v4 =	vperm.xlane v4, v0;
	v5 =	vperm.xlane v5, v1;
	v3 =	vsel vm8, s22, v3  }
0x5f: {  	v6 =	vperm.xlane v6, v0;
	v3 =	vperm.xlane v3, v1;
	_ =	sdelay $0x1  }
0x60: {  	v4 =	vsel vm10, v5, v4;
	v3 =	vsel vm10, v3, v6  }
0x61: {  	v3 =	vadd.s32 v4, v3  }
0x62: {  	v3 =	vmul.u32 $0xF4240, v3;
	_ =	sdelay $0x1  }
0x63: {  	v2 =	vsub.s32 v2, v3  }
0x64: {  	vm9 =	vlt.s32 v2, $0x0;
	v3 =	vadd.s32 $0xF4240, v2  }
0x65: {  	v2 =	vsel vm9, v3, v2  }
0x66: {  	[tilespmem:s24+$0xFFFFFF80] =	vst v2  }
0x67: {  	v2 =	vld [tilespmem:$0x110];
	_ =	sdelay $0x1  }
0x68: {  	v3 =	vld [tilespmem:$0x10];
	_ =	sdelay $0x2  }
0x69: {  	v2 =	vmul.u32 $0x16A95, v2;
	_ =	sdelay $0x1  }
0x6a: {  	v2 =	vadd.s32 v3, v2  }
0x6b: {  	(v2sf) =	vpush v2, $0xD;
	_ =	sdelay $0x1  }
0x6c: {  	(v2sf) =	vpush v2, $0xC;
	_ =	sdelay $0x1  }
0x6d: {  	(v2sf) =	vpush v2, $0xE  }
0x6e: {  	(v2sf) =	vpush v2, $0xF  }
0x6f: {  	(v2sf) =	vpush v2, $0x9  }
0x70: {  	(v2sf) =	vpush v2, $0x8  }
0x71: {  	(v2sf) =	vpush v2, $0xA  }
0x72: {  	(v2sf) =	vpush v2, $0xB;
	_ =	sdelay $0x5  }
0x73: {  	s24 =	spop (v2sf)  }
0x74: {  	(v2sf) =	vpush v2, $0x0;
	s13 =	smulhi.u32 $0x431BDE83, s24;
	s0 =	sshra.s32 s24, $0x1F  }
0x75: {  	s25 =	spop (v2sf);
	s0 =	smul.u32 $0x431BDE83, s0  }
0x76: {  	(v2sf) =	vpush v2, $0x1;
	s15 =	smulhi.u32 $0x431BDE83, s25;
	s1 =	sshra.s32 s25, $0x1F  }
0x77: {  	(v2sf) =	vpush v2, $0x2;
	s26 =	spop (v2sf);
	s1 =	smul.u32 $0x431BDE83, s1  }
0x78: {  	(v2sf) =	vpush v2, $0x3;
	s28 =	spop (v2sf);
	s19 =	smulhi.u32 $0x431BDE83, s26;
	s2 =	sshra.s32 s26, $0x1F  }
0x79: {  	s29 =	spop (v2sf);
	(v2sf) =	vpush v2, $0x4;
	s2 =	smul.u32 $0x431BDE83, s2  }
0x7a: {  	s20 =	smulhi.u32 $0x431BDE83, s28;
	s5 =	sshra.s32 s28, $0x1F;
	s30 =	spop (v2sf);
	(v2sf) =	vpush v2, $0x5  }
0x7b: {  	s21 =	smul.u32 $0x431BDE83, s5;
	s31 =	spop (v2sf);
	(v2sf) =	vpush v2, $0x6  }
0x7c: {  	s22 =	smulhi.u32 $0x431BDE83, s29;
	s25 =	sshra.s32 s29, $0x1F;
	s10 =	spop (v2sf);
	(v2sf) =	vpush v2, $0x7  }
0x7d: {  	s26 =	smul.u32 $0x431BDE83, s25  }
0x7e: {  	s4 =	smulhi.u32 $0x431BDE83, s30;
	s24 =	sshra.s32 s30, $0x1F  }
0x7f: {  	s3 =	sadd.s32 s0, s13;
	s25 =	smul.u32 $0x431BDE83, s24  }
0x80: {  	s7 =	sadd.s32 s1, s15;
	s11 =	smulhi.u32 $0x431BDE83, s31;
	s31 =	sshra.s32 s31, $0x1F  }
0x81: {  	s28 =	sshrl.u32 s3, $0x1F;
	s29 =	sshrl.u32 s7, $0x1F;
	s30 =	smul.u32 $0x431BDE83, s31  }
0x82: {  	s6 =	sadd.s32 s2, s19;
	s5 =	smulhi.u32 $0x431BDE83, s10;
	s13 =	sshra.s32 s10, $0x1F  }
0x83: {  	s15 =	sadd.s32 s21, s20;
	s12 =	spop (v2sf);
	s10 =	smul.u32 $0x431BDE83, s13  }
0x84: {  	s31 =	sshrl.u32 s6, $0x1F;
	s19 =	smulhi.u32 $0x431BDE83, s12;
	s12 =	sshra.s32 s12, $0x1F  }
0x85: {  	s9 =	sadd.s32 s26, s22;
	s16 =	spop (v2sf);
	s21 =	smul.u32 $0x431BDE83, s12  }
0x86: {  	s17 =	spop (v2sf);
	s22 =	smulhi.u32 $0x431BDE83, s16;
	s24 =	sshra.s32 s16, $0x1F  }
0x87: {  	s13 =	sadd.s32 s25, s4;
	s18 =	spop (v2sf);
	s25 =	smul.u32 $0x431BDE83, s24  }
0x88: {  	s12 =	smulhi.u32 $0x431BDE83, s17;
	s17 =	sshra.s32 s17, $0x1F;
	s4 =	spop (v2sf)  }
0x89: {  	s30 =	sadd.s32 s30, s11;
	s11 =	smul.u32 $0x431BDE83, s17;
	s1 =	spop (v2sf)  }
0x8a: {  	s2 =	smulhi.u32 $0x431BDE83, s18;
	s18 =	sshra.s32 s18, $0x1F;
	s17 =	spop (v2sf)  }
0x8b: {  	s10 =	sadd.s32 s10, s5;
	s18 =	smul.u32 $0x431BDE83, s18;
	s5 =	spop (v2sf)  }
0x8c: {  	s19 =	sadd.s32 s21, s19;
	s21 =	smulhi.u32 $0x431BDE83, s5;
	s24 =	sshra.s32 s5, $0x1F  }
0x8d: {  	v44 =	vmov s29;
	s20 =	sshrl.u32 s15, $0x1F;
	s0 =	sadd.s32 s25, s22;
	s25 =	smul.u32 $0x431BDE83, s24  }
0x8e: {  	v4 =	vsel vm0, s28, v44;
	s26 =	sshrl.u32 s9, $0x1F;
	s16 =	sshrl.u32 s13, $0x1F;
	s12 =	sadd.s32 s11, s12  }
0x8f: {  	v4 =	vsel vm1, s31, v4;
	s29 =	sshra.s32 s0, $0x12;
	s2 =	sadd.s32 s18, s2;
	s11 =	sadd.s32 s25, s21  }
0x90: {  	v4 =	vsel vm2, s20, v4;
	s20 =	sshra.s32 s12, $0x12;
	s31 =	sshrl.u32 s2, $0x1F;
	s22 =	sshra.s32 s11, $0x1F  }
0x91: {  	s18 =	smulhi.u32 $0x431BDE83, s4;
	v3 =	vmov s22;
	s22 =	sshra.s32 s4, $0x1F;
	s4 =	sshra.s32 s19, $0x12  }
0x92: {  	vm9 =	vcmask $0x704;
	s5 =	sshrl.u32 s10, $0x1F;
	s21 =	sshrl.u32 s19, $0x1F;
	s19 =	sshra.s32 s19, $0x1F;
	v3 =	vsel vm4, s4, v3  }
0x93: {  	s24 =	sshrl.u32 s30, $0x1F;
	v45 =	vmov s21;
	s21 =	smulhi.u32 $0x431BDE83, s1;
	s1 =	sshra.s32 s1, $0x1F;
	v3 =	vsel vm9, s19, v3  }
0x94: {  	v46 =	vmov s16;
	s25 =	sshrl.u32 s0, $0x1F;
	s0 =	sshra.s32 s0, $0x1F;
	v5 =	vnsel vm4, $0x0, v45;
	s1 =	smul.u32 $0x431BDE83, s1;
	v3 =	vsel vm0, s29, v3  }
0x95: {  	v6 =	vsel vm0, s26, v46;
	s4 =	smul.u32 $0x431BDE83, s22;
	s22 =	sshrl.u32 s12, $0x1F;
	v5 =	vsel vm0, s25, v5;
	s25 =	sshra.s32 s12, $0x1F;
	v3 =	vsel vm11, s0, v3  }
0x96: {  	v6 =	vsel vm1, s24, v6;
	s19 =	smulhi.u32 $0x431BDE83, s17;
	s17 =	sshra.s32 s17, $0x1F;
	s1 =	sadd.s32 s1, s21;
	v3 =	vsel vm1, s20, v3  }
0x97: {  	v6 =	vsel vm2, s5, v6;
	s21 =	sshra.s32 s3, $0x12;
	s4 =	sadd.s32 s4, s18;
	s29 =	sshra.s32 s2, $0x12;
	v3 =	vsel vm12, s25, v3  }
0x98: {  	v4 =	vcombine.low v6, v4;
	v5 =	vsel vm1, s22, v5;
	s22 =	smul.u32 $0x431BDE83, s17;
	s2 =	sshra.s32 s2, $0x1F;
	s18 =	sshra.s32 s7, $0x12;
	v3 =	vsel vm2, s29, v3  }
0x99: {  	v5 =	vsel vm2, s31, v5;
	s31 =	sshrl.u32 s1, $0x1F;
	s28 =	sshrl.u32 s4, $0x1F;
	s17 =	sshra.s32 s4, $0x12;
	v47 =	vmov s18;
	v3 =	vsel vm13, s2, v3  }
0x9a: {  	v5 =	vsel vm5, s28, v5;
	s16 =	sadd.s32 s22, s19;
	s19 =	sshra.s32 s13, $0x12;
	s20 =	sshra.s32 s4, $0x1F;
	v6 =	vsel vm0, s21, v47;
	v3 =	vsel vm5, s17, v3  }
0x9b: {  	s24 =	sshra.s32 s1, $0x12;
	s22 =	sshra.s32 s9, $0x12;
	v5 =	vsel vm6, s31, v5;
	s12 =	sshrl.u32 s16, $0x1F;
	v48 =	vmov s19;
	v3 =	vsel vm14, s20, v3  }
0x9c: {  	s26 =	sshra.s32 s30, $0x12;
	s28 =	sshra.s32 s1, $0x1F;
	s25 =	sshra.s32 s6, $0x12;
	v5 =	vsel vm7, s12, v5;
	v7 =	vsel vm0, s22, v48;
	v3 =	vsel vm6, s24, v3  }
0x9d: {  	s30 =	sshra.s32 s10, $0x12;
	s31 =	sshra.s32 s16, $0x12;
	v6 =	vsel vm1, s25, v6;
	s29 =	sshra.s32 s15, $0x12;
	v7 =	vsel vm1, s26, v7;
	v3 =	vsel vm15, s28, v3  }
0x9e: {  	s3 =	sshrl.u32 s11, $0x1F;
	s5 =	sshra.s32 s16, $0x1F;
	v6 =	vsel vm2, s29, v6;
	v7 =	vsel vm2, s30, v7;
	v3 =	vsel vm7, s31, v3  }
0x9f: {  	s6 =	sshra.s32 s11, $0x12;
	v5 =	vsel vm8, s3, v5;
	v6 =	vcombine.low v7, v6;
	v3 =	vsel vm3, s5, v3  }
0xa0: {  	v4 =	vperm.xlane v4, v0;
	v5 =	vperm.xlane v5, v1;
	v3 =	vsel vm8, s6, v3  }
0xa1: {  	v6 =	vperm.xlane v6, v0;
	v3 =	vperm.xlane v3, v1;
	_ =	sdelay $0x1  }
0xa2: {  	v4 =	vsel vm10, v5, v4;
	v3 =	vsel vm10, v3, v6  }
0xa3: {  	v3 =	vadd.s32 v4, v3  }
0xa4: {  	v3 =	vmul.u32 $0xF4240, v3;
	_ =	sdelay $0x1  }
0xa5: {  	v2 =	vsub.s32 v2, v3  }
0xa6: {  	vm9 =	vlt.s32 v2, $0x0;
	v3 =	vadd.s32 $0xF4240, v2  }
0xa7: {  	s7 =	rddreg [dreg:$0x15];
	v2 =	vsel vm9, v3, v2  }
0xa8: {  	[tilespmem:s7+$0xFFFFFF90] =	vst v2  }
0xa9: {  	v2 =	vld [tilespmem:$0x120];
	_ =	sdelay $0x1  }
0xaa: {  	v3 =	vld [tilespmem:$0x20];
	_ =	sdelay $0x2  }
0xab: {  	v2 =	vmul.u32 $0x16A95, v2;
	_ =	sdelay $0x1  }
0xac: {  	v2 =	vadd.s32 v3, v2  }
0xad: {  	(v2sf) =	vpush v2, $0xD;
	_ =	sdelay $0x1  }
0xae: {  	(v2sf) =	vpush v2, $0xC;
	_ =	sdelay $0x1  }
0xaf: {  	(v2sf) =	vpush v2, $0xE;
	_ =	sdelay $0x1  }
0xb0: {  	(v2sf) =	vpush v2, $0xF;
	_ =	sdelay $0x1  }
0xb1: {  	(v2sf) =	vpush v2, $0x9;
	_ =	sdelay $0x1  }
0xb2: {  	(v2sf) =	vpush v2, $0x8;
	_ =	sdelay $0x1  }
0xb3: {  	(v2sf) =	vpush v2, $0xA;
	_ =	sdelay $0x1  }
0xb4: {  	(v2sf) =	vpush v2, $0xB  }
0xb5: {  	s9 =	spop (v2sf)  }
0xb6: {  	(v2sf) =	vpush v2, $0x0;
	s10 =	smulhi.u32 $0x431BDE83, s9;
	s0 =	sshra.s32 s9, $0x1F  }
0xb7: {  	(v2sf) =	vpush v2, $0x1;
	s11 =	spop (v2sf);
	s0 =	smul.u32 $0x431BDE83, s0  }
0xb8: {  	(v2sf) =	vpush v2, $0x2;
	s12 =	smulhi.u32 $0x431BDE83, s11;
	s2 =	sshra.s32 s11, $0x1F  }
0xb9: {  	(v2sf) =	vpush v2, $0x3;
	s13 =	spop (v2sf);
	s2 =	smul.u32 $0x431BDE83, s2  }
0xba: {  	(v2sf) =	vpush v2, $0x4;
	s15 =	smulhi.u32 $0x431BDE83, s13;
	s5 =	sshra.s32 s13, $0x1F  }
0xbb: {  	(v2sf) =	vpush v2, $0x5;
	s16 =	spop (v2sf);
	s5 =	smul.u32 $0x431BDE83, s5  }
0xbc: {  	(v2sf) =	vpush v2, $0x6;
	s17 =	smulhi.u32 $0x431BDE83, s16;
	s7 =	sshra.s32 s16, $0x1F  }
0xbd: {  	s3 =	sadd.s32 s0, s10;
	s20 =	spop (v2sf);
	(v2sf) =	vpush v2, $0x7;
	s19 =	smul.u32 $0x431BDE83, s7  }
0xbe: {  	s26 =	sshrl.u32 s3, $0x1F;
	s21 =	smulhi.u32 $0x431BDE83, s20;
	s22 =	sshra.s32 s20, $0x1F  }
0xbf: {  	s7 =	sadd.s32 s2, s12;
	s24 =	spop (v2sf);
	s4 =	smul.u32 $0x431BDE83, s22  }
0xc0: {  	s16 =	sshrl.u32 s7, $0x1F;
	s25 =	smulhi.u32 $0x431BDE83, s24;
	s28 =	sshra.s32 s24, $0x1F  }
0xc1: {  	s15 =	sadd.s32 s5, s15;
	s29 =	spop (v2sf);
	s10 =	smul.u32 $0x431BDE83, s28  }
0xc2: {  	s18 =	sshrl.u32 s15, $0x1F;
	s0 =	smulhi.u32 $0x431BDE83, s29;
	s30 =	sshra.s32 s29, $0x1F  }
0xc3: {  	s6 =	sadd.s32 s19, s17;
	s31 =	spop (v2sf);
	s13 =	smul.u32 $0x431BDE83, s30  }
0xc4: {  	s19 =	sshrl.u32 s6, $0x1F;
	s1 =	smulhi.u32 $0x431BDE83, s31;
	s20 =	sshra.s32 s31, $0x1F  }
0xc5: {  	s9 =	sadd.s32 s4, s21;
	s21 =	spop (v2sf);
	s4 =	smul.u32 $0x431BDE83, s20  }
0xc6: {  	s20 =	smulhi.u32 $0x431BDE83, s21;
	s22 =	sshra.s32 s21, $0x1F;
	s24 =	spop (v2sf)  }
0xc7: {  	s12 =	sadd.s32 s10, s25;
	s25 =	smul.u32 $0x431BDE83, s22;
	s31 =	spop (v2sf)  }
0xc8: {  	s21 =	smulhi.u32 $0x431BDE83, s24;
	s22 =	sshra.s32 s24, $0x1F;
	s24 =	spop (v2sf)  }
0xc9: {  	s17 =	sshrl.u32 s9, $0x1F;
	s22 =	smul.u32 $0x431BDE83, s22;
	s28 =	spop (v2sf)  }
0xca: {  	s29 =	smulhi.u32 $0x431BDE83, s31;
	s10 =	sshra.s32 s31, $0x1F;
	s30 =	spop (v2sf)  }
0xcb: {  	s13 =	sadd.s32 s13, s0;
	s0 =	smul.u32 $0x431BDE83, s10;
	s31 =	spop (v2sf)  }
0xcc: {  	s10 =	sadd.s32 s4, s1;
	s2 =	smulhi.u32 $0x431BDE83, s24;
	s1 =	spop (v2sf)  }
0xcd: {  	v49 =	vmov s16;
	s20 =	sadd.s32 s25, s20;
	s25 =	smulhi.u32 $0x431BDE83, s1;
	s4 =	sshra.s32 s1, $0x1F  }
0xce: {  	v4 =	vsel vm0, s26, v49;
	s5 =	sshrl.u32 s12, $0x1F;
	s21 =	sadd.s32 s22, s21;
	s4 =	smul.u32 $0x431BDE83, s4  }
0xcf: {  	v4 =	vsel vm1, s18, v4;
	s0 =	sadd.s32 s0, s29;
	s29 =	sshrl.u32 s10, $0x1F;
	s26 =	sshra.s32 s30, $0x1F  }
0xd0: {  	v4 =	vsel vm2, s19, v4;
	s19 =	smulhi.u32 $0x431BDE83, s31;
	s1 =	sshra.s32 s24, $0x1F;
	s11 =	sadd.s32 s4, s25  }
0xd1: {  	s22 =	smul.u32 $0x431BDE83, s1;
	s1 =	sshra.s32 s28, $0x1F;
	s25 =	sshra.s32 s11, $0x1F  }
0xd2: {  	s1 =	smul.u32 $0x431BDE83, s1;
	s4 =	sshrl.u32 s20, $0x1F;
	v3 =	vmov s25;
	s25 =	sshra.s32 s20, $0x12  }
0xd3: {  	vm9 =	vcmask $0x704;
	s2 =	sadd.s32 s22, s2;
	s22 =	smulhi.u32 $0x431BDE83, s28;
	v3 =	vsel vm4, s25, v3;
	s25 =	sshra.s32 s20, $0x1F  }
0xd4: {  	s24 =	sshrl.u32 s13, $0x1F;
	v50 =	vmov s4;
	s4 =	smulhi.u32 $0x431BDE83, s30;
	s30 =	sshra.s32 s21, $0x12;
	v3 =	vsel vm9, s25, v3  }
0xd5: {  	s28 =	sshrl.u32 s21, $0x1F;
	s25 =	smul.u32 $0x431BDE83, s26;
	s26 =	sshra.s32 s21, $0x1F;
	v3 =	vsel vm0, s30, v3  }
0xd6: {  	v51 =	vmov s5;
	s18 =	sshrl.u32 s2, $0x1F;
	v5 =	vnsel vm4, $0x0, v50;
	s30 =	sshra.s32 s31, $0x1F;
	s31 =	sshra.s32 s0, $0x12;
	v3 =	vsel vm11, s26, v3  }
0xd7: {  	v6 =	vsel vm0, s17, v51;
	s1 =	sadd.s32 s1, s22;
	s20 =	sshrl.u32 s0, $0x1F;
	v5 =	vsel vm0, s28, v5;
	s0 =	sshra.s32 s0, $0x1F;
	v3 =	vsel vm1, s31, v3  }
0xd8: {  	v6 =	vsel vm1, s24, v6;
	s28 =	sshrl.u32 s1, $0x1F;
	v5 =	vsel vm1, s20, v5;
	s26 =	smul.u32 $0x431BDE83, s30;
	s30 =	sshra.s32 s2, $0x12;
	v3 =	vsel vm12, s0, v3  }
0xd9: {  	v6 =	vsel vm2, s29, v6;
	s17 =	sshra.s32 s1, $0x12;
	v5 =	vsel vm2, s18, v5;
	s18 =	sshra.s32 s7, $0x12;
	s2 =	sshra.s32 s2, $0x1F;
	v3 =	vsel vm2, s30, v3  }
0xda: {  	v4 =	vcombine.low v6, v4;
	s20 =	sshra.s32 s1, $0x1F;
	s21 =	sshra.s32 s3, $0x12;
	s4 =	sadd.s32 s25, s4;
	v52 =	vmov s18;
	v3 =	vsel vm13, s2, v3  }
0xdb: {  	v5 =	vsel vm5, s28, v5;
	s31 =	sshrl.u32 s4, $0x1F;
	v6 =	vsel vm0, s21, v52;
	s5 =	sadd.s32 s26, s19;
	s19 =	sshra.s32 s12, $0x12;
	v3 =	vsel vm5, s17, v3  }
0xdc: {  	s22 =	sshra.s32 s9, $0x12;
	s25 =	sshra.s32 s15, $0x12;
	s24 =	sshra.s32 s4, $0x12;
	v5 =	vsel vm6, s31, v5;
	v53 =	vmov s19;
	v3 =	vsel vm14, s20, v3  }
0xdd: {  	s29 =	sshra.s32 s6, $0x12;
	s28 =	sshra.s32 s4, $0x1F;
	s26 =	sshra.s32 s13, $0x12;
	v6 =	vsel vm1, s25, v6;
	v7 =	vsel vm0, s22, v53;
	v3 =	vsel vm6, s24, v3  }
0xde: {  	s16 =	sshrl.u32 s5, $0x1F;
	s30 =	sshra.s32 s10, $0x12;
	s31 =	sshra.s32 s5, $0x12;
	v6 =	vsel vm2, s29, v6;
	v7 =	vsel vm1, s26, v7;
	v3 =	vsel vm15, s28, v3  }
0xdf: {  	s3 =	sshrl.u32 s11, $0x1F;
	s6 =	sshra.s32 s5, $0x1F;
	v5 =	vsel vm7, s16, v5;
	v7 =	vsel vm2, s30, v7;
	v3 =	vsel vm7, s31, v3  }
0xe0: {  	s7 =	sshra.s32 s11, $0x12;
	v5 =	vsel vm8, s3, v5;
	v6 =	vcombine.low v7, v6;
	v3 =	vsel vm3, s6, v3  }
0xe1: {  	v4 =	vperm.xlane v4, v0;
	v5 =	vperm.xlane v5, v1;
	v3 =	vsel vm8, s7, v3  }
0xe2: {  	v6 =	vperm.xlane v6, v0;
	v3 =	vperm.xlane v3, v1;
	_ =	sdelay $0x1  }
0xe3: {  	v4 =	vsel vm10, v5, v4;
	v3 =	vsel vm10, v3, v6  }
0xe4: {  	v3 =	vadd.s32 v4, v3  }
0xe5: {  	v3 =	vmul.u32 $0xF4240, v3;
	_ =	sdelay $0x1  }
0xe6: {  	v2 =	vsub.s32 v2, v3  }
0xe7: {  	vm9 =	vlt.s32 v2, $0x0;
	v3 =	vadd.s32 $0xF4240, v2  }
0xe8: {  	s9 =	rddreg [dreg:$0x15];
	v2 =	vsel vm9, v3, v2  }
0xe9: {  	[tilespmem:s9+$0xFFFFFFA0] =	vst v2  }
0xea: {  	v2 =	vld [tilespmem:$0x130];
	_ =	sdelay $0x1  }
0xeb: {  	v3 =	vld [tilespmem:$0x30];
	_ =	sdelay $0x2  }
0xec: {  	v2 =	vmul.u32 $0x16A95, v2;
	_ =	sdelay $0x1  }
0xed: {  	v2 =	vadd.s32 v3, v2  }
0xee: {  	(v2sf) =	vpush v2, $0xD;
	_ =	sdelay $0x1  }
0xef: {  	(v2sf) =	vpush v2, $0xC;
	_ =	sdelay $0x1  }
0xf0: {  	(v2sf) =	vpush v2, $0xE;
	_ =	sdelay $0x1  }
0xf1: {  	(v2sf) =	vpush v2, $0xF;
	_ =	sdelay $0x1  }
0xf2: {  	(v2sf) =	vpush v2, $0x9;
	_ =	sdelay $0x1  }
0xf3: {  	(v2sf) =	vpush v2, $0x8;
	_ =	sdelay $0x1  }
0xf4: {  	(v2sf) =	vpush v2, $0xA;
	_ =	sdelay $0x1  }
0xf5: {  	(v2sf) =	vpush v2, $0xB  }
0xf6: {  	s10 =	spop (v2sf)  }
0xf7: {  	(v2sf) =	vpush v2, $0x0;
	s11 =	smulhi.u32 $0x431BDE83, s10;
	s0 =	sshra.s32 s10, $0x1F  }
0xf8: {  	(v2sf) =	vpush v2, $0x1;
	s12 =	spop (v2sf);
	s0 =	smul.u32 $0x431BDE83, s0  }
0xf9: {  	(v2sf) =	vpush v2, $0x2;
	s13 =	smulhi.u32 $0x431BDE83, s12;
	s2 =	sshra.s32 s12, $0x1F  }
0xfa: {  	(v2sf) =	vpush v2, $0x3;
	s16 =	spop (v2sf);
	s2 =	smul.u32 $0x431BDE83, s2  }
0xfb: {  	(v2sf) =	vpush v2, $0x4;
	s17 =	smulhi.u32 $0x431BDE83, s16;
	s5 =	sshra.s32 s16, $0x1F  }
0xfc: {  	(v2sf) =	vpush v2, $0x5;
	s18 =	spop (v2sf);
	s5 =	smul.u32 $0x431BDE83, s5  }
0xfd: {  	(v2sf) =	vpush v2, $0x6;
	s3 =	sadd.s32 s0, s11;
	s19 =	smulhi.u32 $0x431BDE83, s18;
	s7 =	sshra.s32 s18, $0x1F  }
0xfe: {  	s21 =	spop (v2sf);
	(v2sf) =	vpush v2, $0x7;
	s15 =	sshrl.u32 s3, $0x1F;
	s20 =	smul.u32 $0x431BDE83, s7  }
0xff: {  	s7 =	sadd.s32 s2, s13;
	s22 =	smulhi.u32 $0x431BDE83, s21;
	s24 =	sshra.s32 s21, $0x1F  }
0x100: {  	s25 =	spop (v2sf);
	s16 =	sshrl.u32 s7, $0x1F;
	s4 =	smul.u32 $0x431BDE83, s24  }
0x101: {  	s5 =	sadd.s32 s5, s17;
	s26 =	smulhi.u32 $0x431BDE83, s25;
	s28 =	sshra.s32 s25, $0x1F  }
0x102: {  	s29 =	spop (v2sf);
	s18 =	sshrl.u32 s5, $0x1F;
	s10 =	smul.u32 $0x431BDE83, s28  }
0x103: {  	s6 =	sadd.s32 s20, s19;
	s0 =	smulhi.u32 $0x431BDE83, s29;
	s30 =	sshra.s32 s29, $0x1F  }
0x104: {  	s31 =	spop (v2sf);
	s19 =	sshrl.u32 s6, $0x1F;
	s13 =	smul.u32 $0x431BDE83, s30  }
0x105: {  	s9 =	sadd.s32 s4, s22;
	s1 =	smulhi.u32 $0x431BDE83, s31;
	s21 =	sshra.s32 s31, $0x1F  }
0x106: {  	s22 =	spop (v2sf);
	s17 =	sshrl.u32 s9, $0x1F;
	s4 =	smul.u32 $0x431BDE83, s21  }
0x107: {  	s20 =	smulhi.u32 $0x431BDE83, s22;
	s24 =	sshra.s32 s22, $0x1F;
	s25 =	spop (v2sf)  }
0x108: {  	s12 =	sadd.s32 s10, s26;
	s26 =	smul.u32 $0x431BDE83, s24;
	s31 =	spop (v2sf)  }
0x109: {  	s21 =	smulhi.u32 $0x431BDE83, s25;
	s22 =	sshra.s32 s25, $0x1F;
	s24 =	spop (v2sf)  }
0x10a: {  	s25 =	sshrl.u32 s12, $0x1F;
	s22 =	smul.u32 $0x431BDE83, s22;
	s28 =	spop (v2sf)  }
0x10b: {  	s29 =	smulhi.u32 $0x431BDE83, s31;
	s10 =	sshra.s32 s31, $0x1F;
	s30 =	spop (v2sf)  }
0x10c: {  	s13 =	sadd.s32 s13, s0;
	s0 =	smul.u32 $0x431BDE83, s10;
	s31 =	spop (v2sf)  }
0x10d: {  	v56 =	vmov s25;
	s10 =	sadd.s32 s4, s1;
	s20 =	sadd.s32 s26, s20;
	s1 =	spop (v2sf)  }
0x10e: {  	v6 =	vsel vm0, s17, v56;
	s17 =	sshra.s32 s12, $0x12;
	s26 =	smulhi.u32 $0x431BDE83, s1;
	s4 =	sshra.s32 s1, $0x1F  }
0x10f: {  	v54 =	vmov s16;
	s21 =	sadd.s32 s22, s21;
	s16 =	sshra.s32 s20, $0x1F;
	s4 =	smul.u32 $0x431BDE83, s4  }
0x110: {  	s0 =	sadd.s32 s0, s29;
	s29 =	sshrl.u32 s10, $0x1F;
	s2 =	smulhi.u32 $0x431BDE83, s24  }
0x111: {  	s1 =	sshra.s32 s24, $0x1F;
	s24 =	sshrl.u32 s13, $0x1F;
	s11 =	sadd.s32 s4, s26  }
0x112: {  	s22 =	smul.u32 $0x431BDE83, s1;
	s1 =	sshra.s32 s28, $0x1F;
	s26 =	sshra.s32 s11, $0x1F  }
0x113: {  	s1 =	smul.u32 $0x431BDE83, s1;
	s4 =	sshrl.u32 s20, $0x1F;
	v3 =	vmov s26;
	s26 =	sshra.s32 s20, $0x12  }
0x114: {  	vm9 =	vcmask $0x704;
	s2 =	sadd.s32 s22, s2;
	s22 =	smulhi.u32 $0x431BDE83, s28;
	s28 =	sshrl.u32 s21, $0x1F;
	v3 =	vsel vm4, s26, v3  }
0x115: {  	v55 =	vmov s4;
	s4 =	smulhi.u32 $0x431BDE83, s30;
	s26 =	sshra.s32 s30, $0x1F;
	s30 =	sshra.s32 s21, $0x12;
	v3 =	vsel vm9, s16, v3  }
0x116: {  	v4 =	vsel vm0, s15, v54;
	s20 =	sshrl.u32 s0, $0x1F;
	v5 =	vnsel vm4, $0x0, v55;
	s15 =	smul.u32 $0x431BDE83, s26;
	s26 =	sshra.s32 s21, $0x1F;
	v3 =	vsel vm0, s30, v3  }
0x117: {  	v4 =	vsel vm1, s18, v4;
	v5 =	vsel vm0, s28, v5;
	s28 =	smulhi.u32 $0x431BDE83, s31;
	s30 =	sshra.s32 s31, $0x1F;
	s31 =	sshra.s32 s0, $0x12;
	v3 =	vsel vm11, s26, v3  }
0x118: {  	v4 =	vsel vm2, s19, v4;
	s1 =	sadd.s32 s1, s22;
	s0 =	sshra.s32 s0, $0x1F;
	s22 =	smul.u32 $0x431BDE83, s30;
	v3 =	vsel vm1, s31, v3  }
0x119: {  	v58 =	vmov s17;
	s18 =	sshrl.u32 s2, $0x1F;
	s25 =	sshrl.u32 s1, $0x1F;
	v5 =	vsel vm1, s20, v5;
	s26 =	sshra.s32 s2, $0x12;
	v3 =	vsel vm12, s0, v3  }
0x11a: {  	v6 =	vsel vm1, s24, v6;
	v5 =	vsel vm2, s18, v5;
	s4 =	sadd.s32 s15, s4;
	s16 =	sadd.s32 s22, s28;
	s28 =	sshra.s32 s2, $0x1F;
	v3 =	vsel vm2, s26, v3  }
0x11b: {  	v6 =	vsel vm2, s29, v6;
	v5 =	vsel vm5, s25, v5;
	s15 =	sshrl.u32 s4, $0x1F;
	s31 =	sshra.s32 s1, $0x12;
	v3 =	vsel vm13, s28, v3  }
0x11c: {  	v4 =	vcombine.low v6, v4;
	s20 =	sshra.s32 s9, $0x12;
	s18 =	sshra.s32 s1, $0x1F;
	v5 =	vsel vm6, s15, v5;
	s15 =	sshra.s32 s7, $0x12;
	v3 =	vsel vm5, s31, v3  }
0x11d: {  	s19 =	sshra.s32 s3, $0x12;
	s24 =	sshra.s32 s13, $0x12;
	v7 =	vsel vm0, s20, v58;
	s21 =	sshra.s32 s4, $0x12;
	v57 =	vmov s15;
	v3 =	vsel vm14, s18, v3  }
0x11e: {  	v7 =	vsel vm1, s24, v7;
	s25 =	sshra.s32 s4, $0x1F;
	s22 =	sshra.s32 s5, $0x12;
	s30 =	sshrl.u32 s16, $0x1F;
	v6 =	vsel vm0, s19, v57;
	v3 =	vsel vm6, s21, v3  }
0x11f: {  	s26 =	sshra.s32 s6, $0x12;
	s29 =	sshra.s32 s16, $0x12;
	v5 =	vsel vm7, s30, v5;
	s28 =	sshra.s32 s10, $0x12;
	v6 =	vsel vm1, s22, v6;
	v3 =	vsel vm15, s25, v3  }
0x120: {  	s30 =	sshrl.u32 s11, $0x1F;
	v7 =	vsel vm2, s28, v7;
	s31 =	sshra.s32 s16, $0x1F;
	v6 =	vsel vm2, s26, v6;
	v3 =	vsel vm7, s29, v3  }
0x121: {  	s1 =	sshra.s32 s11, $0x12;
	v5 =	vsel vm8, s30, v5;
	v6 =	vcombine.low v7, v6;
	v3 =	vsel vm3, s31, v3  }
0x122: {  	v4 =	vperm.xlane v4, v0;
	v5 =	vperm.xlane v5, v1;
	v3 =	vsel vm8, s1, v3  }
0x123: {  	v6 =	vperm.xlane v6, v0;
	v3 =	vperm.xlane v3, v1;
	_ =	sdelay $0x1  }
0x124: {  	v4 =	vsel vm10, v5, v4;
	v3 =	vsel vm10, v3, v6  }
0x125: {  	v3 =	vadd.s32 v4, v3  }
0x126: {  	v3 =	vmul.u32 $0xF4240, v3;
	_ =	sdelay $0x1  }
0x127: {  	v2 =	vsub.s32 v2, v3  }
0x128: {  	vm9 =	vlt.s32 v2, $0x0;
	v3 =	vadd.s32 $0xF4240, v2  }
0x129: {  	s2 =	rddreg [dreg:$0x15];
	v2 =	vsel vm9, v3, v2  }
0x12a: {  	[tilespmem:s2+$0xFFFFFFB0] =	vst v2  }
0x12b: {  	v2 =	vld [tilespmem:$0x140];
	_ =	sdelay $0x1  }
0x12c: {  	v3 =	vld [tilespmem:$0x40];
	_ =	sdelay $0x2  }
0x12d: {  	v2 =	vmul.u32 $0x16A95, v2;
	_ =	sdelay $0x1  }
0x12e: {  	v2 =	vadd.s32 v3, v2  }
0x12f: {  	(v2sf) =	vpush v2, $0xD;
	_ =	sdelay $0x1  }
0x130: {  	(v2sf) =	vpush v2, $0xC;
	_ =	sdelay $0x1  }
0x131: {  	(v2sf) =	vpush v2, $0xE;
	_ =	sdelay $0x1  }
0x132: {  	(v2sf) =	vpush v2, $0xF;
	_ =	sdelay $0x1  }
0x133: {  	(v2sf) =	vpush v2, $0x9;
	_ =	sdelay $0x1  }
0x134: {  	(v2sf) =	vpush v2, $0x8;
	_ =	sdelay $0x1  }
0x135: {  	(v2sf) =	vpush v2, $0xA;
	_ =	sdelay $0x1  }
0x136: {  	(v2sf) =	vpush v2, $0xB  }
0x137: {  	s3 =	spop (v2sf)  }
0x138: {  	(v2sf) =	vpush v2, $0x0;
	s4 =	smulhi.u32 $0x431BDE83, s3;
	s0 =	sshra.s32 s3, $0x1F  }
0x139: {  	s5 =	spop (v2sf);
	s0 =	smul.u32 $0x431BDE83, s0  }
0x13a: {  	(v2sf) =	vpush v2, $0x1;
	s6 =	smulhi.u32 $0x431BDE83, s5;
	s2 =	sshra.s32 s5, $0x1F  }
0x13b: {  	(v2sf) =	vpush v2, $0x2;
	s7 =	spop (v2sf);
	s2 =	smul.u32 $0x431BDE83, s2  }
0x13c: {  	(v2sf) =	vpush v2, $0x3;
	s9 =	smulhi.u32 $0x431BDE83, s7;
	s5 =	sshra.s32 s7, $0x1F  }
0x13d: {  	(v2sf) =	vpush v2, $0x4;
	s11 =	spop (v2sf);
	s5 =	smul.u32 $0x431BDE83, s5  }
0x13e: {  	(v2sf) =	vpush v2, $0x5;
	s12 =	smulhi.u32 $0x431BDE83, s11;
	s7 =	sshra.s32 s11, $0x1F  }
0x13f: {  	(v2sf) =	vpush v2, $0x6;
	s16 =	spop (v2sf);
	s13 =	smul.u32 $0x431BDE83, s7  }
0x140: {  	(v2sf) =	vpush v2, $0x7;
	s17 =	smulhi.u32 $0x431BDE83, s16;
	s20 =	sshra.s32 s16, $0x1F  }
0x141: {  	s3 =	sadd.s32 s0, s4;
	s21 =	spop (v2sf);
	s4 =	smul.u32 $0x431BDE83, s20  }
0x142: {  	s15 =	sshrl.u32 s3, $0x1F;
	s22 =	smulhi.u32 $0x431BDE83, s21;
	s24 =	sshra.s32 s21, $0x1F  }
0x143: {  	s7 =	sadd.s32 s2, s6;
	s25 =	spop (v2sf);
	s10 =	smul.u32 $0x431BDE83, s24  }
0x144: {  	s16 =	sshrl.u32 s7, $0x1F;
	s0 =	smulhi.u32 $0x431BDE83, s25;
	s26 =	sshra.s32 s25, $0x1F  }
0x145: {  	s6 =	sadd.s32 s13, s12;
	s28 =	spop (v2sf);
	s13 =	smul.u32 $0x431BDE83, s26  }
0x146: {  	s5 =	sadd.s32 s5, s9;
	s2 =	smulhi.u32 $0x431BDE83, s28;
	s29 =	sshra.s32 s28, $0x1F  }
0x147: {  	s9 =	sadd.s32 s4, s17;
	s30 =	spop (v2sf);
	s4 =	smul.u32 $0x431BDE83, s29  }
0x148: {  	s18 =	sshrl.u32 s5, $0x1F;
	s20 =	smulhi.u32 $0x431BDE83, s30;
	s31 =	sshra.s32 s30, $0x1F  }
0x149: {  	s1 =	spop (v2sf);
	s12 =	sadd.s32 s10, s22;
	s11 =	smul.u32 $0x431BDE83, s31  }
0x14a: {  	s21 =	spop (v2sf);
	s24 =	smulhi.u32 $0x431BDE83, s1;
	s22 =	sshra.s32 s1, $0x1F  }
0x14b: {  	s13 =	sadd.s32 s13, s0;
	s22 =	smul.u32 $0x431BDE83, s22;
	s31 =	spop (v2sf)  }
0x14c: {  	s28 =	smulhi.u32 $0x431BDE83, s21;
	s10 =	sshra.s32 s21, $0x1F;
	s26 =	spop (v2sf)  }
0x14d: {  	s0 =	smul.u32 $0x431BDE83, s10;
	s10 =	sadd.s32 s4, s2;
	s29 =	spop (v2sf)  }
0x14e: {  	s2 =	smulhi.u32 $0x431BDE83, s31;
	s31 =	sshra.s32 s31, $0x1F;
	s30 =	spop (v2sf)  }
0x14f: {  	s21 =	sadd.s32 s22, s24;
	s22 =	smul.u32 $0x431BDE83, s31;
	s1 =	spop (v2sf)  }
0x150: {  	v59 =	vmov s16;
	s20 =	sadd.s32 s11, s20;
	s11 =	smulhi.u32 $0x431BDE83, s1;
	s4 =	sshra.s32 s1, $0x1F  }
0x151: {  	s19 =	sshrl.u32 s6, $0x1F;
	v4 =	vsel vm0, s15, v59;
	s17 =	sshrl.u32 s9, $0x1F;
	s4 =	smul.u32 $0x431BDE83, s4  }
0x152: {  	v4 =	vsel vm1, s18, v4;
	s25 =	sshrl.u32 s12, $0x1F;
	s18 =	sshra.s32 s12, $0x12;
	s24 =	sshrl.u32 s13, $0x1F  }
0x153: {  	s15 =	sshra.s32 s29, $0x1F;
	s2 =	sadd.s32 s22, s2;
	s11 =	sadd.s32 s4, s11  }
0x154: {  	s22 =	smulhi.u32 $0x431BDE83, s26;
	s1 =	sadd.s32 s0, s28;
	s0 =	sshra.s32 s11, $0x1F  }
0x155: {  	s26 =	sshra.s32 s26, $0x1F;
	s15 =	smul.u32 $0x431BDE83, s15;
	v3 =	vmov s0;
	s0 =	sshra.s32 s20, $0x12  }
0x156: {  	vm9 =	vcmask $0x704;
	s4 =	sshrl.u32 s20, $0x1F;
	v3 =	vsel vm4, s0, v3;
	s0 =	smul.u32 $0x431BDE83, s26;
	s26 =	sshra.s32 s20, $0x1F  }
0x157: {  	s31 =	sshrl.u32 s21, $0x1F;
	v60 =	vmov s4;
	s4 =	smulhi.u32 $0x431BDE83, s29;
	s29 =	sshra.s32 s21, $0x12;
	v3 =	vsel vm9, s26, v3  }
0x158: {  	v4 =	vsel vm2, s19, v4;
	s19 =	smulhi.u32 $0x431BDE83, s30;
	s30 =	sshra.s32 s30, $0x1F;
	v5 =	vnsel vm4, $0x0, v60;
	v3 =	vsel vm0, s29, v3;
	s29 =	sshra.s32 s21, $0x1F  }
0x159: {  	v61 =	vmov s25;
	s25 =	smul.u32 $0x431BDE83, s30;
	s20 =	sshrl.u32 s1, $0x1F;
	v5 =	vsel vm0, s31, v5;
	s31 =	sshra.s32 s1, $0x12;
	v3 =	vsel vm11, s29, v3  }
0x15a: {  	v63 =	vmov s18;
	s1 =	sshra.s32 s1, $0x1F;
	s26 =	sshrl.u32 s2, $0x1F;
	v5 =	vsel vm1, s20, v5;
	s0 =	sadd.s32 s0, s22;
	v3 =	vsel vm1, s31, v3  }
0x15b: {  	v6 =	vsel vm0, s17, v61;
	s4 =	sadd.s32 s15, s4;
	v5 =	vsel vm2, s26, v5;
	s26 =	sshrl.u32 s0, $0x1F;
	s29 =	sshra.s32 s2, $0x12;
	v3 =	vsel vm12, s1, v3  }
0x15c: {  	v6 =	vsel vm1, s24, v6;
	s28 =	sshrl.u32 s10, $0x1F;
	s30 =	sshra.s32 s2, $0x1F;
	s15 =	sshrl.u32 s4, $0x1F;
	v5 =	vsel vm5, s26, v5;
	v3 =	vsel vm2, s29, v3  }
0x15d: {  	s17 =	sshra.s32 s7, $0x12;
	v6 =	vsel vm2, s28, v6;
	s16 =	sadd.s32 s25, s19;
	v5 =	vsel vm6, s15, v5;
	s15 =	sshra.s32 s0, $0x12;
	v3 =	vsel vm13, s30, v3  }
0x15e: {  	v62 =	vmov s17;
	v4 =	vcombine.low v6, v4;
	s19 =	sshra.s32 s3, $0x12;
	s20 =	sshra.s32 s9, $0x12;
	s0 =	sshra.s32 s0, $0x1F;
	v3 =	vsel vm5, s15, v3  }
0x15f: {  	s24 =	sshra.s32 s13, $0x12;
	v6 =	vsel vm0, s19, v62;
	s21 =	sshra.s32 s4, $0x12;
	s22 =	sshra.s32 s5, $0x12;
	v7 =	vsel vm0, s20, v63;
	v3 =	vsel vm14, s0, v3  }
0x160: {  	s28 =	sshra.s32 s10, $0x12;
	s25 =	sshra.s32 s4, $0x1F;
	v6 =	vsel vm1, s22, v6;
	v7 =	vsel vm1, s24, v7;
	s26 =	sshra.s32 s6, $0x12;
	v3 =	vsel vm6, s21, v3  }
0x161: {  	s31 =	sshrl.u32 s16, $0x1F;
	v7 =	vsel vm2, s28, v7;
	v6 =	vsel vm2, s26, v6;
	s29 =	sshra.s32 s16, $0x12;
	v3 =	vsel vm15, s25, v3  }
0x162: {  	v5 =	vsel vm7, s31, v5;
	s31 =	sshra.s32 s16, $0x1F;
	v6 =	vcombine.low v7, v6;
	v3 =	vsel vm7, s29, v3  }
0x163: {  	v4 =	vperm.xlane v4, v0;
	s1 =	sshra.s32 s11, $0x12;
	s30 =	sshrl.u32 s11, $0x1F;
	v3 =	vsel vm3, s31, v3  }
0x164: {  	v5 =	vsel vm8, s30, v5;
	v6 =	vperm.xlane v6, v0;
	v3 =	vsel vm8, s1, v3  }
0x165: {  	v5 =	vperm.xlane v5, v1;
	v3 =	vperm.xlane v3, v1;
	_ =	sdelay $0x1  }
0x166: {  	v4 =	vsel vm10, v5, v4;
	v3 =	vsel vm10, v3, v6  }
0x167: {  	v3 =	vadd.s32 v4, v3  }
0x168: {  	v3 =	vmul.u32 $0xF4240, v3;
	_ =	sdelay $0x1  }
0x169: {  	v2 =	vsub.s32 v2, v3  }
0x16a: {  	vm9 =	vlt.s32 v2, $0x0;
	v3 =	vadd.s32 $0xF4240, v2  }
0x16b: {  	s2 =	rddreg [dreg:$0x15];
	v2 =	vsel vm9, v3, v2  }
0x16c: {  	[tilespmem:s2+$0xFFFFFFC0] =	vst v2  }
0x16d: {  	v2 =	vld [tilespmem:$0x150];
	_ =	sdelay $0x1  }
0x16e: {  	v3 =	vld [tilespmem:$0x50];
	_ =	sdelay $0x2  }
0x16f: {  	v2 =	vmul.u32 $0x16A95, v2;
	_ =	sdelay $0x1  }
0x170: {  	v2 =	vadd.s32 v3, v2  }
0x171: {  	(v2sf) =	vpush v2, $0xD;
	_ =	sdelay $0x1  }
0x172: {  	(v2sf) =	vpush v2, $0xC;
	_ =	sdelay $0x1  }
0x173: {  	(v2sf) =	vpush v2, $0xE;
	_ =	sdelay $0x1  }
0x174: {  	(v2sf) =	vpush v2, $0xF;
	_ =	sdelay $0x1  }
0x175: {  	(v2sf) =	vpush v2, $0x9;
	_ =	sdelay $0x1  }
0x176: {  	(v2sf) =	vpush v2, $0x8;
	_ =	sdelay $0x1  }
0x177: {  	(v2sf) =	vpush v2, $0xA;
	_ =	sdelay $0x1  }
0x178: {  	(v2sf) =	vpush v2, $0xB  }
0x179: {  	s3 =	spop (v2sf)  }
0x17a: {  	(v2sf) =	vpush v2, $0x0;
	s4 =	smulhi.u32 $0x431BDE83, s3;
	s0 =	sshra.s32 s3, $0x1F  }
0x17b: {  	s5 =	spop (v2sf);
	s0 =	smul.u32 $0x431BDE83, s0  }
0x17c: {  	(v2sf) =	vpush v2, $0x1;
	s6 =	smulhi.u32 $0x431BDE83, s5;
	s2 =	sshra.s32 s5, $0x1F  }
0x17d: {  	(v2sf) =	vpush v2, $0x2;
	s7 =	spop (v2sf);
	s2 =	smul.u32 $0x431BDE83, s2  }
0x17e: {  	(v2sf) =	vpush v2, $0x3;
	s9 =	smulhi.u32 $0x431BDE83, s7;
	s5 =	sshra.s32 s7, $0x1F  }
0x17f: {  	(v2sf) =	vpush v2, $0x4;
	s11 =	spop (v2sf);
	s5 =	smul.u32 $0x431BDE83, s5  }
0x180: {  	(v2sf) =	vpush v2, $0x5;
	s12 =	smulhi.u32 $0x431BDE83, s11;
	s7 =	sshra.s32 s11, $0x1F  }
0x181: {  	(v2sf) =	vpush v2, $0x6;
	s16 =	spop (v2sf);
	s13 =	smul.u32 $0x431BDE83, s7  }
0x182: {  	(v2sf) =	vpush v2, $0x7;
	s17 =	smulhi.u32 $0x431BDE83, s16;
	s20 =	sshra.s32 s16, $0x1F  }
0x183: {  	s3 =	sadd.s32 s0, s4;
	s21 =	spop (v2sf);
	s4 =	smul.u32 $0x431BDE83, s20  }
0x184: {  	s15 =	sshrl.u32 s3, $0x1F;
	s22 =	smulhi.u32 $0x431BDE83, s21;
	s24 =	sshra.s32 s21, $0x1F  }
0x185: {  	s7 =	sadd.s32 s2, s6;
	s25 =	spop (v2sf);
	s10 =	smul.u32 $0x431BDE83, s24  }
0x186: {  	s16 =	sshrl.u32 s7, $0x1F;
	s0 =	smulhi.u32 $0x431BDE83, s25;
	s26 =	sshra.s32 s25, $0x1F  }
0x187: {  	s6 =	sadd.s32 s13, s12;
	s28 =	spop (v2sf);
	s13 =	smul.u32 $0x431BDE83, s26  }
0x188: {  	s5 =	sadd.s32 s5, s9;
	s2 =	smulhi.u32 $0x431BDE83, s28;
	s29 =	sshra.s32 s28, $0x1F  }
0x189: {  	s9 =	sadd.s32 s4, s17;
	s30 =	spop (v2sf);
	s4 =	smul.u32 $0x431BDE83, s29  }
0x18a: {  	s18 =	sshrl.u32 s5, $0x1F;
	s20 =	smulhi.u32 $0x431BDE83, s30;
	s31 =	sshra.s32 s30, $0x1F  }
0x18b: {  	s1 =	spop (v2sf);
	s12 =	sadd.s32 s10, s22;
	s11 =	smul.u32 $0x431BDE83, s31  }
0x18c: {  	s21 =	spop (v2sf);
	s24 =	smulhi.u32 $0x431BDE83, s1;
	s22 =	sshra.s32 s1, $0x1F  }
0x18d: {  	s13 =	sadd.s32 s13, s0;
	s22 =	smul.u32 $0x431BDE83, s22;
	s31 =	spop (v2sf)  }
0x18e: {  	s28 =	smulhi.u32 $0x431BDE83, s21;
	s10 =	sshra.s32 s21, $0x1F;
	s26 =	spop (v2sf)  }
0x18f: {  	s0 =	smul.u32 $0x431BDE83, s10;
	s10 =	sadd.s32 s4, s2;
	s29 =	spop (v2sf)  }
0x190: {  	s2 =	smulhi.u32 $0x431BDE83, s31;
	s31 =	sshra.s32 s31, $0x1F;
	s30 =	spop (v2sf)  }
0x191: {  	s21 =	sadd.s32 s22, s24;
	s22 =	smul.u32 $0x431BDE83, s31;
	s1 =	spop (v2sf)  }
0x192: {  	v9 =	vmov s16;
	s20 =	sadd.s32 s11, s20;
	s11 =	smulhi.u32 $0x431BDE83, s1;
	s4 =	sshra.s32 s1, $0x1F  }
0x193: {  	s19 =	sshrl.u32 s6, $0x1F;
	v4 =	vsel vm0, s15, v9;
	s17 =	sshrl.u32 s9, $0x1F;
	s4 =	smul.u32 $0x431BDE83, s4  }
0x194: {  	v4 =	vsel vm1, s18, v4;
	s25 =	sshrl.u32 s12, $0x1F;
	s18 =	sshra.s32 s12, $0x12;
	s24 =	sshrl.u32 s13, $0x1F  }
0x195: {  	s15 =	sshra.s32 s29, $0x1F;
	s2 =	sadd.s32 s22, s2;
	s11 =	sadd.s32 s4, s11  }
0x196: {  	s22 =	smulhi.u32 $0x431BDE83, s26;
	s1 =	sadd.s32 s0, s28;
	s0 =	sshra.s32 s11, $0x1F  }
0x197: {  	s26 =	sshra.s32 s26, $0x1F;
	s15 =	smul.u32 $0x431BDE83, s15;
	v3 =	vmov s0;
	s0 =	sshra.s32 s20, $0x12  }
0x198: {  	vm9 =	vcmask $0x704;
	s4 =	sshrl.u32 s20, $0x1F;
	v3 =	vsel vm4, s0, v3;
	s0 =	smul.u32 $0x431BDE83, s26;
	s26 =	sshra.s32 s20, $0x1F  }
0x199: {  	s31 =	sshrl.u32 s21, $0x1F;
	v10 =	vmov s4;
	s4 =	smulhi.u32 $0x431BDE83, s29;
	s29 =	sshra.s32 s21, $0x12;
	v3 =	vsel vm9, s26, v3  }
0x19a: {  	v4 =	vsel vm2, s19, v4;
	s19 =	smulhi.u32 $0x431BDE83, s30;
	s30 =	sshra.s32 s30, $0x1F;
	v5 =	vnsel vm4, $0x0, v10;
	v3 =	vsel vm0, s29, v3;
	s29 =	sshra.s32 s21, $0x1F  }
0x19b: {  	v11 =	vmov s25;
	s25 =	smul.u32 $0x431BDE83, s30;
	s20 =	sshrl.u32 s1, $0x1F;
	v5 =	vsel vm0, s31, v5;
	s31 =	sshra.s32 s1, $0x12;
	v3 =	vsel vm11, s29, v3  }
0x19c: {  	v13 =	vmov s18;
	s1 =	sshra.s32 s1, $0x1F;
	s26 =	sshrl.u32 s2, $0x1F;
	v5 =	vsel vm1, s20, v5;
	s0 =	sadd.s32 s0, s22;
	v3 =	vsel vm1, s31, v3  }
0x19d: {  	v6 =	vsel vm0, s17, v11;
	s4 =	sadd.s32 s15, s4;
	v5 =	vsel vm2, s26, v5;
	s26 =	sshrl.u32 s0, $0x1F;
	s29 =	sshra.s32 s2, $0x12;
	v3 =	vsel vm12, s1, v3  }
0x19e: {  	v6 =	vsel vm1, s24, v6;
	s28 =	sshrl.u32 s10, $0x1F;
	s30 =	sshra.s32 s2, $0x1F;
	s15 =	sshrl.u32 s4, $0x1F;
	v5 =	vsel vm5, s26, v5;
	v3 =	vsel vm2, s29, v3  }
0x19f: {  	s17 =	sshra.s32 s7, $0x12;
	v6 =	vsel vm2, s28, v6;
	s16 =	sadd.s32 s25, s19;
	v5 =	vsel vm6, s15, v5;
	s15 =	sshra.s32 s0, $0x12;
	v3 =	vsel vm13, s30, v3  }
0x1a0: {  	v12 =	vmov s17;
	v4 =	vcombine.low v6, v4;
	s19 =	sshra.s32 s3, $0x12;
	s20 =	sshra.s32 s9, $0x12;
	s0 =	sshra.s32 s0, $0x1F;
	v3 =	vsel vm5, s15, v3  }
0x1a1: {  	s24 =	sshra.s32 s13, $0x12;
	v6 =	vsel vm0, s19, v12;
	s21 =	sshra.s32 s4, $0x12;
	s22 =	sshra.s32 s5, $0x12;
	v7 =	vsel vm0, s20, v13;
	v3 =	vsel vm14, s0, v3  }
0x1a2: {  	s28 =	sshra.s32 s10, $0x12;
	s25 =	sshra.s32 s4, $0x1F;
	v6 =	vsel vm1, s22, v6;
	v7 =	vsel vm1, s24, v7;
	s26 =	sshra.s32 s6, $0x12;
	v3 =	vsel vm6, s21, v3  }
0x1a3: {  	s31 =	sshrl.u32 s16, $0x1F;
	v7 =	vsel vm2, s28, v7;
	v6 =	vsel vm2, s26, v6;
	s29 =	sshra.s32 s16, $0x12;
	v3 =	vsel vm15, s25, v3  }
0x1a4: {  	v5 =	vsel vm7, s31, v5;
	s31 =	sshra.s32 s16, $0x1F;
	v6 =	vcombine.low v7, v6;
	v3 =	vsel vm7, s29, v3  }
0x1a5: {  	v4 =	vperm.xlane v4, v0;
	s1 =	sshra.s32 s11, $0x12;
	s30 =	sshrl.u32 s11, $0x1F;
	v3 =	vsel vm3, s31, v3  }
0x1a6: {  	v5 =	vsel vm8, s30, v5;
	v6 =	vperm.xlane v6, v0;
	v3 =	vsel vm8, s1, v3  }
0x1a7: {  	v5 =	vperm.xlane v5, v1;
	v3 =	vperm.xlane v3, v1;
	_ =	sdelay $0x1  }
0x1a8: {  	v4 =	vsel vm10, v5, v4;
	v3 =	vsel vm10, v3, v6  }
0x1a9: {  	v3 =	vadd.s32 v4, v3  }
0x1aa: {  	v3 =	vmul.u32 $0xF4240, v3;
	_ =	sdelay $0x1  }
0x1ab: {  	v2 =	vsub.s32 v2, v3  }
0x1ac: {  	vm9 =	vlt.s32 v2, $0x0;
	v3 =	vadd.s32 $0xF4240, v2  }
0x1ad: {  	s2 =	rddreg [dreg:$0x15];
	v2 =	vsel vm9, v3, v2  }
0x1ae: {  	[tilespmem:s2+$0xFFFFFFD0] =	vst v2  }
0x1af: {  	v2 =	vld [tilespmem:$0x160];
	_ =	sdelay $0x1  }
0x1b0: {  	v3 =	vld [tilespmem:$0x60];
	_ =	sdelay $0x2  }
0x1b1: {  	v2 =	vmul.u32 $0x16A95, v2;
	_ =	sdelay $0x1  }
0x1b2: {  	v2 =	vadd.s32 v3, v2  }
0x1b3: {  	(v2sf) =	vpush v2, $0xD;
	_ =	sdelay $0x1  }
0x1b4: {  	(v2sf) =	vpush v2, $0xC;
	_ =	sdelay $0x1  }
0x1b5: {  	(v2sf) =	vpush v2, $0xE;
	_ =	sdelay $0x1  }
0x1b6: {  	(v2sf) =	vpush v2, $0xF;
	_ =	sdelay $0x1  }
0x1b7: {  	(v2sf) =	vpush v2, $0x9;
	_ =	sdelay $0x1  }
0x1b8: {  	(v2sf) =	vpush v2, $0x8;
	_ =	sdelay $0x1  }
0x1b9: {  	(v2sf) =	vpush v2, $0xA;
	_ =	sdelay $0x1  }
0x1ba: {  	(v2sf) =	vpush v2, $0xB  }
0x1bb: {  	s3 =	spop (v2sf)  }
0x1bc: {  	(v2sf) =	vpush v2, $0x0;
	s4 =	smulhi.u32 $0x431BDE83, s3;
	s0 =	sshra.s32 s3, $0x1F  }
0x1bd: {  	s5 =	spop (v2sf);
	s0 =	smul.u32 $0x431BDE83, s0  }
0x1be: {  	(v2sf) =	vpush v2, $0x1;
	s6 =	smulhi.u32 $0x431BDE83, s5;
	s2 =	sshra.s32 s5, $0x1F  }
0x1bf: {  	(v2sf) =	vpush v2, $0x2;
	s7 =	spop (v2sf);
	s2 =	smul.u32 $0x431BDE83, s2  }
0x1c0: {  	(v2sf) =	vpush v2, $0x3;
	s9 =	smulhi.u32 $0x431BDE83, s7;
	s5 =	sshra.s32 s7, $0x1F  }
0x1c1: {  	(v2sf) =	vpush v2, $0x4;
	s11 =	spop (v2sf);
	s5 =	smul.u32 $0x431BDE83, s5  }
0x1c2: {  	(v2sf) =	vpush v2, $0x5;
	s12 =	smulhi.u32 $0x431BDE83, s11;
	s7 =	sshra.s32 s11, $0x1F  }
0x1c3: {  	(v2sf) =	vpush v2, $0x6;
	s16 =	spop (v2sf);
	s13 =	smul.u32 $0x431BDE83, s7  }
0x1c4: {  	(v2sf) =	vpush v2, $0x7;
	s17 =	smulhi.u32 $0x431BDE83, s16;
	s20 =	sshra.s32 s16, $0x1F  }
0x1c5: {  	s3 =	sadd.s32 s0, s4;
	s21 =	spop (v2sf);
	s4 =	smul.u32 $0x431BDE83, s20  }
0x1c6: {  	s15 =	sshrl.u32 s3, $0x1F;
	s22 =	smulhi.u32 $0x431BDE83, s21;
	s24 =	sshra.s32 s21, $0x1F  }
0x1c7: {  	s7 =	sadd.s32 s2, s6;
	s25 =	spop (v2sf);
	s10 =	smul.u32 $0x431BDE83, s24  }
0x1c8: {  	s16 =	sshrl.u32 s7, $0x1F;
	s0 =	smulhi.u32 $0x431BDE83, s25;
	s26 =	sshra.s32 s25, $0x1F  }
0x1c9: {  	s6 =	sadd.s32 s13, s12;
	s28 =	spop (v2sf);
	s13 =	smul.u32 $0x431BDE83, s26  }
0x1ca: {  	s5 =	sadd.s32 s5, s9;
	s2 =	smulhi.u32 $0x431BDE83, s28;
	s29 =	sshra.s32 s28, $0x1F  }
0x1cb: {  	s9 =	sadd.s32 s4, s17;
	s30 =	spop (v2sf);
	s4 =	smul.u32 $0x431BDE83, s29  }
0x1cc: {  	s18 =	sshrl.u32 s5, $0x1F;
	s20 =	smulhi.u32 $0x431BDE83, s30;
	s31 =	sshra.s32 s30, $0x1F  }
0x1cd: {  	s1 =	spop (v2sf);
	s12 =	sadd.s32 s10, s22;
	s11 =	smul.u32 $0x431BDE83, s31  }
0x1ce: {  	s21 =	spop (v2sf);
	s24 =	smulhi.u32 $0x431BDE83, s1;
	s22 =	sshra.s32 s1, $0x1F  }
0x1cf: {  	s13 =	sadd.s32 s13, s0;
	s22 =	smul.u32 $0x431BDE83, s22;
	s31 =	spop (v2sf)  }
0x1d0: {  	s28 =	smulhi.u32 $0x431BDE83, s21;
	s10 =	sshra.s32 s21, $0x1F;
	s26 =	spop (v2sf)  }
0x1d1: {  	s0 =	smul.u32 $0x431BDE83, s10;
	s10 =	sadd.s32 s4, s2;
	s29 =	spop (v2sf)  }
0x1d2: {  	s2 =	smulhi.u32 $0x431BDE83, s31;
	s31 =	sshra.s32 s31, $0x1F;
	s30 =	spop (v2sf)  }
0x1d3: {  	s21 =	sadd.s32 s22, s24;
	s22 =	smul.u32 $0x431BDE83, s31;
	s1 =	spop (v2sf)  }
0x1d4: {  	v14 =	vmov s16;
	s20 =	sadd.s32 s11, s20;
	s11 =	smulhi.u32 $0x431BDE83, s1;
	s4 =	sshra.s32 s1, $0x1F  }
0x1d5: {  	s19 =	sshrl.u32 s6, $0x1F;
	v4 =	vsel vm0, s15, v14;
	s17 =	sshrl.u32 s9, $0x1F;
	s4 =	smul.u32 $0x431BDE83, s4  }
0x1d6: {  	v4 =	vsel vm1, s18, v4;
	s25 =	sshrl.u32 s12, $0x1F;
	s18 =	sshra.s32 s12, $0x12;
	s24 =	sshrl.u32 s13, $0x1F  }
0x1d7: {  	s15 =	sshra.s32 s29, $0x1F;
	s2 =	sadd.s32 s22, s2;
	s11 =	sadd.s32 s4, s11  }
0x1d8: {  	s22 =	smulhi.u32 $0x431BDE83, s26;
	s1 =	sadd.s32 s0, s28;
	s0 =	sshra.s32 s11, $0x1F  }
0x1d9: {  	s26 =	sshra.s32 s26, $0x1F;
	s15 =	smul.u32 $0x431BDE83, s15;
	v3 =	vmov s0;
	s0 =	sshra.s32 s20, $0x12  }
0x1da: {  	vm9 =	vcmask $0x704;
	s4 =	sshrl.u32 s20, $0x1F;
	v3 =	vsel vm4, s0, v3;
	s0 =	smul.u32 $0x431BDE83, s26;
	s26 =	sshra.s32 s20, $0x1F  }
0x1db: {  	s31 =	sshrl.u32 s21, $0x1F;
	v15 =	vmov s4;
	s4 =	smulhi.u32 $0x431BDE83, s29;
	s29 =	sshra.s32 s21, $0x12;
	v3 =	vsel vm9, s26, v3  }
0x1dc: {  	v4 =	vsel vm2, s19, v4;
	s19 =	smulhi.u32 $0x431BDE83, s30;
	s30 =	sshra.s32 s30, $0x1F;
	v5 =	vnsel vm4, $0x0, v15;
	v3 =	vsel vm0, s29, v3;
	s29 =	sshra.s32 s21, $0x1F  }
0x1dd: {  	v16 =	vmov s25;
	s25 =	smul.u32 $0x431BDE83, s30;
	s20 =	sshrl.u32 s1, $0x1F;
	v5 =	vsel vm0, s31, v5;
	s31 =	sshra.s32 s1, $0x12;
	v3 =	vsel vm11, s29, v3  }
0x1de: {  	v18 =	vmov s18;
	s1 =	sshra.s32 s1, $0x1F;
	s26 =	sshrl.u32 s2, $0x1F;
	v5 =	vsel vm1, s20, v5;
	s0 =	sadd.s32 s0, s22;
	v3 =	vsel vm1, s31, v3  }
0x1df: {  	v6 =	vsel vm0, s17, v16;
	s4 =	sadd.s32 s15, s4;
	v5 =	vsel vm2, s26, v5;
	s26 =	sshrl.u32 s0, $0x1F;
	s29 =	sshra.s32 s2, $0x12;
	v3 =	vsel vm12, s1, v3  }
0x1e0: {  	v6 =	vsel vm1, s24, v6;
	s28 =	sshrl.u32 s10, $0x1F;
	s30 =	sshra.s32 s2, $0x1F;
	s15 =	sshrl.u32 s4, $0x1F;
	v5 =	vsel vm5, s26, v5;
	v3 =	vsel vm2, s29, v3  }
0x1e1: {  	s17 =	sshra.s32 s7, $0x12;
	v6 =	vsel vm2, s28, v6;
	s16 =	sadd.s32 s25, s19;
	v5 =	vsel vm6, s15, v5;
	s15 =	sshra.s32 s0, $0x12;
	v3 =	vsel vm13, s30, v3  }
0x1e2: {  	v17 =	vmov s17;
	v4 =	vcombine.low v6, v4;
	s19 =	sshra.s32 s3, $0x12;
	s20 =	sshra.s32 s9, $0x12;
	s0 =	sshra.s32 s0, $0x1F;
	v3 =	vsel vm5, s15, v3  }
0x1e3: {  	s24 =	sshra.s32 s13, $0x12;
	v6 =	vsel vm0, s19, v17;
	s21 =	sshra.s32 s4, $0x12;
	s22 =	sshra.s32 s5, $0x12;
	v7 =	vsel vm0, s20, v18;
	v3 =	vsel vm14, s0, v3  }
0x1e4: {  	s28 =	sshra.s32 s10, $0x12;
	s25 =	sshra.s32 s4, $0x1F;
	v6 =	vsel vm1, s22, v6;
	v7 =	vsel vm1, s24, v7;
	s26 =	sshra.s32 s6, $0x12;
	v3 =	vsel vm6, s21, v3  }
0x1e5: {  	s31 =	sshrl.u32 s16, $0x1F;
	v7 =	vsel vm2, s28, v7;
	v6 =	vsel vm2, s26, v6;
	s29 =	sshra.s32 s16, $0x12;
	v3 =	vsel vm15, s25, v3  }
0x1e6: {  	v5 =	vsel vm7, s31, v5;
	s31 =	sshra.s32 s16, $0x1F;
	v6 =	vcombine.low v7, v6;
	v3 =	vsel vm7, s29, v3  }
0x1e7: {  	v4 =	vperm.xlane v4, v0;
	s1 =	sshra.s32 s11, $0x12;
	s30 =	sshrl.u32 s11, $0x1F;
	v3 =	vsel vm3, s31, v3  }
0x1e8: {  	v5 =	vsel vm8, s30, v5;
	v6 =	vperm.xlane v6, v0;
	v3 =	vsel vm8, s1, v3  }
0x1e9: {  	v5 =	vperm.xlane v5, v1;
	v3 =	vperm.xlane v3, v1;
	_ =	sdelay $0x1  }
0x1ea: {  	v4 =	vsel vm10, v5, v4;
	v3 =	vsel vm10, v3, v6  }
0x1eb: {  	v3 =	vadd.s32 v4, v3  }
0x1ec: {  	v3 =	vmul.u32 $0xF4240, v3;
	_ =	sdelay $0x1  }
0x1ed: {  	v2 =	vsub.s32 v2, v3  }
0x1ee: {  	vm9 =	vlt.s32 v2, $0x0;
	v3 =	vadd.s32 $0xF4240, v2  }
0x1ef: {  	s2 =	rddreg [dreg:$0x15];
	v2 =	vsel vm9, v3, v2  }
0x1f0: {  	[tilespmem:s2+$0xFFFFFFE0] =	vst v2  }
0x1f1: {  	v2 =	vld [tilespmem:$0x170];
	_ =	sdelay $0x1  }
0x1f2: {  	v3 =	vld [tilespmem:$0x70];
	_ =	sdelay $0x2  }
0x1f3: {  	v2 =	vmul.u32 $0x16A95, v2;
	_ =	sdelay $0x1  }
0x1f4: {  	v2 =	vadd.s32 v3, v2  }
0x1f5: {  	(v2sf) =	vpush v2, $0xD;
	_ =	sdelay $0x1  }
0x1f6: {  	(v2sf) =	vpush v2, $0xC;
	_ =	sdelay $0x1  }
0x1f7: {  	(v2sf) =	vpush v2, $0xE;
	_ =	sdelay $0x1  }
0x1f8: {  	(v2sf) =	vpush v2, $0xF;
	_ =	sdelay $0x1  }
0x1f9: {  	(v2sf) =	vpush v2, $0x9;
	_ =	sdelay $0x1  }
0x1fa: {  	(v2sf) =	vpush v2, $0x8;
	_ =	sdelay $0x1  }
0x1fb: {  	(v2sf) =	vpush v2, $0xA;
	_ =	sdelay $0x1  }
0x1fc: {  	(v2sf) =	vpush v2, $0xB  }
0x1fd: {  	s3 =	spop (v2sf)  }
0x1fe: {  	(v2sf) =	vpush v2, $0x0;
	s4 =	smulhi.u32 $0x431BDE83, s3;
	s0 =	sshra.s32 s3, $0x1F  }
0x1ff: {  	s5 =	spop (v2sf);
	s0 =	smul.u32 $0x431BDE83, s0  }
0x200: {  	(v2sf) =	vpush v2, $0x1;
	s6 =	smulhi.u32 $0x431BDE83, s5;
	s2 =	sshra.s32 s5, $0x1F  }
0x201: {  	(v2sf) =	vpush v2, $0x2;
	s7 =	spop (v2sf);
	s2 =	smul.u32 $0x431BDE83, s2  }
0x202: {  	(v2sf) =	vpush v2, $0x3;
	s9 =	smulhi.u32 $0x431BDE83, s7;
	s5 =	sshra.s32 s7, $0x1F  }
0x203: {  	(v2sf) =	vpush v2, $0x4;
	s11 =	spop (v2sf);
	s5 =	smul.u32 $0x431BDE83, s5  }
0x204: {  	(v2sf) =	vpush v2, $0x5;
	s12 =	smulhi.u32 $0x431BDE83, s11;
	s7 =	sshra.s32 s11, $0x1F  }
0x205: {  	(v2sf) =	vpush v2, $0x6;
	s16 =	spop (v2sf);
	s13 =	smul.u32 $0x431BDE83, s7  }
0x206: {  	(v2sf) =	vpush v2, $0x7;
	s17 =	smulhi.u32 $0x431BDE83, s16;
	s20 =	sshra.s32 s16, $0x1F  }
0x207: {  	s3 =	sadd.s32 s0, s4;
	s21 =	spop (v2sf);
	s4 =	smul.u32 $0x431BDE83, s20  }
0x208: {  	s15 =	sshrl.u32 s3, $0x1F;
	s22 =	smulhi.u32 $0x431BDE83, s21;
	s24 =	sshra.s32 s21, $0x1F  }
0x209: {  	s7 =	sadd.s32 s2, s6;
	s25 =	spop (v2sf);
	s10 =	smul.u32 $0x431BDE83, s24  }
0x20a: {  	s16 =	sshrl.u32 s7, $0x1F;
	s0 =	smulhi.u32 $0x431BDE83, s25;
	s26 =	sshra.s32 s25, $0x1F  }
0x20b: {  	s6 =	sadd.s32 s13, s12;
	s28 =	spop (v2sf);
	s13 =	smul.u32 $0x431BDE83, s26  }
0x20c: {  	s5 =	sadd.s32 s5, s9;
	s2 =	smulhi.u32 $0x431BDE83, s28;
	s29 =	sshra.s32 s28, $0x1F  }
0x20d: {  	s9 =	sadd.s32 s4, s17;
	s30 =	spop (v2sf);
	s4 =	smul.u32 $0x431BDE83, s29  }
0x20e: {  	s18 =	sshrl.u32 s5, $0x1F;
	s20 =	smulhi.u32 $0x431BDE83, s30;
	s31 =	sshra.s32 s30, $0x1F  }
0x20f: {  	s1 =	spop (v2sf);
	s12 =	sadd.s32 s10, s22;
	s11 =	smul.u32 $0x431BDE83, s31  }
0x210: {  	s21 =	spop (v2sf);
	s24 =	smulhi.u32 $0x431BDE83, s1;
	s22 =	sshra.s32 s1, $0x1F  }
0x211: {  	s13 =	sadd.s32 s13, s0;
	s22 =	smul.u32 $0x431BDE83, s22;
	s31 =	spop (v2sf)  }
0x212: {  	s28 =	smulhi.u32 $0x431BDE83, s21;
	s10 =	sshra.s32 s21, $0x1F;
	s26 =	spop (v2sf)  }
0x213: {  	s0 =	smul.u32 $0x431BDE83, s10;
	s10 =	sadd.s32 s4, s2;
	s29 =	spop (v2sf)  }
0x214: {  	s2 =	smulhi.u32 $0x431BDE83, s31;
	s31 =	sshra.s32 s31, $0x1F;
	s30 =	spop (v2sf)  }
0x215: {  	s21 =	sadd.s32 s22, s24;
	s22 =	smul.u32 $0x431BDE83, s31;
	s1 =	spop (v2sf)  }
0x216: {  	v19 =	vmov s16;
	s20 =	sadd.s32 s11, s20;
	s11 =	smulhi.u32 $0x431BDE83, s1;
	s4 =	sshra.s32 s1, $0x1F  }
0x217: {  	s19 =	sshrl.u32 s6, $0x1F;
	v4 =	vsel vm0, s15, v19;
	s17 =	sshrl.u32 s9, $0x1F;
	s4 =	smul.u32 $0x431BDE83, s4  }
0x218: {  	v4 =	vsel vm1, s18, v4;
	s25 =	sshrl.u32 s12, $0x1F;
	s18 =	sshra.s32 s12, $0x12;
	s24 =	sshrl.u32 s13, $0x1F  }
0x219: {  	s15 =	sshra.s32 s29, $0x1F;
	s2 =	sadd.s32 s22, s2;
	s11 =	sadd.s32 s4, s11  }
0x21a: {  	s22 =	smulhi.u32 $0x431BDE83, s26;
	s1 =	sadd.s32 s0, s28;
	s0 =	sshra.s32 s11, $0x1F  }
0x21b: {  	s26 =	sshra.s32 s26, $0x1F;
	s15 =	smul.u32 $0x431BDE83, s15;
	v3 =	vmov s0;
	s0 =	sshra.s32 s20, $0x12  }
0x21c: {  	vm9 =	vcmask $0x704;
	s4 =	sshrl.u32 s20, $0x1F;
	v3 =	vsel vm4, s0, v3;
	s0 =	smul.u32 $0x431BDE83, s26;
	s26 =	sshra.s32 s20, $0x1F  }
0x21d: {  	s31 =	sshrl.u32 s21, $0x1F;
	v20 =	vmov s4;
	s4 =	smulhi.u32 $0x431BDE83, s29;
	s29 =	sshra.s32 s21, $0x12;
	v3 =	vsel vm9, s26, v3  }
0x21e: {  	v4 =	vsel vm2, s19, v4;
	s19 =	smulhi.u32 $0x431BDE83, s30;
	s30 =	sshra.s32 s30, $0x1F;
	v5 =	vnsel vm4, $0x0, v20;
	v3 =	vsel vm0, s29, v3;
	s29 =	sshra.s32 s21, $0x1F  }
0x21f: {  	v21 =	vmov s25;
	s25 =	smul.u32 $0x431BDE83, s30;
	s20 =	sshrl.u32 s1, $0x1F;
	v5 =	vsel vm0, s31, v5;
	s31 =	sshra.s32 s1, $0x12;
	v3 =	vsel vm11, s29, v3  }
0x220: {  	v23 =	vmov s18;
	s1 =	sshra.s32 s1, $0x1F;
	s26 =	sshrl.u32 s2, $0x1F;
	v5 =	vsel vm1, s20, v5;
	s0 =	sadd.s32 s0, s22;
	v3 =	vsel vm1, s31, v3  }
0x221: {  	v6 =	vsel vm0, s17, v21;
	s4 =	sadd.s32 s15, s4;
	v5 =	vsel vm2, s26, v5;
	s26 =	sshrl.u32 s0, $0x1F;
	s29 =	sshra.s32 s2, $0x12;
	v3 =	vsel vm12, s1, v3  }
0x222: {  	v6 =	vsel vm1, s24, v6;
	s28 =	sshrl.u32 s10, $0x1F;
	s30 =	sshra.s32 s2, $0x1F;
	s15 =	sshrl.u32 s4, $0x1F;
	v5 =	vsel vm5, s26, v5;
	v3 =	vsel vm2, s29, v3  }
0x223: {  	s17 =	sshra.s32 s7, $0x12;
	v6 =	vsel vm2, s28, v6;
	s16 =	sadd.s32 s25, s19;
	v5 =	vsel vm6, s15, v5;
	s15 =	sshra.s32 s0, $0x12;
	v3 =	vsel vm13, s30, v3  }
0x224: {  	v22 =	vmov s17;
	v4 =	vcombine.low v6, v4;
	s19 =	sshra.s32 s3, $0x12;
	s20 =	sshra.s32 s9, $0x12;
	s0 =	sshra.s32 s0, $0x1F;
	v3 =	vsel vm5, s15, v3  }
0x225: {  	s24 =	sshra.s32 s13, $0x12;
	v6 =	vsel vm0, s19, v22;
	s21 =	sshra.s32 s4, $0x12;
	s22 =	sshra.s32 s5, $0x12;
	v7 =	vsel vm0, s20, v23;
	v3 =	vsel vm14, s0, v3  }
0x226: {  	s28 =	sshra.s32 s10, $0x12;
	s25 =	sshra.s32 s4, $0x1F;
	v6 =	vsel vm1, s22, v6;
	v7 =	vsel vm1, s24, v7;
	s26 =	sshra.s32 s6, $0x12;
	v3 =	vsel vm6, s21, v3  }
0x227: {  	s31 =	sshrl.u32 s16, $0x1F;
	v7 =	vsel vm2, s28, v7;
	v6 =	vsel vm2, s26, v6;
	s29 =	sshra.s32 s16, $0x12;
	v3 =	vsel vm15, s25, v3  }
0x228: {  	v5 =	vsel vm7, s31, v5;
	s31 =	sshra.s32 s16, $0x1F;
	v6 =	vcombine.low v7, v6;
	v3 =	vsel vm7, s29, v3  }
0x229: {  	v4 =	vperm.xlane v4, v0;
	s1 =	sshra.s32 s11, $0x12;
	s30 =	sshrl.u32 s11, $0x1F;
	v3 =	vsel vm3, s31, v3  }
0x22a: {  	v5 =	vsel vm8, s30, v5;
	v6 =	vperm.xlane v6, v0;
	v3 =	vsel vm8, s1, v3  }
0x22b: {  	v5 =	vperm.xlane v5, v1;
	v3 =	vperm.xlane v3, v1;
	_ =	sdelay $0x1  }
0x22c: {  	v4 =	vsel vm10, v5, v4;
	v3 =	vsel vm10, v3, v6  }
0x22d: {  	v3 =	vadd.s32 v4, v3  }
0x22e: {  	v3 =	vmul.u32 $0xF4240, v3;
	_ =	sdelay $0x1  }
0x22f: {  	v2 =	vsub.s32 v2, v3  }
0x230: {  	vm9 =	vlt.s32 v2, $0x0;
	v3 =	vadd.s32 $0xF4240, v2  }
0x231: {  	s2 =	rddreg [dreg:$0x15];
	v2 =	vsel vm9, v3, v2  }
0x232: {  	[tilespmem:s2+$0xFFFFFFF0] =	vst v2  }
0x233: {  	v2 =	vld [tilespmem:$0x180];
	_ =	sdelay $0x1  }
0x234: {  	v3 =	vld [tilespmem:$0x80];
	_ =	sdelay $0x2  }
0x235: {  	v2 =	vmul.u32 $0x16A95, v2;
	_ =	sdelay $0x1  }
0x236: {  	v2 =	vadd.s32 v3, v2  }
0x237: {  	(v2sf) =	vpush v2, $0xD;
	_ =	sdelay $0x1  }
0x238: {  	(v2sf) =	vpush v2, $0xC;
	_ =	sdelay $0x1  }
0x239: {  	(v2sf) =	vpush v2, $0xE;
	_ =	sdelay $0x1  }
0x23a: {  	(v2sf) =	vpush v2, $0xF;
	_ =	sdelay $0x1  }
0x23b: {  	(v2sf) =	vpush v2, $0x9;
	_ =	sdelay $0x1  }
0x23c: {  	(v2sf) =	vpush v2, $0x8;
	_ =	sdelay $0x1  }
0x23d: {  	(v2sf) =	vpush v2, $0xA;
	_ =	sdelay $0x1  }
0x23e: {  	(v2sf) =	vpush v2, $0xB  }
0x23f: {  	s3 =	spop (v2sf)  }
0x240: {  	(v2sf) =	vpush v2, $0x0;
	s4 =	smulhi.u32 $0x431BDE83, s3;
	s0 =	sshra.s32 s3, $0x1F  }
0x241: {  	s5 =	spop (v2sf);
	s0 =	smul.u32 $0x431BDE83, s0  }
0x242: {  	(v2sf) =	vpush v2, $0x1;
	s6 =	smulhi.u32 $0x431BDE83, s5;
	s2 =	sshra.s32 s5, $0x1F  }
0x243: {  	(v2sf) =	vpush v2, $0x2;
	s7 =	spop (v2sf);
	s2 =	smul.u32 $0x431BDE83, s2  }
0x244: {  	(v2sf) =	vpush v2, $0x3;
	s9 =	smulhi.u32 $0x431BDE83, s7;
	s5 =	sshra.s32 s7, $0x1F  }
0x245: {  	(v2sf) =	vpush v2, $0x4;
	s11 =	spop (v2sf);
	s5 =	smul.u32 $0x431BDE83, s5  }
0x246: {  	(v2sf) =	vpush v2, $0x5;
	s12 =	smulhi.u32 $0x431BDE83, s11;
	s7 =	sshra.s32 s11, $0x1F  }
0x247: {  	(v2sf) =	vpush v2, $0x6;
	s16 =	spop (v2sf);
	s13 =	smul.u32 $0x431BDE83, s7  }
0x248: {  	(v2sf) =	vpush v2, $0x7;
	s17 =	smulhi.u32 $0x431BDE83, s16;
	s20 =	sshra.s32 s16, $0x1F  }
0x249: {  	s3 =	sadd.s32 s0, s4;
	s21 =	spop (v2sf);
	s4 =	smul.u32 $0x431BDE83, s20  }
0x24a: {  	s15 =	sshrl.u32 s3, $0x1F;
	s22 =	smulhi.u32 $0x431BDE83, s21;
	s24 =	sshra.s32 s21, $0x1F  }
0x24b: {  	s7 =	sadd.s32 s2, s6;
	s25 =	spop (v2sf);
	s10 =	smul.u32 $0x431BDE83, s24  }
0x24c: {  	s16 =	sshrl.u32 s7, $0x1F;
	s0 =	smulhi.u32 $0x431BDE83, s25;
	s26 =	sshra.s32 s25, $0x1F  }
0x24d: {  	s6 =	sadd.s32 s13, s12;
	s28 =	spop (v2sf);
	s13 =	smul.u32 $0x431BDE83, s26  }
0x24e: {  	s5 =	sadd.s32 s5, s9;
	s2 =	smulhi.u32 $0x431BDE83, s28;
	s29 =	sshra.s32 s28, $0x1F  }
0x24f: {  	s9 =	sadd.s32 s4, s17;
	s30 =	spop (v2sf);
	s4 =	smul.u32 $0x431BDE83, s29  }
0x250: {  	s18 =	sshrl.u32 s5, $0x1F;
	s20 =	smulhi.u32 $0x431BDE83, s30;
	s31 =	sshra.s32 s30, $0x1F  }
0x251: {  	s1 =	spop (v2sf);
	s12 =	sadd.s32 s10, s22;
	s11 =	smul.u32 $0x431BDE83, s31  }
0x252: {  	s21 =	spop (v2sf);
	s24 =	smulhi.u32 $0x431BDE83, s1;
	s22 =	sshra.s32 s1, $0x1F  }
0x253: {  	s13 =	sadd.s32 s13, s0;
	s22 =	smul.u32 $0x431BDE83, s22;
	s31 =	spop (v2sf)  }
0x254: {  	s28 =	smulhi.u32 $0x431BDE83, s21;
	s10 =	sshra.s32 s21, $0x1F;
	s26 =	spop (v2sf)  }
0x255: {  	s0 =	smul.u32 $0x431BDE83, s10;
	s10 =	sadd.s32 s4, s2;
	s29 =	spop (v2sf)  }
0x256: {  	s2 =	smulhi.u32 $0x431BDE83, s31;
	s31 =	sshra.s32 s31, $0x1F;
	s30 =	spop (v2sf)  }
0x257: {  	s21 =	sadd.s32 s22, s24;
	s22 =	smul.u32 $0x431BDE83, s31;
	s1 =	spop (v2sf)  }
0x258: {  	v24 =	vmov s16;
	s20 =	sadd.s32 s11, s20;
	s11 =	smulhi.u32 $0x431BDE83, s1;
	s4 =	sshra.s32 s1, $0x1F  }
0x259: {  	s19 =	sshrl.u32 s6, $0x1F;
	v4 =	vsel vm0, s15, v24;
	s17 =	sshrl.u32 s9, $0x1F;
	s4 =	smul.u32 $0x431BDE83, s4  }
0x25a: {  	v4 =	vsel vm1, s18, v4;
	s25 =	sshrl.u32 s12, $0x1F;
	s18 =	sshra.s32 s12, $0x12;
	s24 =	sshrl.u32 s13, $0x1F  }
0x25b: {  	s15 =	sshra.s32 s29, $0x1F;
	s2 =	sadd.s32 s22, s2;
	s11 =	sadd.s32 s4, s11  }
0x25c: {  	s22 =	smulhi.u32 $0x431BDE83, s26;
	s1 =	sadd.s32 s0, s28;
	s0 =	sshra.s32 s11, $0x1F  }
0x25d: {  	s26 =	sshra.s32 s26, $0x1F;
	s15 =	smul.u32 $0x431BDE83, s15;
	v3 =	vmov s0;
	s0 =	sshra.s32 s20, $0x12  }
0x25e: {  	vm9 =	vcmask $0x704;
	s4 =	sshrl.u32 s20, $0x1F;
	v3 =	vsel vm4, s0, v3;
	s0 =	smul.u32 $0x431BDE83, s26;
	s26 =	sshra.s32 s20, $0x1F  }
0x25f: {  	s31 =	sshrl.u32 s21, $0x1F;
	v25 =	vmov s4;
	s4 =	smulhi.u32 $0x431BDE83, s29;
	s29 =	sshra.s32 s21, $0x12;
	v3 =	vsel vm9, s26, v3  }
0x260: {  	v4 =	vsel vm2, s19, v4;
	s19 =	smulhi.u32 $0x431BDE83, s30;
	s30 =	sshra.s32 s30, $0x1F;
	v5 =	vnsel vm4, $0x0, v25;
	v3 =	vsel vm0, s29, v3;
	s29 =	sshra.s32 s21, $0x1F  }
0x261: {  	v26 =	vmov s25;
	s25 =	smul.u32 $0x431BDE83, s30;
	s20 =	sshrl.u32 s1, $0x1F;
	v5 =	vsel vm0, s31, v5;
	s31 =	sshra.s32 s1, $0x12;
	v3 =	vsel vm11, s29, v3  }
0x262: {  	v28 =	vmov s18;
	s1 =	sshra.s32 s1, $0x1F;
	s26 =	sshrl.u32 s2, $0x1F;
	v5 =	vsel vm1, s20, v5;
	s0 =	sadd.s32 s0, s22;
	v3 =	vsel vm1, s31, v3  }
0x263: {  	v6 =	vsel vm0, s17, v26;
	s4 =	sadd.s32 s15, s4;
	v5 =	vsel vm2, s26, v5;
	s26 =	sshrl.u32 s0, $0x1F;
	s29 =	sshra.s32 s2, $0x12;
	v3 =	vsel vm12, s1, v3  }
0x264: {  	v6 =	vsel vm1, s24, v6;
	s28 =	sshrl.u32 s10, $0x1F;
	s30 =	sshra.s32 s2, $0x1F;
	s15 =	sshrl.u32 s4, $0x1F;
	v5 =	vsel vm5, s26, v5;
	v3 =	vsel vm2, s29, v3  }
0x265: {  	s17 =	sshra.s32 s7, $0x12;
	v6 =	vsel vm2, s28, v6;
	s16 =	sadd.s32 s25, s19;
	v5 =	vsel vm6, s15, v5;
	s15 =	sshra.s32 s0, $0x12;
	v3 =	vsel vm13, s30, v3  }
0x266: {  	v27 =	vmov s17;
	v4 =	vcombine.low v6, v4;
	s19 =	sshra.s32 s3, $0x12;
	s20 =	sshra.s32 s9, $0x12;
	s0 =	sshra.s32 s0, $0x1F;
	v3 =	vsel vm5, s15, v3  }
0x267: {  	s24 =	sshra.s32 s13, $0x12;
	v6 =	vsel vm0, s19, v27;
	s21 =	sshra.s32 s4, $0x12;
	s22 =	sshra.s32 s5, $0x12;
	v7 =	vsel vm0, s20, v28;
	v3 =	vsel vm14, s0, v3  }
0x268: {  	s28 =	sshra.s32 s10, $0x12;
	s25 =	sshra.s32 s4, $0x1F;
	v6 =	vsel vm1, s22, v6;
	v7 =	vsel vm1, s24, v7;
	s26 =	sshra.s32 s6, $0x12;
	v3 =	vsel vm6, s21, v3  }
0x269: {  	s31 =	sshrl.u32 s16, $0x1F;
	v7 =	vsel vm2, s28, v7;
	v6 =	vsel vm2, s26, v6;
	s29 =	sshra.s32 s16, $0x12;
	v3 =	vsel vm15, s25, v3  }
0x26a: {  	v5 =	vsel vm7, s31, v5;
	s31 =	sshra.s32 s16, $0x1F;
	v6 =	vcombine.low v7, v6;
	v3 =	vsel vm7, s29, v3  }
0x26b: {  	v4 =	vperm.xlane v4, v0;
	s1 =	sshra.s32 s11, $0x12;
	s30 =	sshrl.u32 s11, $0x1F;
	v3 =	vsel vm3, s31, v3  }
0x26c: {  	v5 =	vsel vm8, s30, v5;
	v6 =	vperm.xlane v6, v0;
	v3 =	vsel vm8, s1, v3  }
0x26d: {  	v5 =	vperm.xlane v5, v1;
	v3 =	vperm.xlane v3, v1;
	_ =	sdelay $0x1  }
0x26e: {  	v4 =	vsel vm10, v5, v4;
	v3 =	vsel vm10, v3, v6  }
0x26f: {  	v3 =	vadd.s32 v4, v3  }
0x270: {  	v3 =	vmul.u32 $0xF4240, v3;
	_ =	sdelay $0x1  }
0x271: {  	v2 =	vsub.s32 v2, v3  }
0x272: {  	vm9 =	vlt.s32 v2, $0x0;
	v3 =	vadd.s32 $0xF4240, v2  }
0x273: {  	s2 =	rddreg [dreg:$0x15];
	v2 =	vsel vm9, v3, v2  }
0x274: {  	[tilespmem:s2+$0x0] =	vst v2  }
0x275: {  	v2 =	vld [tilespmem:$0x190];
	_ =	sdelay $0x1  }
0x276: {  	v3 =	vld [tilespmem:$0x90];
	_ =	sdelay $0x2  }
0x277: {  	v2 =	vmul.u32 $0x16A95, v2;
	_ =	sdelay $0x1  }
0x278: {  	v2 =	vadd.s32 v3, v2  }
0x279: {  	(v2sf) =	vpush v2, $0xD;
	_ =	sdelay $0x1  }
0x27a: {  	(v2sf) =	vpush v2, $0xC;
	_ =	sdelay $0x1  }
0x27b: {  	(v2sf) =	vpush v2, $0xE;
	_ =	sdelay $0x1  }
0x27c: {  	(v2sf) =	vpush v2, $0xF;
	_ =	sdelay $0x1  }
0x27d: {  	(v2sf) =	vpush v2, $0x9;
	_ =	sdelay $0x1  }
0x27e: {  	(v2sf) =	vpush v2, $0x8;
	_ =	sdelay $0x1  }
0x27f: {  	(v2sf) =	vpush v2, $0xA;
	_ =	sdelay $0x1  }
0x280: {  	(v2sf) =	vpush v2, $0xB  }
0x281: {  	s3 =	spop (v2sf)  }
0x282: {  	(v2sf) =	vpush v2, $0x0;
	s4 =	smulhi.u32 $0x431BDE83, s3;
	s0 =	sshra.s32 s3, $0x1F  }
0x283: {  	s5 =	spop (v2sf);
	s0 =	smul.u32 $0x431BDE83, s0  }
0x284: {  	(v2sf) =	vpush v2, $0x1;
	s6 =	smulhi.u32 $0x431BDE83, s5;
	s2 =	sshra.s32 s5, $0x1F  }
0x285: {  	(v2sf) =	vpush v2, $0x2;
	s7 =	spop (v2sf);
	s2 =	smul.u32 $0x431BDE83, s2  }
0x286: {  	(v2sf) =	vpush v2, $0x3;
	s9 =	smulhi.u32 $0x431BDE83, s7;
	s5 =	sshra.s32 s7, $0x1F  }
0x287: {  	(v2sf) =	vpush v2, $0x4;
	s11 =	spop (v2sf);
	s5 =	smul.u32 $0x431BDE83, s5  }
0x288: {  	(v2sf) =	vpush v2, $0x5;
	s12 =	smulhi.u32 $0x431BDE83, s11;
	s7 =	sshra.s32 s11, $0x1F  }
0x289: {  	(v2sf) =	vpush v2, $0x6;
	s16 =	spop (v2sf);
	s13 =	smul.u32 $0x431BDE83, s7  }
0x28a: {  	(v2sf) =	vpush v2, $0x7;
	s17 =	smulhi.u32 $0x431BDE83, s16;
	s20 =	sshra.s32 s16, $0x1F  }
0x28b: {  	s3 =	sadd.s32 s0, s4;
	s21 =	spop (v2sf);
	s4 =	smul.u32 $0x431BDE83, s20  }
0x28c: {  	s15 =	sshrl.u32 s3, $0x1F;
	s22 =	smulhi.u32 $0x431BDE83, s21;
	s24 =	sshra.s32 s21, $0x1F  }
0x28d: {  	s7 =	sadd.s32 s2, s6;
	s25 =	spop (v2sf);
	s10 =	smul.u32 $0x431BDE83, s24  }
0x28e: {  	s16 =	sshrl.u32 s7, $0x1F;
	s0 =	smulhi.u32 $0x431BDE83, s25;
	s26 =	sshra.s32 s25, $0x1F  }
0x28f: {  	s6 =	sadd.s32 s13, s12;
	s28 =	spop (v2sf);
	s13 =	smul.u32 $0x431BDE83, s26  }
0x290: {  	s5 =	sadd.s32 s5, s9;
	s2 =	smulhi.u32 $0x431BDE83, s28;
	s29 =	sshra.s32 s28, $0x1F  }
0x291: {  	s9 =	sadd.s32 s4, s17;
	s30 =	spop (v2sf);
	s4 =	smul.u32 $0x431BDE83, s29  }
0x292: {  	s18 =	sshrl.u32 s5, $0x1F;
	s20 =	smulhi.u32 $0x431BDE83, s30;
	s31 =	sshra.s32 s30, $0x1F  }
0x293: {  	s1 =	spop (v2sf);
	s12 =	sadd.s32 s10, s22;
	s11 =	smul.u32 $0x431BDE83, s31  }
0x294: {  	s21 =	spop (v2sf);
	s24 =	smulhi.u32 $0x431BDE83, s1;
	s22 =	sshra.s32 s1, $0x1F  }
0x295: {  	s13 =	sadd.s32 s13, s0;
	s22 =	smul.u32 $0x431BDE83, s22;
	s31 =	spop (v2sf)  }
0x296: {  	s28 =	smulhi.u32 $0x431BDE83, s21;
	s10 =	sshra.s32 s21, $0x1F;
	s26 =	spop (v2sf)  }
0x297: {  	s0 =	smul.u32 $0x431BDE83, s10;
	s10 =	sadd.s32 s4, s2;
	s29 =	spop (v2sf)  }
0x298: {  	s2 =	smulhi.u32 $0x431BDE83, s31;
	s31 =	sshra.s32 s31, $0x1F;
	s30 =	spop (v2sf)  }
0x299: {  	s21 =	sadd.s32 s22, s24;
	s22 =	smul.u32 $0x431BDE83, s31;
	s1 =	spop (v2sf)  }
0x29a: {  	v29 =	vmov s16;
	s20 =	sadd.s32 s11, s20;
	s11 =	smulhi.u32 $0x431BDE83, s1;
	s4 =	sshra.s32 s1, $0x1F  }
0x29b: {  	s19 =	sshrl.u32 s6, $0x1F;
	v4 =	vsel vm0, s15, v29;
	s17 =	sshrl.u32 s9, $0x1F;
	s4 =	smul.u32 $0x431BDE83, s4  }
0x29c: {  	v4 =	vsel vm1, s18, v4;
	s25 =	sshrl.u32 s12, $0x1F;
	s18 =	sshra.s32 s12, $0x12;
	s24 =	sshrl.u32 s13, $0x1F  }
0x29d: {  	s15 =	sshra.s32 s29, $0x1F;
	s2 =	sadd.s32 s22, s2;
	s11 =	sadd.s32 s4, s11  }
0x29e: {  	s22 =	smulhi.u32 $0x431BDE83, s26;
	s1 =	sadd.s32 s0, s28;
	s0 =	sshra.s32 s11, $0x1F  }
0x29f: {  	s26 =	sshra.s32 s26, $0x1F;
	s15 =	smul.u32 $0x431BDE83, s15;
	v3 =	vmov s0;
	s0 =	sshra.s32 s20, $0x12  }
0x2a0: {  	vm9 =	vcmask $0x704;
	s4 =	sshrl.u32 s20, $0x1F;
	v3 =	vsel vm4, s0, v3;
	s0 =	smul.u32 $0x431BDE83, s26;
	s26 =	sshra.s32 s20, $0x1F  }
0x2a1: {  	s31 =	sshrl.u32 s21, $0x1F;
	v30 =	vmov s4;
	s4 =	smulhi.u32 $0x431BDE83, s29;
	s29 =	sshra.s32 s21, $0x12;
	v3 =	vsel vm9, s26, v3  }
0x2a2: {  	v4 =	vsel vm2, s19, v4;
	s19 =	smulhi.u32 $0x431BDE83, s30;
	s30 =	sshra.s32 s30, $0x1F;
	v5 =	vnsel vm4, $0x0, v30;
	v3 =	vsel vm0, s29, v3;
	s29 =	sshra.s32 s21, $0x1F  }
0x2a3: {  	v31 =	vmov s25;
	s25 =	smul.u32 $0x431BDE83, s30;
	s20 =	sshrl.u32 s1, $0x1F;
	v5 =	vsel vm0, s31, v5;
	s31 =	sshra.s32 s1, $0x12;
	v3 =	vsel vm11, s29, v3  }
0x2a4: {  	v33 =	vmov s18;
	s1 =	sshra.s32 s1, $0x1F;
	s26 =	sshrl.u32 s2, $0x1F;
	v5 =	vsel vm1, s20, v5;
	s0 =	sadd.s32 s0, s22;
	v3 =	vsel vm1, s31, v3  }
0x2a5: {  	v6 =	vsel vm0, s17, v31;
	s4 =	sadd.s32 s15, s4;
	v5 =	vsel vm2, s26, v5;
	s26 =	sshrl.u32 s0, $0x1F;
	s29 =	sshra.s32 s2, $0x12;
	v3 =	vsel vm12, s1, v3  }
0x2a6: {  	v6 =	vsel vm1, s24, v6;
	s28 =	sshrl.u32 s10, $0x1F;
	s30 =	sshra.s32 s2, $0x1F;
	s15 =	sshrl.u32 s4, $0x1F;
	v5 =	vsel vm5, s26, v5;
	v3 =	vsel vm2, s29, v3  }
0x2a7: {  	s17 =	sshra.s32 s7, $0x12;
	v6 =	vsel vm2, s28, v6;
	s16 =	sadd.s32 s25, s19;
	v5 =	vsel vm6, s15, v5;
	s15 =	sshra.s32 s0, $0x12;
	v3 =	vsel vm13, s30, v3  }
0x2a8: {  	v32 =	vmov s17;
	v4 =	vcombine.low v6, v4;
	s19 =	sshra.s32 s3, $0x12;
	s20 =	sshra.s32 s9, $0x12;
	s0 =	sshra.s32 s0, $0x1F;
	v3 =	vsel vm5, s15, v3  }
0x2a9: {  	s24 =	sshra.s32 s13, $0x12;
	v6 =	vsel vm0, s19, v32;
	s21 =	sshra.s32 s4, $0x12;
	s22 =	sshra.s32 s5, $0x12;
	v7 =	vsel vm0, s20, v33;
	v3 =	vsel vm14, s0, v3  }
0x2aa: {  	s28 =	sshra.s32 s10, $0x12;
	s25 =	sshra.s32 s4, $0x1F;
	v6 =	vsel vm1, s22, v6;
	v7 =	vsel vm1, s24, v7;
	s26 =	sshra.s32 s6, $0x12;
	v3 =	vsel vm6, s21, v3  }
0x2ab: {  	s31 =	sshrl.u32 s16, $0x1F;
	v7 =	vsel vm2, s28, v7;
	v6 =	vsel vm2, s26, v6;
	s29 =	sshra.s32 s16, $0x12;
	v3 =	vsel vm15, s25, v3  }
0x2ac: {  	v5 =	vsel vm7, s31, v5;
	s31 =	sshra.s32 s16, $0x1F;
	v6 =	vcombine.low v7, v6;
	v3 =	vsel vm7, s29, v3  }
0x2ad: {  	v4 =	vperm.xlane v4, v0;
	s1 =	sshra.s32 s11, $0x12;
	s30 =	sshrl.u32 s11, $0x1F;
	v3 =	vsel vm3, s31, v3  }
0x2ae: {  	v5 =	vsel vm8, s30, v5;
	v6 =	vperm.xlane v6, v0;
	v3 =	vsel vm8, s1, v3  }
0x2af: {  	v5 =	vperm.xlane v5, v1;
	v3 =	vperm.xlane v3, v1;
	_ =	sdelay $0x1  }
0x2b0: {  	v4 =	vsel vm10, v5, v4;
	v3 =	vsel vm10, v3, v6  }
0x2b1: {  	v3 =	vadd.s32 v4, v3  }
0x2b2: {  	v3 =	vmul.u32 $0xF4240, v3;
	_ =	sdelay $0x1  }
0x2b3: {  	v2 =	vsub.s32 v2, v3  }
0x2b4: {  	vm9 =	vlt.s32 v2, $0x0;
	v3 =	vadd.s32 $0xF4240, v2  }
0x2b5: {  	s2 =	rddreg [dreg:$0x15];
	v2 =	vsel vm9, v3, v2  }
0x2b6: {  	[tilespmem:s2+$0x10] =	vst v2  }
0x2b7: {  	v2 =	vld [tilespmem:$0x1A0];
	_ =	sdelay $0x1  }
0x2b8: {  	v3 =	vld [tilespmem:$0xA0];
	_ =	sdelay $0x2  }
0x2b9: {  	v2 =	vmul.u32 $0x16A95, v2;
	_ =	sdelay $0x1  }
0x2ba: {  	v2 =	vadd.s32 v3, v2  }
0x2bb: {  	(v2sf) =	vpush v2, $0xD;
	_ =	sdelay $0x1  }
0x2bc: {  	(v2sf) =	vpush v2, $0xC;
	_ =	sdelay $0x1  }
0x2bd: {  	(v2sf) =	vpush v2, $0xE;
	_ =	sdelay $0x1  }
0x2be: {  	(v2sf) =	vpush v2, $0xF;
	_ =	sdelay $0x1  }
0x2bf: {  	(v2sf) =	vpush v2, $0x9;
	_ =	sdelay $0x1  }
0x2c0: {  	(v2sf) =	vpush v2, $0x8;
	_ =	sdelay $0x1  }
0x2c1: {  	(v2sf) =	vpush v2, $0xA;
	_ =	sdelay $0x1  }
0x2c2: {  	(v2sf) =	vpush v2, $0xB  }
0x2c3: {  	s3 =	spop (v2sf)  }
0x2c4: {  	(v2sf) =	vpush v2, $0x0;
	s4 =	smulhi.u32 $0x431BDE83, s3;
	s0 =	sshra.s32 s3, $0x1F  }
0x2c5: {  	s5 =	spop (v2sf);
	s0 =	smul.u32 $0x431BDE83, s0  }
0x2c6: {  	(v2sf) =	vpush v2, $0x1;
	s6 =	smulhi.u32 $0x431BDE83, s5;
	s2 =	sshra.s32 s5, $0x1F  }
0x2c7: {  	(v2sf) =	vpush v2, $0x2;
	s7 =	spop (v2sf);
	s2 =	smul.u32 $0x431BDE83, s2  }
0x2c8: {  	(v2sf) =	vpush v2, $0x3;
	s9 =	smulhi.u32 $0x431BDE83, s7;
	s5 =	sshra.s32 s7, $0x1F  }
0x2c9: {  	(v2sf) =	vpush v2, $0x4;
	s11 =	spop (v2sf);
	s5 =	smul.u32 $0x431BDE83, s5  }
0x2ca: {  	(v2sf) =	vpush v2, $0x5;
	s12 =	smulhi.u32 $0x431BDE83, s11;
	s7 =	sshra.s32 s11, $0x1F  }
0x2cb: {  	(v2sf) =	vpush v2, $0x6;
	s16 =	spop (v2sf);
	s13 =	smul.u32 $0x431BDE83, s7  }
0x2cc: {  	(v2sf) =	vpush v2, $0x7;
	s17 =	smulhi.u32 $0x431BDE83, s16;
	s20 =	sshra.s32 s16, $0x1F  }
0x2cd: {  	s3 =	sadd.s32 s0, s4;
	s21 =	spop (v2sf);
	s4 =	smul.u32 $0x431BDE83, s20  }
0x2ce: {  	s15 =	sshrl.u32 s3, $0x1F;
	s22 =	smulhi.u32 $0x431BDE83, s21;
	s24 =	sshra.s32 s21, $0x1F  }
0x2cf: {  	s7 =	sadd.s32 s2, s6;
	s25 =	spop (v2sf);
	s10 =	smul.u32 $0x431BDE83, s24  }
0x2d0: {  	s16 =	sshrl.u32 s7, $0x1F;
	s0 =	smulhi.u32 $0x431BDE83, s25;
	s26 =	sshra.s32 s25, $0x1F  }
0x2d1: {  	s6 =	sadd.s32 s13, s12;
	s28 =	spop (v2sf);
	s13 =	smul.u32 $0x431BDE83, s26  }
0x2d2: {  	s5 =	sadd.s32 s5, s9;
	s2 =	smulhi.u32 $0x431BDE83, s28;
	s29 =	sshra.s32 s28, $0x1F  }
0x2d3: {  	s9 =	sadd.s32 s4, s17;
	s30 =	spop (v2sf);
	s4 =	smul.u32 $0x431BDE83, s29  }
0x2d4: {  	s18 =	sshrl.u32 s5, $0x1F;
	s20 =	smulhi.u32 $0x431BDE83, s30;
	s31 =	sshra.s32 s30, $0x1F  }
0x2d5: {  	s1 =	spop (v2sf);
	s12 =	sadd.s32 s10, s22;
	s11 =	smul.u32 $0x431BDE83, s31  }
0x2d6: {  	s21 =	spop (v2sf);
	s24 =	smulhi.u32 $0x431BDE83, s1;
	s22 =	sshra.s32 s1, $0x1F  }
0x2d7: {  	s13 =	sadd.s32 s13, s0;
	s22 =	smul.u32 $0x431BDE83, s22;
	s31 =	spop (v2sf)  }
0x2d8: {  	s28 =	smulhi.u32 $0x431BDE83, s21;
	s10 =	sshra.s32 s21, $0x1F;
	s26 =	spop (v2sf)  }
0x2d9: {  	s0 =	smul.u32 $0x431BDE83, s10;
	s10 =	sadd.s32 s4, s2;
	s29 =	spop (v2sf)  }
0x2da: {  	s2 =	smulhi.u32 $0x431BDE83, s31;
	s31 =	sshra.s32 s31, $0x1F;
	s30 =	spop (v2sf)  }
0x2db: {  	s21 =	sadd.s32 s22, s24;
	s22 =	smul.u32 $0x431BDE83, s31;
	s1 =	spop (v2sf)  }
0x2dc: {  	v34 =	vmov s16;
	s20 =	sadd.s32 s11, s20;
	s11 =	smulhi.u32 $0x431BDE83, s1;
	s4 =	sshra.s32 s1, $0x1F  }
0x2dd: {  	s19 =	sshrl.u32 s6, $0x1F;
	v4 =	vsel vm0, s15, v34;
	s17 =	sshrl.u32 s9, $0x1F;
	s4 =	smul.u32 $0x431BDE83, s4  }
0x2de: {  	v4 =	vsel vm1, s18, v4;
	s25 =	sshrl.u32 s12, $0x1F;
	s18 =	sshra.s32 s12, $0x12;
	s24 =	sshrl.u32 s13, $0x1F  }
0x2df: {  	s15 =	sshra.s32 s29, $0x1F;
	s2 =	sadd.s32 s22, s2;
	s11 =	sadd.s32 s4, s11  }
0x2e0: {  	s22 =	smulhi.u32 $0x431BDE83, s26;
	s1 =	sadd.s32 s0, s28;
	s0 =	sshra.s32 s11, $0x1F  }
0x2e1: {  	s26 =	sshra.s32 s26, $0x1F;
	s15 =	smul.u32 $0x431BDE83, s15;
	v3 =	vmov s0;
	s0 =	sshra.s32 s20, $0x12  }
0x2e2: {  	vm9 =	vcmask $0x704;
	s4 =	sshrl.u32 s20, $0x1F;
	v3 =	vsel vm4, s0, v3;
	s0 =	smul.u32 $0x431BDE83, s26;
	s26 =	sshra.s32 s20, $0x1F  }
0x2e3: {  	s31 =	sshrl.u32 s21, $0x1F;
	v35 =	vmov s4;
	s4 =	smulhi.u32 $0x431BDE83, s29;
	s29 =	sshra.s32 s21, $0x12;
	v3 =	vsel vm9, s26, v3  }
0x2e4: {  	v4 =	vsel vm2, s19, v4;
	s19 =	smulhi.u32 $0x431BDE83, s30;
	s30 =	sshra.s32 s30, $0x1F;
	v5 =	vnsel vm4, $0x0, v35;
	v3 =	vsel vm0, s29, v3;
	s29 =	sshra.s32 s21, $0x1F  }
0x2e5: {  	v36 =	vmov s25;
	s25 =	smul.u32 $0x431BDE83, s30;
	s20 =	sshrl.u32 s1, $0x1F;
	v5 =	vsel vm0, s31, v5;
	s31 =	sshra.s32 s1, $0x12;
	v3 =	vsel vm11, s29, v3  }
0x2e6: {  	v38 =	vmov s18;
	s1 =	sshra.s32 s1, $0x1F;
	s26 =	sshrl.u32 s2, $0x1F;
	v5 =	vsel vm1, s20, v5;
	s0 =	sadd.s32 s0, s22;
	v3 =	vsel vm1, s31, v3  }
0x2e7: {  	v6 =	vsel vm0, s17, v36;
	s4 =	sadd.s32 s15, s4;
	v5 =	vsel vm2, s26, v5;
	s26 =	sshrl.u32 s0, $0x1F;
	s29 =	sshra.s32 s2, $0x12;
	v3 =	vsel vm12, s1, v3  }
0x2e8: {  	v6 =	vsel vm1, s24, v6;
	s28 =	sshrl.u32 s10, $0x1F;
	s30 =	sshra.s32 s2, $0x1F;
	s15 =	sshrl.u32 s4, $0x1F;
	v5 =	vsel vm5, s26, v5;
	v3 =	vsel vm2, s29, v3  }
0x2e9: {  	s17 =	sshra.s32 s7, $0x12;
	v6 =	vsel vm2, s28, v6;
	s16 =	sadd.s32 s25, s19;
	v5 =	vsel vm6, s15, v5;
	s15 =	sshra.s32 s0, $0x12;
	v3 =	vsel vm13, s30, v3  }
0x2ea: {  	v37 =	vmov s17;
	v4 =	vcombine.low v6, v4;
	s19 =	sshra.s32 s3, $0x12;
	s20 =	sshra.s32 s9, $0x12;
	s0 =	sshra.s32 s0, $0x1F;
	v3 =	vsel vm5, s15, v3  }
0x2eb: {  	s24 =	sshra.s32 s13, $0x12;
	v6 =	vsel vm0, s19, v37;
	s21 =	sshra.s32 s4, $0x12;
	s22 =	sshra.s32 s5, $0x12;
	v7 =	vsel vm0, s20, v38;
	v3 =	vsel vm14, s0, v3  }
0x2ec: {  	s28 =	sshra.s32 s10, $0x12;
	s25 =	sshra.s32 s4, $0x1F;
	v6 =	vsel vm1, s22, v6;
	v7 =	vsel vm1, s24, v7;
	s26 =	sshra.s32 s6, $0x12;
	v3 =	vsel vm6, s21, v3  }
0x2ed: {  	s31 =	sshrl.u32 s16, $0x1F;
	v7 =	vsel vm2, s28, v7;
	v6 =	vsel vm2, s26, v6;
	s29 =	sshra.s32 s16, $0x12;
	v3 =	vsel vm15, s25, v3  }
0x2ee: {  	v5 =	vsel vm7, s31, v5;
	s31 =	sshra.s32 s16, $0x1F;
	v6 =	vcombine.low v7, v6;
	v3 =	vsel vm7, s29, v3  }
0x2ef: {  	v4 =	vperm.xlane v4, v0;
	s1 =	sshra.s32 s11, $0x12;
	s30 =	sshrl.u32 s11, $0x1F;
	v3 =	vsel vm3, s31, v3  }
0x2f0: {  	v5 =	vsel vm8, s30, v5;
	v6 =	vperm.xlane v6, v0;
	v3 =	vsel vm8, s1, v3  }
0x2f1: {  	v5 =	vperm.xlane v5, v1;
	v3 =	vperm.xlane v3, v1;
	_ =	sdelay $0x1  }
0x2f2: {  	v4 =	vsel vm10, v5, v4;
	v3 =	vsel vm10, v3, v6  }
0x2f3: {  	v3 =	vadd.s32 v4, v3  }
0x2f4: {  	v3 =	vmul.u32 $0xF4240, v3;
	_ =	sdelay $0x1  }
0x2f5: {  	v2 =	vsub.s32 v2, v3  }
0x2f6: {  	vm9 =	vlt.s32 v2, $0x0;
	v3 =	vadd.s32 $0xF4240, v2  }
0x2f7: {  	s2 =	rddreg [dreg:$0x15];
	v2 =	vsel vm9, v3, v2  }
0x2f8: {  	[tilespmem:s2+$0x20] =	vst v2  }
0x2f9: {  	v2 =	vld [tilespmem:$0x1B0];
	_ =	sdelay $0x1  }
0x2fa: {  	v3 =	vld [tilespmem:$0xB0];
	_ =	sdelay $0x2  }
0x2fb: {  	v2 =	vmul.u32 $0x16A95, v2;
	_ =	sdelay $0x1  }
0x2fc: {  	v2 =	vadd.s32 v3, v2  }
0x2fd: {  	(v2sf) =	vpush v2, $0xD;
	_ =	sdelay $0x1  }
0x2fe: {  	(v2sf) =	vpush v2, $0xC;
	_ =	sdelay $0x1  }
0x2ff: {  	(v2sf) =	vpush v2, $0xE;
	_ =	sdelay $0x1  }
0x300: {  	(v2sf) =	vpush v2, $0xF;
	_ =	sdelay $0x1  }
0x301: {  	(v2sf) =	vpush v2, $0x9;
	_ =	sdelay $0x1  }
0x302: {  	(v2sf) =	vpush v2, $0x8;
	_ =	sdelay $0x1  }
0x303: {  	(v2sf) =	vpush v2, $0xA;
	_ =	sdelay $0x1  }
0x304: {  	(v2sf) =	vpush v2, $0xB  }
0x305: {  	s3 =	spop (v2sf)  }
0x306: {  	(v2sf) =	vpush v2, $0x0;
	s4 =	smulhi.u32 $0x431BDE83, s3;
	s0 =	sshra.s32 s3, $0x1F  }
0x307: {  	s5 =	spop (v2sf);
	s0 =	smul.u32 $0x431BDE83, s0  }
0x308: {  	(v2sf) =	vpush v2, $0x1;
	s6 =	smulhi.u32 $0x431BDE83, s5;
	s2 =	sshra.s32 s5, $0x1F  }
0x309: {  	(v2sf) =	vpush v2, $0x2;
	s7 =	spop (v2sf);
	s2 =	smul.u32 $0x431BDE83, s2  }
0x30a: {  	(v2sf) =	vpush v2, $0x3;
	s9 =	smulhi.u32 $0x431BDE83, s7;
	s5 =	sshra.s32 s7, $0x1F  }
0x30b: {  	(v2sf) =	vpush v2, $0x4;
	s11 =	spop (v2sf);
	s5 =	smul.u32 $0x431BDE83, s5  }
0x30c: {  	(v2sf) =	vpush v2, $0x5;
	s12 =	smulhi.u32 $0x431BDE83, s11;
	s7 =	sshra.s32 s11, $0x1F  }
0x30d: {  	(v2sf) =	vpush v2, $0x6;
	s16 =	spop (v2sf);
	s13 =	smul.u32 $0x431BDE83, s7  }
0x30e: {  	(v2sf) =	vpush v2, $0x7;
	s17 =	smulhi.u32 $0x431BDE83, s16;
	s20 =	sshra.s32 s16, $0x1F  }
0x30f: {  	s3 =	sadd.s32 s0, s4;
	s21 =	spop (v2sf);
	s4 =	smul.u32 $0x431BDE83, s20  }
0x310: {  	s15 =	sshrl.u32 s3, $0x1F;
	s22 =	smulhi.u32 $0x431BDE83, s21;
	s24 =	sshra.s32 s21, $0x1F  }
0x311: {  	s7 =	sadd.s32 s2, s6;
	s25 =	spop (v2sf);
	s10 =	smul.u32 $0x431BDE83, s24  }
0x312: {  	s16 =	sshrl.u32 s7, $0x1F;
	s0 =	smulhi.u32 $0x431BDE83, s25;
	s26 =	sshra.s32 s25, $0x1F  }
0x313: {  	s6 =	sadd.s32 s13, s12;
	s28 =	spop (v2sf);
	s13 =	smul.u32 $0x431BDE83, s26  }
0x314: {  	s5 =	sadd.s32 s5, s9;
	s2 =	smulhi.u32 $0x431BDE83, s28;
	s29 =	sshra.s32 s28, $0x1F  }
0x315: {  	s9 =	sadd.s32 s4, s17;
	s30 =	spop (v2sf);
	s4 =	smul.u32 $0x431BDE83, s29  }
0x316: {  	s18 =	sshrl.u32 s5, $0x1F;
	s20 =	smulhi.u32 $0x431BDE83, s30;
	s31 =	sshra.s32 s30, $0x1F  }
0x317: {  	s1 =	spop (v2sf);
	s12 =	sadd.s32 s10, s22;
	s11 =	smul.u32 $0x431BDE83, s31  }
0x318: {  	s21 =	spop (v2sf);
	s24 =	smulhi.u32 $0x431BDE83, s1;
	s22 =	sshra.s32 s1, $0x1F  }
0x319: {  	s13 =	sadd.s32 s13, s0;
	s22 =	smul.u32 $0x431BDE83, s22;
	s31 =	spop (v2sf)  }
0x31a: {  	s28 =	smulhi.u32 $0x431BDE83, s21;
	s10 =	sshra.s32 s21, $0x1F;
	s26 =	spop (v2sf)  }
0x31b: {  	s0 =	smul.u32 $0x431BDE83, s10;
	s10 =	sadd.s32 s4, s2;
	s29 =	spop (v2sf)  }
0x31c: {  	s2 =	smulhi.u32 $0x431BDE83, s31;
	s31 =	sshra.s32 s31, $0x1F;
	s30 =	spop (v2sf)  }
0x31d: {  	s21 =	sadd.s32 s22, s24;
	s22 =	smul.u32 $0x431BDE83, s31;
	s1 =	spop (v2sf)  }
0x31e: {  	v39 =	vmov s16;
	s20 =	sadd.s32 s11, s20;
	s11 =	smulhi.u32 $0x431BDE83, s1;
	s4 =	sshra.s32 s1, $0x1F  }
0x31f: {  	s19 =	sshrl.u32 s6, $0x1F;
	v4 =	vsel vm0, s15, v39;
	s17 =	sshrl.u32 s9, $0x1F;
	s4 =	smul.u32 $0x431BDE83, s4  }
0x320: {  	v4 =	vsel vm1, s18, v4;
	s25 =	sshrl.u32 s12, $0x1F;
	s18 =	sshra.s32 s12, $0x12;
	s24 =	sshrl.u32 s13, $0x1F  }
0x321: {  	s15 =	sshra.s32 s29, $0x1F;
	s2 =	sadd.s32 s22, s2;
	s11 =	sadd.s32 s4, s11  }
0x322: {  	s22 =	smulhi.u32 $0x431BDE83, s26;
	s1 =	sadd.s32 s0, s28;
	s0 =	sshra.s32 s11, $0x1F  }
0x323: {  	s26 =	sshra.s32 s26, $0x1F;
	s15 =	smul.u32 $0x431BDE83, s15;
	v3 =	vmov s0;
	s0 =	sshra.s32 s20, $0x12  }
0x324: {  	vm9 =	vcmask $0x704;
	s4 =	sshrl.u32 s20, $0x1F;
	v3 =	vsel vm4, s0, v3;
	s0 =	smul.u32 $0x431BDE83, s26;
	s26 =	sshra.s32 s20, $0x1F  }
0x325: {  	s31 =	sshrl.u32 s21, $0x1F;
	v40 =	vmov s4;
	s4 =	smulhi.u32 $0x431BDE83, s29;
	s29 =	sshra.s32 s21, $0x12;
	v3 =	vsel vm9, s26, v3  }
0x326: {  	v4 =	vsel vm2, s19, v4;
	s19 =	smulhi.u32 $0x431BDE83, s30;
	s30 =	sshra.s32 s30, $0x1F;
	v5 =	vnsel vm4, $0x0, v40;
	v3 =	vsel vm0, s29, v3;
	s29 =	sshra.s32 s21, $0x1F  }
0x327: {  	v41 =	vmov s25;
	s25 =	smul.u32 $0x431BDE83, s30;
	s20 =	sshrl.u32 s1, $0x1F;
	v5 =	vsel vm0, s31, v5;
	s31 =	sshra.s32 s1, $0x12;
	v3 =	vsel vm11, s29, v3  }
0x328: {  	v43 =	vmov s18;
	s1 =	sshra.s32 s1, $0x1F;
	s26 =	sshrl.u32 s2, $0x1F;
	v5 =	vsel vm1, s20, v5;
	s0 =	sadd.s32 s0, s22;
	v3 =	vsel vm1, s31, v3  }
0x329: {  	v6 =	vsel vm0, s17, v41;
	s4 =	sadd.s32 s15, s4;
	v5 =	vsel vm2, s26, v5;
	s26 =	sshrl.u32 s0, $0x1F;
	s29 =	sshra.s32 s2, $0x12;
	v3 =	vsel vm12, s1, v3  }
0x32a: {  	v6 =	vsel vm1, s24, v6;
	s28 =	sshrl.u32 s10, $0x1F;
	s30 =	sshra.s32 s2, $0x1F;
	s15 =	sshrl.u32 s4, $0x1F;
	v5 =	vsel vm5, s26, v5;
	v3 =	vsel vm2, s29, v3  }
0x32b: {  	s17 =	sshra.s32 s7, $0x12;
	v6 =	vsel vm2, s28, v6;
	s16 =	sadd.s32 s25, s19;
	v5 =	vsel vm6, s15, v5;
	s15 =	sshra.s32 s0, $0x12;
	v3 =	vsel vm13, s30, v3  }
0x32c: {  	v42 =	vmov s17;
	v4 =	vcombine.low v6, v4;
	s19 =	sshra.s32 s3, $0x12;
	s20 =	sshra.s32 s9, $0x12;
	s0 =	sshra.s32 s0, $0x1F;
	v3 =	vsel vm5, s15, v3  }
0x32d: {  	s24 =	sshra.s32 s13, $0x12;
	v6 =	vsel vm0, s19, v42;
	s21 =	sshra.s32 s4, $0x12;
	s22 =	sshra.s32 s5, $0x12;
	v7 =	vsel vm0, s20, v43;
	v3 =	vsel vm14, s0, v3  }
0x32e: {  	s28 =	sshra.s32 s10, $0x12;
	s25 =	sshra.s32 s4, $0x1F;
	v6 =	vsel vm1, s22, v6;
	v7 =	vsel vm1, s24, v7;
	s26 =	sshra.s32 s6, $0x12;
	v3 =	vsel vm6, s21, v3  }
0x32f: {  	s31 =	sshrl.u32 s16, $0x1F;
	v7 =	vsel vm2, s28, v7;
	v6 =	vsel vm2, s26, v6;
	s29 =	sshra.s32 s16, $0x12;
	v3 =	vsel vm15, s25, v3  }
0x330: {  	v5 =	vsel vm7, s31, v5;
	s31 =	sshra.s32 s16, $0x1F;
	v6 =	vcombine.low v7, v6;
	v3 =	vsel vm7, s29, v3  }
0x331: {  	v4 =	vperm.xlane v4, v0;
	s1 =	sshra.s32 s11, $0x12;
	s30 =	sshrl.u32 s11, $0x1F;
	v3 =	vsel vm3, s31, v3  }
0x332: {  	v5 =	vsel vm8, s30, v5;
	v6 =	vperm.xlane v6, v0;
	v3 =	vsel vm8, s1, v3  }
0x333: {  	v5 =	vperm.xlane v5, v1;
	v3 =	vperm.xlane v3, v1;
	_ =	sdelay $0x1  }
0x334: {  	v4 =	vsel vm10, v5, v4;
	v3 =	vsel vm10, v3, v6  }
0x335: {  	v3 =	vadd.s32 v4, v3  }
0x336: {  	v3 =	vmul.u32 $0xF4240, v3;
	_ =	sdelay $0x1  }
0x337: {  	v2 =	vsub.s32 v2, v3  }
0x338: {  	vm9 =	vlt.s32 v2, $0x0;
	v3 =	vadd.s32 $0xF4240, v2  }
0x339: {  	s2 =	rddreg [dreg:$0x15];
	v2 =	vsel vm9, v3, v2  }
0x33a: {  	[tilespmem:s2+$0x30] =	vst v2  }
0x33b: {  	v2 =	vld [tilespmem:$0x1C0];
	_ =	sdelay $0x1  }
0x33c: {  	v3 =	vld [tilespmem:$0xC0];
	_ =	sdelay $0x2  }
0x33d: {  	v2 =	vmul.u32 $0x16A95, v2;
	_ =	sdelay $0x1  }
0x33e: {  	v2 =	vadd.s32 v3, v2  }
0x33f: {  	(v2sf) =	vpush v2, $0xD;
	_ =	sdelay $0x1  }
0x340: {  	(v2sf) =	vpush v2, $0xC;
	_ =	sdelay $0x1  }
0x341: {  	(v2sf) =	vpush v2, $0xE;
	_ =	sdelay $0x1  }
0x342: {  	(v2sf) =	vpush v2, $0xF;
	_ =	sdelay $0x1  }
0x343: {  	(v2sf) =	vpush v2, $0x9;
	_ =	sdelay $0x1  }
0x344: {  	(v2sf) =	vpush v2, $0x8;
	_ =	sdelay $0x1  }
0x345: {  	(v2sf) =	vpush v2, $0xA;
	_ =	sdelay $0x1  }
0x346: {  	(v2sf) =	vpush v2, $0xB  }
0x347: {  	s3 =	spop (v2sf)  }
0x348: {  	(v2sf) =	vpush v2, $0x0;
	s4 =	smulhi.u32 $0x431BDE83, s3;
	s0 =	sshra.s32 s3, $0x1F  }
0x349: {  	s5 =	spop (v2sf);
	s0 =	smul.u32 $0x431BDE83, s0  }
0x34a: {  	(v2sf) =	vpush v2, $0x1;
	s6 =	smulhi.u32 $0x431BDE83, s5;
	s2 =	sshra.s32 s5, $0x1F  }
0x34b: {  	(v2sf) =	vpush v2, $0x2;
	s7 =	spop (v2sf);
	s2 =	smul.u32 $0x431BDE83, s2  }
0x34c: {  	(v2sf) =	vpush v2, $0x3;
	s9 =	smulhi.u32 $0x431BDE83, s7;
	s5 =	sshra.s32 s7, $0x1F  }
0x34d: {  	(v2sf) =	vpush v2, $0x4;
	s11 =	spop (v2sf);
	s5 =	smul.u32 $0x431BDE83, s5  }
0x34e: {  	(v2sf) =	vpush v2, $0x5;
	s12 =	smulhi.u32 $0x431BDE83, s11;
	s7 =	sshra.s32 s11, $0x1F  }
0x34f: {  	(v2sf) =	vpush v2, $0x6;
	s16 =	spop (v2sf);
	s13 =	smul.u32 $0x431BDE83, s7  }
0x350: {  	(v2sf) =	vpush v2, $0x7;
	s17 =	smulhi.u32 $0x431BDE83, s16;
	s20 =	sshra.s32 s16, $0x1F  }
0x351: {  	s3 =	sadd.s32 s0, s4;
	s21 =	spop (v2sf);
	s4 =	smul.u32 $0x431BDE83, s20  }
0x352: {  	s15 =	sshrl.u32 s3, $0x1F;
	s22 =	smulhi.u32 $0x431BDE83, s21;
	s24 =	sshra.s32 s21, $0x1F  }
0x353: {  	s7 =	sadd.s32 s2, s6;
	s25 =	spop (v2sf);
	s10 =	smul.u32 $0x431BDE83, s24  }
0x354: {  	s16 =	sshrl.u32 s7, $0x1F;
	s0 =	smulhi.u32 $0x431BDE83, s25;
	s26 =	sshra.s32 s25, $0x1F  }
0x355: {  	s6 =	sadd.s32 s13, s12;
	s28 =	spop (v2sf);
	s13 =	smul.u32 $0x431BDE83, s26  }
0x356: {  	s5 =	sadd.s32 s5, s9;
	s2 =	smulhi.u32 $0x431BDE83, s28;
	s29 =	sshra.s32 s28, $0x1F  }
0x357: {  	s9 =	sadd.s32 s4, s17;
	s30 =	spop (v2sf);
	s4 =	smul.u32 $0x431BDE83, s29  }
0x358: {  	s18 =	sshrl.u32 s5, $0x1F;
	s20 =	smulhi.u32 $0x431BDE83, s30;
	s31 =	sshra.s32 s30, $0x1F  }
0x359: {  	s1 =	spop (v2sf);
	s12 =	sadd.s32 s10, s22;
	s11 =	smul.u32 $0x431BDE83, s31  }
0x35a: {  	s21 =	spop (v2sf);
	s24 =	smulhi.u32 $0x431BDE83, s1;
	s22 =	sshra.s32 s1, $0x1F  }
0x35b: {  	s13 =	sadd.s32 s13, s0;
	s22 =	smul.u32 $0x431BDE83, s22;
	s31 =	spop (v2sf)  }
0x35c: {  	s28 =	smulhi.u32 $0x431BDE83, s21;
	s10 =	sshra.s32 s21, $0x1F;
	s26 =	spop (v2sf)  }
0x35d: {  	s0 =	smul.u32 $0x431BDE83, s10;
	s10 =	sadd.s32 s4, s2;
	s29 =	spop (v2sf)  }
0x35e: {  	s2 =	smulhi.u32 $0x431BDE83, s31;
	s31 =	sshra.s32 s31, $0x1F;
	s30 =	spop (v2sf)  }
0x35f: {  	s21 =	sadd.s32 s22, s24;
	s22 =	smul.u32 $0x431BDE83, s31;
	s1 =	spop (v2sf)  }
0x360: {  	v44 =	vmov s16;
	s20 =	sadd.s32 s11, s20;
	s11 =	smulhi.u32 $0x431BDE83, s1;
	s4 =	sshra.s32 s1, $0x1F  }
0x361: {  	s19 =	sshrl.u32 s6, $0x1F;
	v4 =	vsel vm0, s15, v44;
	s17 =	sshrl.u32 s9, $0x1F;
	s4 =	smul.u32 $0x431BDE83, s4  }
0x362: {  	v4 =	vsel vm1, s18, v4;
	s25 =	sshrl.u32 s12, $0x1F;
	s18 =	sshra.s32 s12, $0x12;
	s24 =	sshrl.u32 s13, $0x1F  }
0x363: {  	s15 =	sshra.s32 s29, $0x1F;
	s2 =	sadd.s32 s22, s2;
	s11 =	sadd.s32 s4, s11  }
0x364: {  	s22 =	smulhi.u32 $0x431BDE83, s26;
	s1 =	sadd.s32 s0, s28;
	s0 =	sshra.s32 s11, $0x1F  }
0x365: {  	s26 =	sshra.s32 s26, $0x1F;
	s15 =	smul.u32 $0x431BDE83, s15;
	v3 =	vmov s0;
	s0 =	sshra.s32 s20, $0x12  }
0x366: {  	vm9 =	vcmask $0x704;
	s4 =	sshrl.u32 s20, $0x1F;
	v3 =	vsel vm4, s0, v3;
	s0 =	smul.u32 $0x431BDE83, s26;
	s26 =	sshra.s32 s20, $0x1F  }
0x367: {  	s31 =	sshrl.u32 s21, $0x1F;
	v45 =	vmov s4;
	s4 =	smulhi.u32 $0x431BDE83, s29;
	s29 =	sshra.s32 s21, $0x12;
	v3 =	vsel vm9, s26, v3  }
0x368: {  	v4 =	vsel vm2, s19, v4;
	s19 =	smulhi.u32 $0x431BDE83, s30;
	s30 =	sshra.s32 s30, $0x1F;
	v5 =	vnsel vm4, $0x0, v45;
	v3 =	vsel vm0, s29, v3;
	s29 =	sshra.s32 s21, $0x1F  }
0x369: {  	v46 =	vmov s25;
	s25 =	smul.u32 $0x431BDE83, s30;
	s20 =	sshrl.u32 s1, $0x1F;
	v5 =	vsel vm0, s31, v5;
	s31 =	sshra.s32 s1, $0x12;
	v3 =	vsel vm11, s29, v3  }
0x36a: {  	v48 =	vmov s18;
	s1 =	sshra.s32 s1, $0x1F;
	s26 =	sshrl.u32 s2, $0x1F;
	v5 =	vsel vm1, s20, v5;
	s0 =	sadd.s32 s0, s22;
	v3 =	vsel vm1, s31, v3  }
0x36b: {  	v6 =	vsel vm0, s17, v46;
	s4 =	sadd.s32 s15, s4;
	v5 =	vsel vm2, s26, v5;
	s26 =	sshrl.u32 s0, $0x1F;
	s29 =	sshra.s32 s2, $0x12;
	v3 =	vsel vm12, s1, v3  }
0x36c: {  	v6 =	vsel vm1, s24, v6;
	s28 =	sshrl.u32 s10, $0x1F;
	s30 =	sshra.s32 s2, $0x1F;
	s15 =	sshrl.u32 s4, $0x1F;
	v5 =	vsel vm5, s26, v5;
	v3 =	vsel vm2, s29, v3  }
0x36d: {  	s17 =	sshra.s32 s7, $0x12;
	v6 =	vsel vm2, s28, v6;
	s16 =	sadd.s32 s25, s19;
	v5 =	vsel vm6, s15, v5;
	s15 =	sshra.s32 s0, $0x12;
	v3 =	vsel vm13, s30, v3  }
0x36e: {  	v47 =	vmov s17;
	v4 =	vcombine.low v6, v4;
	s19 =	sshra.s32 s3, $0x12;
	s20 =	sshra.s32 s9, $0x12;
	s0 =	sshra.s32 s0, $0x1F;
	v3 =	vsel vm5, s15, v3  }
0x36f: {  	s24 =	sshra.s32 s13, $0x12;
	v6 =	vsel vm0, s19, v47;
	s21 =	sshra.s32 s4, $0x12;
	s22 =	sshra.s32 s5, $0x12;
	v7 =	vsel vm0, s20, v48;
	v3 =	vsel vm14, s0, v3  }
0x370: {  	s28 =	sshra.s32 s10, $0x12;
	s25 =	sshra.s32 s4, $0x1F;
	v6 =	vsel vm1, s22, v6;
	v7 =	vsel vm1, s24, v7;
	s26 =	sshra.s32 s6, $0x12;
	v3 =	vsel vm6, s21, v3  }
0x371: {  	s31 =	sshrl.u32 s16, $0x1F;
	v7 =	vsel vm2, s28, v7;
	v6 =	vsel vm2, s26, v6;
	s29 =	sshra.s32 s16, $0x12;
	v3 =	vsel vm15, s25, v3  }
0x372: {  	v5 =	vsel vm7, s31, v5;
	s31 =	sshra.s32 s16, $0x1F;
	v6 =	vcombine.low v7, v6;
	v3 =	vsel vm7, s29, v3  }
0x373: {  	v4 =	vperm.xlane v4, v0;
	s1 =	sshra.s32 s11, $0x12;
	s30 =	sshrl.u32 s11, $0x1F;
	v3 =	vsel vm3, s31, v3  }
0x374: {  	v5 =	vsel vm8, s30, v5;
	v6 =	vperm.xlane v6, v0;
	v3 =	vsel vm8, s1, v3  }
0x375: {  	v5 =	vperm.xlane v5, v1;
	v3 =	vperm.xlane v3, v1;
	_ =	sdelay $0x1  }
0x376: {  	v4 =	vsel vm10, v5, v4;
	v3 =	vsel vm10, v3, v6  }
0x377: {  	v3 =	vadd.s32 v4, v3  }
0x378: {  	v3 =	vmul.u32 $0xF4240, v3;
	_ =	sdelay $0x1  }
0x379: {  	v2 =	vsub.s32 v2, v3  }
0x37a: {  	vm9 =	vlt.s32 v2, $0x0;
	v3 =	vadd.s32 $0xF4240, v2  }
0x37b: {  	s2 =	rddreg [dreg:$0x15];
	v2 =	vsel vm9, v3, v2  }
0x37c: {  	[tilespmem:s2+$0x40] =	vst v2  }
0x37d: {  	v2 =	vld [tilespmem:$0x1D0];
	_ =	sdelay $0x1  }
0x37e: {  	v3 =	vld [tilespmem:$0xD0];
	_ =	sdelay $0x2  }
0x37f: {  	v2 =	vmul.u32 $0x16A95, v2;
	_ =	sdelay $0x1  }
0x380: {  	v2 =	vadd.s32 v3, v2  }
0x381: {  	(v2sf) =	vpush v2, $0xD;
	_ =	sdelay $0x1  }
0x382: {  	(v2sf) =	vpush v2, $0xC;
	_ =	sdelay $0x1  }
0x383: {  	(v2sf) =	vpush v2, $0xE;
	_ =	sdelay $0x1  }
0x384: {  	(v2sf) =	vpush v2, $0xF;
	_ =	sdelay $0x1  }
0x385: {  	(v2sf) =	vpush v2, $0x9;
	_ =	sdelay $0x1  }
0x386: {  	(v2sf) =	vpush v2, $0x8;
	_ =	sdelay $0x1  }
0x387: {  	(v2sf) =	vpush v2, $0xA;
	_ =	sdelay $0x1  }
0x388: {  	(v2sf) =	vpush v2, $0xB  }
0x389: {  	s3 =	spop (v2sf)  }
0x38a: {  	(v2sf) =	vpush v2, $0x0;
	s4 =	smulhi.u32 $0x431BDE83, s3;
	s0 =	sshra.s32 s3, $0x1F  }
0x38b: {  	s5 =	spop (v2sf);
	s0 =	smul.u32 $0x431BDE83, s0  }
0x38c: {  	(v2sf) =	vpush v2, $0x1;
	s6 =	smulhi.u32 $0x431BDE83, s5;
	s2 =	sshra.s32 s5, $0x1F  }
0x38d: {  	(v2sf) =	vpush v2, $0x2;
	s7 =	spop (v2sf);
	s2 =	smul.u32 $0x431BDE83, s2  }
0x38e: {  	(v2sf) =	vpush v2, $0x3;
	s9 =	smulhi.u32 $0x431BDE83, s7;
	s5 =	sshra.s32 s7, $0x1F  }
0x38f: {  	(v2sf) =	vpush v2, $0x4;
	s11 =	spop (v2sf);
	s5 =	smul.u32 $0x431BDE83, s5  }
0x390: {  	(v2sf) =	vpush v2, $0x5;
	s12 =	smulhi.u32 $0x431BDE83, s11;
	s7 =	sshra.s32 s11, $0x1F  }
0x391: {  	(v2sf) =	vpush v2, $0x6;
	s16 =	spop (v2sf);
	s13 =	smul.u32 $0x431BDE83, s7  }
0x392: {  	(v2sf) =	vpush v2, $0x7;
	s17 =	smulhi.u32 $0x431BDE83, s16;
	s20 =	sshra.s32 s16, $0x1F  }
0x393: {  	s3 =	sadd.s32 s0, s4;
	s21 =	spop (v2sf);
	s4 =	smul.u32 $0x431BDE83, s20  }
0x394: {  	s15 =	sshrl.u32 s3, $0x1F;
	s22 =	smulhi.u32 $0x431BDE83, s21;
	s24 =	sshra.s32 s21, $0x1F  }
0x395: {  	s7 =	sadd.s32 s2, s6;
	s25 =	spop (v2sf);
	s10 =	smul.u32 $0x431BDE83, s24  }
0x396: {  	s16 =	sshrl.u32 s7, $0x1F;
	s0 =	smulhi.u32 $0x431BDE83, s25;
	s26 =	sshra.s32 s25, $0x1F  }
0x397: {  	s6 =	sadd.s32 s13, s12;
	s28 =	spop (v2sf);
	s13 =	smul.u32 $0x431BDE83, s26  }
0x398: {  	s5 =	sadd.s32 s5, s9;
	s2 =	smulhi.u32 $0x431BDE83, s28;
	s29 =	sshra.s32 s28, $0x1F  }
0x399: {  	s9 =	sadd.s32 s4, s17;
	s30 =	spop (v2sf);
	s4 =	smul.u32 $0x431BDE83, s29  }
0x39a: {  	s18 =	sshrl.u32 s5, $0x1F;
	s20 =	smulhi.u32 $0x431BDE83, s30;
	s31 =	sshra.s32 s30, $0x1F  }
0x39b: {  	s1 =	spop (v2sf);
	s12 =	sadd.s32 s10, s22;
	s11 =	smul.u32 $0x431BDE83, s31  }
0x39c: {  	s21 =	spop (v2sf);
	s24 =	smulhi.u32 $0x431BDE83, s1;
	s22 =	sshra.s32 s1, $0x1F  }
0x39d: {  	s13 =	sadd.s32 s13, s0;
	s22 =	smul.u32 $0x431BDE83, s22;
	s31 =	spop (v2sf)  }
0x39e: {  	s28 =	smulhi.u32 $0x431BDE83, s21;
	s10 =	sshra.s32 s21, $0x1F;
	s26 =	spop (v2sf)  }
0x39f: {  	s0 =	smul.u32 $0x431BDE83, s10;
	s10 =	sadd.s32 s4, s2;
	s29 =	spop (v2sf)  }
0x3a0: {  	s2 =	smulhi.u32 $0x431BDE83, s31;
	s31 =	sshra.s32 s31, $0x1F;
	s30 =	spop (v2sf)  }
0x3a1: {  	s21 =	sadd.s32 s22, s24;
	s22 =	smul.u32 $0x431BDE83, s31;
	s1 =	spop (v2sf)  }
0x3a2: {  	v49 =	vmov s16;
	s20 =	sadd.s32 s11, s20;
	s11 =	smulhi.u32 $0x431BDE83, s1;
	s4 =	sshra.s32 s1, $0x1F  }
0x3a3: {  	s19 =	sshrl.u32 s6, $0x1F;
	v4 =	vsel vm0, s15, v49;
	s17 =	sshrl.u32 s9, $0x1F;
	s4 =	smul.u32 $0x431BDE83, s4  }
0x3a4: {  	v4 =	vsel vm1, s18, v4;
	s25 =	sshrl.u32 s12, $0x1F;
	s18 =	sshra.s32 s12, $0x12;
	s24 =	sshrl.u32 s13, $0x1F  }
0x3a5: {  	s15 =	sshra.s32 s29, $0x1F;
	s2 =	sadd.s32 s22, s2;
	s11 =	sadd.s32 s4, s11  }
0x3a6: {  	s22 =	smulhi.u32 $0x431BDE83, s26;
	s1 =	sadd.s32 s0, s28;
	s0 =	sshra.s32 s11, $0x1F  }
0x3a7: {  	s26 =	sshra.s32 s26, $0x1F;
	s15 =	smul.u32 $0x431BDE83, s15;
	v3 =	vmov s0;
	s0 =	sshra.s32 s20, $0x12  }
0x3a8: {  	vm9 =	vcmask $0x704;
	s4 =	sshrl.u32 s20, $0x1F;
	v3 =	vsel vm4, s0, v3;
	s0 =	smul.u32 $0x431BDE83, s26;
	s26 =	sshra.s32 s20, $0x1F  }
0x3a9: {  	s31 =	sshrl.u32 s21, $0x1F;
	v50 =	vmov s4;
	s4 =	smulhi.u32 $0x431BDE83, s29;
	s29 =	sshra.s32 s21, $0x12;
	v3 =	vsel vm9, s26, v3  }
0x3aa: {  	v4 =	vsel vm2, s19, v4;
	s19 =	smulhi.u32 $0x431BDE83, s30;
	s30 =	sshra.s32 s30, $0x1F;
	v5 =	vnsel vm4, $0x0, v50;
	v3 =	vsel vm0, s29, v3;
	s29 =	sshra.s32 s21, $0x1F  }
0x3ab: {  	v51 =	vmov s25;
	s25 =	smul.u32 $0x431BDE83, s30;
	s20 =	sshrl.u32 s1, $0x1F;
	v5 =	vsel vm0, s31, v5;
	s31 =	sshra.s32 s1, $0x12;
	v3 =	vsel vm11, s29, v3  }
0x3ac: {  	v53 =	vmov s18;
	s1 =	sshra.s32 s1, $0x1F;
	s26 =	sshrl.u32 s2, $0x1F;
	v5 =	vsel vm1, s20, v5;
	s0 =	sadd.s32 s0, s22;
	v3 =	vsel vm1, s31, v3  }
0x3ad: {  	v6 =	vsel vm0, s17, v51;
	s4 =	sadd.s32 s15, s4;
	v5 =	vsel vm2, s26, v5;
	s26 =	sshrl.u32 s0, $0x1F;
	s29 =	sshra.s32 s2, $0x12;
	v3 =	vsel vm12, s1, v3  }
0x3ae: {  	v6 =	vsel vm1, s24, v6;
	s28 =	sshrl.u32 s10, $0x1F;
	s30 =	sshra.s32 s2, $0x1F;
	s15 =	sshrl.u32 s4, $0x1F;
	v5 =	vsel vm5, s26, v5;
	v3 =	vsel vm2, s29, v3  }
0x3af: {  	s17 =	sshra.s32 s7, $0x12;
	v6 =	vsel vm2, s28, v6;
	s16 =	sadd.s32 s25, s19;
	v5 =	vsel vm6, s15, v5;
	s15 =	sshra.s32 s0, $0x12;
	v3 =	vsel vm13, s30, v3  }
0x3b0: {  	v52 =	vmov s17;
	v4 =	vcombine.low v6, v4;
	s19 =	sshra.s32 s3, $0x12;
	s20 =	sshra.s32 s9, $0x12;
	s0 =	sshra.s32 s0, $0x1F;
	v3 =	vsel vm5, s15, v3  }
0x3b1: {  	s24 =	sshra.s32 s13, $0x12;
	v6 =	vsel vm0, s19, v52;
	s21 =	sshra.s32 s4, $0x12;
	s22 =	sshra.s32 s5, $0x12;
	v7 =	vsel vm0, s20, v53;
	v3 =	vsel vm14, s0, v3  }
0x3b2: {  	s28 =	sshra.s32 s10, $0x12;
	s25 =	sshra.s32 s4, $0x1F;
	v6 =	vsel vm1, s22, v6;
	v7 =	vsel vm1, s24, v7;
	s26 =	sshra.s32 s6, $0x12;
	v3 =	vsel vm6, s21, v3  }
0x3b3: {  	s31 =	sshrl.u32 s16, $0x1F;
	v7 =	vsel vm2, s28, v7;
	v6 =	vsel vm2, s26, v6;
	s29 =	sshra.s32 s16, $0x12;
	v3 =	vsel vm15, s25, v3  }
0x3b4: {  	v5 =	vsel vm7, s31, v5;
	s31 =	sshra.s32 s16, $0x1F;
	v6 =	vcombine.low v7, v6;
	v3 =	vsel vm7, s29, v3  }
0x3b5: {  	v4 =	vperm.xlane v4, v0;
	s1 =	sshra.s32 s11, $0x12;
	s30 =	sshrl.u32 s11, $0x1F;
	v3 =	vsel vm3, s31, v3  }
0x3b6: {  	v5 =	vsel vm8, s30, v5;
	v6 =	vperm.xlane v6, v0;
	v3 =	vsel vm8, s1, v3  }
0x3b7: {  	v5 =	vperm.xlane v5, v1;
	v3 =	vperm.xlane v3, v1;
	_ =	sdelay $0x1  }
0x3b8: {  	v4 =	vsel vm10, v5, v4;
	v3 =	vsel vm10, v3, v6  }
0x3b9: {  	v3 =	vadd.s32 v4, v3  }
0x3ba: {  	v3 =	vmul.u32 $0xF4240, v3;
	_ =	sdelay $0x1  }
0x3bb: {  	v2 =	vsub.s32 v2, v3  }
0x3bc: {  	vm9 =	vlt.s32 v2, $0x0;
	v3 =	vadd.s32 $0xF4240, v2  }
0x3bd: {  	s2 =	rddreg [dreg:$0x15];
	v2 =	vsel vm9, v3, v2  }
0x3be: {  	[tilespmem:s2+$0x50] =	vst v2  }
0x3bf: {  	v2 =	vld [tilespmem:$0x1E0];
	_ =	sdelay $0x1  }
0x3c0: {  	v3 =	vld [tilespmem:$0xE0];
	_ =	sdelay $0x2  }
0x3c1: {  	v2 =	vmul.u32 $0x16A95, v2;
	_ =	sdelay $0x1  }
0x3c2: {  	v2 =	vadd.s32 v3, v2  }
0x3c3: {  	(v2sf) =	vpush v2, $0xD;
	_ =	sdelay $0x1  }
0x3c4: {  	(v2sf) =	vpush v2, $0xC;
	_ =	sdelay $0x1  }
0x3c5: {  	(v2sf) =	vpush v2, $0xE;
	_ =	sdelay $0x1  }
0x3c6: {  	(v2sf) =	vpush v2, $0xF;
	_ =	sdelay $0x1  }
0x3c7: {  	(v2sf) =	vpush v2, $0x9;
	_ =	sdelay $0x1  }
0x3c8: {  	(v2sf) =	vpush v2, $0x8;
	_ =	sdelay $0x1  }
0x3c9: {  	(v2sf) =	vpush v2, $0xA;
	_ =	sdelay $0x1  }
0x3ca: {  	(v2sf) =	vpush v2, $0xB  }
0x3cb: {  	s3 =	spop (v2sf)  }
0x3cc: {  	(v2sf) =	vpush v2, $0x0;
	s4 =	smulhi.u32 $0x431BDE83, s3;
	s0 =	sshra.s32 s3, $0x1F  }
0x3cd: {  	(v2sf) =	vpush v2, $0x1;
	s5 =	spop (v2sf);
	s0 =	smul.u32 $0x431BDE83, s0  }
0x3ce: {  	(v2sf) =	vpush v2, $0x2;
	s6 =	smulhi.u32 $0x431BDE83, s5;
	s2 =	sshra.s32 s5, $0x1F  }
0x3cf: {  	(v2sf) =	vpush v2, $0x3;
	s7 =	spop (v2sf);
	s2 =	smul.u32 $0x431BDE83, s2  }
0x3d0: {  	(v2sf) =	vpush v2, $0x4;
	s9 =	smulhi.u32 $0x431BDE83, s7;
	s5 =	sshra.s32 s7, $0x1F  }
0x3d1: {  	s11 =	spop (v2sf);
	(v2sf) =	vpush v2, $0x5;
	s5 =	smul.u32 $0x431BDE83, s5  }
0x3d2: {  	s12 =	smulhi.u32 $0x431BDE83, s11;
	s7 =	sshra.s32 s11, $0x1F;
	(v2sf) =	vpush v2, $0x6  }
0x3d3: {  	s3 =	sadd.s32 s0, s4;
	s16 =	spop (v2sf);
	s13 =	smul.u32 $0x431BDE83, s7;
	(v2sf) =	vpush v2, $0x7  }
0x3d4: {  	s15 =	sshrl.u32 s3, $0x1F;
	s17 =	smulhi.u32 $0x431BDE83, s16;
	s20 =	sshra.s32 s16, $0x1F  }
0x3d5: {  	s7 =	sadd.s32 s2, s6;
	s21 =	spop (v2sf);
	s4 =	smul.u32 $0x431BDE83, s20  }
0x3d6: {  	s16 =	sshrl.u32 s7, $0x1F;
	s22 =	smulhi.u32 $0x431BDE83, s21;
	s24 =	sshra.s32 s21, $0x1F  }
0x3d7: {  	s5 =	sadd.s32 s5, s9;
	s25 =	spop (v2sf);
	s10 =	smul.u32 $0x431BDE83, s24  }
0x3d8: {  	s18 =	sshrl.u32 s5, $0x1F;
	s0 =	smulhi.u32 $0x431BDE83, s25;
	s26 =	sshra.s32 s25, $0x1F  }
0x3d9: {  	s6 =	sadd.s32 s13, s12;
	s28 =	spop (v2sf);
	s13 =	smul.u32 $0x431BDE83, s26  }
0x3da: {  	s19 =	sshrl.u32 s6, $0x1F;
	s2 =	smulhi.u32 $0x431BDE83, s28;
	s29 =	sshra.s32 s28, $0x1F  }
0x3db: {  	s9 =	sadd.s32 s4, s17;
	s30 =	spop (v2sf);
	s4 =	smul.u32 $0x431BDE83, s29  }
0x3dc: {  	s20 =	smulhi.u32 $0x431BDE83, s30;
	s31 =	sshra.s32 s30, $0x1F;
	s1 =	spop (v2sf)  }
0x3dd: {  	s12 =	sadd.s32 s10, s22;
	s11 =	smul.u32 $0x431BDE83, s31;
	s21 =	spop (v2sf)  }
0x3de: {  	s24 =	smulhi.u32 $0x431BDE83, s1;
	s22 =	sshra.s32 s1, $0x1F;
	s31 =	spop (v2sf)  }
0x3df: {  	s17 =	sshrl.u32 s9, $0x1F;
	s22 =	smul.u32 $0x431BDE83, s22;
	s26 =	spop (v2sf)  }
0x3e0: {  	s28 =	smulhi.u32 $0x431BDE83, s21;
	s10 =	sshra.s32 s21, $0x1F;
	s29 =	spop (v2sf)  }
0x3e1: {  	s13 =	sadd.s32 s13, s0;
	s0 =	smul.u32 $0x431BDE83, s10;
	s30 =	spop (v2sf)  }
0x3e2: {  	s10 =	sadd.s32 s4, s2;
	s2 =	smulhi.u32 $0x431BDE83, s31;
	s1 =	spop (v2sf)  }
0x3e3: {  	s20 =	sadd.s32 s11, s20;
	s11 =	smulhi.u32 $0x431BDE83, s1;
	s4 =	sshra.s32 s1, $0x1F  }
0x3e4: {  	s25 =	sshrl.u32 s12, $0x1F;
	s31 =	sshra.s32 s31, $0x1F;
	s4 =	smul.u32 $0x431BDE83, s4  }
0x3e5: {  	v54 =	vmov s16;
	s16 =	sshra.s32 s20, $0x1F;
	s21 =	sadd.s32 s22, s24;
	s22 =	smul.u32 $0x431BDE83, s31  }
0x3e6: {  	s24 =	sshrl.u32 s13, $0x1F;
	s31 =	sshrl.u32 s21, $0x1F;
	s11 =	sadd.s32 s4, s11  }
0x3e7: {  	s2 =	sadd.s32 s22, s2;
	s1 =	sadd.s32 s0, s28;
	s0 =	sshra.s32 s11, $0x1F  }
0x3e8: {  	s22 =	smulhi.u32 $0x431BDE83, s26;
	s4 =	sshrl.u32 s20, $0x1F;
	v3 =	vmov s0;
	s0 =	sshra.s32 s20, $0x12  }
0x3e9: {  	vm9 =	vcmask $0x704;
	s26 =	sshra.s32 s26, $0x1F;
	s28 =	sshrl.u32 s10, $0x1F;
	v55 =	vmov s4;
	s4 =	smulhi.u32 $0x431BDE83, s29;
	v3 =	vsel vm4, s0, v3  }
0x3ea: {  	v4 =	vsel vm0, s15, v54;
	s0 =	smul.u32 $0x431BDE83, s26;
	s26 =	sshra.s32 s29, $0x1F;
	s29 =	sshra.s32 s21, $0x12;
	v3 =	vsel vm9, s16, v3  }
0x3eb: {  	v4 =	vsel vm1, s18, v4;
	v56 =	vmov s25;
	s25 =	sshra.s32 s2, $0x1F;
	s21 =	sshra.s32 s21, $0x1F;
	s15 =	smul.u32 $0x431BDE83, s26;
	v3 =	vsel vm0, s29, v3  }
0x3ec: {  	v4 =	vsel vm2, s19, v4;
	v5 =	vnsel vm4, $0x0, v55;
	s26 =	smulhi.u32 $0x431BDE83, s30;
	s29 =	sshra.s32 s30, $0x1F;
	s30 =	sshra.s32 s1, $0x12;
	v3 =	vsel vm11, s21, v3  }
0x3ed: {  	v6 =	vsel vm0, s17, v56;
	s20 =	sshrl.u32 s1, $0x1F;
	v5 =	vsel vm0, s31, v5;
	s16 =	sshrl.u32 s2, $0x1F;
	s1 =	sshra.s32 s1, $0x1F;
	v3 =	vsel vm1, s30, v3  }
0x3ee: {  	v6 =	vsel vm1, s24, v6;
	v5 =	vsel vm1, s20, v5;
	s0 =	sadd.s32 s0, s22;
	s22 =	sshra.s32 s2, $0x12;
	s31 =	smul.u32 $0x431BDE83, s29;
	v3 =	vsel vm12, s1, v3  }
0x3ef: {  	v6 =	vsel vm2, s28, v6;
	v5 =	vsel vm2, s16, v5;
	s21 =	sshrl.u32 s0, $0x1F;
	s4 =	sadd.s32 s15, s4;
	s28 =	sshra.s32 s0, $0x12;
	v3 =	vsel vm2, s22, v3  }
0x3f0: {  	v4 =	vcombine.low v6, v4;
	s29 =	sshra.s32 s7, $0x12;
	s0 =	sshra.s32 s0, $0x1F;
	v5 =	vsel vm5, s21, v5;
	s15 =	sshrl.u32 s4, $0x1F;
	v3 =	vsel vm13, s25, v3  }
0x3f1: {  	s30 =	sshra.s32 s12, $0x12;
	v57 =	vmov s29;
	s24 =	sadd.s32 s31, s26;
	v5 =	vsel vm6, s15, v5;
	s31 =	sshra.s32 s3, $0x12;
	v3 =	vsel vm5, s28, v3  }
0x3f2: {  	s7 =	sshra.s32 s4, $0x12;
	s3 =	sshra.s32 s9, $0x12;
	v58 =	vmov s30;
	s26 =	sshrl.u32 s24, $0x1F;
	v6 =	vsel vm0, s31, v57;
	v3 =	vsel vm14, s0, v3  }
0x3f3: {  	s12 =	sshra.s32 s13, $0x12;
	s13 =	sshra.s32 s4, $0x1F;
	s9 =	sshra.s32 s5, $0x12;
	v7 =	vsel vm0, s3, v58;
	v5 =	vsel vm7, s26, v5;
	v3 =	vsel vm6, s7, v3  }
0x3f4: {  	s17 =	sshra.s32 s10, $0x12;
	s15 =	sshra.s32 s6, $0x12;
	s18 =	sshra.s32 s24, $0x12;
	v6 =	vsel vm1, s9, v6;
	v7 =	vsel vm1, s12, v7;
	v3 =	vsel vm15, s13, v3  }
0x3f5: {  	s19 =	sshrl.u32 s11, $0x1F;
	s20 =	sshra.s32 s24, $0x1F;
	v6 =	vsel vm2, s15, v6;
	v7 =	vsel vm2, s17, v7;
	v3 =	vsel vm7, s18, v3  }
0x3f6: {  	s21 =	sshra.s32 s11, $0x12;
	v5 =	vsel vm8, s19, v5;
	v6 =	vcombine.low v7, v6;
	v3 =	vsel vm3, s20, v3  }
0x3f7: {  	v4 =	vperm.xlane v4, v0;
	v5 =	vperm.xlane v5, v1;
	v3 =	vsel vm8, s21, v3  }
0x3f8: {  	v6 =	vperm.xlane v6, v0;
	v3 =	vperm.xlane v3, v1;
	_ =	sdelay $0x1  }
0x3f9: {  	v4 =	vsel vm10, v5, v4;
	v3 =	vsel vm10, v3, v6  }
0x3fa: {  	v3 =	vadd.s32 v4, v3  }
0x3fb: {  	v3 =	vmul.u32 $0xF4240, v3;
	_ =	sdelay $0x1  }
0x3fc: {  	v2 =	vsub.s32 v2, v3  }
0x3fd: {  	vm9 =	vlt.s32 v2, $0x0;
	v3 =	vadd.s32 $0xF4240, v2  }
0x3fe: {  	s22 =	rddreg [dreg:$0x15];
	v2 =	vsel vm9, v3, v2  }
0x3ff: {  	[tilespmem:s22+$0x60] =	vst v2  }
0x400: {  	v2 =	vld [tilespmem:$0x1F0];
	_ =	sdelay $0x1  }
0x401: {  	v3 =	vld [tilespmem:$0xF0];
	_ =	sdelay $0x2  }
0x402: {  	v2 =	vmul.u32 $0x16A95, v2;
	_ =	sdelay $0x1  }
0x403: {  	v2 =	vadd.s32 v3, v2  }
0x404: {  	(v2sf) =	vpush v2, $0xD;
	_ =	sdelay $0x1  }
0x405: {  	(v2sf) =	vpush v2, $0xC;
	_ =	sdelay $0x1  }
0x406: {  	(v2sf) =	vpush v2, $0xE;
	_ =	sdelay $0x1  }
0x407: {  	(v2sf) =	vpush v2, $0xF;
	_ =	sdelay $0x1  }
0x408: {  	(v2sf) =	vpush v2, $0x9;
	_ =	sdelay $0x1  }
0x409: {  	(v2sf) =	vpush v2, $0x8;
	_ =	sdelay $0x1  }
0x40a: {  	(v2sf) =	vpush v2, $0xA;
	_ =	sdelay $0x1  }
0x40b: {  	(v2sf) =	vpush v2, $0xB  }
0x40c: {  	(v2sf) =	vpush v2, $0x0;
	s24 =	spop (v2sf)  }
0x40d: {  	s1 =	smulhi.u32 $0x431BDE83, s24;
	s0 =	sshra.s32 s24, $0x1F  }
0x40e: {  	(v2sf) =	vpush v2, $0x1;
	s25 =	spop (v2sf);
	s0 =	smul.u32 $0x431BDE83, s0  }
0x40f: {  	(v2sf) =	vpush v2, $0x2;
	s4 =	smulhi.u32 $0x431BDE83, s25;
	s2 =	sshra.s32 s25, $0x1F  }
0x410: {  	s26 =	spop (v2sf);
	s2 =	smul.u32 $0x431BDE83, s2  }
0x411: {  	s9 =	smulhi.u32 $0x431BDE83, s26;
	s5 =	sshra.s32 s26, $0x1F  }
0x412: {  	(v2sf) =	vpush v2, $0x3;
	s28 =	spop (v2sf);
	s10 =	smul.u32 $0x431BDE83, s5  }
0x413: {  	(v2sf) =	vpush v2, $0x4;
	s11 =	smulhi.u32 $0x431BDE83, s28;
	s6 =	sshra.s32 s28, $0x1F  }
0x414: {  	(v2sf) =	vpush v2, $0x5;
	s29 =	spop (v2sf);
	s13 =	smul.u32 $0x431BDE83, s6  }
0x415: {  	(v2sf) =	vpush v2, $0x6;
	s16 =	smulhi.u32 $0x431BDE83, s29;
	s15 =	sshra.s32 s29, $0x1F  }
0x416: {  	(v2sf) =	vpush v2, $0x7;
	s30 =	spop (v2sf);
	s18 =	smul.u32 $0x431BDE83, s15  }
0x417: {  	s20 =	smulhi.u32 $0x431BDE83, s30;
	s5 =	sshra.s32 s30, $0x1F  }
0x418: {  	s3 =	spop (v2sf);
	s22 =	smul.u32 $0x431BDE83, s5  }
0x419: {  	s25 =	smulhi.u32 $0x431BDE83, s3;
	s3 =	sshra.s32 s3, $0x1F  }
0x41a: {  	s7 =	sadd.s32 s2, s4;
	s17 =	spop (v2sf);
	s28 =	smul.u32 $0x431BDE83, s3  }
0x41b: {  	s31 =	spop (v2sf);
	s30 =	smulhi.u32 $0x431BDE83, s17;
	s5 =	sshra.s32 s17, $0x1F  }
0x41c: {  	s3 =	sadd.s32 s0, s1;
	s17 =	sshrl.u32 s7, $0x1F;
	s0 =	smul.u32 $0x431BDE83, s5  }
0x41d: {  	s19 =	spop (v2sf);
	s2 =	smulhi.u32 $0x431BDE83, s31;
	s6 =	sshra.s32 s31, $0x1F  }
0x41e: {  	s4 =	sshrl.u32 s3, $0x1F;
	s21 =	spop (v2sf);
	s31 =	smul.u32 $0x431BDE83, s6  }
0x41f: {  	s6 =	sadd.s32 s10, s9;
	s1 =	smulhi.u32 $0x431BDE83, s19;
	s12 =	sshra.s32 s19, $0x1F  }
0x420: {  	s19 =	sadd.s32 s13, s11;
	s13 =	sadd.s32 s22, s20;
	s10 =	sadd.s32 s28, s25  }
0x421: {  	s24 =	spop (v2sf);
	s11 =	smul.u32 $0x431BDE83, s12;
	s12 =	sadd.s32 s18, s16  }
0x422: {  	s16 =	smulhi.u32 $0x431BDE83, s21;
	s21 =	sshra.s32 s21, $0x1F;
	s26 =	spop (v2sf)  }
0x423: {  	s5 =	sshrl.u32 s6, $0x1F;
	s20 =	smul.u32 $0x431BDE83, s21;
	s29 =	spop (v2sf)  }
0x424: {  	s21 =	smulhi.u32 $0x431BDE83, s24;
	s25 =	sshra.s32 s24, $0x1F;
	s15 =	spop (v2sf)  }
0x425: {  	v59 =	vmov s17;
	s9 =	sadd.s32 s0, s30;
	s0 =	smul.u32 $0x431BDE83, s25;
	s28 =	spop (v2sf)  }
0x426: {  	v4 =	vsel vm0, s4, v59;
	s18 =	sshrl.u32 s19, $0x1F;
	s24 =	smulhi.u32 $0x431BDE83, s28;
	s22 =	sshra.s32 s28, $0x1F  }
0x427: {  	s2 =	sadd.s32 s31, s2;
	v4 =	vsel vm1, s5, v4;
	s5 =	sshra.s32 s7, $0x12;
	s30 =	smul.u32 $0x431BDE83, s22  }
0x428: {  	s7 =	sshra.s32 s13, $0x12;
	s31 =	smulhi.u32 $0x431BDE83, s26;
	s28 =	sshra.s32 s26, $0x1F  }
0x429: {  	s1 =	sadd.s32 s11, s1;
	s22 =	smul.u32 $0x431BDE83, s28;
	s11 =	sadd.s32 s30, s24  }
0x42a: {  	s25 =	sshrl.u32 s12, $0x1F;
	s16 =	sadd.s32 s20, s16;
	s30 =	sshra.s32 s11, $0x1F  }
0x42b: {  	s4 =	smulhi.u32 $0x431BDE83, s29;
	s20 =	sadd.s32 s22, s31;
	s31 =	sshra.s32 s2, $0x12;
	v3 =	vmov s30  }
0x42c: {  	vm9 =	vcmask $0x704;
	s0 =	sadd.s32 s0, s21;
	s28 =	sshrl.u32 s2, $0x1F;
	s2 =	sshra.s32 s2, $0x1F;
	v3 =	vsel vm4, s31, v3  }
0x42d: {  	s21 =	sshrl.u32 s1, $0x1F;
	s26 =	sshrl.u32 s13, $0x1F;
	s31 =	sshra.s32 s1, $0x12;
	v3 =	vsel vm9, s2, v3  }
0x42e: {  	v4 =	vsel vm2, s18, v4;
	v60 =	vmov s28;
	s28 =	sshrl.u32 s16, $0x1F;
	s24 =	sshrl.u32 s10, $0x1F;
	s1 =	sshra.s32 s1, $0x1F;
	v3 =	vsel vm0, s31, v3  }
0x42f: {  	v61 =	vmov s26;
	s22 =	sshrl.u32 s9, $0x1F;
	v5 =	vnsel vm4, $0x0, v60;
	s30 =	sshra.s32 s29, $0x1F;
	s31 =	sshra.s32 s16, $0x12;
	v3 =	vsel vm11, s1, v3  }
0x430: {  	v6 =	vsel vm0, s25, v61;
	v5 =	vsel vm0, s21, v5;
	s21 =	sshra.s32 s16, $0x1F;
	s26 =	sshrl.u32 s20, $0x1F;
	s29 =	smul.u32 $0x431BDE83, s30;
	v3 =	vsel vm1, s31, v3  }
0x431: {  	v6 =	vsel vm1, s24, v6;
	v5 =	vsel vm1, s28, v5;
	s28 =	sshra.s32 s0, $0x12;
	s30 =	smulhi.u32 $0x431BDE83, s15;
	s15 =	sshra.s32 s15, $0x1F;
	v3 =	vsel vm12, s21, v3  }
0x432: {  	v62 =	vmov s5;
	v6 =	vsel vm2, s22, v6;
	s2 =	sshrl.u32 s0, $0x1F;
	s18 =	smul.u32 $0x431BDE83, s15;
	s0 =	sshra.s32 s0, $0x1F;
	v3 =	vsel vm2, s28, v3  }
0x433: {  	v63 =	vmov s7;
	v4 =	vcombine.low v6, v4;
	s15 =	sshra.s32 s3, $0x12;
	s25 =	sadd.s32 s29, s4;
	s31 =	sshra.s32 s20, $0x12;
	v3 =	vsel vm13, s0, v3  }
0x434: {  	s13 =	sshra.s32 s20, $0x1F;
	v5 =	vsel vm2, s2, v5;
	s16 =	sshra.s32 s12, $0x12;
	v6 =	vsel vm0, s15, v62;
	s29 =	sshrl.u32 s25, $0x1F;
	v3 =	vsel vm5, s31, v3  }
0x435: {  	v5 =	vsel vm5, s26, v5;
	s2 =	sadd.s32 s18, s30;
	s17 =	sshra.s32 s25, $0x12;
	s18 =	sshra.s32 s6, $0x12;
	v7 =	vsel vm0, s16, v63;
	v3 =	vsel vm14, s13, v3  }
0x436: {  	v5 =	vsel vm6, s29, v5;
	s30 =	sshrl.u32 s2, $0x1F;
	s20 =	sshra.s32 s10, $0x12;
	v6 =	vsel vm1, s18, v6;
	s21 =	sshra.s32 s25, $0x1F;
	v3 =	vsel vm6, s17, v3  }
0x437: {  	s22 =	sshra.s32 s19, $0x12;
	s26 =	sshra.s32 s2, $0x12;
	v5 =	vsel vm7, s30, v5;
	v7 =	vsel vm1, s20, v7;
	s25 =	sshra.s32 s9, $0x12;
	v3 =	vsel vm15, s21, v3  }
0x438: {  	s29 =	sshra.s32 s2, $0x1F;
	v6 =	vsel vm2, s22, v6;
	s28 =	sshrl.u32 s11, $0x1F;
	v7 =	vsel vm2, s25, v7;
	v3 =	vsel vm7, s26, v3  }
0x439: {  	s30 =	sshra.s32 s11, $0x12;
	v6 =	vcombine.low v7, v6;
	v5 =	vsel vm8, s28, v5;
	v3 =	vsel vm3, s29, v3  }
0x43a: {  	v4 =	vperm.xlane v4, v0;
	v5 =	vperm.xlane v5, v1;
	v3 =	vsel vm8, s30, v3  }
0x43b: {  	v6 =	vperm.xlane v6, v0;
	v3 =	vperm.xlane v3, v1;
	_ =	sdelay $0x1  }
0x43c: {  	v4 =	vsel vm10, v5, v4;
	v3 =	vsel vm10, v3, v6  }
0x43d: {  	s31 =	rddreg [dreg:$0x16];
	v3 =	vadd.s32 v4, v3  }
0x43e: {  	p2 =	sne.s32 s31, $0xE0;
	v3 =	vmul.u32 $0xF4240, v3  }
.Ltmp0:
0x43f: {  	_ = 	snop;
	(pc) =	sbr.rel @p2 .LBB2_2-.Ltmp0, $4  }
0x440: {  	v2 =	vsub.s32 v2, v3  }
0x441: {  	vm9 =	vlt.s32 v2, $0x0;
	v3 =	vadd.s32 $0xF4240, v2  }
0x442: {  	s24 =	rddreg [dreg:$0x15];
	v2 =	vsel vm9, v3, v2  }
0x443: {  	s0 =	sadd.s32 $0x20, s31;
	vm9 =	vcmask $0x704;
	[tilespmem:s24+$0x70] =	vst v2;
	s24 =	sadd.s32 $0x100, s24  }
0x444: {  	s16 =	rddreg [dreg:$0xf];
	s2 =	simm.s32 @!p6 $0x1  }
0x445: {  	s17 =	rddreg [dreg:$0xa];
	_ =	swait.ge @!p6 [sflag:s2], $0x1E850  }
0x446: {  	s4 =	simm.s32 @!p6 $0x10;
	s0 =	sshrl.u32 @!p6 s16, $0x3;
	[sflag:s2] =	ssyncset.done @!p6 $0x0  }
0x447: {  	s1 =	sadd.s32 @!p6 $0x0, s17;
	s0 =	smul.u32 @!p6 $0x7A1400, s0;
	[sflag:s2] =	ssyncadd.s32 @!p6 $0xFFFE17B0  }
0x448: {  	s5 =	simm.s32 @!p6 $0x80;
	s1 =	sand.u32 @!p6 $0x380, s1;
	[bflag:$0x0] =	sbarrier.arrive $0xFFFF  }
0x449: {  	s18 =	simm.s32 $0x200;
	s0 =	sor.u32 @!p6 s0, s1;
	s25 =	rddreg [dreg:$0x4]  }
0x44a: {  	s20 =	simm.s32 $0xA00;
	s0 =	sshrl.u32 @!p6 s0, $0x3;
	s22 =	rddreg [dreg:$0x1]  }
0x44b: {  	s3 =	sshrl.u32 @!p6 s25, $0x3;
	s1 =	sadd.s32 @!p6 s22, s0;
	s0 =	simm.s32 @!p6 $0x1C02  }
0x44c: {  	[spmem:s3@s4], [sflag:s0] =	dma.strided @!p6 [hbm:s1@s5], $0x1E850, s2, $0x10   }
0x44d: {  	[tilespmem:s20], [sflag:$0x3] =	stream.indirect.gather [spmem:s14], $0x1, s18, s8, $0xb8;
	[tilespmem:$0x1F650] =	vst v63  }
0x44e: {  	s26 =	simm.s32 $0x80;
	s19 =	simm.s32 $0xA80;
	s8 =	simm.s32 $0x280  }
0x44f: {  	[tilespmem:s19], [sflag:$0x3] =	stream.indirect.gather [spmem:s14], $0x1, s8, s26, $0xb8;
	[tilespmem:$0x1F650] =	vst v63  }
0x450: {  	s21 =	simm.s32 $0x300;
	s28 =	simm.s32 $0xB00  }
0x451: {  	[tilespmem:s28], [sflag:$0x3] =	stream.indirect.gather [spmem:s14], $0x1, s21, s26, $0xb8;
	[tilespmem:$0x1F650] =	vst v63  }
0x452: {  	s24 =	simm.s32 $0x380;
	s7 =	simm.s32 $0xB80  }
0x453: {  	[tilespmem:s7], [sflag:$0x3] =	stream.indirect.gather [spmem:s14], $0x1, s24, s26, $0xb8;
	[tilespmem:$0x1F650] =	vst v63  }
0x454: {  	_ =	swait.ge [sflag:s23], $0x80  }
0x455: {  	[sflag:s23] =	ssyncset.done $0x0  }
0x456: {  	[sflag:s23] =	ssyncadd.s32 $0xFFFFFF80  }
0x457: {  	_ =	swait.ge [sflag:s23], $0x80  }
0x458: {  	[sflag:s23] =	ssyncset.done $0x0  }
0x459: {  	[sflag:s23] =	ssyncadd.s32 $0xFFFFFF80  }
0x45a: {  	_ =	swait.ge [sflag:s23], $0x80  }
0x45b: {  	s30 =	simm.s32 $0x0;
	s31 =	rddreg [dreg:$0x12];
	[sflag:s23] =	ssyncset.done $0x0  }
0x45c: {  	s2 =	rddreg [dreg:$0x9];
	s9 =	sand.u32 $0x1C0000, s31;
	[sflag:s23] =	ssyncadd.s32 $0xFFFFFF80  }
0x45d: {  	s10 =	sand.u32 $0x300, s30;
	s1 =	sor.u32 s2, s9;
	_ =	swait.ge [sflag:s23], $0x80  }
0x45e: {  	s4 =	sor.u32 s10, s1;
	[sflag:s23] =	ssyncset.done $0x0  }
0x45f: {  	s2 =	sshrl.u32 s4, $0x3;
	s24 =	rddreg [dreg:$0x2]  }
0x460: {  	s0 =	simm.s32 $0x400;
	[sflag:s23] =	ssyncadd.s32 $0xFFFFFF80;
	s2 =	sadd.s32 s24, s2  }
0x461: {  	[hbm4b:s2+s26] =	stream.strided.scatter [tilespmem:s20], [sflag:$0x4], $0x200, s0, s26, $0x38;
	[tilespmem:$0x1F650] =	vst v63  }
0x462: {  	s15 =	smov.u32 s14;
	s14 =	simm.s32 $0xC00  }
0x463: {  	[tilespmem:s14], [sflag:$0x3] =	stream.indirect.gather [spmem:s15], $0x1, s0, s26, $0xb8;
	[tilespmem:$0x1F650] =	vst v63  }
0x464: {  	s30 =	simm.s32 $0xC80;
	s5 =	simm.s32 $0x480  }
0x465: {  	[tilespmem:s30], [sflag:$0x3] =	stream.indirect.gather [spmem:s15], $0x1, s5, s26, $0xb8;
	[tilespmem:$0x1F650] =	vst v63  }
0x466: {  	s6 =	simm.s32 $0x500;
	s29 =	simm.s32 $0xD00  }
0x467: {  	[tilespmem:s29], [sflag:$0x3] =	stream.indirect.gather [spmem:s15], $0x1, s6, s26, $0xb8;
	[tilespmem:$0x1F650] =	vst v63  }
0x468: {  	s11 =	simm.s32 $0x580;
	s31 =	simm.s32 $0xD80  }
0x469: {  	[tilespmem:s31], [sflag:$0x3] =	stream.indirect.gather [spmem:s15], $0x1, s11, s26, $0xb8;
	[tilespmem:$0x1F650] =	vst v63  }
0x46a: {  	_ =	swait.ge [sflag:s23], $0x80  }
0x46b: {  	[sflag:s23] =	ssyncset.done $0x0  }
0x46c: {  	[sflag:s23] =	ssyncadd.s32 $0xFFFFFF80  }
0x46d: {  	_ =	swait.ge [sflag:s23], $0x80  }
0x46e: {  	[sflag:s23] =	ssyncset.done $0x0  }
0x46f: {  	[sflag:s23] =	ssyncadd.s32 $0xFFFFFF80  }
0x470: {  	_ =	swait.ge [sflag:s23], $0x80  }
0x471: {  	[sflag:s23] =	ssyncset.done $0x0  }
0x472: {  	[sflag:s23] =	ssyncadd.s32 $0xFFFFFF80  }
0x473: {  	_ =	swait.ge [sflag:s23], $0x80  }
0x474: {  	s12 =	rddreg [dreg:$0x6]  }
0x475: {  	s5 =	sor.u32 s12, s9  }
0x476: {  	s2 =	sor.u32 s5, s10  }
0x477: {  	[sflag:s23] =	ssyncset.done $0x0;
	s2 =	sshrl.u32 s2, $0x3  }
0x478: {  	s21 =	simm.s32 $0x4;
	[sflag:s23] =	ssyncadd.s32 $0xFFFFFF80;
	s2 =	sadd.s32 s24, s2  }
0x479: {  	[hbm4b:s2+s26] =	stream.strided.scatter [tilespmem:s14], [sflag:$0x4], $0x200, s0, s26, $0x38;
	[tilespmem:$0x1F650] =	vst v63  }
0x47a: {  	_ =	swait.ge [sflag:s21], $0x200  }
0x47b: {  	[sflag:s21] =	ssyncset.done $0x0  }
0x47c: {  	s13 =	simm.s32 $0x600;
	[sflag:s21] =	ssyncadd.s32 $0xFFFFFE00  }
0x47d: {  	[tilespmem:s20], [sflag:$0x3] =	stream.indirect.gather [spmem:s15], $0x1, s13, s26, $0xb8;
	[tilespmem:$0x1F650] =	vst v63  }
0x47e: {  	s4 =	simm.s32 $0x680  }
0x47f: {  	[tilespmem:s19], [sflag:$0x3] =	stream.indirect.gather [spmem:s15], $0x1, s4, s26, $0xb8;
	[tilespmem:$0x1F650] =	vst v63  }
0x480: {  	s6 =	simm.s32 $0x700  }
0x481: {  	[tilespmem:s28], [sflag:$0x3] =	stream.indirect.gather [spmem:s15], $0x1, s6, s26, $0xb8;
	[tilespmem:$0x1F650] =	vst v63  }
0x482: {  	s11 =	simm.s32 $0x780  }
0x483: {  	[tilespmem:s7], [sflag:$0x3] =	stream.indirect.gather [spmem:s15], $0x1, s11, s26, $0xb8;
	[tilespmem:$0x1F650] =	vst v63  }
0x484: {  	_ =	swait.ge [sflag:s23], $0x80  }
0x485: {  	[sflag:s23] =	ssyncset.done $0x0  }
0x486: {  	[sflag:s23] =	ssyncadd.s32 $0xFFFFFF80  }
0x487: {  	_ =	swait.ge [sflag:s23], $0x80  }
0x488: {  	[sflag:s23] =	ssyncset.done $0x0  }
0x489: {  	[sflag:s23] =	ssyncadd.s32 $0xFFFFFF80  }
0x48a: {  	_ =	swait.ge [sflag:s23], $0x80  }
0x48b: {  	[sflag:s23] =	ssyncset.done $0x0  }
0x48c: {  	[sflag:s23] =	ssyncadd.s32 $0xFFFFFF80  }
0x48d: {  	_ =	swait.ge [sflag:s23], $0x80  }
0x48e: {  	s12 =	rddreg [dreg:$0x7]  }
0x48f: {  	s6 =	sor.u32 s12, s9  }
0x490: {  	s2 =	sor.u32 s6, s10  }
0x491: {  	[sflag:s23] =	ssyncset.done $0x0;
	s2 =	sshrl.u32 s2, $0x3  }
0x492: {  	[sflag:s23] =	ssyncadd.s32 $0xFFFFFF80;
	s2 =	sadd.s32 s24, s2  }
0x493: {  	[hbm4b:s2+s26] =	stream.strided.scatter [tilespmem:s20], [sflag:$0x4], $0x200, s0, s26, $0x38;
	[tilespmem:$0x1F650] =	vst v63  }
0x494: {  	_ =	swait.ge [sflag:s21], $0x200  }
0x495: {  	[sflag:s21] =	ssyncset.done $0x0  }
0x496: {  	s13 =	simm.s32 $0x800;
	[sflag:s21] =	ssyncadd.s32 $0xFFFFFE00  }
0x497: {  	[tilespmem:s14], [sflag:$0x3] =	stream.indirect.gather [spmem:s15], $0x1, s13, s26, $0xb8;
	[tilespmem:$0x1F650] =	vst v63  }
0x498: {  	s4 =	simm.s32 $0x880  }
0x499: {  	[tilespmem:s30], [sflag:$0x3] =	stream.indirect.gather [spmem:s15], $0x1, s4, s26, $0xb8;
	[tilespmem:$0x1F650] =	vst v63  }
0x49a: {  	s11 =	simm.s32 $0x900  }
0x49b: {  	[tilespmem:s29], [sflag:$0x3] =	stream.indirect.gather [spmem:s15], $0x1, s11, s26, $0xb8;
	[tilespmem:$0x1F650] =	vst v63  }
0x49c: {  	s12 =	simm.s32 $0x980  }
0x49d: {  	[tilespmem:s31], [sflag:$0x3] =	stream.indirect.gather [spmem:s15], $0x1, s12, s26, $0xb8;
	[tilespmem:$0x1F650] =	vst v63  }
0x49e: {  	_ =	swait.ge [sflag:s23], $0x80  }
0x49f: {  	[sflag:s23] =	ssyncset.done $0x0  }
0x4a0: {  	[sflag:s23] =	ssyncadd.s32 $0xFFFFFF80  }
0x4a1: {  	_ =	swait.ge [sflag:s23], $0x80  }
0x4a2: {  	[sflag:s23] =	ssyncset.done $0x0  }
0x4a3: {  	[sflag:s23] =	ssyncadd.s32 $0xFFFFFF80  }
0x4a4: {  	_ =	swait.ge [sflag:s23], $0x80  }
0x4a5: {  	[sflag:s23] =	ssyncset.done $0x0  }
0x4a6: {  	[sflag:s23] =	ssyncadd.s32 $0xFFFFFF80  }
0x4a7: {  	_ =	swait.ge [sflag:s23], $0x80  }
0x4a8: {  	s13 =	rddreg [dreg:$0x8]  }
0x4a9: {  	s9 =	sor.u32 s13, s9  }
0x4aa: {  	p3 =	por @p1 $0x0, $0x0;
	s2 =	sor.u32 s9, s10  }
0x4ab: {  	p4 =	por p3, !p1;
	[sflag:s23] =	ssyncset.done $0x0;
	s2 =	sshrl.u32 s2, $0x3  }
0x4ac: {  	p2 =	slt.s32 @!p4 s16, $0x3D;
	[sflag:s23] =	ssyncadd.s32 $0xFFFFFF80;
	s2 =	sadd.s32 s24, s2  }
0x4ad: {  	[hbm4b:s2+s26] =	stream.strided.scatter [tilespmem:s14], [sflag:$0x4], $0x200, s0, s26, $0x38;
	[tilespmem:$0x1F650] =	vst v63  }
0x4ae: {  	p2 =	por @p1 !p2, p3;
	_ =	swait.ge [sflag:s21], $0x200  }
0x4af: {  	p2 =	por !p2, !p1;
	s2 =	smov.u32 s16;
	[sflag:s21] =	ssyncset.done $0x0  }
0x4b0: {  	s2 =	simm.s32 @!p2 $0x3D;
	[sflag:s21] =	ssyncadd.s32 $0xFFFFFE00  }
0x4b1: {  	s11 =	simm.s32 @!p4 $0x1C01;
	s2 =	sadd.s32 @!p4 $0x2, s2;
	_ =	swait.ge [sflag:s21], $0x200  }
0x4b2: {  	s0 =	simm.s32 @p1 $0x2;
	s4 =	sshrl.u32 @!p4 s2, $0x3;
	[sflag:s21] =	ssyncset.done $0x0  }
0x4b3: {  	s2 =	sshll.u32 @!p4 s2, $0x7;
	s4 =	smul.u32 @!p4 $0x7A1400, s4;
	[sflag:s21] =	ssyncadd.s32 $0xFFFFFE00  }
0x4b4: {  	s12 =	simm.s32 @!p4 $0x1;
	s2 =	sand.u32 @!p4 $0x380, s2;
	_ =	swait.ge @p1 [sflag:s0], $0x1E850  }
0x4b5: {  	s13 =	sshrl.u32 @!p4 s15, $0x3;
	s2 =	sor.u32 @!p4 s2, s4;
	[sflag:s0] =	ssyncset.done @p1 $0x0  }
0x4b6: {  	s10 =	simm.s32 @!p4 $0x80;
	s2 =	sshrl.u32 @!p4 s2, $0x3;
	[sflag:s0] =	ssyncadd.s32 @p1 $0xFFFE17B0  }
0x4b7: {  	s4 =	simm.s32 @!p4 $0x10;
	s2 =	sadd.s32 @!p4 s22, s2;
	[bflag:$0x0] =	sbarrier.arrive @p1 $0xFFFF  }
0x4b8: {  	[spmem:s13@s4], [sflag:s11] =	dma.strided @!p4 [hbm:s2@s10], $0x1E850, s12, $0x10   }
0x4b9: {  	[bflag:$0x0] =	sbarrier.arrive @!p1 $0xFFFF  }
0x4ba: {  	[tilespmem:s20], [sflag:$0x3] =	stream.indirect.gather [spmem:s25], $0x1, s18, s26, $0xb8;
	[tilespmem:$0x1F650] =	vst v63  }
0x4bb: {  	_ = 	snop  }
0x4bc: {  	[tilespmem:s19], [sflag:$0x3] =	stream.indirect.gather [spmem:s25], $0x1, s8, s26, $0xb8;
	[tilespmem:$0x1F650] =	vst v63  }
0x4bd: {  	s4 =	simm.s32 $0x300;
	s8 =	simm.s32 $0x80  }
0x4be: {  	[tilespmem:s28], [sflag:$0x3] =	stream.indirect.gather [spmem:s25], $0x1, s4, s8, $0xb8;
	[tilespmem:$0x1F650] =	vst v63  }
0x4bf: {  	s10 =	simm.s32 $0x380  }
0x4c0: {  	[tilespmem:s7], [sflag:$0x3] =	stream.indirect.gather [spmem:s25], $0x1, s10, s8, $0xb8;
	[tilespmem:$0x1F650] =	vst v63  }
0x4c1: {  	_ =	swait.ge [sflag:s23], $0x80  }
0x4c2: {  	[sflag:s23] =	ssyncset.done $0x0  }
0x4c3: {  	[sflag:s23] =	ssyncadd.s32 $0xFFFFFF80  }
0x4c4: {  	_ =	swait.ge [sflag:s23], $0x80  }
0x4c5: {  	[sflag:s23] =	ssyncset.done $0x0  }
0x4c6: {  	[sflag:s23] =	ssyncadd.s32 $0xFFFFFF80  }
0x4c7: {  	_ =	swait.ge [sflag:s23], $0x80  }
0x4c8: {  	s11 =	sadd.s32 $0x0, s17;
	[sflag:s23] =	ssyncset.done $0x0  }
0x4c9: {  	s10 =	sand.u32 $0x380, s11;
	[sflag:s23] =	ssyncadd.s32 $0xFFFFFF80  }
0x4ca: {  	s1 =	sor.u32 s10, s1;
	_ =	swait.ge [sflag:s23], $0x80  }
0x4cb: {  	s1 =	sshrl.u32 s1, $0x3;
	[sflag:s23] =	ssyncset.done $0x0  }
0x4cc: {  	s13 =	simm.s32 $0x400;
	s1 =	sadd.s32 s24, s1;
	[sflag:s23] =	ssyncadd.s32 $0xFFFFFF80  }
0x4cd: {  	[hbm4b:s1+s8] =	stream.strided.scatter [tilespmem:s20], [sflag:$0x4], $0x200, s13, s8, $0x38;
	[tilespmem:$0x1F650] =	vst v63  }
0x4ce: {  	_ = 	snop  }
0x4cf: {  	[tilespmem:s14], [sflag:$0x3] =	stream.indirect.gather [spmem:s25], $0x1, s13, s8, $0xb8;
	[tilespmem:$0x1F650] =	vst v63  }
0x4d0: {  	s12 =	simm.s32 $0x480  }
0x4d1: {  	[tilespmem:s30], [sflag:$0x3] =	stream.indirect.gather [spmem:s25], $0x1, s12, s8, $0xb8;
	[tilespmem:$0x1F650] =	vst v63  }
0x4d2: {  	s22 =	simm.s32 $0x500  }
0x4d3: {  	[tilespmem:s29], [sflag:$0x3] =	stream.indirect.gather [spmem:s25], $0x1, s22, s8, $0xb8;
	[tilespmem:$0x1F650] =	vst v63  }
0x4d4: {  	s26 =	simm.s32 $0x580  }
0x4d5: {  	[tilespmem:s31], [sflag:$0x3] =	stream.indirect.gather [spmem:s25], $0x1, s26, s8, $0xb8;
	[tilespmem:$0x1F650] =	vst v63  }
0x4d6: {  	_ =	swait.ge [sflag:s23], $0x80  }
0x4d7: {  	[sflag:s23] =	ssyncset.done $0x0  }
0x4d8: {  	[sflag:s23] =	ssyncadd.s32 $0xFFFFFF80  }
0x4d9: {  	_ =	swait.ge [sflag:s23], $0x80  }
0x4da: {  	[sflag:s23] =	ssyncset.done $0x0  }
0x4db: {  	[sflag:s23] =	ssyncadd.s32 $0xFFFFFF80  }
0x4dc: {  	_ =	swait.ge [sflag:s23], $0x80  }
0x4dd: {  	[sflag:s23] =	ssyncset.done $0x0  }
0x4de: {  	[sflag:s23] =	ssyncadd.s32 $0xFFFFFF80  }
0x4df: {  	s0 =	sor.u32 s5, s10;
	_ =	swait.ge [sflag:s23], $0x80  }
0x4e0: {  	s1 =	sshrl.u32 s0, $0x3;
	[sflag:s23] =	ssyncset.done $0x0  }
0x4e1: {  	s1 =	sadd.s32 s24, s1;
	[sflag:s23] =	ssyncadd.s32 $0xFFFFFF80  }
0x4e2: {  	[hbm4b:s1+s8] =	stream.strided.scatter [tilespmem:s14], [sflag:$0x4], $0x200, s13, s8, $0x38;
	[tilespmem:$0x1F650] =	vst v63  }
0x4e3: {  	_ =	swait.ge [sflag:s21], $0x200  }
0x4e4: {  	[sflag:s21] =	ssyncset.done $0x0  }
0x4e5: {  	s2 =	simm.s32 $0x600;
	[sflag:s21] =	ssyncadd.s32 $0xFFFFFE00  }
0x4e6: {  	[tilespmem:s20], [sflag:$0x3] =	stream.indirect.gather [spmem:s25], $0x1, s2, s8, $0xb8;
	[tilespmem:$0x1F650] =	vst v63  }
0x4e7: {  	s4 =	simm.s32 $0x680  }
0x4e8: {  	[tilespmem:s19], [sflag:$0x3] =	stream.indirect.gather [spmem:s25], $0x1, s4, s8, $0xb8;
	[tilespmem:$0x1F650] =	vst v63  }
0x4e9: {  	s5 =	simm.s32 $0x700  }
0x4ea: {  	[tilespmem:s28], [sflag:$0x3] =	stream.indirect.gather [spmem:s25], $0x1, s5, s8, $0xb8;
	[tilespmem:$0x1F650] =	vst v63  }
0x4eb: {  	s11 =	simm.s32 $0x780  }
0x4ec: {  	[tilespmem:s7], [sflag:$0x3] =	stream.indirect.gather [spmem:s25], $0x1, s11, s8, $0xb8;
	[tilespmem:$0x1F650] =	vst v63  }
0x4ed: {  	_ =	swait.ge [sflag:s23], $0x80  }
0x4ee: {  	[sflag:s23] =	ssyncset.done $0x0  }
0x4ef: {  	[sflag:s23] =	ssyncadd.s32 $0xFFFFFF80  }
0x4f0: {  	_ =	swait.ge [sflag:s23], $0x80  }
0x4f1: {  	[sflag:s23] =	ssyncset.done $0x0  }
0x4f2: {  	[sflag:s23] =	ssyncadd.s32 $0xFFFFFF80  }
0x4f3: {  	_ =	swait.ge [sflag:s23], $0x80  }
0x4f4: {  	[sflag:s23] =	ssyncset.done $0x0  }
0x4f5: {  	[sflag:s23] =	ssyncadd.s32 $0xFFFFFF80  }
0x4f6: {  	s12 =	sor.u32 s6, s10;
	_ =	swait.ge [sflag:s23], $0x80  }
0x4f7: {  	s1 =	sshrl.u32 s12, $0x3;
	[sflag:s23] =	ssyncset.done $0x0  }
0x4f8: {  	s1 =	sadd.s32 s24, s1;
	[sflag:s23] =	ssyncadd.s32 $0xFFFFFF80  }
0x4f9: {  	[hbm4b:s1+s8] =	stream.strided.scatter [tilespmem:s20], [sflag:$0x4], $0x200, s13, s8, $0x38;
	[tilespmem:$0x1F650] =	vst v63  }
0x4fa: {  	_ =	swait.ge [sflag:s21], $0x200  }
0x4fb: {  	[sflag:s21] =	ssyncset.done $0x0  }
0x4fc: {  	s19 =	simm.s32 $0x800;
	[sflag:s21] =	ssyncadd.s32 $0xFFFFFE00  }
0x4fd: {  	[tilespmem:s14], [sflag:$0x3] =	stream.indirect.gather [spmem:s25], $0x1, s19, s8, $0xb8;
	[tilespmem:$0x1F650] =	vst v63  }
0x4fe: {  	s22 =	simm.s32 $0x880  }
0x4ff: {  	[tilespmem:s30], [sflag:$0x3] =	stream.indirect.gather [spmem:s25], $0x1, s22, s8, $0xb8;
	[tilespmem:$0x1F650] =	vst v63  }
0x500: {  	s26 =	simm.s32 $0x900  }
0x501: {  	[tilespmem:s29], [sflag:$0x3] =	stream.indirect.gather [spmem:s25], $0x1, s26, s8, $0xb8;
	[tilespmem:$0x1F650] =	vst v63  }
0x502: {  	s28 =	simm.s32 $0x980  }
0x503: {  	[tilespmem:s31], [sflag:$0x3] =	stream.indirect.gather [spmem:s25], $0x1, s28, s8, $0xb8;
	[tilespmem:$0x1F650] =	vst v63  }
0x504: {  	_ =	swait.ge [sflag:s23], $0x80  }
0x505: {  	[sflag:s23] =	ssyncset.done $0x0  }
0x506: {  	[sflag:s23] =	ssyncadd.s32 $0xFFFFFF80  }
0x507: {  	_ =	swait.ge [sflag:s23], $0x80  }
0x508: {  	[sflag:s23] =	ssyncset.done $0x0  }
0x509: {  	[sflag:s23] =	ssyncadd.s32 $0xFFFFFF80  }
0x50a: {  	_ =	swait.ge [sflag:s23], $0x80  }
0x50b: {  	[sflag:s23] =	ssyncset.done $0x0  }
0x50c: {  	p0 =	por @p1 $0x0, $0x0;
	p5 =	por @!p4 $0x1, $0x1;
	[sflag:s23] =	ssyncadd.s32 $0xFFFFFF80  }
0x50d: {  	p2 =	por !p3, !p1;
	s30 =	sor.u32 s9, s10;
	_ =	swait.ge [sflag:s23], $0x80  }
0x50e: {  	p5 =	por @!p2 p0, p0;
	s1 =	sshrl.u32 s30, $0x3;
	[sflag:s23] =	ssyncset.done $0x0  }
0x50f: {  	p0 =	por @!p1 $0x0, $0x0;
	s1 =	sadd.s32 s24, s1;
	[sflag:s23] =	ssyncadd.s32 $0xFFFFFF80  }
0x510: {  	[hbm4b:s1+s8] =	stream.strided.scatter [tilespmem:s14], [sflag:$0x4], $0x200, s13, s8, $0x38;
	[tilespmem:$0x1F650] =	vst v63  }
0x511: {  	p2 =	por @!p1 $0x0, $0x0;
	s0 =	simm.s32 @!p0 $0x0;
	_ =	swait.ge [sflag:s21], $0x200  }
0x512: {  	p5 =	por @!p1 p2, p2;
	s0 =	simm.s32 @p0 $0x1;
	[sflag:s21] =	ssyncset.done $0x0  }
0x513: {  	s12 =	simm.s32 $0x200;
	s2 =	sadd.s32 @!p6 $0x100, s17;
	[sflag:s21] =	ssyncadd.s32 $0xFFFFFE00  }
0x514: {  	s2 =	sand.u32 @!p6 $0x380, s2;
	s9 =	sadd.s32 $0x2, s16;
	_ =	swait.ge [sflag:s21], $0x200  }
0x515: {  	s5 =	simm.s32 @p5 $0x1;
	s1 =	sshrl.u32 @!p6 s9, $0x3;
	[sflag:s21] =	ssyncset.done $0x0  }
0x516: {  	s1 =	smul.u32 @!p6 $0x7A1400, s1;
	[smem:$0x7FD] =	sst s0;
	[sflag:s21] =	ssyncadd.s32 $0xFFFFFE00  }
0x517: {  	s16 =	simm.s32 $0x300;
	s29 =	simm.s32 $0x100;
	_ =	swait.ge @p5 [sflag:s5], $0x1E850  }
0x518: {  	s26 =	smov.u32 s3;
	s1 =	sor.u32 @!p6 s1, s2;
	s31 =	rddreg [dreg:$0x12]  }
0x519: {  	s1 =	sshrl.u32 @!p6 s1, $0x3;
	[dreg:$0xb] =	wrdreg s3;
	s10 =	sadd.s32 $0x10000, s31  }
.LBB2_4:
0x51a: {  	s3 =	rddreg [dreg:$0x1]  }
0x51b: {  	[sflag:s5] =	ssyncset.done @p5 $0x0;
	s0 =	simm.s32 @!p6 $0x1;
	s4 =	simm.s32 @!p6 $0x10  }
0x51c: {  	s19 =	simm.s32 $0xA80;
	s2 =	sadd.s32 @!p6 s3, s1;
	s1 =	smov.u32 s12  }
0x51d: {  	s12 =	sadd.s32 $0x100, s12;
	[sflag:s5] =	ssyncadd.s32 @p5 $0xFFFE17B0;
	s3 =	simm.s32 @!p6 $0x1C02  }
0x51e: {  	s5 =	simm.s32 @!p6 $0x80;
	[bflag:$0x0] =	sbarrier.arrive $0xFFFF;
	p0 =	sne.s32 s12, $0x1000  }
0x51f: {  	[spmem:s26@s4], [sflag:s3] =	dma.strided @!p6 [hbm:s2@s5], $0x1E850, s0, $0x10   }
0x520: {  	[tilespmem:s20], [sflag:$0x3] =	stream.indirect.gather [spmem:s15], $0x1, s18, s8, $0xb8;
	[tilespmem:$0x1F650] =	vst v63  }
0x521: {  	s0 =	simm.s32 @!p0 $0x0;
	s3 =	simm.s32 $0x80;
	s8 =	simm.s32 $0x280  }
0x522: {  	[tilespmem:s19], [sflag:$0x3] =	stream.indirect.gather [spmem:s15], $0x1, s8, s3, $0xb8;
	[tilespmem:$0x1F650] =	vst v63  }
0x523: {  	s28 =	simm.s32 $0xB00;
	s0 =	simm.s32 @p0 $0x1  }
0x524: {  	[tilespmem:s28], [sflag:$0x3] =	stream.indirect.gather [spmem:s15], $0x1, s16, s3, $0xb8;
	[tilespmem:$0x1F650] =	vst v63  }
0x525: {  	s7 =	simm.s32 $0xB80;
	s14 =	simm.s32 $0x380;
	[smem:$0x7FC] =	sst s0  }
0x526: {  	[tilespmem:s7], [sflag:$0x3] =	stream.indirect.gather [spmem:s15], $0x1, s14, s3, $0xb8;
	[tilespmem:$0x1F650] =	vst v63  }
0x527: {  	s11 =	rddreg [dreg:$0xb];
	_ =	swait.ge [sflag:s23], $0x80  }
0x528: {  	[sflag:s23] =	ssyncset.done $0x0  }
0x529: {  	[sflag:s23] =	ssyncadd.s32 $0xFFFFFF80  }
0x52a: {  	_ =	swait.ge [sflag:s23], $0x80  }
0x52b: {  	[sflag:s23] =	ssyncset.done $0x0  }
0x52c: {  	[sflag:s23] =	ssyncadd.s32 $0xFFFFFF80  }
0x52d: {  	s18 =	sand.u32 $0x1C0000, s10;
	_ =	swait.ge [sflag:s23], $0x80  }
0x52e: {  	s26 =	smov.u32 s11;
	s16 =	rddreg [dreg:$0x9];
	[sflag:s23] =	ssyncset.done $0x0  }
0x52f: {  	s11 =	sand.u32 $0x300, s29;
	s2 =	sor.u32 s16, s18;
	[sflag:s23] =	ssyncadd.s32 $0xFFFFFF80  }
0x530: {  	s17 =	sor.u32 s11, s2;
	_ =	swait.ge [sflag:s23], $0x80  }
0x531: {  	s4 =	sshrl.u32 s17, $0x3;
	s17 =	rddreg [dreg:$0x2];
	[sflag:s23] =	ssyncset.done $0x0  }
0x532: {  	s4 =	sadd.s32 s17, s4;
	[sflag:s23] =	ssyncadd.s32 $0xFFFFFF80  }
0x533: {  	[hbm4b:s4+s3] =	stream.strided.scatter [tilespmem:s20], [sflag:$0x4], $0x200, s13, s3, $0x38;
	[tilespmem:$0x1F650] =	vst v63  }
0x534: {  	s14 =	simm.s32 $0xC00  }
0x535: {  	[tilespmem:s14], [sflag:$0x3] =	stream.indirect.gather [spmem:s15], $0x1, s13, s3, $0xb8;
	[tilespmem:$0x1F650] =	vst v63  }
0x536: {  	s30 =	simm.s32 $0xC80;
	s22 =	simm.s32 $0x480  }
0x537: {  	[tilespmem:s30], [sflag:$0x3] =	stream.indirect.gather [spmem:s15], $0x1, s22, s3, $0xb8;
	[tilespmem:$0x1F650] =	vst v63  }
0x538: {  	s24 =	simm.s32 $0xD00;
	s31 =	simm.s32 $0x500  }
0x539: {  	[tilespmem:s24], [sflag:$0x3] =	stream.indirect.gather [spmem:s15], $0x1, s31, s3, $0xb8;
	[tilespmem:$0x1F650] =	vst v63  }
0x53a: {  	s5 =	simm.s32 $0x580;
	s31 =	simm.s32 $0xD80  }
0x53b: {  	[tilespmem:s31], [sflag:$0x3] =	stream.indirect.gather [spmem:s15], $0x1, s5, s3, $0xb8;
	[tilespmem:$0x1F650] =	vst v63  }
0x53c: {  	_ =	swait.ge [sflag:s23], $0x80  }
0x53d: {  	[sflag:s23] =	ssyncset.done $0x0  }
0x53e: {  	[sflag:s23] =	ssyncadd.s32 $0xFFFFFF80  }
0x53f: {  	_ =	swait.ge [sflag:s23], $0x80  }
0x540: {  	[sflag:s23] =	ssyncset.done $0x0  }
0x541: {  	[sflag:s23] =	ssyncadd.s32 $0xFFFFFF80  }
0x542: {  	_ =	swait.ge [sflag:s23], $0x80  }
0x543: {  	[sflag:s23] =	ssyncset.done $0x0  }
0x544: {  	[sflag:s23] =	ssyncadd.s32 $0xFFFFFF80  }
0x545: {  	_ =	swait.ge [sflag:s23], $0x80  }
0x546: {  	s6 =	rddreg [dreg:$0x6]  }
0x547: {  	s22 =	rddreg [dreg:$0xa]  }
0x548: {  	s20 =	sadd.s32 s29, s22;
	s4 =	sor.u32 s6, s18  }
0x549: {  	s20 =	sand.u32 $0x380, s20;
	s0 =	sor.u32 s4, s11  }
0x54a: {  	[sflag:s23] =	ssyncset.done $0x0;
	s2 =	sor.u32 s20, s2;
	s0 =	sshrl.u32 s0, $0x3  }
0x54b: {  	[sflag:s23] =	ssyncadd.s32 $0xFFFFFF80;
	s6 =	sshrl.u32 s2, $0x3;
	s2 =	sadd.s32 s17, s0  }
0x54c: {  	[hbm4b:s2+s3] =	stream.strided.scatter [tilespmem:s14], [sflag:$0x4], $0x200, s13, s3, $0x38;
	[tilespmem:$0x1F650] =	vst v63  }
0x54d: {  	_ =	swait.ge [sflag:s21], $0x200  }
0x54e: {  	[sflag:s21] =	ssyncset.done $0x0  }
0x54f: {  	s16 =	simm.s32 $0xA00;
	s13 =	simm.s32 $0x600;
	[sflag:s21] =	ssyncadd.s32 $0xFFFFFE00  }
0x550: {  	[tilespmem:s16], [sflag:$0x3] =	stream.indirect.gather [spmem:s15], $0x1, s13, s3, $0xb8;
	[tilespmem:$0x1F650] =	vst v63  }
0x551: {  	s2 =	simm.s32 $0x680  }
0x552: {  	[tilespmem:s19], [sflag:$0x3] =	stream.indirect.gather [spmem:s15], $0x1, s2, s3, $0xb8;
	[tilespmem:$0x1F650] =	vst v63  }
0x553: {  	s5 =	sor.u32 s4, s20;
	s4 =	simm.s32 $0x700  }
0x554: {  	[tilespmem:s28], [sflag:$0x3] =	stream.indirect.gather [spmem:s15], $0x1, s4, s3, $0xb8;
	[tilespmem:$0x1F650] =	vst v63  }
0x555: {  	s13 =	simm.s32 $0x780  }
0x556: {  	[tilespmem:s7], [sflag:$0x3] =	stream.indirect.gather [spmem:s15], $0x1, s13, s3, $0xb8;
	[tilespmem:$0x1F650] =	vst v63  }
0x557: {  	_ =	swait.ge [sflag:s23], $0x80  }
0x558: {  	[sflag:s23] =	ssyncset.done $0x0  }
0x559: {  	[sflag:s23] =	ssyncadd.s32 $0xFFFFFF80  }
0x55a: {  	_ =	swait.ge [sflag:s23], $0x80  }
0x55b: {  	[sflag:s23] =	ssyncset.done $0x0  }
0x55c: {  	[sflag:s23] =	ssyncadd.s32 $0xFFFFFF80  }
0x55d: {  	_ =	swait.ge [sflag:s23], $0x80  }
0x55e: {  	[sflag:s23] =	ssyncset.done $0x0  }
0x55f: {  	[sflag:s23] =	ssyncadd.s32 $0xFFFFFF80  }
0x560: {  	_ =	swait.ge [sflag:s23], $0x80  }
0x561: {  	s0 =	rddreg [dreg:$0x7]  }
0x562: {  	s2 =	sor.u32 s0, s18  }
0x563: {  	[sflag:s23] =	ssyncset.done $0x0;
	s4 =	sor.u32 s2, s11  }
0x564: {  	[sflag:s23] =	ssyncadd.s32 $0xFFFFFF80;
	s4 =	sshrl.u32 s4, $0x3  }
0x565: {  	s0 =	simm.s32 $0x400;
	s13 =	sor.u32 s2, s20;
	s2 =	sadd.s32 s17, s4  }
0x566: {  	[hbm4b:s2+s3] =	stream.strided.scatter [tilespmem:s16], [sflag:$0x4], $0x200, s0, s3, $0x38;
	[tilespmem:$0x1F650] =	vst v63  }
0x567: {  	_ =	swait.ge [sflag:s21], $0x200  }
0x568: {  	[sflag:s21] =	ssyncset.done $0x0  }
0x569: {  	s16 =	simm.s32 $0x800;
	[sflag:s21] =	ssyncadd.s32 $0xFFFFFE00  }
0x56a: {  	[tilespmem:s14], [sflag:$0x3] =	stream.indirect.gather [spmem:s15], $0x1, s16, s3, $0xb8;
	[tilespmem:$0x1F650] =	vst v63  }
0x56b: {  	s4 =	simm.s32 $0x880  }
0x56c: {  	[tilespmem:s30], [sflag:$0x3] =	stream.indirect.gather [spmem:s15], $0x1, s4, s3, $0xb8;
	[tilespmem:$0x1F650] =	vst v63  }
0x56d: {  	s24 =	simm.s32 $0xD00;
	s16 =	simm.s32 $0x900  }
0x56e: {  	[tilespmem:s24], [sflag:$0x3] =	stream.indirect.gather [spmem:s15], $0x1, s16, s3, $0xb8;
	[tilespmem:$0x1F650] =	vst v63  }
0x56f: {  	s4 =	simm.s32 $0x980  }
0x570: {  	[tilespmem:s31], [sflag:$0x3] =	stream.indirect.gather [spmem:s15], $0x1, s4, s3, $0xb8;
	[tilespmem:$0x1F650] =	vst v63  }
0x571: {  	_ =	swait.ge [sflag:s23], $0x80  }
0x572: {  	[sflag:s23] =	ssyncset.done $0x0  }
0x573: {  	[sflag:s23] =	ssyncadd.s32 $0xFFFFFF80  }
0x574: {  	_ =	swait.ge [sflag:s23], $0x80  }
0x575: {  	[sflag:s23] =	ssyncset.done $0x0  }
0x576: {  	[sflag:s23] =	ssyncadd.s32 $0xFFFFFF80  }
0x577: {  	_ =	swait.ge [sflag:s23], $0x80  }
0x578: {  	[sflag:s23] =	ssyncset.done $0x0  }
0x579: {  	[sflag:s23] =	ssyncadd.s32 $0xFFFFFF80  }
0x57a: {  	_ =	swait.ge [sflag:s23], $0x80  }
0x57b: {  	s16 =	rddreg [dreg:$0x8]  }
0x57c: {  	s18 =	sor.u32 s16, s18  }
0x57d: {  	s2 =	sor.u32 s18, s11  }
0x57e: {  	[sflag:s23] =	ssyncset.done $0x0;
	s2 =	sshrl.u32 s2, $0x3  }
0x57f: {  	p5 =	seq.s32 @p1 s29, $0xF00;
	[sflag:s23] =	ssyncadd.s32 $0xFFFFFF80;
	s2 =	sadd.s32 s17, s2  }
0x580: {  	[hbm4b:s2+s3] =	stream.strided.scatter [tilespmem:s14], [sflag:$0x4], $0x200, s0, s3, $0x38;
	[tilespmem:$0x1F650] =	vst v63  }
0x581: {  	p4 =	por p6, p6;
	p6 =	por p5, !p1;
	_ =	swait.ge [sflag:s21], $0x200  }
0x582: {  	p3 =	slt.s32 @!p6 s9, $0x3D;
	[sflag:s21] =	ssyncset.done $0x0  }
0x583: {  	p3 =	por @p1 !p3, p5;
	[sflag:s21] =	ssyncadd.s32 $0xFFFFFE00  }
0x584: {  	p3 =	por !p3, !p1;
	s2 =	smov.u32 s9;
	_ =	swait.ge [sflag:s21], $0x200  }
0x585: {  	s29 =	smov.u32 s1;
	s2 =	simm.s32 @!p3 $0x3D;
	[sflag:s21] =	ssyncset.done $0x0  }
0x586: {  	s24 =	simm.s32 @p1 $0x2;
	s2 =	sadd.s32 @!p6 $0x2, s2;
	[sflag:s21] =	ssyncadd.s32 $0xFFFFFE00  }
0x587: {  	s16 =	simm.s32 @!p6 $0x1C01;
	s4 =	sshrl.u32 @!p6 s2, $0x3;
	_ =	swait.ge @p1 [sflag:s24], $0x1E850  }
0x588: {  	s2 =	sshll.u32 @!p6 s2, $0x7;
	s4 =	smul.u32 @!p6 $0x7A1400, s4;
	[sflag:s24] =	ssyncset.done @p1 $0x0  }
0x589: {  	s1 =	sor.u32 s18, s20;
	s2 =	sand.u32 @!p6 $0x380, s2;
	[sflag:s24] =	ssyncadd.s32 @p1 $0xFFFE17B0  }
0x58a: {  	s11 =	simm.s32 @!p6 $0x80;
	s2 =	sor.u32 @!p6 s2, s4;
	[bflag:$0x0] =	sbarrier.arrive @p1 $0xFFFF  }
0x58b: {  	s18 =	simm.s32 @!p6 $0x1;
	s2 =	sshrl.u32 @!p6 s2, $0x3;
	s24 =	rddreg [dreg:$0x1]  }
0x58c: {  	s20 =	simm.s32 @!p6 $0x10;
	s4 =	sshrl.u32 @!p6 s15, $0x3;
	s2 =	sadd.s32 @!p6 s24, s2  }
0x58d: {  	[spmem:s4@s20], [sflag:s16] =	dma.strided @!p6 [hbm:s2@s11], $0x1E850, s18, $0x10   }
0x58e: {  	s20 =	simm.s32 $0xA00;
	s18 =	simm.s32 $0x200;
	[bflag:$0x0] =	sbarrier.arrive @!p1 $0xFFFF  }
0x58f: {  	[tilespmem:s20], [sflag:$0x3] =	stream.indirect.gather [spmem:s25], $0x1, s18, s3, $0xb8;
	[tilespmem:$0x1F650] =	vst v63  }
0x590: {  	_ = 	snop  }
0x591: {  	[tilespmem:s19], [sflag:$0x3] =	stream.indirect.gather [spmem:s25], $0x1, s8, s3, $0xb8;
	[tilespmem:$0x1F650] =	vst v63  }
0x592: {  	s16 =	simm.s32 $0x300;
	s8 =	simm.s32 $0x80  }
0x593: {  	[tilespmem:s28], [sflag:$0x3] =	stream.indirect.gather [spmem:s25], $0x1, s16, s8, $0xb8;
	[tilespmem:$0x1F650] =	vst v63  }
0x594: {  	s24 =	simm.s32 $0x380  }
0x595: {  	[tilespmem:s7], [sflag:$0x3] =	stream.indirect.gather [spmem:s25], $0x1, s24, s8, $0xb8;
	[tilespmem:$0x1F650] =	vst v63  }
0x596: {  	_ =	swait.ge [sflag:s23], $0x80  }
0x597: {  	[sflag:s23] =	ssyncset.done $0x0  }
0x598: {  	[sflag:s23] =	ssyncadd.s32 $0xFFFFFF80  }
0x599: {  	_ =	swait.ge [sflag:s23], $0x80  }
0x59a: {  	[sflag:s23] =	ssyncset.done $0x0  }
0x59b: {  	[sflag:s23] =	ssyncadd.s32 $0xFFFFFF80  }
0x59c: {  	_ =	swait.ge [sflag:s23], $0x80  }
0x59d: {  	[sflag:s23] =	ssyncset.done $0x0  }
0x59e: {  	[sflag:s23] =	ssyncadd.s32 $0xFFFFFF80  }
0x59f: {  	_ =	swait.ge [sflag:s23], $0x80  }
0x5a0: {  	[sflag:s23] =	ssyncset.done $0x0  }
0x5a1: {  	s3 =	sadd.s32 s17, s6;
	[sflag:s23] =	ssyncadd.s32 $0xFFFFFF80  }
0x5a2: {  	[hbm4b:s3+s8] =	stream.strided.scatter [tilespmem:s20], [sflag:$0x4], $0x200, s0, s8, $0x38;
	[tilespmem:$0x1F650] =	vst v63  }
0x5a3: {  	_ = 	snop  }
0x5a4: {  	[tilespmem:s14], [sflag:$0x3] =	stream.indirect.gather [spmem:s25], $0x1, s0, s8, $0xb8;
	[tilespmem:$0x1F650] =	vst v63  }
0x5a5: {  	s4 =	simm.s32 $0x480  }
0x5a6: {  	[tilespmem:s30], [sflag:$0x3] =	stream.indirect.gather [spmem:s25], $0x1, s4, s8, $0xb8;
	[tilespmem:$0x1F650] =	vst v63  }
0x5a7: {  	s6 =	simm.s32 $0x500;
	s3 =	simm.s32 $0xD00  }
0x5a8: {  	[tilespmem:s3], [sflag:$0x3] =	stream.indirect.gather [spmem:s25], $0x1, s6, s8, $0xb8;
	[tilespmem:$0x1F650] =	vst v63  }
0x5a9: {  	s11 =	simm.s32 $0x580  }
0x5aa: {  	[tilespmem:s31], [sflag:$0x3] =	stream.indirect.gather [spmem:s25], $0x1, s11, s8, $0xb8;
	[tilespmem:$0x1F650] =	vst v63  }
0x5ab: {  	_ =	swait.ge [sflag:s23], $0x80  }
0x5ac: {  	[sflag:s23] =	ssyncset.done $0x0  }
0x5ad: {  	[sflag:s23] =	ssyncadd.s32 $0xFFFFFF80  }
0x5ae: {  	_ =	swait.ge [sflag:s23], $0x80  }
0x5af: {  	[sflag:s23] =	ssyncset.done $0x0  }
0x5b0: {  	[sflag:s23] =	ssyncadd.s32 $0xFFFFFF80  }
0x5b1: {  	_ =	swait.ge [sflag:s23], $0x80  }
0x5b2: {  	[sflag:s23] =	ssyncset.done $0x0  }
0x5b3: {  	[sflag:s23] =	ssyncadd.s32 $0xFFFFFF80  }
0x5b4: {  	_ =	swait.ge [sflag:s23], $0x80  }
0x5b5: {  	s24 =	sshrl.u32 s5, $0x3;
	[sflag:s23] =	ssyncset.done $0x0  }
0x5b6: {  	s2 =	sadd.s32 s17, s24;
	[sflag:s23] =	ssyncadd.s32 $0xFFFFFF80  }
0x5b7: {  	[hbm4b:s2+s8] =	stream.strided.scatter [tilespmem:s14], [sflag:$0x4], $0x200, s0, s8, $0x38;
	[tilespmem:$0x1F650] =	vst v63  }
0x5b8: {  	_ =	swait.ge [sflag:s21], $0x200  }
0x5b9: {  	[sflag:s21] =	ssyncset.done $0x0  }
0x5ba: {  	s2 =	simm.s32 $0x600;
	[sflag:s21] =	ssyncadd.s32 $0xFFFFFE00  }
0x5bb: {  	[tilespmem:s20], [sflag:$0x3] =	stream.indirect.gather [spmem:s25], $0x1, s2, s8, $0xb8;
	[tilespmem:$0x1F650] =	vst v63  }
0x5bc: {  	s4 =	simm.s32 $0x680  }
0x5bd: {  	[tilespmem:s19], [sflag:$0x3] =	stream.indirect.gather [spmem:s25], $0x1, s4, s8, $0xb8;
	[tilespmem:$0x1F650] =	vst v63  }
0x5be: {  	s5 =	simm.s32 $0x700  }
0x5bf: {  	[tilespmem:s28], [sflag:$0x3] =	stream.indirect.gather [spmem:s25], $0x1, s5, s8, $0xb8;
	[tilespmem:$0x1F650] =	vst v63  }
0x5c0: {  	s6 =	simm.s32 $0x780  }
0x5c1: {  	[tilespmem:s7], [sflag:$0x3] =	stream.indirect.gather [spmem:s25], $0x1, s6, s8, $0xb8;
	[tilespmem:$0x1F650] =	vst v63  }
0x5c2: {  	_ =	swait.ge [sflag:s23], $0x80  }
0x5c3: {  	[sflag:s23] =	ssyncset.done $0x0  }
0x5c4: {  	[sflag:s23] =	ssyncadd.s32 $0xFFFFFF80  }
0x5c5: {  	_ =	swait.ge [sflag:s23], $0x80  }
0x5c6: {  	[sflag:s23] =	ssyncset.done $0x0  }
0x5c7: {  	[sflag:s23] =	ssyncadd.s32 $0xFFFFFF80  }
0x5c8: {  	_ =	swait.ge [sflag:s23], $0x80  }
0x5c9: {  	[sflag:s23] =	ssyncset.done $0x0  }
0x5ca: {  	[sflag:s23] =	ssyncadd.s32 $0xFFFFFF80  }
0x5cb: {  	_ =	swait.ge [sflag:s23], $0x80  }
0x5cc: {  	s7 =	sshrl.u32 s13, $0x3;
	[sflag:s23] =	ssyncset.done $0x0  }
0x5cd: {  	s13 =	simm.s32 $0x400;
	s2 =	sadd.s32 s17, s7;
	[sflag:s23] =	ssyncadd.s32 $0xFFFFFF80  }
0x5ce: {  	[hbm4b:s2+s8] =	stream.strided.scatter [tilespmem:s20], [sflag:$0x4], $0x200, s13, s8, $0x38;
	[tilespmem:$0x1F650] =	vst v63  }
0x5cf: {  	_ =	swait.ge [sflag:s21], $0x200  }
0x5d0: {  	[sflag:s21] =	ssyncset.done $0x0  }
0x5d1: {  	s11 =	simm.s32 $0x800;
	[sflag:s21] =	ssyncadd.s32 $0xFFFFFE00  }
0x5d2: {  	[tilespmem:s14], [sflag:$0x3] =	stream.indirect.gather [spmem:s25], $0x1, s11, s8, $0xb8;
	[tilespmem:$0x1F650] =	vst v63  }
0x5d3: {  	s19 =	simm.s32 $0x880  }
0x5d4: {  	[tilespmem:s30], [sflag:$0x3] =	stream.indirect.gather [spmem:s25], $0x1, s19, s8, $0xb8;
	[tilespmem:$0x1F650] =	vst v63  }
0x5d5: {  	s24 =	simm.s32 $0x900  }
0x5d6: {  	[tilespmem:s3], [sflag:$0x3] =	stream.indirect.gather [spmem:s25], $0x1, s24, s8, $0xb8;
	[tilespmem:$0x1F650] =	vst v63  }
0x5d7: {  	s28 =	simm.s32 $0x980  }
0x5d8: {  	[tilespmem:s31], [sflag:$0x3] =	stream.indirect.gather [spmem:s25], $0x1, s28, s8, $0xb8;
	[tilespmem:$0x1F650] =	vst v63  }
0x5d9: {  	_ =	swait.ge [sflag:s23], $0x80  }
0x5da: {  	[sflag:s23] =	ssyncset.done $0x0  }
0x5db: {  	[sflag:s23] =	ssyncadd.s32 $0xFFFFFF80  }
0x5dc: {  	_ =	swait.ge [sflag:s23], $0x80  }
0x5dd: {  	[sflag:s23] =	ssyncset.done $0x0  }
0x5de: {  	[sflag:s23] =	ssyncadd.s32 $0xFFFFFF80  }
0x5df: {  	_ =	swait.ge [sflag:s23], $0x80  }
0x5e0: {  	[sflag:s23] =	ssyncset.done $0x0  }
0x5e1: {  	[sflag:s23] =	ssyncadd.s32 $0xFFFFFF80  }
0x5e2: {  	_ =	swait.ge [sflag:s23], $0x80  }
0x5e3: {  	s1 =	sshrl.u32 s1, $0x3;
	[sflag:s23] =	ssyncset.done $0x0  }
0x5e4: {  	s1 =	sadd.s32 s17, s1;
	[sflag:s23] =	ssyncadd.s32 $0xFFFFFF80  }
0x5e5: {  	[hbm4b:s1+s8] =	stream.strided.scatter [tilespmem:s14], [sflag:$0x4], $0x200, s13, s8, $0x38;
	[tilespmem:$0x1F650] =	vst v63  }
0x5e6: {  	_ =	swait.ge [sflag:s21], $0x200  }
0x5e7: {  	s30 =	sld [smem:$0x7FD]  }
0x5e8: {  	p2 =	por !p5, !p1;
	[sflag:s21] =	ssyncset.done $0x0  }
0x5e9: {  	p0 =	por @p1 $0x0, $0x0;
	p5 =	por @!p6 $0x1, $0x1;
	[sflag:s21] =	ssyncadd.s32 $0xFFFFFE00  }
0x5ea: {  	p5 =	por @!p2 p0, p0;
	_ =	swait.ge [sflag:s21], $0x200;
	p0 =	seq.s32 s30, $0x1  }
0x5eb: {  	[sflag:s21] =	ssyncset.done $0x0;
	p5 =	por @!p1 p0, p0  }
0x5ec: {  	[sflag:s21] =	ssyncadd.s32 $0xFFFFFE00;
	s5 =	simm.s32 @p5 $0x1  }
0x5ed: {  	_ =	swait.ge @p5 [sflag:s5], $0x1E850  }
0x5ee: {  	s31 =	sld [smem:$0x7FC];
	_ =	sdelay $0x2  }
0x5ef: {  	s9 =	sadd.s32 $0x2, s9;
	p0 =	seq.s32 s31, $0x1  }
.Ltmp1:
0x5f0: {  	s1 =	sshrl.u32 @!p4 s9, $0x3;
	(pc) =	sbr.rel @p0 .LBB2_4-.Ltmp1, $4  }
0x5f1: {  	s2 =	sadd.s32 @!p4 s29, s22;
	s1 =	smul.u32 @!p4 $0x7A1400, s1  }
0x5f2: {  	s2 =	sand.u32 @!p4 $0x380, s2  }
0x5f3: {  	s1 =	sor.u32 @!p4 s1, s2  }
0x5f4: {  	s10 =	sadd.s32 $0x10000, s10;
	p6 =	por p4, p4;
	s1 =	sshrl.u32 @!p4 s1, $0x3  }
0x5f5: {  	[sflag:s5] =	ssyncset.done @p5 $0x0  }
0x5f6: {  	s2 =	simm.s32 @!p6 $0x10;
	s3 =	rddreg [dreg:$0x1]  }
0x5f7: {  	s4 =	simm.s32 @!p6 $0x80;
	[sflag:s5] =	ssyncadd.s32 @p5 $0xFFFE17B0;
	s0 =	sadd.s32 @!p6 s3, s1  }
0x5f8: {  	s1 =	simm.s32 @!p6 $0x1C02;
	[bflag:$0x0] =	sbarrier.arrive $0xFFFF;
	s3 =	simm.s32 @!p6 $0x1  }
0x5f9: {  	[spmem:s26@s2], [sflag:s1] =	dma.strided @!p6 [hbm:s0@s4], $0x1E850, s3, $0x10   }
0x5fa: {  	[tilespmem:s20], [sflag:$0x3] =	stream.indirect.gather [spmem:s15], $0x1, s18, s8, $0xb8;
	[tilespmem:$0x1F650] =	vst v63  }
0x5fb: {  	s17 =	simm.s32 $0xA80;
	s24 =	simm.s32 $0x80;
	s11 =	simm.s32 $0x280  }
0x5fc: {  	[tilespmem:s17], [sflag:$0x3] =	stream.indirect.gather [spmem:s15], $0x1, s11, s24, $0xb8;
	[tilespmem:$0x1F650] =	vst v63  }
0x5fd: {  	s19 =	simm.s32 $0xB00  }
0x5fe: {  	[tilespmem:s19], [sflag:$0x3] =	stream.indirect.gather [spmem:s15], $0x1, s16, s24, $0xb8;
	[tilespmem:$0x1F650] =	vst v63  }
0x5ff: {  	s7 =	simm.s32 $0xB80;
	s12 =	simm.s32 $0x380  }
0x600: {  	[tilespmem:s7], [sflag:$0x3] =	stream.indirect.gather [spmem:s15], $0x1, s12, s24, $0xb8;
	[tilespmem:$0x1F650] =	vst v63  }
0x601: {  	_ =	swait.ge [sflag:s23], $0x80  }
0x602: {  	[sflag:s23] =	ssyncset.done $0x0  }
0x603: {  	[sflag:s23] =	ssyncadd.s32 $0xFFFFFF80  }
0x604: {  	_ =	swait.ge [sflag:s23], $0x80  }
0x605: {  	[sflag:s23] =	ssyncset.done $0x0  }
0x606: {  	[sflag:s23] =	ssyncadd.s32 $0xFFFFFF80  }
0x607: {  	_ =	swait.ge [sflag:s23], $0x80  }
0x608: {  	[sflag:s23] =	ssyncset.done $0x0  }
0x609: {  	s2 =	sand.u32 $0x1C0000, s10;
	s14 =	rddreg [dreg:$0x9];
	[sflag:s23] =	ssyncadd.s32 $0xFFFFFF80  }
0x60a: {  	s10 =	sand.u32 $0x300, s29;
	s1 =	sor.u32 s14, s2;
	_ =	swait.ge [sflag:s23], $0x80  }
0x60b: {  	s0 =	sor.u32 s10, s1;
	[sflag:s23] =	ssyncset.done $0x0  }
0x60c: {  	s0 =	sshrl.u32 s0, $0x3;
	s30 =	rddreg [dreg:$0x2]  }
0x60d: {  	[sflag:s23] =	ssyncadd.s32 $0xFFFFFF80;
	s0 =	sadd.s32 s30, s0  }
0x60e: {  	[hbm4b:s0+s24] =	stream.strided.scatter [tilespmem:s20], [sflag:$0x4], $0x200, s13, s24, $0x38;
	[tilespmem:$0x1F650] =	vst v63  }
0x60f: {  	s14 =	simm.s32 $0xC00  }
0x610: {  	[tilespmem:s14], [sflag:$0x3] =	stream.indirect.gather [spmem:s15], $0x1, s13, s24, $0xb8;
	[tilespmem:$0x1F650] =	vst v63  }
0x611: {  	s22 =	simm.s32 $0x480;
	s26 =	simm.s32 $0xC80  }
0x612: {  	[tilespmem:s26], [sflag:$0x3] =	stream.indirect.gather [spmem:s15], $0x1, s22, s24, $0xb8;
	[tilespmem:$0x1F650] =	vst v63  }
0x613: {  	s28 =	simm.s32 $0x500;
	s22 =	simm.s32 $0xD00  }
0x614: {  	[tilespmem:s22], [sflag:$0x3] =	stream.indirect.gather [spmem:s15], $0x1, s28, s24, $0xb8;
	[tilespmem:$0x1F650] =	vst v63  }
0x615: {  	s31 =	simm.s32 $0x580;
	s28 =	simm.s32 $0xD80  }
0x616: {  	[tilespmem:s28], [sflag:$0x3] =	stream.indirect.gather [spmem:s15], $0x1, s31, s24, $0xb8;
	[tilespmem:$0x1F650] =	vst v63  }
0x617: {  	_ =	swait.ge [sflag:s23], $0x80  }
0x618: {  	[sflag:s23] =	ssyncset.done $0x0  }
0x619: {  	[sflag:s23] =	ssyncadd.s32 $0xFFFFFF80  }
0x61a: {  	_ =	swait.ge [sflag:s23], $0x80  }
0x61b: {  	[sflag:s23] =	ssyncset.done $0x0  }
0x61c: {  	[sflag:s23] =	ssyncadd.s32 $0xFFFFFF80  }
0x61d: {  	_ =	swait.ge [sflag:s23], $0x80  }
0x61e: {  	[sflag:s23] =	ssyncset.done $0x0  }
0x61f: {  	[sflag:s23] =	ssyncadd.s32 $0xFFFFFF80  }
0x620: {  	_ =	swait.ge [sflag:s23], $0x80  }
0x621: {  	s3 =	rddreg [dreg:$0x6]  }
0x622: {  	s5 =	sor.u32 s3, s2  }
0x623: {  	s0 =	sor.u32 s5, s10  }
0x624: {  	[sflag:s23] =	ssyncset.done $0x0;
	s0 =	sshrl.u32 s0, $0x3  }
0x625: {  	[sflag:s23] =	ssyncadd.s32 $0xFFFFFF80;
	s0 =	sadd.s32 s30, s0  }
0x626: {  	[hbm4b:s0+s24] =	stream.strided.scatter [tilespmem:s14], [sflag:$0x4], $0x200, s13, s24, $0x38;
	[tilespmem:$0x1F650] =	vst v63  }
0x627: {  	_ =	swait.ge [sflag:s21], $0x200  }
0x628: {  	[sflag:s21] =	ssyncset.done $0x0  }
0x629: {  	s4 =	simm.s32 $0x600;
	[sflag:s21] =	ssyncadd.s32 $0xFFFFFE00  }
0x62a: {  	[tilespmem:s20], [sflag:$0x3] =	stream.indirect.gather [spmem:s15], $0x1, s4, s24, $0xb8;
	[tilespmem:$0x1F650] =	vst v63  }
0x62b: {  	s6 =	simm.s32 $0x680  }
0x62c: {  	[tilespmem:s17], [sflag:$0x3] =	stream.indirect.gather [spmem:s15], $0x1, s6, s24, $0xb8;
	[tilespmem:$0x1F650] =	vst v63  }
0x62d: {  	s8 =	simm.s32 $0x700  }
0x62e: {  	[tilespmem:s19], [sflag:$0x3] =	stream.indirect.gather [spmem:s15], $0x1, s8, s24, $0xb8;
	[tilespmem:$0x1F650] =	vst v63  }
0x62f: {  	s11 =	simm.s32 $0x780  }
0x630: {  	[tilespmem:s7], [sflag:$0x3] =	stream.indirect.gather [spmem:s15], $0x1, s11, s24, $0xb8;
	[tilespmem:$0x1F650] =	vst v63  }
0x631: {  	_ =	swait.ge [sflag:s23], $0x80  }
0x632: {  	[sflag:s23] =	ssyncset.done $0x0  }
0x633: {  	[sflag:s23] =	ssyncadd.s32 $0xFFFFFF80  }
0x634: {  	_ =	swait.ge [sflag:s23], $0x80  }
0x635: {  	[sflag:s23] =	ssyncset.done $0x0  }
0x636: {  	[sflag:s23] =	ssyncadd.s32 $0xFFFFFF80  }
0x637: {  	_ =	swait.ge [sflag:s23], $0x80  }
0x638: {  	[sflag:s23] =	ssyncset.done $0x0  }
0x639: {  	[sflag:s23] =	ssyncadd.s32 $0xFFFFFF80  }
0x63a: {  	_ =	swait.ge [sflag:s23], $0x80  }
0x63b: {  	s12 =	rddreg [dreg:$0x7]  }
0x63c: {  	s6 =	sor.u32 s12, s2  }
0x63d: {  	s0 =	sor.u32 s6, s10  }
0x63e: {  	[sflag:s23] =	ssyncset.done $0x0;
	s0 =	sshrl.u32 s0, $0x3  }
0x63f: {  	[sflag:s23] =	ssyncadd.s32 $0xFFFFFF80;
	s0 =	sadd.s32 s30, s0  }
0x640: {  	[hbm4b:s0+s24] =	stream.strided.scatter [tilespmem:s20], [sflag:$0x4], $0x200, s13, s24, $0x38;
	[tilespmem:$0x1F650] =	vst v63  }
0x641: {  	_ =	swait.ge [sflag:s21], $0x200  }
0x642: {  	[sflag:s21] =	ssyncset.done $0x0  }
0x643: {  	s31 =	simm.s32 $0x800;
	[sflag:s21] =	ssyncadd.s32 $0xFFFFFE00  }
0x644: {  	[tilespmem:s14], [sflag:$0x3] =	stream.indirect.gather [spmem:s15], $0x1, s31, s24, $0xb8;
	[tilespmem:$0x1F650] =	vst v63  }
0x645: {  	s8 =	simm.s32 $0x880  }
0x646: {  	[tilespmem:s26], [sflag:$0x3] =	stream.indirect.gather [spmem:s15], $0x1, s8, s24, $0xb8;
	[tilespmem:$0x1F650] =	vst v63  }
0x647: {  	s31 =	simm.s32 $0x900  }
0x648: {  	[tilespmem:s22], [sflag:$0x3] =	stream.indirect.gather [spmem:s15], $0x1, s31, s24, $0xb8;
	[tilespmem:$0x1F650] =	vst v63  }
0x649: {  	s3 =	simm.s32 $0x980  }
0x64a: {  	[tilespmem:s28], [sflag:$0x3] =	stream.indirect.gather [spmem:s15], $0x1, s3, s24, $0xb8;
	[tilespmem:$0x1F650] =	vst v63  }
0x64b: {  	_ =	swait.ge [sflag:s23], $0x80  }
0x64c: {  	[sflag:s23] =	ssyncset.done $0x0  }
0x64d: {  	[sflag:s23] =	ssyncadd.s32 $0xFFFFFF80  }
0x64e: {  	_ =	swait.ge [sflag:s23], $0x80  }
0x64f: {  	[sflag:s23] =	ssyncset.done $0x0  }
0x650: {  	[sflag:s23] =	ssyncadd.s32 $0xFFFFFF80  }
0x651: {  	_ =	swait.ge [sflag:s23], $0x80  }
0x652: {  	[sflag:s23] =	ssyncset.done $0x0  }
0x653: {  	[sflag:s23] =	ssyncadd.s32 $0xFFFFFF80  }
0x654: {  	_ =	swait.ge [sflag:s23], $0x80  }
0x655: {  	s4 =	rddreg [dreg:$0x8]  }
0x656: {  	s12 =	sor.u32 s4, s2  }
0x657: {  	s0 =	sor.u32 s12, s10  }
0x658: {  	[sflag:s23] =	ssyncset.done $0x0;
	s0 =	sshrl.u32 s0, $0x3  }
0x659: {  	p2 =	seq.s32 @p1 s29, $0xF00;
	[sflag:s23] =	ssyncadd.s32 $0xFFFFFF80;
	s0 =	sadd.s32 s30, s0  }
0x65a: {  	[hbm4b:s0+s24] =	stream.strided.scatter [tilespmem:s14], [sflag:$0x4], $0x200, s13, s24, $0x38;
	[tilespmem:$0x1F650] =	vst v63  }
0x65b: {  	p3 =	por p2, !p1;
	_ =	swait.ge [sflag:s21], $0x200  }
0x65c: {  	p4 =	slt.s32 @!p3 s9, $0x3D;
	[sflag:s21] =	ssyncset.done $0x0  }
0x65d: {  	p4 =	por @p1 !p4, p2;
	[sflag:s21] =	ssyncadd.s32 $0xFFFFFE00  }
0x65e: {  	p4 =	por !p4, !p1;
	_ =	swait.ge [sflag:s21], $0x200  }
0x65f: {  	s9 =	simm.s32 @!p4 $0x3D;
	[sflag:s21] =	ssyncset.done $0x0  }
0x660: {  	s2 =	sadd.s32 @!p3 $0x2, s9;
	s0 =	simm.s32 @p1 $0x2;
	[sflag:s21] =	ssyncadd.s32 $0xFFFFFE00  }
0x661: {  	s4 =	sshrl.u32 @!p3 s2, $0x3;
	_ =	swait.ge @p1 [sflag:s0], $0x1E850  }
0x662: {  	s2 =	sshll.u32 @!p3 s2, $0x7;
	s4 =	smul.u32 @!p3 $0x7A1400, s4;
	[sflag:s0] =	ssyncset.done @p1 $0x0  }
0x663: {  	s11 =	simm.s32 @!p3 $0x1;
	s2 =	sand.u32 @!p3 $0x380, s2;
	[sflag:s0] =	ssyncadd.s32 @p1 $0xFFFE17B0  }
0x664: {  	s9 =	simm.s32 @!p3 $0x80;
	s2 =	sor.u32 @!p3 s2, s4;
	[bflag:$0x0] =	sbarrier.arrive @p1 $0xFFFF  }
0x665: {  	s10 =	simm.s32 @!p3 $0x1C01;
	s0 =	sshrl.u32 @!p3 s2, $0x3;
	s3 =	rddreg [dreg:$0x1]  }
0x666: {  	s4 =	simm.s32 @!p3 $0x10;
	s2 =	sshrl.u32 @!p3 s15, $0x3;
	s0 =	sadd.s32 @!p3 s3, s0  }
0x667: {  	[spmem:s2@s4], [sflag:s10] =	dma.strided @!p3 [hbm:s0@s9], $0x1E850, s11, $0x10   }
0x668: {  	[bflag:$0x0] =	sbarrier.arrive @!p1 $0xFFFF  }
0x669: {  	[tilespmem:s20], [sflag:$0x3] =	stream.indirect.gather [spmem:s25], $0x1, s18, s24, $0xb8;
	[tilespmem:$0x1F650] =	vst v63  }
0x66a: {  	s10 =	simm.s32 $0x280  }
0x66b: {  	[tilespmem:s17], [sflag:$0x3] =	stream.indirect.gather [spmem:s25], $0x1, s10, s24, $0xb8;
	[tilespmem:$0x1F650] =	vst v63  }
0x66c: {  	s11 =	simm.s32 $0x80  }
0x66d: {  	[tilespmem:s19], [sflag:$0x3] =	stream.indirect.gather [spmem:s25], $0x1, s16, s11, $0xb8;
	[tilespmem:$0x1F650] =	vst v63  }
0x66e: {  	s18 =	simm.s32 $0x380  }
0x66f: {  	[tilespmem:s7], [sflag:$0x3] =	stream.indirect.gather [spmem:s25], $0x1, s18, s11, $0xb8;
	[tilespmem:$0x1F650] =	vst v63  }
0x670: {  	_ =	swait.ge [sflag:s23], $0x80  }
0x671: {  	[sflag:s23] =	ssyncset.done $0x0  }
0x672: {  	[sflag:s23] =	ssyncadd.s32 $0xFFFFFF80  }
0x673: {  	_ =	swait.ge [sflag:s23], $0x80  }
0x674: {  	[sflag:s23] =	ssyncset.done $0x0  }
0x675: {  	[sflag:s23] =	ssyncadd.s32 $0xFFFFFF80  }
0x676: {  	_ =	swait.ge [sflag:s23], $0x80  }
0x677: {  	s24 =	rddreg [dreg:$0xa]  }
0x678: {  	[sflag:s23] =	ssyncset.done $0x0;
	s0 =	sadd.s32 s29, s24  }
0x679: {  	[sflag:s23] =	ssyncadd.s32 $0xFFFFFF80;
	s9 =	sand.u32 $0x380, s0  }
0x67a: {  	_ =	swait.ge [sflag:s23], $0x80;
	s0 =	sor.u32 s9, s1  }
0x67b: {  	[sflag:s23] =	ssyncset.done $0x0;
	s0 =	sshrl.u32 s0, $0x3  }
0x67c: {  	[sflag:s23] =	ssyncadd.s32 $0xFFFFFF80;
	s0 =	sadd.s32 s30, s0  }
0x67d: {  	[hbm4b:s0+s11] =	stream.strided.scatter [tilespmem:s20], [sflag:$0x4], $0x200, s13, s11, $0x38;
	[tilespmem:$0x1F650] =	vst v63  }
0x67e: {  	_ = 	snop  }
0x67f: {  	[tilespmem:s14], [sflag:$0x3] =	stream.indirect.gather [spmem:s25], $0x1, s13, s11, $0xb8;
	[tilespmem:$0x1F650] =	vst v63  }
0x680: {  	s29 =	simm.s32 $0x480  }
0x681: {  	[tilespmem:s26], [sflag:$0x3] =	stream.indirect.gather [spmem:s25], $0x1, s29, s11, $0xb8;
	[tilespmem:$0x1F650] =	vst v63  }
0x682: {  	s1 =	simm.s32 $0x500  }
0x683: {  	[tilespmem:s22], [sflag:$0x3] =	stream.indirect.gather [spmem:s25], $0x1, s1, s11, $0xb8;
	[tilespmem:$0x1F650] =	vst v63  }
0x684: {  	s3 =	simm.s32 $0x80;
	s4 =	simm.s32 $0x580  }
0x685: {  	[tilespmem:s28], [sflag:$0x3] =	stream.indirect.gather [spmem:s25], $0x1, s4, s3, $0xb8;
	[tilespmem:$0x1F650] =	vst v63  }
0x686: {  	_ =	swait.ge [sflag:s23], $0x80  }
0x687: {  	[sflag:s23] =	ssyncset.done $0x0  }
0x688: {  	[sflag:s23] =	ssyncadd.s32 $0xFFFFFF80  }
0x689: {  	_ =	swait.ge [sflag:s23], $0x80  }
0x68a: {  	[sflag:s23] =	ssyncset.done $0x0  }
0x68b: {  	[sflag:s23] =	ssyncadd.s32 $0xFFFFFF80  }
0x68c: {  	_ =	swait.ge [sflag:s23], $0x80  }
0x68d: {  	[sflag:s23] =	ssyncset.done $0x0  }
0x68e: {  	[sflag:s23] =	ssyncadd.s32 $0xFFFFFF80  }
0x68f: {  	s10 =	sor.u32 s5, s9;
	_ =	swait.ge [sflag:s23], $0x80  }
0x690: {  	s0 =	sshrl.u32 s10, $0x3;
	[sflag:s23] =	ssyncset.done $0x0  }
0x691: {  	s0 =	sadd.s32 s30, s0;
	[sflag:s23] =	ssyncadd.s32 $0xFFFFFF80  }
0x692: {  	[hbm4b:s0+s3] =	stream.strided.scatter [tilespmem:s14], [sflag:$0x4], $0x200, s13, s3, $0x38;
	[tilespmem:$0x1F650] =	vst v63  }
0x693: {  	_ =	swait.ge [sflag:s21], $0x200  }
0x694: {  	[sflag:s21] =	ssyncset.done $0x0  }
0x695: {  	s11 =	simm.s32 $0x600;
	[sflag:s21] =	ssyncadd.s32 $0xFFFFFE00  }
0x696: {  	[tilespmem:s20], [sflag:$0x3] =	stream.indirect.gather [spmem:s25], $0x1, s11, s3, $0xb8;
	[tilespmem:$0x1F650] =	vst v63  }
0x697: {  	s16 =	simm.s32 $0x680  }
0x698: {  	[tilespmem:s17], [sflag:$0x3] =	stream.indirect.gather [spmem:s25], $0x1, s16, s3, $0xb8;
	[tilespmem:$0x1F650] =	vst v63  }
0x699: {  	s17 =	simm.s32 $0x700  }
0x69a: {  	[tilespmem:s19], [sflag:$0x3] =	stream.indirect.gather [spmem:s25], $0x1, s17, s3, $0xb8;
	[tilespmem:$0x1F650] =	vst v63  }
0x69b: {  	s18 =	simm.s32 $0x780  }
0x69c: {  	[tilespmem:s7], [sflag:$0x3] =	stream.indirect.gather [spmem:s25], $0x1, s18, s3, $0xb8;
	[tilespmem:$0x1F650] =	vst v63  }
0x69d: {  	_ =	swait.ge [sflag:s23], $0x80  }
0x69e: {  	[sflag:s23] =	ssyncset.done $0x0  }
0x69f: {  	[sflag:s23] =	ssyncadd.s32 $0xFFFFFF80  }
0x6a0: {  	_ =	swait.ge [sflag:s23], $0x80  }
0x6a1: {  	[sflag:s23] =	ssyncset.done $0x0  }
0x6a2: {  	[sflag:s23] =	ssyncadd.s32 $0xFFFFFF80  }
0x6a3: {  	_ =	swait.ge [sflag:s23], $0x80  }
0x6a4: {  	[sflag:s23] =	ssyncset.done $0x0  }
0x6a5: {  	[sflag:s23] =	ssyncadd.s32 $0xFFFFFF80  }
0x6a6: {  	s19 =	sor.u32 s6, s9;
	_ =	swait.ge [sflag:s23], $0x80  }
0x6a7: {  	s0 =	sshrl.u32 s19, $0x3;
	[sflag:s23] =	ssyncset.done $0x0  }
0x6a8: {  	s0 =	sadd.s32 s30, s0;
	[sflag:s23] =	ssyncadd.s32 $0xFFFFFF80  }
0x6a9: {  	[hbm4b:s0+s3] =	stream.strided.scatter [tilespmem:s20], [sflag:$0x4], $0x200, s13, s3, $0x38;
	[tilespmem:$0x1F650] =	vst v63  }
0x6aa: {  	_ =	swait.ge [sflag:s21], $0x200  }
0x6ab: {  	[sflag:s21] =	ssyncset.done $0x0  }
0x6ac: {  	s24 =	simm.s32 $0x800;
	[sflag:s21] =	ssyncadd.s32 $0xFFFFFE00  }
0x6ad: {  	[tilespmem:s14], [sflag:$0x3] =	stream.indirect.gather [spmem:s25], $0x1, s24, s3, $0xb8;
	[tilespmem:$0x1F650] =	vst v63  }
0x6ae: {  	_ = 	snop  }
0x6af: {  	[tilespmem:s26], [sflag:$0x3] =	stream.indirect.gather [spmem:s25], $0x1, s8, s3, $0xb8;
	[tilespmem:$0x1F650] =	vst v63  }
0x6b0: {  	_ = 	snop  }
0x6b1: {  	[tilespmem:s22], [sflag:$0x3] =	stream.indirect.gather [spmem:s25], $0x1, s31, s3, $0xb8;
	[tilespmem:$0x1F650] =	vst v63  }
0x6b2: {  	s26 =	simm.s32 $0x980  }
0x6b3: {  	[tilespmem:s28], [sflag:$0x3] =	stream.indirect.gather [spmem:s25], $0x1, s26, s3, $0xb8;
	[tilespmem:$0x1F650] =	vst v63  }
0x6b4: {  	_ =	swait.ge [sflag:s23], $0x80  }
0x6b5: {  	[sflag:s23] =	ssyncset.done $0x0  }
0x6b6: {  	[sflag:s23] =	ssyncadd.s32 $0xFFFFFF80  }
0x6b7: {  	_ =	swait.ge [sflag:s23], $0x80  }
0x6b8: {  	[sflag:s23] =	ssyncset.done $0x0  }
0x6b9: {  	[sflag:s23] =	ssyncadd.s32 $0xFFFFFF80  }
0x6ba: {  	_ =	swait.ge [sflag:s23], $0x80  }
0x6bb: {  	[sflag:s23] =	ssyncset.done $0x0  }
0x6bc: {  	[sflag:s23] =	ssyncadd.s32 $0xFFFFFF80  }
0x6bd: {  	s29 =	sor.u32 s12, s9;
	_ =	swait.ge [sflag:s23], $0x80  }
0x6be: {  	s0 =	sshrl.u32 s29, $0x3;
	[sflag:s23] =	ssyncset.done $0x0  }
0x6bf: {  	s0 =	sadd.s32 s30, s0;
	[sflag:s23] =	ssyncadd.s32 $0xFFFFFF80  }
0x6c0: {  	[hbm4b:s0+s3] =	stream.strided.scatter [tilespmem:s14], [sflag:$0x4], $0x200, s13, s3, $0x38;
	[tilespmem:$0x1F650] =	vst v63  }
0x6c1: {  	_ =	swait.ge [sflag:s21], $0x200  }
0x6c2: {  	p2 =	por !p2, !p1;
	[sflag:s21] =	ssyncset.done $0x0  }
0x6c3: {  	p4 =	por @p1 $0x0, $0x0;
	p3 =	por @!p3 $0x1, $0x1;
	[sflag:s21] =	ssyncadd.s32 $0xFFFFFE00  }
0x6c4: {  	p3 =	por @!p2 p4, p4;
	p2 =	por @!p1 $0x0, $0x0;
	_ =	swait.ge [sflag:s21], $0x200  }
0x6c5: {  	p3 =	por @!p1 p2, p2;
	[sflag:s21] =	ssyncset.done $0x0  }
0x6c6: {  	s0 =	simm.s32 @p3 $0x1;
	[sflag:s21] =	ssyncadd.s32 $0xFFFFFE00  }
0x6c7: {  	_ =	swait.ge @p3 [sflag:s0], $0x1E850  }
0x6c8: {  	s30 =	rddreg [dreg:$0x14]  }
0x6c9: {  	s31 =	rddreg [dreg:$0x11];
	s1 =	sadd.s32 $0x1, s30  }
0x6ca: {  	p2 =	sne.s32 s1, s31  }
.Ltmp2:
0x6cb: {  	_ = 	snop;
	(pc) =	sbr.rel @p2 .LBB2_1-.Ltmp2, $4  }
0x6cc: {  	[sflag:s0] =	ssyncset.done @p3 $0x0  }
0x6cd: {  	[sflag:s0] =	ssyncadd.s32 @p3 $0xFFFE17B0  }
0x6ce: {  	[bflag:$0x0] =	sbarrier.arrive $0xFFFF  }
0x6cf: {  	s8 =	simm.s32 $0x80  }
0x6d0: {  	_ =	sfence.sel $0x180000  }
0x6d1: {  	[bflag:$0x0] =	sbarrier.arrive $0xFFFF  }
0x6d2: {  	_ =	strace $0x90000047  }
0x6d3: {  	[bflag:$0x2] =	sbarrier.arrive $0xFFFF  }
0x6d4: {  	s0 =	rddreg [dreg:$0x5]  }
0x6d5: {  	s0 =	sadd.s32 @!p6 $0x100000, s0  }
0x6d6: {  	[sflag:s0] =	ssyncadd.tile.s32 @!p6 $0x1;
	_ =	shalt  }
.Lfunc_end2:
_tile_overlayer_lowered:
.L_overlay_start_2:
0x6d7: {  	(tag) =	ssettag $0x2  }
0x6d8: {  	s0 =	rddreg [dreg:$0x0];
	s2 =	stileid.u32  }
0x6d9: {  	s1 =	rddreg [dreg:$0x1];
	p0 =	sne.s32 s2, $0x0  }
0x6da: {  	s3 =	rddreg [dreg:$0x2];
	[bflag:$0x3] =	sbarrier.arrive $0xFFFF;
	s2 =	simm.s32 @!p0 $0x1C05  }
0x6db: {  	[timem:s3], [sflag:s2] =	dma.local @!p0 [hbm:s0], s1  }
0x6dc: {  	s0 =	simm.s32 @!p0 $0x5  }
0x6dd: {  	_ =	swait.ge @!p0 [sflag:s0], s1  }
0x6de: {  	s1 =	ssub.s32 @!p0 $0x0, s1;
	[sflag:s0] =	ssyncset.done @!p0 $0x0  }
0x6df: {  	[sflag:s0] =	ssyncadd.s32 @!p0 s1  }
0x6e0: {  	[bflag:$0x3] =	sbarrier.arrive $0xFFFF  }
0x6e1: {  	_ =	shalt  }

</sc_bundles>
